<compile_context>
chip_gen: v7x
topology: tpu7x:2x2x1
jax: 0.10.2.dev20260603
libtpu: 0.0.44.dev20260713+nightly
codegen_flags: <defaults>
</compile_context>

<pallas_src>
import dataclasses

import jax
import jax.numpy as jnp
from jax import lax
from jax.experimental import pallas as pl
from jax.experimental.pallas import tpu as pltpu
from jax.experimental.pallas import tpu_sc as plsc

_sc_params = pltpu.CompilerParams()
if "needs_layout_passes" in pltpu.CompilerParams.__dataclass_fields__:
    _sc_params = dataclasses.replace(_sc_params, needs_layout_passes=False)

N_NODES = 10000
N_TOK = 500000
N_EDGES = 320000
D = 128
OUT_FEATS = 64

NC = 2
NS = 16
NW = NC * NS
TB = 128
NB_T = N_TOK // TB
TOK_TAIL = N_TOK - NB_T * TB
NB_E = N_EDGES // TB
BLK_T_CORE = NB_T // NC
BLK_E_CORE = NB_E // NC
T_ITERS = (BLK_T_CORE + NS - 1) // NS
E_ITERS = (BLK_E_CORE + NS - 1) // NS
RPT = 624
RREM = N_NODES - NS * RPT

HGRID = 80
HID = HGRID * 128
TOK_W = N_TOK // NW
TOK_WP = 15632
SENTINEL = 10100
EDG_W = N_EDGES // NW

EB_W = 79
EDG_WP = EB_W * TB
AGG_R = EDG_WP
RPT_E = AGG_R // NS

_mesh = plsc.VectorSubcoreMesh(core_axis_name="c", subcore_axis_name="s")

_f32 = jnp.float32
_i32 = jnp.int32


def _zero_buf(buf):
    rows, w = buf.shape

    @pl.loop(0, rows)
    def _(i):
        for k in range(w // 16):
            buf[i, pl.ds(k * 16, 16)] = jnp.zeros((16,), _f32)


def _stage_zero(acc, zbuf, s):
    @pl.loop(0, RPT // TB)
    def _(t):
        pltpu.sync_copy(zbuf, acc.at[pl.ds(s * RPT + t * TB, TB)])

    rem = RPT % TB
    pltpu.sync_copy(zbuf.at[pl.ds(0, rem)],
                    acc.at[pl.ds(s * RPT + (RPT // TB) * TB, rem)])

    @pl.when(s == NS - 1)
    def _():
        pltpu.sync_copy(zbuf.at[pl.ds(0, RREM)],
                        acc.at[pl.ds(NS * RPT, RREM)])


def _stage_out(acc, buf, hbm_dst, s):
    @pl.loop(0, RPT // TB)
    def _(t):
        o = s * RPT + t * TB
        pltpu.sync_copy(acc.at[pl.ds(o, TB)], buf)
        pltpu.sync_copy(buf, hbm_dst.at[pl.ds(o, TB)])

    rem = RPT % TB
    o2 = s * RPT + (RPT // TB) * TB
    pltpu.sync_copy(acc.at[pl.ds(o2, rem)], buf.at[pl.ds(0, rem)])
    pltpu.sync_copy(buf.at[pl.ds(0, rem)], hbm_dst.at[pl.ds(o2, rem)])

    @pl.when(s == NS - 1)
    def _():
        pltpu.sync_copy(acc.at[pl.ds(NS * RPT, RREM)], buf.at[pl.ds(0, RREM)])
        pltpu.sync_copy(buf.at[pl.ds(0, RREM)],
                        hbm_dst.at[pl.ds(NS * RPT, RREM)])



TBW = 3904 // NW


def _stats_body(feats, ids_main, ids_tail,
                sums_p,
                idx_a, idx_b, idx32_v, rows_a, rows_b, rows32_v,
                sg_a, sg_b,
                sum_acc):
    c = lax.axis_index("c")
    s = lax.axis_index("s")
    w = c * NS + s
    base = w * TBW
    banks = [(idx_a, rows_a, sg_a), (idx_b, rows_b, sg_b)]

    _zero_buf(rows_a)
    _stage_zero(sum_acc, rows_a, s)
    plsc.subcore_barrier()

    pltpu.sync_copy(ids_main.at[base], idx_a)
    pltpu.async_copy(feats.at[pl.ds(base * TB, TB)], rows_a, sg_a)

    @pl.loop(0, TBW // 2)
    def _(jo):
        for p in (0, 1):
            j = 2 * jo + p
            idx, rows, sg = banks[p]
            oidx, orows, osg = banks[1 - p]

            nxt = base + jnp.minimum(j + 1, TBW - 1)
            pltpu.sync_copy(ids_main.at[nxt], oidx)
            pltpu.async_copy(feats.at[pl.ds(nxt * TB, TB)], orows, osg)

            pltpu.make_async_copy(feats.at[pl.ds(base * TB, TB)], rows,
                                  sg).wait()
            pltpu.sync_copy(rows, sum_acc.at[idx.at[0]], add=True)

    pltpu.make_async_copy(feats.at[pl.ds(base * TB, TB)], rows_a, sg_a).wait()

    @pl.when((c == 0) & (s == 0))
    def _():
        for bb in (NW * TBW, NW * TBW + 1):
            pltpu.sync_copy(ids_main.at[bb], idx_a)
            pltpu.sync_copy(feats.at[pl.ds(bb * TB, TB)], rows_a)
            pltpu.sync_copy(rows_a, sum_acc.at[idx_a.at[0]], add=True)
        pltpu.sync_copy(ids_tail, idx32_v)
        pltpu.sync_copy(feats.at[pl.ds(NB_T * TB, TOK_TAIL)], rows32_v)
        pltpu.sync_copy(rows32_v, sum_acc.at[idx32_v.at[0]], add=True)

    plsc.subcore_barrier()

    _stage_out(sum_acc, rows_a, sums_p.at[c], s)


_sc_stats = pl.kernel(
    _stats_body,
    out_type=jax.ShapeDtypeStruct((NC, N_NODES, D), _f32),
    mesh=_mesh,
    scratch_types=[
        pltpu.VMEM((1, TB), _i32),
        pltpu.VMEM((1, TB), _i32),
        pltpu.VMEM((1, TOK_TAIL), _i32),
        pltpu.VMEM((TB, D), _f32),
        pltpu.VMEM((TB, D), _f32),
        pltpu.VMEM((TOK_TAIL, D), _f32),
        pltpu.SemaphoreType.DMA,
        pltpu.SemaphoreType.DMA,
        pltpu.VMEM_SHARED((N_NODES, D), _f32),
    ],
)



def _hist_update(hist, buf, n16):
    ones16 = jnp.ones((16,), _f32)

    @pl.loop(0, n16)
    def _(k):
        idv = buf[pl.ds(k * 16, 16)]
        rowv = jnp.right_shift(idv, 7)
        colv = jnp.bitwise_and(idv, 127)
        plsc.addupdate_scatter(hist, [rowv, colv], ones16)


def _deg_body(ids_pad, srcw, dstw, dep,
              cnt_p, odeg_p, ideg_p,
              idsb_v, eb_v, cnt_h, odeg_h, ideg_h):
    c = lax.axis_index("c")
    s = lax.axis_index("s")
    w = c * NS + s

    _zero_buf(cnt_h)
    _zero_buf(odeg_h)
    _zero_buf(ideg_h)

    pltpu.sync_copy(ids_pad.at[w], idsb_v)
    _hist_update(cnt_h, idsb_v, TOK_WP // 16)

    pltpu.sync_copy(srcw.at[w], eb_v)
    _hist_update(odeg_h, eb_v, EDG_W // 16)

    pltpu.sync_copy(dstw.at[w], eb_v)
    _hist_update(ideg_h, eb_v, EDG_W // 16)

    pltpu.sync_copy(cnt_h, cnt_p.at[w])
    pltpu.sync_copy(odeg_h, odeg_p.at[w])
    pltpu.sync_copy(ideg_h, ideg_p.at[w])


_sc_deg = pl.kernel(
    _deg_body,
    out_type=(
        jax.ShapeDtypeStruct((NW, HGRID, 128), _f32),
        jax.ShapeDtypeStruct((NW, HGRID, 128), _f32),
        jax.ShapeDtypeStruct((NW, HGRID, 128), _f32),
    ),
    mesh=_mesh,
    scratch_types=[
        pltpu.VMEM((TOK_WP,), _i32),
        pltpu.VMEM((EDG_W,), _i32),
        pltpu.VMEM((HGRID, 128), _f32),
        pltpu.VMEM((HGRID, 128), _f32),
        pltpu.VMEM((HGRID, 128), _f32),
    ],
    compiler_params=_sc_params,
)



def _stage_zero_e(acc, zbuf, s):
    @pl.loop(0, RPT_E // TB)
    def _(t):
        pltpu.sync_copy(zbuf, acc.at[pl.ds(s * RPT_E + t * TB, TB)])

    rem = RPT_E % TB
    pltpu.sync_copy(zbuf.at[pl.ds(0, rem)],
                    acc.at[pl.ds(s * RPT_E + (RPT_E // TB) * TB, rem)])


def _stage_out_e(acc, buf, hbm_dst, s):
    @pl.loop(0, RPT_E // TB)
    def _(t):
        o = s * RPT_E + t * TB
        pltpu.sync_copy(acc.at[pl.ds(o, TB)], buf)
        pltpu.sync_copy(buf, hbm_dst.at[pl.ds(o, TB)])

    rem = RPT_E % TB
    o2 = s * RPT_E + (RPT_E // TB) * TB
    pltpu.sync_copy(acc.at[pl.ds(o2, rem)], buf.at[pl.ds(0, rem)])
    pltpu.sync_copy(buf.at[pl.ds(0, rem)], hbm_dst.at[pl.ds(o2, rem)])


def _edge_body(xs, srcp, dstp, ew16p,
               agg_p,
               idxs_v, idxd_v, ew16_v, rows_v, agg_acc):
    c = lax.axis_index("c")
    s = lax.axis_index("s")
    w = c * NS + s

    _zero_buf(rows_v)
    _stage_zero_e(agg_acc, rows_v, s)
    plsc.subcore_barrier()

    @pl.loop(0, EB_W)
    def _(j):
        b = w * EB_W + j
        pltpu.sync_copy(srcp.at[b], idxs_v)
        pltpu.sync_copy(dstp.at[b], idxd_v)
        pltpu.sync_copy(ew16p.at[b], ew16_v)
        pltpu.sync_copy(xs.at[idxs_v.at[0]], rows_v)

        @pl.loop(0, TB // 4)
        def _(ih):
            for r in range(4):
                i = 4 * ih + r
                wv = ew16_v[i, :]
                for k in range(D // 16):
                    sl = pl.ds(k * 16, 16)
                    rows_v[i, sl] = rows_v[i, sl] * wv

        pltpu.sync_copy(rows_v, agg_acc.at[idxd_v.at[0]], add=True)

    plsc.subcore_barrier()
    _stage_out_e(agg_acc, rows_v, agg_p.at[c], s)


_sc_edge = pl.kernel(
    _edge_body,
    out_type=jax.ShapeDtypeStruct((NC, AGG_R, D), _f32),
    mesh=_mesh,
    scratch_types=[
        pltpu.VMEM((1, TB), _i32),
        pltpu.VMEM((1, TB), _i32),
        pltpu.VMEM((TB, 16), _f32),
        pltpu.VMEM((TB, D), _f32),
        pltpu.VMEM_SHARED((AGG_R, D), _f32),
    ],
)



def _hist_total(p_ref):
    t = jnp.sum(p_ref[...], axis=0)
    t = t.reshape(HID)[:N_NODES]
    return t[:, None]


def _tc_prep_body(sums_p, cnt_p, odeg_p, xs1):
    sums = sums_p[0] + sums_p[1]
    cnt = jnp.maximum(_hist_total(cnt_p), 1.0)
    ro = sums / cnt
    od = jnp.maximum(_hist_total(odeg_p), 1.0)
    xs1[...] = ro * lax.rsqrt(od)


def _tc_prep(sums_p, cnt_p, odeg_p):
    return pl.pallas_call(
        _tc_prep_body,
        out_shape=jax.ShapeDtypeStruct((N_NODES, D), _f32),
    )(sums_p, cnt_p, odeg_p)


def _tc_conv_body(agg_p, ideg_p, odeg_p, W, b, xs2):
    a = agg_p[0, :N_NODES] + agg_p[1, :N_NODES]
    iv = jnp.maximum(_hist_total(ideg_p), 1.0)
    a = a * lax.rsqrt(iv)
    h = jnp.dot(a, W[...], preferred_element_type=_f32,
                precision=lax.Precision.HIGHEST) + b[...]
    h = jnp.maximum(h, 0.0)
    od = jnp.maximum(_hist_total(odeg_p), 1.0)
    xs2[...] = h * lax.rsqrt(od)


def _tc_conv(agg_p, ideg_p, odeg_p, W, b):
    return pl.pallas_call(
        _tc_conv_body,
        out_shape=jax.ShapeDtypeStruct((N_NODES, D), _f32),
    )(agg_p, ideg_p, odeg_p, W, b)


def _tc_head_body(agg_p, ideg_p, W2, b2, W_out, b_out, out):
    a = agg_p[0, :N_NODES] + agg_p[1, :N_NODES]
    iv = jnp.maximum(_hist_total(ideg_p), 1.0)
    a = a * lax.rsqrt(iv)
    h = jnp.dot(a, W2[...], preferred_element_type=_f32,
                precision=lax.Precision.HIGHEST) + b2[...]
    h = jnp.maximum(h, 0.0)
    g = jnp.mean(h, axis=0, keepdims=True)
    out[...] = jnp.dot(g, W_out[...], preferred_element_type=_f32,
                       precision=lax.Precision.HIGHEST) + b_out[...]


def _tc_head(agg_p, ideg_p, W2, b2, W_out, b_out):
    return pl.pallas_call(
        _tc_head_body,
        out_shape=jax.ShapeDtypeStruct((1, OUT_FEATS), _f32),
    )(agg_p, ideg_p, W2, b2, W_out, b_out)


def kernel(patch_feats, patch_segment_ids, edge_index, edge_weights,
           W1, b1, W2, b2, W_out, b_out):
    ids = patch_segment_ids.astype(_i32)
    src = edge_index[0].astype(_i32)
    dst = edge_index[1].astype(_i32)
    ew = edge_weights.astype(_f32)

    ids_main = ids[: NB_T * TB].reshape(NB_T, 1, TB)
    ids_tail = ids[NB_T * TB:].reshape(1, TOK_TAIL)

    ids_pad = jnp.full((NW, TOK_WP), SENTINEL, _i32)
    ids_pad = ids_pad.at[:, :TOK_W].set(ids.reshape(NW, TOK_W))
    srcw = src.reshape(NW, EDG_W)
    dstw = dst.reshape(NW, EDG_W)

    srcp = jnp.zeros((NW, EDG_WP), _i32)
    srcp = srcp.at[:, :EDG_W].set(srcw).reshape(NW * EB_W, 1, TB)
    dstp = jnp.full((NW, EDG_WP), N_NODES, _i32)
    dstp = dstp.at[:, :EDG_W].set(dstw).reshape(NW * EB_W, 1, TB)
    ewp = jnp.zeros((NW, EDG_WP), _f32)
    ewp = ewp.at[:, :EDG_W].set(ew.reshape(NW, EDG_W))
    ew16p = jnp.broadcast_to(ewp.reshape(NW * EDG_WP, 1), (NW * EDG_WP, 16))
    ew16p = ew16p.reshape(NW * EB_W, TB, 16)

    sums_p = _sc_stats(patch_feats, ids_main, ids_tail)
    cnt_p, odeg_p, ideg_p = _sc_deg(ids_pad, srcw, dstw, sums_p)

    xs1 = _tc_prep(sums_p, cnt_p, odeg_p)
    agg1 = _sc_edge(xs1, srcp, dstp, ew16p)
    xs2 = _tc_conv(agg1, ideg_p, odeg_p, W1, b1.reshape(1, D))
    agg2 = _sc_edge(xs2, srcp, dstp, ew16p)
    out = _tc_head(agg2, ideg_p, W2, b2.reshape(1, D),
                   W_out, b_out.reshape(1, OUT_FEATS))
    return out[0]

# --- scband reference (transcript-rebuilt; emitter-appended) ---
"""Pipeline reference for scband-mesh-network-arar-15178414424409 (READ-ONLY COPY).

The authoritative reference and input builder live on the scoring server;
editing this copy changes nothing except your own understanding.
"""

import jax, jax.numpy as jnp
import numpy as np

N_NODES = 10000
N_PATCH_TOKENS = 500000
N_EDGES = 320000
IN_DIM = 128
HIDDEN_DIM = 128
OUT_FEATS = 64


def setup_inputs(seed: int = 0) -> dict:
    key = jax.random.key(seed)
    ks = jax.random.split(key, 10)
    patch_feats = jax.random.normal(ks[0], (N_PATCH_TOKENS, IN_DIM), dtype=jnp.float32)
    patch_segment_ids = jnp.sort(jax.random.randint(ks[1], (N_PATCH_TOKENS,), 0, N_NODES, dtype=jnp.int64))
    edge_index = jax.random.randint(ks[2], (2, N_EDGES), 0, N_NODES, dtype=jnp.int64)
    edge_weights = jax.random.uniform(ks[3], (N_EDGES,), dtype=jnp.float32)
    W1 = jax.random.normal(ks[4], (IN_DIM, HIDDEN_DIM), dtype=jnp.float32) * (1.0 / np.sqrt(IN_DIM))
    b1 = jnp.zeros((HIDDEN_DIM,), dtype=jnp.float32)
    W2 = jax.random.normal(ks[5], (HIDDEN_DIM, HIDDEN_DIM), dtype=jnp.float32) * (1.0 / np.sqrt(HIDDEN_DIM))
    b2 = jnp.zeros((HIDDEN_DIM,), dtype=jnp.float32)
    W_out = jax.random.normal(ks[6], (HIDDEN_DIM, OUT_FEATS), dtype=jnp.float32) * (1.0 / np.sqrt(HIDDEN_DIM))
    b_out = jnp.zeros((OUT_FEATS,), dtype=jnp.float32)
    return {
        'patch_feats': patch_feats,
        'patch_segment_ids': patch_segment_ids,
        'edge_index': edge_index,
        'edge_weights': edge_weights,
        'W1': W1, 'b1': b1, 'W2': W2, 'b2': b2, 'W_out': W_out, 'b_out': b_out,
    }


def _graph_conv(x, src, dst, ew, W, b, n_nodes):
    # DGL GraphConv(norm='both') with edge_weight: messages scaled by edge_weight,
    # symmetric normalization uses UNWEIGHTED out/in degrees.
    outdeg = jnp.maximum(jnp.bincount(src, length=n_nodes), 1).astype(x.dtype)
    indeg = jnp.maximum(jnp.bincount(dst, length=n_nodes), 1).astype(x.dtype)
    h = x * (outdeg ** -0.5)[:, None]
    msgs = jnp.take(h, src, axis=0) * ew[:, None]
    agg = jnp.zeros((n_nodes, x.shape[1]), dtype=x.dtype).at[dst].add(msgs)
    agg = agg * (indeg ** -0.5)[:, None]
    return agg @ W + b


def reference(patch_feats, patch_segment_ids, edge_index, edge_weights, W1, b1, W2, b2, W_out, b_out):
    # 1) dgl.mean_nodes over every spider patch -> one readout row per mesh-graph node
    sums = jax.ops.segment_sum(patch_feats, patch_segment_ids, num_segments=N_NODES)
    counts = jax.ops.segment_sum(jnp.ones((patch_feats.shape[0],), dtype=patch_feats.dtype),
                                 patch_segment_ids, num_segments=N_NODES)
    readouts = sums / jnp.maximum(counts, 1.0)[:, None]
    # 2) GMReader2ConvAverageReadout: 2x weighted GraphConv + ReLU (+ dropout, eval=identity),
    #    average readout over mesh-graph nodes, then linear head.
    src = edge_index[0]
    dst = edge_index[1]
    h = jax.nn.relu(_graph_conv(readouts, src, dst, edge_weights, W1, b1, N_NODES))
    h = jax.nn.relu(_graph_conv(h, src, dst, edge_weights, W2, b2, N_NODES))
    g = jnp.mean(h, axis=0)
    return g @ W_out + b_out

if __name__ == "__main__":
    import jax
    _d = setup_inputs()
    print(jax.jit(kernel)(*tuple(_d.values())))

</pallas_src>

<mosaic_0001>
#map = affine_map<(d0, d1) -> (0, 0)>
#map1 = affine_map<(d0, d1) -> (0, 0, 0)>
module attributes {stable_mosaic.version = 14 : i64} {
  func.func @_stats_body(%arg0: i32, %arg1: i32, %arg2: memref<500000x128xf32, #tpu.memory_space<hbm>>, %arg3: memref<3906x1x128xi32, #tpu.memory_space<hbm>>, %arg4: memref<1x32xi32, #tpu.memory_space<hbm>>, %arg5: memref<2x10000x128xf32, #tpu.memory_space<hbm>>, %arg6: memref<1x128xi32, #tpu.memory_space<vmem>>, %arg7: memref<1x128xi32, #tpu.memory_space<vmem>>, %arg8: memref<1x32xi32, #tpu.memory_space<vmem>>, %arg9: memref<128x128xf32, #tpu.memory_space<vmem>>, %arg10: memref<128x128xf32, #tpu.memory_space<vmem>>, %arg11: memref<32x128xf32, #tpu.memory_space<vmem>>, %arg12: memref<!tpu.dma_semaphore, #tpu.memory_space<semaphore_mem>>, %arg13: memref<!tpu.dma_semaphore, #tpu.memory_space<semaphore_mem>>, %arg14: memref<10000x128xf32, #tpu.memory_space<vmem_shared>>) attributes {dimension_semantics = [#tpu.dimension_semantics<core_parallel>, #tpu.dimension_semantics<subcore_parallel>], iteration_bounds = array<i64: 2, 16>, scalar_prefetch = 0 : i64, scratch_operands = 9 : i64, tpu.core_type = #tpu.core_type<sc_vector_subcore>, window_params = [{transform_indices = #map}, {transform_indices = #map1}, {transform_indices = #map}, {transform_indices = #map1}]} {
    %mul3A = arith.constant 16 : i32
    %mul3A_0 = arith.muli %arg0, %mul3A : i32
    %add3A = arith.addi %mul3A_0, %arg1 : i32
    %mul3A_1 = arith.constant 122 : i32
    %mul3A_2 = arith.muli %add3A, %mul3A_1 : i32
    %scan3A = arith.constant 0 : i32
    %scan3A_3 = arith.constant 128 : i32
    %scan3A_4 = arith.addi %scan3A, %scan3A_3 : i32
    %scan3A_5 = arith.constant 1 : i32
    scf.for %scan3A_55 = %scan3A to %scan3A_4 step %scan3A_5  : i32 {
      %mul3A_56 = arith.constant 1 : i32
      %mul3A_57 = arith.muli %scan3A_55, %mul3A_56 : i32
      %add3A_58 = arith.constant 0 : i32
      %add3A_59 = arith.addi %add3A_58, %mul3A_57 : i32
      %broadcast_in_dim3A = arith.constant 0.000000e+00 : f32
      %broadcast_in_dim3A_60 = vector.broadcast %broadcast_in_dim3A : f32 to vector<16xf32>
      %swap3A = arith.index_cast %add3A_59 : i32 to index
      %swap3A_61 = arith.constant 0 : index
      %swap3A_62 = tpu.vector_load %arg9[%swap3A, %swap3A_61] {strides = array<i32>} : memref<128x128xf32, #tpu.memory_space<vmem>>, vector<1x16xf32>,
      %swap3A_63 = vector.shape_cast %swap3A_62 : vector<1x16xf32> to vector<16xf32>
      %swap3A_64 = vector.shape_cast %broadcast_in_dim3A_60 : vector<16xf32> to vector<1x16xf32>
      tpu.vector_store %arg9[%swap3A, %swap3A_61], %swap3A_64 {strides = array<i32>} : memref<128x128xf32, #tpu.memory_space<vmem>>, vector<1x16xf32>,
      %broadcast_in_dim3A_65 = arith.constant 0.000000e+00 : f32
      %broadcast_in_dim3A_66 = vector.broadcast %broadcast_in_dim3A_65 : f32 to vector<16xf32>
      %swap3A_67 = arith.index_cast %add3A_59 : i32 to index
      %swap3A_68 = arith.constant 16 : index
      %swap3A_69 = tpu.vector_load %arg9[%swap3A_67, %swap3A_68] {strides = array<i32>} : memref<128x128xf32, #tpu.memory_space<vmem>>, vector<1x16xf32>,
      %swap3A_70 = vector.shape_cast %swap3A_69 : vector<1x16xf32> to vector<16xf32>
      %swap3A_71 = vector.shape_cast %broadcast_in_dim3A_66 : vector<16xf32> to vector<1x16xf32>
      tpu.vector_store %arg9[%swap3A_67, %swap3A_68], %swap3A_71 {strides = array<i32>} : memref<128x128xf32, #tpu.memory_space<vmem>>, vector<1x16xf32>,
      %broadcast_in_dim3A_72 = arith.constant 0.000000e+00 : f32
      %broadcast_in_dim3A_73 = vector.broadcast %broadcast_in_dim3A_72 : f32 to vector<16xf32>
      %swap3A_74 = arith.index_cast %add3A_59 : i32 to index
      %swap3A_75 = arith.constant 32 : index
      %swap3A_76 = tpu.vector_load %arg9[%swap3A_74, %swap3A_75] {strides = array<i32>} : memref<128x128xf32, #tpu.memory_space<vmem>>, vector<1x16xf32>,
      %swap3A_77 = vector.shape_cast %swap3A_76 : vector<1x16xf32> to vector<16xf32>
      %swap3A_78 = vector.shape_cast %broadcast_in_dim3A_73 : vector<16xf32> to vector<1x16xf32>
      tpu.vector_store %arg9[%swap3A_74, %swap3A_75], %swap3A_78 {strides = array<i32>} : memref<128x128xf32, #tpu.memory_space<vmem>>, vector<1x16xf32>,
      %broadcast_in_dim3A_79 = arith.constant 0.000000e+00 : f32
      %broadcast_in_dim3A_80 = vector.broadcast %broadcast_in_dim3A_79 : f32 to vector<16xf32>
      %swap3A_81 = arith.index_cast %add3A_59 : i32 to index
      %swap3A_82 = arith.constant 48 : index
      %swap3A_83 = tpu.vector_load %arg9[%swap3A_81, %swap3A_82] {strides = array<i32>} : memref<128x128xf32, #tpu.memory_space<vmem>>, vector<1x16xf32>,
      %swap3A_84 = vector.shape_cast %swap3A_83 : vector<1x16xf32> to vector<16xf32>
      %swap3A_85 = vector.shape_cast %broadcast_in_dim3A_80 : vector<16xf32> to vector<1x16xf32>
      tpu.vector_store %arg9[%swap3A_81, %swap3A_82], %swap3A_85 {strides = array<i32>} : memref<128x128xf32, #tpu.memory_space<vmem>>, vector<1x16xf32>,
      %broadcast_in_dim3A_86 = arith.constant 0.000000e+00 : f32
      %broadcast_in_dim3A_87 = vector.broadcast %broadcast_in_dim3A_86 : f32 to vector<16xf32>
      %swap3A_88 = arith.index_cast %add3A_59 : i32 to index
      %swap3A_89 = arith.constant 64 : index
      %swap3A_90 = tpu.vector_load %arg9[%swap3A_88, %swap3A_89] {strides = array<i32>} : memref<128x128xf32, #tpu.memory_space<vmem>>, vector<1x16xf32>,
      %swap3A_91 = vector.shape_cast %swap3A_90 : vector<1x16xf32> to vector<16xf32>
      %swap3A_92 = vector.shape_cast %broadcast_in_dim3A_87 : vector<16xf32> to vector<1x16xf32>
      tpu.vector_store %arg9[%swap3A_88, %swap3A_89], %swap3A_92 {strides = array<i32>} : memref<128x128xf32, #tpu.memory_space<vmem>>, vector<1x16xf32>,
      %broadcast_in_dim3A_93 = arith.constant 0.000000e+00 : f32
      %broadcast_in_dim3A_94 = vector.broadcast %broadcast_in_dim3A_93 : f32 to vector<16xf32>
      %swap3A_95 = arith.index_cast %add3A_59 : i32 to index
      %swap3A_96 = arith.constant 80 : index
      %swap3A_97 = tpu.vector_load %arg9[%swap3A_95, %swap3A_96] {strides = array<i32>} : memref<128x128xf32, #tpu.memory_space<vmem>>, vector<1x16xf32>,
      %swap3A_98 = vector.shape_cast %swap3A_97 : vector<1x16xf32> to vector<16xf32>
      %swap3A_99 = vector.shape_cast %broadcast_in_dim3A_94 : vector<16xf32> to vector<1x16xf32>
      tpu.vector_store %arg9[%swap3A_95, %swap3A_96], %swap3A_99 {strides = array<i32>} : memref<128x128xf32, #tpu.memory_space<vmem>>, vector<1x16xf32>,
      %broadcast_in_dim3A_100 = arith.constant 0.000000e+00 : f32
      %broadcast_in_dim3A_101 = vector.broadcast %broadcast_in_dim3A_100 : f32 to vector<16xf32>
      %swap3A_102 = arith.index_cast %add3A_59 : i32 to index
      %swap3A_103 = arith.constant 96 : index
      %swap3A_104 = tpu.vector_load %arg9[%swap3A_102, %swap3A_103] {strides = array<i32>} : memref<128x128xf32, #tpu.memory_space<vmem>>, vector<1x16xf32>,
      %swap3A_105 = vector.shape_cast %swap3A_104 : vector<1x16xf32> to vector<16xf32>
      %swap3A_106 = vector.shape_cast %broadcast_in_dim3A_101 : vector<16xf32> to vector<1x16xf32>
      tpu.vector_store %arg9[%swap3A_102, %swap3A_103], %swap3A_106 {strides = array<i32>} : memref<128x128xf32, #tpu.memory_space<vmem>>, vector<1x16xf32>,
      %broadcast_in_dim3A_107 = arith.constant 0.000000e+00 : f32
      %broadcast_in_dim3A_108 = vector.broadcast %broadcast_in_dim3A_107 : f32 to vector<16xf32>
      %swap3A_109 = arith.index_cast %add3A_59 : i32 to index
      %swap3A_110 = arith.constant 112 : index
      %swap3A_111 = tpu.vector_load %arg9[%swap3A_109, %swap3A_110] {strides = array<i32>} : memref<128x128xf32, #tpu.memory_space<vmem>>, vector<1x16xf32>,
      %swap3A_112 = vector.shape_cast %swap3A_111 : vector<1x16xf32> to vector<16xf32>
      %swap3A_113 = vector.shape_cast %broadcast_in_dim3A_108 : vector<16xf32> to vector<1x16xf32>
      tpu.vector_store %arg9[%swap3A_109, %swap3A_110], %swap3A_113 {strides = array<i32>} : memref<128x128xf32, #tpu.memory_space<vmem>>, vector<1x16xf32>,
    }
    %scan3A_6 = arith.constant 128 : i32
    %scan3A_7 = arith.constant 0 : i32
    %scan3A_8 = arith.constant 4 : i32
    %scan3A_9 = arith.addi %scan3A_7, %scan3A_8 : i32
    %scan3A_10 = arith.constant 1 : i32
    scf.for %scan3A_55 = %scan3A_7 to %scan3A_9 step %scan3A_10  : i32 {
      %mul3A_56 = arith.constant 1 : i32
      %mul3A_57 = arith.muli %scan3A_55, %mul3A_56 : i32
      %add3A_58 = arith.constant 0 : i32
      %add3A_59 = arith.addi %add3A_58, %mul3A_57 : i32
      %mul3A_60 = arith.constant 624 : i32
      %mul3A_61 = arith.muli %arg1, %mul3A_60 : i32
      %mul3A_62 = arith.constant 128 : i32
      %mul3A_63 = arith.muli %add3A_59, %mul3A_62 : i32
      %add3A_64 = arith.addi %mul3A_61, %mul3A_63 : i32
      "tpu.region"() ({
        %run_scoped3A = tpu.sem_alloc : memref<!tpu.dma_semaphore, #tpu.memory_space<semaphore_mem>>
        %dma_start3A_65 = arith.constant 0 : i32
        %dma_start3A_66 = tpu.memref_slice %arg14[%add3A_64, %dma_start3A_65] : memref<10000x128xf32, #tpu.memory_space<vmem_shared>> -> memref<128x128xf32, #tpu.memory_space<vmem_shared>>
        %dma_start3A_67 = arith.constant 0 : i32
        %dma_start3A_68 = tpu.memref_slice %arg14[%add3A_64, %dma_start3A_67] : memref<10000x128xf32, #tpu.memory_space<vmem_shared>> -> memref<128x128xf32, #tpu.memory_space<vmem_shared>>
        tpu.enqueue_dma source(%arg9 : memref<128x128xf32, #tpu.memory_space<vmem>>) target(%dma_start3A_68 : memref<128x128xf32, #tpu.memory_space<vmem_shared>>) target_semaphore(%run_scoped3A : memref<!tpu.dma_semaphore, #tpu.memory_space<semaphore_mem>>)
        %dma_wait3A_69 = arith.constant 0 : i32
        %dma_wait3A_70 = tpu.memref_slice %arg14[%add3A_64, %dma_wait3A_69] : memref<10000x128xf32, #tpu.memory_space<vmem_shared>> -> memref<128x128xf32, #tpu.memory_space<vmem_shared>>
        %dma_wait3A_71 = arith.constant 0 : i32
        %dma_wait3A_72 = tpu.memref_slice %arg14[%add3A_64, %dma_wait3A_71] : memref<10000x128xf32, #tpu.memory_space<vmem_shared>> -> memref<128x128xf32, #tpu.memory_space<vmem_shared>>
        tpu.wait_dma2 semaphore(%run_scoped3A : memref<!tpu.dma_semaphore, #tpu.memory_space<semaphore_mem>>) src(%arg9 : memref<128x128xf32, #tpu.memory_space<vmem>>) dst(%dma_wait3A_72 : memref<128x128xf32, #tpu.memory_space<vmem_shared>>)
        tpu.yield
      }) : () -> ()
    }
    %scan3A_11 = arith.constant 4 : i32
    %mul3A_12 = arith.constant 624 : i32
    %mul3A_13 = arith.muli %arg1, %mul3A_12 : i32
    %add3A_14 = arith.constant 512 : i32
    %add3A_15 = arith.addi %mul3A_13, %add3A_14 : i32
    "tpu.region"() ({
      %run_scoped3A = tpu.sem_alloc : memref<!tpu.dma_semaphore, #tpu.memory_space<semaphore_mem>>
      %dma_start3A_55 = arith.constant 0 : i32
      %dma_start3A_56 = arith.constant 0 : i32
      %dma_start3A_57 = tpu.memref_slice %arg9[%dma_start3A_55, %dma_start3A_56] : memref<128x128xf32, #tpu.memory_space<vmem>> -> memref<112x128xf32, #tpu.memory_space<vmem>>
      %dma_start3A_58 = arith.constant 0 : i32
      %dma_start3A_59 = tpu.memref_slice %arg14[%add3A_15, %dma_start3A_58] : memref<10000x128xf32, #tpu.memory_space<vmem_shared>> -> memref<112x128xf32, #tpu.memory_space<vmem_shared>>
      %dma_start3A_60 = arith.constant 0 : i32
      %dma_start3A_61 = tpu.memref_slice %arg14[%add3A_15, %dma_start3A_60] : memref<10000x128xf32, #tpu.memory_space<vmem_shared>> -> memref<112x128xf32, #tpu.memory_space<vmem_shared>>
      %dma_start3A_62 = arith.constant 0 : i32
      %dma_start3A_63 = arith.constant 0 : i32
      %dma_start3A_64 = tpu.memref_slice %arg9[%dma_start3A_62, %dma_start3A_63] : memref<128x128xf32, #tpu.memory_space<vmem>> -> memref<112x128xf32, #tpu.memory_space<vmem>>
      tpu.enqueue_dma source(%dma_start3A_64 : memref<112x128xf32, #tpu.memory_space<vmem>>) target(%dma_start3A_61 : memref<112x128xf32, #tpu.memory_space<vmem_shared>>) target_semaphore(%run_scoped3A : memref<!tpu.dma_semaphore, #tpu.memory_space<semaphore_mem>>)
      %dma_wait3A_65 = arith.constant 0 : i32
      %dma_wait3A_66 = arith.constant 0 : i32
      %dma_wait3A_67 = tpu.memref_slice %arg9[%dma_wait3A_65, %dma_wait3A_66] : memref<128x128xf32, #tpu.memory_space<vmem>> -> memref<112x128xf32, #tpu.memory_space<vmem>>
      %dma_wait3A_68 = arith.constant 0 : i32
      %dma_wait3A_69 = tpu.memref_slice %arg14[%add3A_15, %dma_wait3A_68] : memref<10000x128xf32, #tpu.memory_space<vmem_shared>> -> memref<112x128xf32, #tpu.memory_space<vmem_shared>>
      %dma_wait3A_70 = arith.constant 0 : i32
      %dma_wait3A_71 = tpu.memref_slice %arg14[%add3A_15, %dma_wait3A_70] : memref<10000x128xf32, #tpu.memory_space<vmem_shared>> -> memref<112x128xf32, #tpu.memory_space<vmem_shared>>
      %dma_wait3A_72 = arith.constant 0 : i32
      %dma_wait3A_73 = arith.constant 0 : i32
      %dma_wait3A_74 = tpu.memref_slice %arg9[%dma_wait3A_72, %dma_wait3A_73] : memref<128x128xf32, #tpu.memory_space<vmem>> -> memref<112x128xf32, #tpu.memory_space<vmem>>
      tpu.wait_dma2 semaphore(%run_scoped3A : memref<!tpu.dma_semaphore, #tpu.memory_space<semaphore_mem>>) src(%dma_wait3A_74 : memref<112x128xf32, #tpu.memory_space<vmem>>) dst(%dma_wait3A_71 : memref<112x128xf32, #tpu.memory_space<vmem_shared>>)
      tpu.yield
    }) : () -> ()
    %eq3A = arith.constant 15 : i32
    %eq3A_16 = arith.cmpi eq, %arg1, %eq3A : i32
    %convert_element_type3A = arith.extui %eq3A_16 : i1 to i32
    %cond3A = arith.constant 0 : i32
    %cond3A_17 = arith.cmpi ne, %convert_element_type3A, %cond3A : i32
    scf.if %cond3A_17 {
      "tpu.region"() ({
        %run_scoped3A = tpu.sem_alloc : memref<!tpu.dma_semaphore, #tpu.memory_space<semaphore_mem>>
        %dma_start3A_55 = arith.constant 0 : i32
        %dma_start3A_56 = arith.constant 0 : i32
        %dma_start3A_57 = tpu.memref_slice %arg9[%dma_start3A_55, %dma_start3A_56] : memref<128x128xf32, #tpu.memory_space<vmem>> -> memref<16x128xf32, #tpu.memory_space<vmem>>
        %dma_start3A_58 = arith.constant 9984 : i32
        %dma_start3A_59 = arith.constant 0 : i32
        %dma_start3A_60 = tpu.memref_slice %arg14[%dma_start3A_58, %dma_start3A_59] : memref<10000x128xf32, #tpu.memory_space<vmem_shared>> -> memref<16x128xf32, #tpu.memory_space<vmem_shared>>
        %dma_start3A_61 = arith.constant 9984 : i32
        %dma_start3A_62 = arith.constant 0 : i32
        %dma_start3A_63 = tpu.memref_slice %arg14[%dma_start3A_61, %dma_start3A_62] : memref<10000x128xf32, #tpu.memory_space<vmem_shared>> -> memref<16x128xf32, #tpu.memory_space<vmem_shared>>
        %dma_start3A_64 = arith.constant 0 : i32
        %dma_start3A_65 = arith.constant 0 : i32
        %dma_start3A_66 = tpu.memref_slice %arg9[%dma_start3A_64, %dma_start3A_65] : memref<128x128xf32, #tpu.memory_space<vmem>> -> memref<16x128xf32, #tpu.memory_space<vmem>>
        tpu.enqueue_dma source(%dma_start3A_66 : memref<16x128xf32, #tpu.memory_space<vmem>>) target(%dma_start3A_63 : memref<16x128xf32, #tpu.memory_space<vmem_shared>>) target_semaphore(%run_scoped3A : memref<!tpu.dma_semaphore, #tpu.memory_space<semaphore_mem>>)
        %dma_wait3A_67 = arith.constant 0 : i32
        %dma_wait3A_68 = arith.constant 0 : i32
        %dma_wait3A_69 = tpu.memref_slice %arg9[%dma_wait3A_67, %dma_wait3A_68] : memref<128x128xf32, #tpu.memory_space<vmem>> -> memref<16x128xf32, #tpu.memory_space<vmem>>
        %dma_wait3A_70 = arith.constant 9984 : i32
        %dma_wait3A_71 = arith.constant 0 : i32
        %dma_wait3A_72 = tpu.memref_slice %arg14[%dma_wait3A_70, %dma_wait3A_71] : memref<10000x128xf32, #tpu.memory_space<vmem_shared>> -> memref<16x128xf32, #tpu.memory_space<vmem_shared>>
        %dma_wait3A_73 = arith.constant 9984 : i32
        %dma_wait3A_74 = arith.constant 0 : i32
        %dma_wait3A_75 = tpu.memref_slice %arg14[%dma_wait3A_73, %dma_wait3A_74] : memref<10000x128xf32, #tpu.memory_space<vmem_shared>> -> memref<16x128xf32, #tpu.memory_space<vmem_shared>>
        %dma_wait3A_76 = arith.constant 0 : i32
        %dma_wait3A_77 = arith.constant 0 : i32
        %dma_wait3A_78 = tpu.memref_slice %arg9[%dma_wait3A_76, %dma_wait3A_77] : memref<128x128xf32, #tpu.memory_space<vmem>> -> memref<16x128xf32, #tpu.memory_space<vmem>>
        tpu.wait_dma2 semaphore(%run_scoped3A : memref<!tpu.dma_semaphore, #tpu.memory_space<semaphore_mem>>) src(%dma_wait3A_78 : memref<16x128xf32, #tpu.memory_space<vmem>>) dst(%dma_wait3A_75 : memref<16x128xf32, #tpu.memory_space<vmem_shared>>)
        tpu.yield
      }) : () -> ()
    } else {
    }
    %barrier3A = arith.constant 0 : index
    tpu.barrier barrier_id(%barrier3A)
    "tpu.region"() ({
      %run_scoped3A = tpu.sem_alloc : memref<!tpu.dma_semaphore, #tpu.memory_space<semaphore_mem>>
      %dma_start3A_55 = arith.constant 0 : i32
      %dma_start3A_56 = arith.constant 0 : i32
      %dma_start3A_57 = tpu.memref_slice %arg3[%mul3A_2, %dma_start3A_55, %dma_start3A_56] : memref<3906x1x128xi32, #tpu.memory_space<hbm>> -> memref<1x1x128xi32, #tpu.memory_space<hbm>>
      %dma_start3A_58 = tpu.memref_squeeze %dma_start3A_57 : memref<1x1x128xi32, #tpu.memory_space<hbm>> -> memref<1x128xi32, #tpu.memory_space<hbm>>
      %dma_start3A_59 = arith.constant 0 : i32
      %dma_start3A_60 = arith.constant 0 : i32
      %dma_start3A_61 = tpu.memref_slice %arg3[%mul3A_2, %dma_start3A_59, %dma_start3A_60] : memref<3906x1x128xi32, #tpu.memory_space<hbm>> -> memref<1x1x128xi32, #tpu.memory_space<hbm>>
      %dma_start3A_62 = tpu.memref_squeeze %dma_start3A_61 : memref<1x1x128xi32, #tpu.memory_space<hbm>> -> memref<1x128xi32, #tpu.memory_space<hbm>>
      tpu.enqueue_dma source(%dma_start3A_62 : memref<1x128xi32, #tpu.memory_space<hbm>>) target(%arg6 : memref<1x128xi32, #tpu.memory_space<vmem>>) target_semaphore(%run_scoped3A : memref<!tpu.dma_semaphore, #tpu.memory_space<semaphore_mem>>)
      %dma_wait3A_63 = arith.constant 0 : i32
      %dma_wait3A_64 = arith.constant 0 : i32
      %dma_wait3A_65 = tpu.memref_slice %arg3[%mul3A_2, %dma_wait3A_63, %dma_wait3A_64] : memref<3906x1x128xi32, #tpu.memory_space<hbm>> -> memref<1x1x128xi32, #tpu.memory_space<hbm>>
      %dma_wait3A_66 = tpu.memref_squeeze %dma_wait3A_65 : memref<1x1x128xi32, #tpu.memory_space<hbm>> -> memref<1x128xi32, #tpu.memory_space<hbm>>
      %dma_wait3A_67 = arith.constant 0 : i32
      %dma_wait3A_68 = arith.constant 0 : i32
      %dma_wait3A_69 = tpu.memref_slice %arg3[%mul3A_2, %dma_wait3A_67, %dma_wait3A_68] : memref<3906x1x128xi32, #tpu.memory_space<hbm>> -> memref<1x1x128xi32, #tpu.memory_space<hbm>>
      %dma_wait3A_70 = tpu.memref_squeeze %dma_wait3A_69 : memref<1x1x128xi32, #tpu.memory_space<hbm>> -> memref<1x128xi32, #tpu.memory_space<hbm>>
      tpu.wait_dma2 semaphore(%run_scoped3A : memref<!tpu.dma_semaphore, #tpu.memory_space<semaphore_mem>>) src(%dma_wait3A_70 : memref<1x128xi32, #tpu.memory_space<hbm>>) dst(%arg6 : memref<1x128xi32, #tpu.memory_space<vmem>>)
      tpu.yield
    }) : () -> ()
    %mul3A_18 = arith.constant 128 : i32
    %mul3A_19 = arith.muli %mul3A_2, %mul3A_18 : i32
    %dma_start3A = arith.constant 0 : i32
    %dma_start3A_20 = tpu.memref_slice %arg2[%mul3A_19, %dma_start3A] : memref<500000x128xf32, #tpu.memory_space<hbm>> -> memref<128x128xf32, #tpu.memory_space<hbm>>
    %dma_start3A_21 = arith.constant 0 : i32
    %dma_start3A_22 = tpu.memref_slice %arg2[%mul3A_19, %dma_start3A_21] : memref<500000x128xf32, #tpu.memory_space<hbm>> -> memref<128x128xf32, #tpu.memory_space<hbm>>
    tpu.enqueue_dma source(%dma_start3A_22 : memref<128x128xf32, #tpu.memory_space<hbm>>) target(%arg9 : memref<128x128xf32, #tpu.memory_space<vmem>>) target_semaphore(%arg12 : memref<!tpu.dma_semaphore, #tpu.memory_space<semaphore_mem>>)
    %scan3A_23 = arith.constant 0 : i32
    %scan3A_24 = arith.constant 61 : i32
    %scan3A_25 = arith.addi %scan3A_23, %scan3A_24 : i32
    %scan3A_26 = arith.constant 1 : i32
    scf.for %scan3A_55 = %scan3A_23 to %scan3A_25 step %scan3A_26  : i32 {
      %mul3A_56 = arith.constant 1 : i32
      %mul3A_57 = arith.muli %scan3A_55, %mul3A_56 : i32
      %add3A_58 = arith.constant 0 : i32
      %add3A_59 = arith.addi %add3A_58, %mul3A_57 : i32
      %mul3A_60 = arith.constant 2 : i32
      %mul3A_61 = arith.muli %mul3A_60, %add3A_59 : i32
      %add3A_62 = arith.constant 0 : i32
      %add3A_63 = arith.addi %mul3A_61, %add3A_62 : i32
      %add3A_64 = arith.constant 1 : i32
      %add3A_65 = arith.addi %add3A_63, %add3A_64 : i32
      %min3A = arith.constant 121 : i32
      %min3A_66 = arith.minsi %add3A_65, %min3A : i32
      %add3A_67 = arith.addi %mul3A_2, %min3A_66 : i32
      "tpu.region"() ({
        %run_scoped3A_102 = tpu.sem_alloc : memref<!tpu.dma_semaphore, #tpu.memory_space<semaphore_mem>>
        %dma_start3A_103 = arith.constant 0 : i32
        %dma_start3A_104 = arith.constant 0 : i32
        %dma_start3A_105 = tpu.memref_slice %arg3[%add3A_67, %dma_start3A_103, %dma_start3A_104] : memref<3906x1x128xi32, #tpu.memory_space<hbm>> -> memref<1x1x128xi32, #tpu.memory_space<hbm>>
        %dma_start3A_106 = tpu.memref_squeeze %dma_start3A_105 : memref<1x1x128xi32, #tpu.memory_space<hbm>> -> memref<1x128xi32, #tpu.memory_space<hbm>>
        %dma_start3A_107 = arith.constant 0 : i32
        %dma_start3A_108 = arith.constant 0 : i32
        %dma_start3A_109 = tpu.memref_slice %arg3[%add3A_67, %dma_start3A_107, %dma_start3A_108] : memref<3906x1x128xi32, #tpu.memory_space<hbm>> -> memref<1x1x128xi32, #tpu.memory_space<hbm>>
        %dma_start3A_110 = tpu.memref_squeeze %dma_start3A_109 : memref<1x1x128xi32, #tpu.memory_space<hbm>> -> memref<1x128xi32, #tpu.memory_space<hbm>>
        tpu.enqueue_dma source(%dma_start3A_110 : memref<1x128xi32, #tpu.memory_space<hbm>>) target(%arg7 : memref<1x128xi32, #tpu.memory_space<vmem>>) target_semaphore(%run_scoped3A_102 : memref<!tpu.dma_semaphore, #tpu.memory_space<semaphore_mem>>)
        %dma_wait3A_111 = arith.constant 0 : i32
        %dma_wait3A_112 = arith.constant 0 : i32
        %dma_wait3A_113 = tpu.memref_slice %arg3[%add3A_67, %dma_wait3A_111, %dma_wait3A_112] : memref<3906x1x128xi32, #tpu.memory_space<hbm>> -> memref<1x1x128xi32, #tpu.memory_space<hbm>>
        %dma_wait3A_114 = tpu.memref_squeeze %dma_wait3A_113 : memref<1x1x128xi32, #tpu.memory_space<hbm>> -> memref<1x128xi32, #tpu.memory_space<hbm>>
        %dma_wait3A_115 = arith.constant 0 : i32
        %dma_wait3A_116 = arith.constant 0 : i32
        %dma_wait3A_117 = tpu.memref_slice %arg3[%add3A_67, %dma_wait3A_115, %dma_wait3A_116] : memref<3906x1x128xi32, #tpu.memory_space<hbm>> -> memref<1x1x128xi32, #tpu.memory_space<hbm>>
        %dma_wait3A_118 = tpu.memref_squeeze %dma_wait3A_117 : memref<1x1x128xi32, #tpu.memory_space<hbm>> -> memref<1x128xi32, #tpu.memory_space<hbm>>
        tpu.wait_dma2 semaphore(%run_scoped3A_102 : memref<!tpu.dma_semaphore, #tpu.memory_space<semaphore_mem>>) src(%dma_wait3A_118 : memref<1x128xi32, #tpu.memory_space<hbm>>) dst(%arg7 : memref<1x128xi32, #tpu.memory_space<vmem>>)
        tpu.yield
      }) : () -> ()
      %mul3A_68 = arith.constant 128 : i32
      %mul3A_69 = arith.muli %add3A_67, %mul3A_68 : i32
      %dma_start3A_70 = arith.constant 0 : i32
      %dma_start3A_71 = tpu.memref_slice %arg2[%mul3A_69, %dma_start3A_70] : memref<500000x128xf32, #tpu.memory_space<hbm>> -> memref<128x128xf32, #tpu.memory_space<hbm>>
      %dma_start3A_72 = arith.constant 0 : i32
      %dma_start3A_73 = tpu.memref_slice %arg2[%mul3A_69, %dma_start3A_72] : memref<500000x128xf32, #tpu.memory_space<hbm>> -> memref<128x128xf32, #tpu.memory_space<hbm>>
      tpu.enqueue_dma source(%dma_start3A_73 : memref<128x128xf32, #tpu.memory_space<hbm>>) target(%arg10 : memref<128x128xf32, #tpu.memory_space<vmem>>) target_semaphore(%arg13 : memref<!tpu.dma_semaphore, #tpu.memory_space<semaphore_mem>>)
      %mul3A_74 = arith.constant 128 : i32
      %mul3A_75 = arith.muli %mul3A_2, %mul3A_74 : i32
      %dma_wait3A_76 = arith.constant 0 : i32
      %dma_wait3A_77 = tpu.memref_slice %arg2[%mul3A_75, %dma_wait3A_76] : memref<500000x128xf32, #tpu.memory_space<hbm>> -> memref<128x128xf32, #tpu.memory_space<hbm>>
      %dma_wait3A_78 = arith.constant 0 : i32
      %dma_wait3A_79 = tpu.memref_slice %arg2[%mul3A_75, %dma_wait3A_78] : memref<500000x128xf32, #tpu.memory_space<hbm>> -> memref<128x128xf32, #tpu.memory_space<hbm>>
      tpu.wait_dma2 semaphore(%arg12 : memref<!tpu.dma_semaphore, #tpu.memory_space<semaphore_mem>>) src(%dma_wait3A_79 : memref<128x128xf32, #tpu.memory_space<hbm>>) dst(%arg9 : memref<128x128xf32, #tpu.memory_space<vmem>>)
      %run_scoped3A = arith.constant 0 : i32
      "tpu.region"() ({
        %run_scoped3A_102 = tpu.sem_alloc : memref<!tpu.dma_semaphore, #tpu.memory_space<semaphore_mem>>
        %dma_start3A_103 = arith.constant 0 : i32
        %dma_start3A_104 = tpu.memref_slice %arg6[%run_scoped3A, %dma_start3A_103] : memref<1x128xi32, #tpu.memory_space<vmem>> -> memref<1x128xi32, #tpu.memory_space<vmem>>
        %dma_start3A_105 = tpu.memref_squeeze %dma_start3A_104 : memref<1x128xi32, #tpu.memory_space<vmem>> -> memref<128xi32, #tpu.memory_space<vmem>>
        %dma_start3A_106 = arith.constant 0 : i32
        %dma_start3A_107 = arith.constant 0 : i32
        %dma_start3A_108 = tpu.memref_slice %arg14[%dma_start3A_106, %dma_start3A_107] : memref<10000x128xf32, #tpu.memory_space<vmem_shared>> -> memref<10000x128xf32, #tpu.memory_space<vmem_shared>>
        tpu.enqueue_indirect_dma source(%arg9 : memref<128x128xf32, #tpu.memory_space<vmem>>) target(%dma_start3A_108 : memref<10000x128xf32, #tpu.memory_space<vmem_shared>>) offsets(%dma_start3A_105 : memref<128xi32, #tpu.memory_space<vmem>>) semaphore(%run_scoped3A_102 : memref<!tpu.dma_semaphore, #tpu.memory_space<semaphore_mem>>) {add = true}
        %dma_wait3A_109 = arith.constant 0 : i32
        %dma_wait3A_110 = tpu.memref_slice %arg6[%run_scoped3A, %dma_wait3A_109] : memref<1x128xi32, #tpu.memory_space<vmem>> -> memref<1x128xi32, #tpu.memory_space<vmem>>
        %dma_wait3A_111 = tpu.memref_squeeze %dma_wait3A_110 : memref<1x128xi32, #tpu.memory_space<vmem>> -> memref<128xi32, #tpu.memory_space<vmem>>
        %dma_wait3A_112 = arith.constant 0 : i32
        %dma_wait3A_113 = arith.constant 0 : i32
        %dma_wait3A_114 = tpu.memref_slice %arg14[%dma_wait3A_112, %dma_wait3A_113] : memref<10000x128xf32, #tpu.memory_space<vmem_shared>> -> memref<10000x128xf32, #tpu.memory_space<vmem_shared>>
        tpu.wait_indirect_dma semaphore(%run_scoped3A_102 : memref<!tpu.dma_semaphore, #tpu.memory_space<semaphore_mem>>) src(%arg9 : memref<128x128xf32, #tpu.memory_space<vmem>>) dst(%dma_wait3A_114 : memref<10000x128xf32, #tpu.memory_space<vmem_shared>>)
        tpu.yield
      }) : () -> ()
      %mul3A_80 = arith.constant 2 : i32
      %mul3A_81 = arith.muli %mul3A_80, %add3A_59 : i32
      %add3A_82 = arith.constant 1 : i32
      %add3A_83 = arith.addi %mul3A_81, %add3A_82 : i32
      %add3A_84 = arith.constant 1 : i32
      %add3A_85 = arith.addi %add3A_83, %add3A_84 : i32
      %min3A_86 = arith.constant 121 : i32
      %min3A_87 = arith.minsi %add3A_85, %min3A_86 : i32
      %add3A_88 = arith.addi %mul3A_2, %min3A_87 : i32
      "tpu.region"() ({
        %run_scoped3A_102 = tpu.sem_alloc : memref<!tpu.dma_semaphore, #tpu.memory_space<semaphore_mem>>
        %dma_start3A_103 = arith.constant 0 : i32
        %dma_start3A_104 = arith.constant 0 : i32
        %dma_start3A_105 = tpu.memref_slice %arg3[%add3A_88, %dma_start3A_103, %dma_start3A_104] : memref<3906x1x128xi32, #tpu.memory_space<hbm>> -> memref<1x1x128xi32, #tpu.memory_space<hbm>>
        %dma_start3A_106 = tpu.memref_squeeze %dma_start3A_105 : memref<1x1x128xi32, #tpu.memory_space<hbm>> -> memref<1x128xi32, #tpu.memory_space<hbm>>
        %dma_start3A_107 = arith.constant 0 : i32
        %dma_start3A_108 = arith.constant 0 : i32
        %dma_start3A_109 = tpu.memref_slice %arg3[%add3A_88, %dma_start3A_107, %dma_start3A_108] : memref<3906x1x128xi32, #tpu.memory_space<hbm>> -> memref<1x1x128xi32, #tpu.memory_space<hbm>>
        %dma_start3A_110 = tpu.memref_squeeze %dma_start3A_109 : memref<1x1x128xi32, #tpu.memory_space<hbm>> -> memref<1x128xi32, #tpu.memory_space<hbm>>
        tpu.enqueue_dma source(%dma_start3A_110 : memref<1x128xi32, #tpu.memory_space<hbm>>) target(%arg6 : memref<1x128xi32, #tpu.memory_space<vmem>>) target_semaphore(%run_scoped3A_102 : memref<!tpu.dma_semaphore, #tpu.memory_space<semaphore_mem>>)
        %dma_wait3A_111 = arith.constant 0 : i32
        %dma_wait3A_112 = arith.constant 0 : i32
        %dma_wait3A_113 = tpu.memref_slice %arg3[%add3A_88, %dma_wait3A_111, %dma_wait3A_112] : memref<3906x1x128xi32, #tpu.memory_space<hbm>> -> memref<1x1x128xi32, #tpu.memory_space<hbm>>
        %dma_wait3A_114 = tpu.memref_squeeze %dma_wait3A_113 : memref<1x1x128xi32, #tpu.memory_space<hbm>> -> memref<1x128xi32, #tpu.memory_space<hbm>>
        %dma_wait3A_115 = arith.constant 0 : i32
        %dma_wait3A_116 = arith.constant 0 : i32
        %dma_wait3A_117 = tpu.memref_slice %arg3[%add3A_88, %dma_wait3A_115, %dma_wait3A_116] : memref<3906x1x128xi32, #tpu.memory_space<hbm>> -> memref<1x1x128xi32, #tpu.memory_space<hbm>>
        %dma_wait3A_118 = tpu.memref_squeeze %dma_wait3A_117 : memref<1x1x128xi32, #tpu.memory_space<hbm>> -> memref<1x128xi32, #tpu.memory_space<hbm>>
        tpu.wait_dma2 semaphore(%run_scoped3A_102 : memref<!tpu.dma_semaphore, #tpu.memory_space<semaphore_mem>>) src(%dma_wait3A_118 : memref<1x128xi32, #tpu.memory_space<hbm>>) dst(%arg6 : memref<1x128xi32, #tpu.memory_space<vmem>>)
        tpu.yield
      }) : () -> ()
      %mul3A_89 = arith.constant 128 : i32
      %mul3A_90 = arith.muli %add3A_88, %mul3A_89 : i32
      %dma_start3A_91 = arith.constant 0 : i32
      %dma_start3A_92 = tpu.memref_slice %arg2[%mul3A_90, %dma_start3A_91] : memref<500000x128xf32, #tpu.memory_space<hbm>> -> memref<128x128xf32, #tpu.memory_space<hbm>>
      %dma_start3A_93 = arith.constant 0 : i32
      %dma_start3A_94 = tpu.memref_slice %arg2[%mul3A_90, %dma_start3A_93] : memref<500000x128xf32, #tpu.memory_space<hbm>> -> memref<128x128xf32, #tpu.memory_space<hbm>>
      tpu.enqueue_dma source(%dma_start3A_94 : memref<128x128xf32, #tpu.memory_space<hbm>>) target(%arg9 : memref<128x128xf32, #tpu.memory_space<vmem>>) target_semaphore(%arg12 : memref<!tpu.dma_semaphore, #tpu.memory_space<semaphore_mem>>)
      %mul3A_95 = arith.constant 128 : i32
      %mul3A_96 = arith.muli %mul3A_2, %mul3A_95 : i32
      %dma_wait3A_97 = arith.constant 0 : i32
      %dma_wait3A_98 = tpu.memref_slice %arg2[%mul3A_96, %dma_wait3A_97] : memref<500000x128xf32, #tpu.memory_space<hbm>> -> memref<128x128xf32, #tpu.memory_space<hbm>>
      %dma_wait3A_99 = arith.constant 0 : i32
      %dma_wait3A_100 = tpu.memref_slice %arg2[%mul3A_96, %dma_wait3A_99] : memref<500000x128xf32, #tpu.memory_space<hbm>> -> memref<128x128xf32, #tpu.memory_space<hbm>>
      tpu.wait_dma2 semaphore(%arg13 : memref<!tpu.dma_semaphore, #tpu.memory_space<semaphore_mem>>) src(%dma_wait3A_100 : memref<128x128xf32, #tpu.memory_space<hbm>>) dst(%arg10 : memref<128x128xf32, #tpu.memory_space<vmem>>)
      %run_scoped3A_101 = arith.constant 0 : i32
      "tpu.region"() ({
        %run_scoped3A_102 = tpu.sem_alloc : memref<!tpu.dma_semaphore, #tpu.memory_space<semaphore_mem>>
        %dma_start3A_103 = arith.constant 0 : i32
        %dma_start3A_104 = tpu.memref_slice %arg7[%run_scoped3A_101, %dma_start3A_103] : memref<1x128xi32, #tpu.memory_space<vmem>> -> memref<1x128xi32, #tpu.memory_space<vmem>>
        %dma_start3A_105 = tpu.memref_squeeze %dma_start3A_104 : memref<1x128xi32, #tpu.memory_space<vmem>> -> memref<128xi32, #tpu.memory_space<vmem>>
        %dma_start3A_106 = arith.constant 0 : i32
        %dma_start3A_107 = arith.constant 0 : i32
        %dma_start3A_108 = tpu.memref_slice %arg14[%dma_start3A_106, %dma_start3A_107] : memref<10000x128xf32, #tpu.memory_space<vmem_shared>> -> memref<10000x128xf32, #tpu.memory_space<vmem_shared>>
        tpu.enqueue_indirect_dma source(%arg10 : memref<128x128xf32, #tpu.memory_space<vmem>>) target(%dma_start3A_108 : memref<10000x128xf32, #tpu.memory_space<vmem_shared>>) offsets(%dma_start3A_105 : memref<128xi32, #tpu.memory_space<vmem>>) semaphore(%run_scoped3A_102 : memref<!tpu.dma_semaphore, #tpu.memory_space<semaphore_mem>>) {add = true}
        %dma_wait3A_109 = arith.constant 0 : i32
        %dma_wait3A_110 = tpu.memref_slice %arg7[%run_scoped3A_101, %dma_wait3A_109] : memref<1x128xi32, #tpu.memory_space<vmem>> -> memref<1x128xi32, #tpu.memory_space<vmem>>
        %dma_wait3A_111 = tpu.memref_squeeze %dma_wait3A_110 : memref<1x128xi32, #tpu.memory_space<vmem>> -> memref<128xi32, #tpu.memory_space<vmem>>
        %dma_wait3A_112 = arith.constant 0 : i32
        %dma_wait3A_113 = arith.constant 0 : i32
        %dma_wait3A_114 = tpu.memref_slice %arg14[%dma_wait3A_112, %dma_wait3A_113] : memref<10000x128xf32, #tpu.memory_space<vmem_shared>> -> memref<10000x128xf32, #tpu.memory_space<vmem_shared>>
        tpu.wait_indirect_dma semaphore(%run_scoped3A_102 : memref<!tpu.dma_semaphore, #tpu.memory_space<semaphore_mem>>) src(%arg10 : memref<128x128xf32, #tpu.memory_space<vmem>>) dst(%dma_wait3A_114 : memref<10000x128xf32, #tpu.memory_space<vmem_shared>>)
        tpu.yield
      }) : () -> ()
    }
    %scan3A_27 = arith.constant 61 : i32
    %mul3A_28 = arith.constant 128 : i32
    %mul3A_29 = arith.muli %mul3A_2, %mul3A_28 : i32
    %dma_wait3A = arith.constant 0 : i32
    %dma_wait3A_30 = tpu.memref_slice %arg2[%mul3A_29, %dma_wait3A] : memref<500000x128xf32, #tpu.memory_space<hbm>> -> memref<128x128xf32, #tpu.memory_space<hbm>>
    %dma_wait3A_31 = arith.constant 0 : i32
    %dma_wait3A_32 = tpu.memref_slice %arg2[%mul3A_29, %dma_wait3A_31] : memref<500000x128xf32, #tpu.memory_space<hbm>> -> memref<128x128xf32, #tpu.memory_space<hbm>>
    tpu.wait_dma2 semaphore(%arg12 : memref<!tpu.dma_semaphore, #tpu.memory_space<semaphore_mem>>) src(%dma_wait3A_32 : memref<128x128xf32, #tpu.memory_space<hbm>>) dst(%arg9 : memref<128x128xf32, #tpu.memory_space<vmem>>)
    %eq3A_33 = arith.constant 0 : i32
    %eq3A_34 = arith.cmpi eq, %arg0, %eq3A_33 : i32
    %eq3A_35 = arith.constant 0 : i32
    %eq3A_36 = arith.cmpi eq, %arg1, %eq3A_35 : i32
    %and3A = arith.andi %eq3A_34, %eq3A_36 : i1
    %convert_element_type3A_37 = arith.extui %and3A : i1 to i32
    %cond3A_38 = arith.constant 0 : i32
    %cond3A_39 = arith.cmpi ne, %convert_element_type3A_37, %cond3A_38 : i32
    scf.if %cond3A_39 {
      %run_scoped3A = arith.constant 3904 : i32
      "tpu.region"() ({
        %run_scoped3A_59 = tpu.sem_alloc : memref<!tpu.dma_semaphore, #tpu.memory_space<semaphore_mem>>
        %dma_start3A_60 = arith.constant 0 : i32
        %dma_start3A_61 = arith.constant 0 : i32
        %dma_start3A_62 = tpu.memref_slice %arg3[%run_scoped3A, %dma_start3A_60, %dma_start3A_61] : memref<3906x1x128xi32, #tpu.memory_space<hbm>> -> memref<1x1x128xi32, #tpu.memory_space<hbm>>
        %dma_start3A_63 = tpu.memref_squeeze %dma_start3A_62 : memref<1x1x128xi32, #tpu.memory_space<hbm>> -> memref<1x128xi32, #tpu.memory_space<hbm>>
        %dma_start3A_64 = arith.constant 0 : i32
        %dma_start3A_65 = arith.constant 0 : i32
        %dma_start3A_66 = tpu.memref_slice %arg3[%run_scoped3A, %dma_start3A_64, %dma_start3A_65] : memref<3906x1x128xi32, #tpu.memory_space<hbm>> -> memref<1x1x128xi32, #tpu.memory_space<hbm>>
        %dma_start3A_67 = tpu.memref_squeeze %dma_start3A_66 : memref<1x1x128xi32, #tpu.memory_space<hbm>> -> memref<1x128xi32, #tpu.memory_space<hbm>>
        tpu.enqueue_dma source(%dma_start3A_67 : memref<1x128xi32, #tpu.memory_space<hbm>>) target(%arg6 : memref<1x128xi32, #tpu.memory_space<vmem>>) target_semaphore(%run_scoped3A_59 : memref<!tpu.dma_semaphore, #tpu.memory_space<semaphore_mem>>)
        %dma_wait3A_68 = arith.constant 0 : i32
        %dma_wait3A_69 = arith.constant 0 : i32
        %dma_wait3A_70 = tpu.memref_slice %arg3[%run_scoped3A, %dma_wait3A_68, %dma_wait3A_69] : memref<3906x1x128xi32, #tpu.memory_space<hbm>> -> memref<1x1x128xi32, #tpu.memory_space<hbm>>
        %dma_wait3A_71 = tpu.memref_squeeze %dma_wait3A_70 : memref<1x1x128xi32, #tpu.memory_space<hbm>> -> memref<1x128xi32, #tpu.memory_space<hbm>>
        %dma_wait3A_72 = arith.constant 0 : i32
        %dma_wait3A_73 = arith.constant 0 : i32
        %dma_wait3A_74 = tpu.memref_slice %arg3[%run_scoped3A, %dma_wait3A_72, %dma_wait3A_73] : memref<3906x1x128xi32, #tpu.memory_space<hbm>> -> memref<1x1x128xi32, #tpu.memory_space<hbm>>
        %dma_wait3A_75 = tpu.memref_squeeze %dma_wait3A_74 : memref<1x1x128xi32, #tpu.memory_space<hbm>> -> memref<1x128xi32, #tpu.memory_space<hbm>>
        tpu.wait_dma2 semaphore(%run_scoped3A_59 : memref<!tpu.dma_semaphore, #tpu.memory_space<semaphore_mem>>) src(%dma_wait3A_75 : memref<1x128xi32, #tpu.memory_space<hbm>>) dst(%arg6 : memref<1x128xi32, #tpu.memory_space<vmem>>)
        tpu.yield
      }) : () -> ()
      "tpu.region"() ({
        %run_scoped3A_59 = tpu.sem_alloc : memref<!tpu.dma_semaphore, #tpu.memory_space<semaphore_mem>>
        %dma_start3A_60 = arith.constant 499712 : i32
        %dma_start3A_61 = arith.constant 0 : i32
        %dma_start3A_62 = tpu.memref_slice %arg2[%dma_start3A_60, %dma_start3A_61] : memref<500000x128xf32, #tpu.memory_space<hbm>> -> memref<128x128xf32, #tpu.memory_space<hbm>>
        %dma_start3A_63 = arith.constant 499712 : i32
        %dma_start3A_64 = arith.constant 0 : i32
        %dma_start3A_65 = tpu.memref_slice %arg2[%dma_start3A_63, %dma_start3A_64] : memref<500000x128xf32, #tpu.memory_space<hbm>> -> memref<128x128xf32, #tpu.memory_space<hbm>>
        tpu.enqueue_dma source(%dma_start3A_65 : memref<128x128xf32, #tpu.memory_space<hbm>>) target(%arg9 : memref<128x128xf32, #tpu.memory_space<vmem>>) target_semaphore(%run_scoped3A_59 : memref<!tpu.dma_semaphore, #tpu.memory_space<semaphore_mem>>)
        %dma_wait3A_66 = arith.constant 499712 : i32
        %dma_wait3A_67 = arith.constant 0 : i32
        %dma_wait3A_68 = tpu.memref_slice %arg2[%dma_wait3A_66, %dma_wait3A_67] : memref<500000x128xf32, #tpu.memory_space<hbm>> -> memref<128x128xf32, #tpu.memory_space<hbm>>
        %dma_wait3A_69 = arith.constant 499712 : i32
        %dma_wait3A_70 = arith.constant 0 : i32
        %dma_wait3A_71 = tpu.memref_slice %arg2[%dma_wait3A_69, %dma_wait3A_70] : memref<500000x128xf32, #tpu.memory_space<hbm>> -> memref<128x128xf32, #tpu.memory_space<hbm>>
        tpu.wait_dma2 semaphore(%run_scoped3A_59 : memref<!tpu.dma_semaphore, #tpu.memory_space<semaphore_mem>>) src(%dma_wait3A_71 : memref<128x128xf32, #tpu.memory_space<hbm>>) dst(%arg9 : memref<128x128xf32, #tpu.memory_space<vmem>>)
        tpu.yield
      }) : () -> ()
      %run_scoped3A_55 = arith.constant 0 : i32
      "tpu.region"() ({
        %run_scoped3A_59 = tpu.sem_alloc : memref<!tpu.dma_semaphore, #tpu.memory_space<semaphore_mem>>
        %dma_start3A_60 = arith.constant 0 : i32
        %dma_start3A_61 = tpu.memref_slice %arg6[%run_scoped3A_55, %dma_start3A_60] : memref<1x128xi32, #tpu.memory_space<vmem>> -> memref<1x128xi32, #tpu.memory_space<vmem>>
        %dma_start3A_62 = tpu.memref_squeeze %dma_start3A_61 : memref<1x128xi32, #tpu.memory_space<vmem>> -> memref<128xi32, #tpu.memory_space<vmem>>
        %dma_start3A_63 = arith.constant 0 : i32
        %dma_start3A_64 = arith.constant 0 : i32
        %dma_start3A_65 = tpu.memref_slice %arg14[%dma_start3A_63, %dma_start3A_64] : memref<10000x128xf32, #tpu.memory_space<vmem_shared>> -> memref<10000x128xf32, #tpu.memory_space<vmem_shared>>
        tpu.enqueue_indirect_dma source(%arg9 : memref<128x128xf32, #tpu.memory_space<vmem>>) target(%dma_start3A_65 : memref<10000x128xf32, #tpu.memory_space<vmem_shared>>) offsets(%dma_start3A_62 : memref<128xi32, #tpu.memory_space<vmem>>) semaphore(%run_scoped3A_59 : memref<!tpu.dma_semaphore, #tpu.memory_space<semaphore_mem>>) {add = true}
        %dma_wait3A_66 = arith.constant 0 : i32
        %dma_wait3A_67 = tpu.memref_slice %arg6[%run_scoped3A_55, %dma_wait3A_66] : memref<1x128xi32, #tpu.memory_space<vmem>> -> memref<1x128xi32, #tpu.memory_space<vmem>>
        %dma_wait3A_68 = tpu.memref_squeeze %dma_wait3A_67 : memref<1x128xi32, #tpu.memory_space<vmem>> -> memref<128xi32, #tpu.memory_space<vmem>>
        %dma_wait3A_69 = arith.constant 0 : i32
        %dma_wait3A_70 = arith.constant 0 : i32
        %dma_wait3A_71 = tpu.memref_slice %arg14[%dma_wait3A_69, %dma_wait3A_70] : memref<10000x128xf32, #tpu.memory_space<vmem_shared>> -> memref<10000x128xf32, #tpu.memory_space<vmem_shared>>
        tpu.wait_indirect_dma semaphore(%run_scoped3A_59 : memref<!tpu.dma_semaphore, #tpu.memory_space<semaphore_mem>>) src(%arg9 : memref<128x128xf32, #tpu.memory_space<vmem>>) dst(%dma_wait3A_71 : memref<10000x128xf32, #tpu.memory_space<vmem_shared>>)
        tpu.yield
      }) : () -> ()
      %run_scoped3A_56 = arith.constant 3905 : i32
      "tpu.region"() ({
        %run_scoped3A_59 = tpu.sem_alloc : memref<!tpu.dma_semaphore, #tpu.memory_space<semaphore_mem>>
        %dma_start3A_60 = arith.constant 0 : i32
        %dma_start3A_61 = arith.constant 0 : i32
        %dma_start3A_62 = tpu.memref_slice %arg3[%run_scoped3A_56, %dma_start3A_60, %dma_start3A_61] : memref<3906x1x128xi32, #tpu.memory_space<hbm>> -> memref<1x1x128xi32, #tpu.memory_space<hbm>>
        %dma_start3A_63 = tpu.memref_squeeze %dma_start3A_62 : memref<1x1x128xi32, #tpu.memory_space<hbm>> -> memref<1x128xi32, #tpu.memory_space<hbm>>
        %dma_start3A_64 = arith.constant 0 : i32
        %dma_start3A_65 = arith.constant 0 : i32
        %dma_start3A_66 = tpu.memref_slice %arg3[%run_scoped3A_56, %dma_start3A_64, %dma_start3A_65] : memref<3906x1x128xi32, #tpu.memory_space<hbm>> -> memref<1x1x128xi32, #tpu.memory_space<hbm>>
        %dma_start3A_67 = tpu.memref_squeeze %dma_start3A_66 : memref<1x1x128xi32, #tpu.memory_space<hbm>> -> memref<1x128xi32, #tpu.memory_space<hbm>>
        tpu.enqueue_dma source(%dma_start3A_67 : memref<1x128xi32, #tpu.memory_space<hbm>>) target(%arg6 : memref<1x128xi32, #tpu.memory_space<vmem>>) target_semaphore(%run_scoped3A_59 : memref<!tpu.dma_semaphore, #tpu.memory_space<semaphore_mem>>)
        %dma_wait3A_68 = arith.constant 0 : i32
        %dma_wait3A_69 = arith.constant 0 : i32
        %dma_wait3A_70 = tpu.memref_slice %arg3[%run_scoped3A_56, %dma_wait3A_68, %dma_wait3A_69] : memref<3906x1x128xi32, #tpu.memory_space<hbm>> -> memref<1x1x128xi32, #tpu.memory_space<hbm>>
        %dma_wait3A_71 = tpu.memref_squeeze %dma_wait3A_70 : memref<1x1x128xi32, #tpu.memory_space<hbm>> -> memref<1x128xi32, #tpu.memory_space<hbm>>
        %dma_wait3A_72 = arith.constant 0 : i32
        %dma_wait3A_73 = arith.constant 0 : i32
        %dma_wait3A_74 = tpu.memref_slice %arg3[%run_scoped3A_56, %dma_wait3A_72, %dma_wait3A_73] : memref<3906x1x128xi32, #tpu.memory_space<hbm>> -> memref<1x1x128xi32, #tpu.memory_space<hbm>>
        %dma_wait3A_75 = tpu.memref_squeeze %dma_wait3A_74 : memref<1x1x128xi32, #tpu.memory_space<hbm>> -> memref<1x128xi32, #tpu.memory_space<hbm>>
        tpu.wait_dma2 semaphore(%run_scoped3A_59 : memref<!tpu.dma_semaphore, #tpu.memory_space<semaphore_mem>>) src(%dma_wait3A_75 : memref<1x128xi32, #tpu.memory_space<hbm>>) dst(%arg6 : memref<1x128xi32, #tpu.memory_space<vmem>>)
        tpu.yield
      }) : () -> ()
      "tpu.region"() ({
        %run_scoped3A_59 = tpu.sem_alloc : memref<!tpu.dma_semaphore, #tpu.memory_space<semaphore_mem>>
        %dma_start3A_60 = arith.constant 499840 : i32
        %dma_start3A_61 = arith.constant 0 : i32
        %dma_start3A_62 = tpu.memref_slice %arg2[%dma_start3A_60, %dma_start3A_61] : memref<500000x128xf32, #tpu.memory_space<hbm>> -> memref<128x128xf32, #tpu.memory_space<hbm>>
        %dma_start3A_63 = arith.constant 499840 : i32
        %dma_start3A_64 = arith.constant 0 : i32
        %dma_start3A_65 = tpu.memref_slice %arg2[%dma_start3A_63, %dma_start3A_64] : memref<500000x128xf32, #tpu.memory_space<hbm>> -> memref<128x128xf32, #tpu.memory_space<hbm>>
        tpu.enqueue_dma source(%dma_start3A_65 : memref<128x128xf32, #tpu.memory_space<hbm>>) target(%arg9 : memref<128x128xf32, #tpu.memory_space<vmem>>) target_semaphore(%run_scoped3A_59 : memref<!tpu.dma_semaphore, #tpu.memory_space<semaphore_mem>>)
        %dma_wait3A_66 = arith.constant 499840 : i32
        %dma_wait3A_67 = arith.constant 0 : i32
        %dma_wait3A_68 = tpu.memref_slice %arg2[%dma_wait3A_66, %dma_wait3A_67] : memref<500000x128xf32, #tpu.memory_space<hbm>> -> memref<128x128xf32, #tpu.memory_space<hbm>>
        %dma_wait3A_69 = arith.constant 499840 : i32
        %dma_wait3A_70 = arith.constant 0 : i32
        %dma_wait3A_71 = tpu.memref_slice %arg2[%dma_wait3A_69, %dma_wait3A_70] : memref<500000x128xf32, #tpu.memory_space<hbm>> -> memref<128x128xf32, #tpu.memory_space<hbm>>
        tpu.wait_dma2 semaphore(%run_scoped3A_59 : memref<!tpu.dma_semaphore, #tpu.memory_space<semaphore_mem>>) src(%dma_wait3A_71 : memref<128x128xf32, #tpu.memory_space<hbm>>) dst(%arg9 : memref<128x128xf32, #tpu.memory_space<vmem>>)
        tpu.yield
      }) : () -> ()
      %run_scoped3A_57 = arith.constant 0 : i32
      "tpu.region"() ({
        %run_scoped3A_59 = tpu.sem_alloc : memref<!tpu.dma_semaphore, #tpu.memory_space<semaphore_mem>>
        %dma_start3A_60 = arith.constant 0 : i32
        %dma_start3A_61 = tpu.memref_slice %arg6[%run_scoped3A_57, %dma_start3A_60] : memref<1x128xi32, #tpu.memory_space<vmem>> -> memref<1x128xi32, #tpu.memory_space<vmem>>
        %dma_start3A_62 = tpu.memref_squeeze %dma_start3A_61 : memref<1x128xi32, #tpu.memory_space<vmem>> -> memref<128xi32, #tpu.memory_space<vmem>>
        %dma_start3A_63 = arith.constant 0 : i32
        %dma_start3A_64 = arith.constant 0 : i32
        %dma_start3A_65 = tpu.memref_slice %arg14[%dma_start3A_63, %dma_start3A_64] : memref<10000x128xf32, #tpu.memory_space<vmem_shared>> -> memref<10000x128xf32, #tpu.memory_space<vmem_shared>>
        tpu.enqueue_indirect_dma source(%arg9 : memref<128x128xf32, #tpu.memory_space<vmem>>) target(%dma_start3A_65 : memref<10000x128xf32, #tpu.memory_space<vmem_shared>>) offsets(%dma_start3A_62 : memref<128xi32, #tpu.memory_space<vmem>>) semaphore(%run_scoped3A_59 : memref<!tpu.dma_semaphore, #tpu.memory_space<semaphore_mem>>) {add = true}
        %dma_wait3A_66 = arith.constant 0 : i32
        %dma_wait3A_67 = tpu.memref_slice %arg6[%run_scoped3A_57, %dma_wait3A_66] : memref<1x128xi32, #tpu.memory_space<vmem>> -> memref<1x128xi32, #tpu.memory_space<vmem>>
        %dma_wait3A_68 = tpu.memref_squeeze %dma_wait3A_67 : memref<1x128xi32, #tpu.memory_space<vmem>> -> memref<128xi32, #tpu.memory_space<vmem>>
        %dma_wait3A_69 = arith.constant 0 : i32
        %dma_wait3A_70 = arith.constant 0 : i32
        %dma_wait3A_71 = tpu.memref_slice %arg14[%dma_wait3A_69, %dma_wait3A_70] : memref<10000x128xf32, #tpu.memory_space<vmem_shared>> -> memref<10000x128xf32, #tpu.memory_space<vmem_shared>>
        tpu.wait_indirect_dma semaphore(%run_scoped3A_59 : memref<!tpu.dma_semaphore, #tpu.memory_space<semaphore_mem>>) src(%arg9 : memref<128x128xf32, #tpu.memory_space<vmem>>) dst(%dma_wait3A_71 : memref<10000x128xf32, #tpu.memory_space<vmem_shared>>)
        tpu.yield
      }) : () -> ()
      "tpu.region"() ({
        %run_scoped3A_59 = tpu.sem_alloc : memref<!tpu.dma_semaphore, #tpu.memory_space<semaphore_mem>>
        tpu.enqueue_dma source(%arg4 : memref<1x32xi32, #tpu.memory_space<hbm>>) target(%arg8 : memref<1x32xi32, #tpu.memory_space<vmem>>) target_semaphore(%run_scoped3A_59 : memref<!tpu.dma_semaphore, #tpu.memory_space<semaphore_mem>>)
        tpu.wait_dma2 semaphore(%run_scoped3A_59 : memref<!tpu.dma_semaphore, #tpu.memory_space<semaphore_mem>>) src(%arg4 : memref<1x32xi32, #tpu.memory_space<hbm>>) dst(%arg8 : memref<1x32xi32, #tpu.memory_space<vmem>>)
        tpu.yield
      }) : () -> ()
      "tpu.region"() ({
        %run_scoped3A_59 = tpu.sem_alloc : memref<!tpu.dma_semaphore, #tpu.memory_space<semaphore_mem>>
        %dma_start3A_60 = arith.constant 499968 : i32
        %dma_start3A_61 = arith.constant 0 : i32
        %dma_start3A_62 = tpu.memref_slice %arg2[%dma_start3A_60, %dma_start3A_61] : memref<500000x128xf32, #tpu.memory_space<hbm>> -> memref<32x128xf32, #tpu.memory_space<hbm>>
        %dma_start3A_63 = arith.constant 499968 : i32
        %dma_start3A_64 = arith.constant 0 : i32
        %dma_start3A_65 = tpu.memref_slice %arg2[%dma_start3A_63, %dma_start3A_64] : memref<500000x128xf32, #tpu.memory_space<hbm>> -> memref<32x128xf32, #tpu.memory_space<hbm>>
        tpu.enqueue_dma source(%dma_start3A_65 : memref<32x128xf32, #tpu.memory_space<hbm>>) target(%arg11 : memref<32x128xf32, #tpu.memory_space<vmem>>) target_semaphore(%run_scoped3A_59 : memref<!tpu.dma_semaphore, #tpu.memory_space<semaphore_mem>>)
        %dma_wait3A_66 = arith.constant 499968 : i32
        %dma_wait3A_67 = arith.constant 0 : i32
        %dma_wait3A_68 = tpu.memref_slice %arg2[%dma_wait3A_66, %dma_wait3A_67] : memref<500000x128xf32, #tpu.memory_space<hbm>> -> memref<32x128xf32, #tpu.memory_space<hbm>>
        %dma_wait3A_69 = arith.constant 499968 : i32
        %dma_wait3A_70 = arith.constant 0 : i32
        %dma_wait3A_71 = tpu.memref_slice %arg2[%dma_wait3A_69, %dma_wait3A_70] : memref<500000x128xf32, #tpu.memory_space<hbm>> -> memref<32x128xf32, #tpu.memory_space<hbm>>
        tpu.wait_dma2 semaphore(%run_scoped3A_59 : memref<!tpu.dma_semaphore, #tpu.memory_space<semaphore_mem>>) src(%dma_wait3A_71 : memref<32x128xf32, #tpu.memory_space<hbm>>) dst(%arg11 : memref<32x128xf32, #tpu.memory_space<vmem>>)
        tpu.yield
      }) : () -> ()
      %run_scoped3A_58 = arith.constant 0 : i32
      "tpu.region"() ({
        %run_scoped3A_59 = tpu.sem_alloc : memref<!tpu.dma_semaphore, #tpu.memory_space<semaphore_mem>>
        %dma_start3A_60 = arith.constant 0 : i32
        %dma_start3A_61 = tpu.memref_slice %arg8[%run_scoped3A_58, %dma_start3A_60] : memref<1x32xi32, #tpu.memory_space<vmem>> -> memref<1x32xi32, #tpu.memory_space<vmem>>
        %dma_start3A_62 = tpu.memref_squeeze %dma_start3A_61 : memref<1x32xi32, #tpu.memory_space<vmem>> -> memref<32xi32, #tpu.memory_space<vmem>>
        %dma_start3A_63 = arith.constant 0 : i32
        %dma_start3A_64 = arith.constant 0 : i32
        %dma_start3A_65 = tpu.memref_slice %arg14[%dma_start3A_63, %dma_start3A_64] : memref<10000x128xf32, #tpu.memory_space<vmem_shared>> -> memref<10000x128xf32, #tpu.memory_space<vmem_shared>>
        tpu.enqueue_indirect_dma source(%arg11 : memref<32x128xf32, #tpu.memory_space<vmem>>) target(%dma_start3A_65 : memref<10000x128xf32, #tpu.memory_space<vmem_shared>>) offsets(%dma_start3A_62 : memref<32xi32, #tpu.memory_space<vmem>>) semaphore(%run_scoped3A_59 : memref<!tpu.dma_semaphore, #tpu.memory_space<semaphore_mem>>) {add = true}
        %dma_wait3A_66 = arith.constant 0 : i32
        %dma_wait3A_67 = tpu.memref_slice %arg8[%run_scoped3A_58, %dma_wait3A_66] : memref<1x32xi32, #tpu.memory_space<vmem>> -> memref<1x32xi32, #tpu.memory_space<vmem>>
        %dma_wait3A_68 = tpu.memref_squeeze %dma_wait3A_67 : memref<1x32xi32, #tpu.memory_space<vmem>> -> memref<32xi32, #tpu.memory_space<vmem>>
        %dma_wait3A_69 = arith.constant 0 : i32
        %dma_wait3A_70 = arith.constant 0 : i32
        %dma_wait3A_71 = tpu.memref_slice %arg14[%dma_wait3A_69, %dma_wait3A_70] : memref<10000x128xf32, #tpu.memory_space<vmem_shared>> -> memref<10000x128xf32, #tpu.memory_space<vmem_shared>>
        tpu.wait_indirect_dma semaphore(%run_scoped3A_59 : memref<!tpu.dma_semaphore, #tpu.memory_space<semaphore_mem>>) src(%arg11 : memref<32x128xf32, #tpu.memory_space<vmem>>) dst(%dma_wait3A_71 : memref<10000x128xf32, #tpu.memory_space<vmem_shared>>)
        tpu.yield
      }) : () -> ()
    } else {
    }
    %barrier3A_40 = arith.constant 0 : index
    tpu.barrier barrier_id(%barrier3A_40)
    %scan3A_41 = arith.constant 0 : i32
    %scan3A_42 = arith.constant 4 : i32
    %scan3A_43 = arith.addi %scan3A_41, %scan3A_42 : i32
    %scan3A_44 = arith.constant 1 : i32
    scf.for %scan3A_55 = %scan3A_41 to %scan3A_43 step %scan3A_44  : i32 {
      %mul3A_56 = arith.constant 1 : i32
      %mul3A_57 = arith.muli %scan3A_55, %mul3A_56 : i32
      %add3A_58 = arith.constant 0 : i32
      %add3A_59 = arith.addi %add3A_58, %mul3A_57 : i32
      %mul3A_60 = arith.constant 624 : i32
      %mul3A_61 = arith.muli %arg1, %mul3A_60 : i32
      %mul3A_62 = arith.constant 128 : i32
      %mul3A_63 = arith.muli %add3A_59, %mul3A_62 : i32
      %add3A_64 = arith.addi %mul3A_61, %mul3A_63 : i32
      "tpu.region"() ({
        %run_scoped3A = tpu.sem_alloc : memref<!tpu.dma_semaphore, #tpu.memory_space<semaphore_mem>>
        %dma_start3A_65 = arith.constant 0 : i32
        %dma_start3A_66 = tpu.memref_slice %arg14[%add3A_64, %dma_start3A_65] : memref<10000x128xf32, #tpu.memory_space<vmem_shared>> -> memref<128x128xf32, #tpu.memory_space<vmem_shared>>
        %dma_start3A_67 = arith.constant 0 : i32
        %dma_start3A_68 = tpu.memref_slice %arg14[%add3A_64, %dma_start3A_67] : memref<10000x128xf32, #tpu.memory_space<vmem_shared>> -> memref<128x128xf32, #tpu.memory_space<vmem_shared>>
        tpu.enqueue_dma source(%dma_start3A_68 : memref<128x128xf32, #tpu.memory_space<vmem_shared>>) target(%arg9 : memref<128x128xf32, #tpu.memory_space<vmem>>) target_semaphore(%run_scoped3A : memref<!tpu.dma_semaphore, #tpu.memory_space<semaphore_mem>>)
        %dma_wait3A_69 = arith.constant 0 : i32
        %dma_wait3A_70 = tpu.memref_slice %arg14[%add3A_64, %dma_wait3A_69] : memref<10000x128xf32, #tpu.memory_space<vmem_shared>> -> memref<128x128xf32, #tpu.memory_space<vmem_shared>>
        %dma_wait3A_71 = arith.constant 0 : i32
        %dma_wait3A_72 = tpu.memref_slice %arg14[%add3A_64, %dma_wait3A_71] : memref<10000x128xf32, #tpu.memory_space<vmem_shared>> -> memref<128x128xf32, #tpu.memory_space<vmem_shared>>
        tpu.wait_dma2 semaphore(%run_scoped3A : memref<!tpu.dma_semaphore, #tpu.memory_space<semaphore_mem>>) src(%dma_wait3A_72 : memref<128x128xf32, #tpu.memory_space<vmem_shared>>) dst(%arg9 : memref<128x128xf32, #tpu.memory_space<vmem>>)
        tpu.yield
      }) : () -> ()
      "tpu.region"() ({
        %run_scoped3A = tpu.sem_alloc : memref<!tpu.dma_semaphore, #tpu.memory_space<semaphore_mem>>
        %dma_start3A_65 = arith.constant 0 : i32
        %dma_start3A_66 = arith.constant 0 : i32
        %dma_start3A_67 = tpu.memref_slice %arg5[%arg0, %dma_start3A_65, %dma_start3A_66] : memref<2x10000x128xf32, #tpu.memory_space<hbm>> -> memref<1x10000x128xf32, #tpu.memory_space<hbm>>
        %dma_start3A_68 = tpu.memref_squeeze %dma_start3A_67 : memref<1x10000x128xf32, #tpu.memory_space<hbm>> -> memref<10000x128xf32, #tpu.memory_space<hbm>>
        %dma_start3A_69 = arith.constant 0 : i32
        %dma_start3A_70 = tpu.memref_slice %dma_start3A_68[%add3A_64, %dma_start3A_69] : memref<10000x128xf32, #tpu.memory_space<hbm>> -> memref<128x128xf32, #tpu.memory_space<hbm>>
        %dma_start3A_71 = arith.constant 0 : i32
        %dma_start3A_72 = arith.constant 0 : i32
        %dma_start3A_73 = tpu.memref_slice %arg5[%arg0, %dma_start3A_71, %dma_start3A_72] : memref<2x10000x128xf32, #tpu.memory_space<hbm>> -> memref<1x10000x128xf32, #tpu.memory_space<hbm>>
        %dma_start3A_74 = tpu.memref_squeeze %dma_start3A_73 : memref<1x10000x128xf32, #tpu.memory_space<hbm>> -> memref<10000x128xf32, #tpu.memory_space<hbm>>
        %dma_start3A_75 = arith.constant 0 : i32
        %dma_start3A_76 = tpu.memref_slice %dma_start3A_74[%add3A_64, %dma_start3A_75] : memref<10000x128xf32, #tpu.memory_space<hbm>> -> memref<128x128xf32, #tpu.memory_space<hbm>>
        tpu.enqueue_dma source(%arg9 : memref<128x128xf32, #tpu.memory_space<vmem>>) target(%dma_start3A_76 : memref<128x128xf32, #tpu.memory_space<hbm>>) target_semaphore(%run_scoped3A : memref<!tpu.dma_semaphore, #tpu.memory_space<semaphore_mem>>)
        %dma_wait3A_77 = arith.constant 0 : i32
        %dma_wait3A_78 = arith.constant 0 : i32
        %dma_wait3A_79 = tpu.memref_slice %arg5[%arg0, %dma_wait3A_77, %dma_wait3A_78] : memref<2x10000x128xf32, #tpu.memory_space<hbm>> -> memref<1x10000x128xf32, #tpu.memory_space<hbm>>
        %dma_wait3A_80 = tpu.memref_squeeze %dma_wait3A_79 : memref<1x10000x128xf32, #tpu.memory_space<hbm>> -> memref<10000x128xf32, #tpu.memory_space<hbm>>
        %dma_wait3A_81 = arith.constant 0 : i32
        %dma_wait3A_82 = tpu.memref_slice %dma_wait3A_80[%add3A_64, %dma_wait3A_81] : memref<10000x128xf32, #tpu.memory_space<hbm>> -> memref<128x128xf32, #tpu.memory_space<hbm>>
        %dma_wait3A_83 = arith.constant 0 : i32
        %dma_wait3A_84 = arith.constant 0 : i32
        %dma_wait3A_85 = tpu.memref_slice %arg5[%arg0, %dma_wait3A_83, %dma_wait3A_84] : memref<2x10000x128xf32, #tpu.memory_space<hbm>> -> memref<1x10000x128xf32, #tpu.memory_space<hbm>>
        %dma_wait3A_86 = tpu.memref_squeeze %dma_wait3A_85 : memref<1x10000x128xf32, #tpu.memory_space<hbm>> -> memref<10000x128xf32, #tpu.memory_space<hbm>>
        %dma_wait3A_87 = arith.constant 0 : i32
        %dma_wait3A_88 = tpu.memref_slice %dma_wait3A_86[%add3A_64, %dma_wait3A_87] : memref<10000x128xf32, #tpu.memory_space<hbm>> -> memref<128x128xf32, #tpu.memory_space<hbm>>
        tpu.wait_dma2 semaphore(%run_scoped3A : memref<!tpu.dma_semaphore, #tpu.memory_space<semaphore_mem>>) src(%arg9 : memref<128x128xf32, #tpu.memory_space<vmem>>) dst(%dma_wait3A_88 : memref<128x128xf32, #tpu.memory_space<hbm>>)
        tpu.yield
      }) : () -> ()
    }
    %scan3A_45 = arith.constant 4 : i32
    %mul3A_46 = arith.constant 624 : i32
    %mul3A_47 = arith.muli %arg1, %mul3A_46 : i32
    %add3A_48 = arith.constant 512 : i32
    %add3A_49 = arith.addi %mul3A_47, %add3A_48 : i32
    "tpu.region"() ({
      %run_scoped3A = tpu.sem_alloc : memref<!tpu.dma_semaphore, #tpu.memory_space<semaphore_mem>>
      %dma_start3A_55 = arith.constant 0 : i32
      %dma_start3A_56 = arith.constant 0 : i32
      %dma_start3A_57 = tpu.memref_slice %arg9[%dma_start3A_55, %dma_start3A_56] : memref<128x128xf32, #tpu.memory_space<vmem>> -> memref<112x128xf32, #tpu.memory_space<vmem>>
      %dma_start3A_58 = arith.constant 0 : i32
      %dma_start3A_59 = tpu.memref_slice %arg14[%add3A_49, %dma_start3A_58] : memref<10000x128xf32, #tpu.memory_space<vmem_shared>> -> memref<112x128xf32, #tpu.memory_space<vmem_shared>>
      %dma_start3A_60 = arith.constant 0 : i32
      %dma_start3A_61 = arith.constant 0 : i32
      %dma_start3A_62 = tpu.memref_slice %arg9[%dma_start3A_60, %dma_start3A_61] : memref<128x128xf32, #tpu.memory_space<vmem>> -> memref<112x128xf32, #tpu.memory_space<vmem>>
      %dma_start3A_63 = arith.constant 0 : i32
      %dma_start3A_64 = tpu.memref_slice %arg14[%add3A_49, %dma_start3A_63] : memref<10000x128xf32, #tpu.memory_space<vmem_shared>> -> memref<112x128xf32, #tpu.memory_space<vmem_shared>>
      tpu.enqueue_dma source(%dma_start3A_64 : memref<112x128xf32, #tpu.memory_space<vmem_shared>>) target(%dma_start3A_62 : memref<112x128xf32, #tpu.memory_space<vmem>>) target_semaphore(%run_scoped3A : memref<!tpu.dma_semaphore, #tpu.memory_space<semaphore_mem>>)
      %dma_wait3A_65 = arith.constant 0 : i32
      %dma_wait3A_66 = arith.constant 0 : i32
      %dma_wait3A_67 = tpu.memref_slice %arg9[%dma_wait3A_65, %dma_wait3A_66] : memref<128x128xf32, #tpu.memory_space<vmem>> -> memref<112x128xf32, #tpu.memory_space<vmem>>
      %dma_wait3A_68 = arith.constant 0 : i32
      %dma_wait3A_69 = tpu.memref_slice %arg14[%add3A_49, %dma_wait3A_68] : memref<10000x128xf32, #tpu.memory_space<vmem_shared>> -> memref<112x128xf32, #tpu.memory_space<vmem_shared>>
      %dma_wait3A_70 = arith.constant 0 : i32
      %dma_wait3A_71 = arith.constant 0 : i32
      %dma_wait3A_72 = tpu.memref_slice %arg9[%dma_wait3A_70, %dma_wait3A_71] : memref<128x128xf32, #tpu.memory_space<vmem>> -> memref<112x128xf32, #tpu.memory_space<vmem>>
      %dma_wait3A_73 = arith.constant 0 : i32
      %dma_wait3A_74 = tpu.memref_slice %arg14[%add3A_49, %dma_wait3A_73] : memref<10000x128xf32, #tpu.memory_space<vmem_shared>> -> memref<112x128xf32, #tpu.memory_space<vmem_shared>>
      tpu.wait_dma2 semaphore(%run_scoped3A : memref<!tpu.dma_semaphore, #tpu.memory_space<semaphore_mem>>) src(%dma_wait3A_74 : memref<112x128xf32, #tpu.memory_space<vmem_shared>>) dst(%dma_wait3A_72 : memref<112x128xf32, #tpu.memory_space<vmem>>)
      tpu.yield
    }) : () -> ()
    "tpu.region"() ({
      %run_scoped3A = tpu.sem_alloc : memref<!tpu.dma_semaphore, #tpu.memory_space<semaphore_mem>>
      %dma_start3A_55 = arith.constant 0 : i32
      %dma_start3A_56 = arith.constant 0 : i32
      %dma_start3A_57 = tpu.memref_slice %arg9[%dma_start3A_55, %dma_start3A_56] : memref<128x128xf32, #tpu.memory_space<vmem>> -> memref<112x128xf32, #tpu.memory_space<vmem>>
      %dma_start3A_58 = arith.constant 0 : i32
      %dma_start3A_59 = arith.constant 0 : i32
      %dma_start3A_60 = tpu.memref_slice %arg5[%arg0, %dma_start3A_58, %dma_start3A_59] : memref<2x10000x128xf32, #tpu.memory_space<hbm>> -> memref<1x10000x128xf32, #tpu.memory_space<hbm>>
      %dma_start3A_61 = tpu.memref_squeeze %dma_start3A_60 : memref<1x10000x128xf32, #tpu.memory_space<hbm>> -> memref<10000x128xf32, #tpu.memory_space<hbm>>
      %dma_start3A_62 = arith.constant 0 : i32
      %dma_start3A_63 = tpu.memref_slice %dma_start3A_61[%add3A_49, %dma_start3A_62] : memref<10000x128xf32, #tpu.memory_space<hbm>> -> memref<112x128xf32, #tpu.memory_space<hbm>>
      %dma_start3A_64 = arith.constant 0 : i32
      %dma_start3A_65 = arith.constant 0 : i32
      %dma_start3A_66 = tpu.memref_slice %arg5[%arg0, %dma_start3A_64, %dma_start3A_65] : memref<2x10000x128xf32, #tpu.memory_space<hbm>> -> memref<1x10000x128xf32, #tpu.memory_space<hbm>>
      %dma_start3A_67 = tpu.memref_squeeze %dma_start3A_66 : memref<1x10000x128xf32, #tpu.memory_space<hbm>> -> memref<10000x128xf32, #tpu.memory_space<hbm>>
      %dma_start3A_68 = arith.constant 0 : i32
      %dma_start3A_69 = tpu.memref_slice %dma_start3A_67[%add3A_49, %dma_start3A_68] : memref<10000x128xf32, #tpu.memory_space<hbm>> -> memref<112x128xf32, #tpu.memory_space<hbm>>
      %dma_start3A_70 = arith.constant 0 : i32
      %dma_start3A_71 = arith.constant 0 : i32
      %dma_start3A_72 = tpu.memref_slice %arg9[%dma_start3A_70, %dma_start3A_71] : memref<128x128xf32, #tpu.memory_space<vmem>> -> memref<112x128xf32, #tpu.memory_space<vmem>>
      tpu.enqueue_dma source(%dma_start3A_72 : memref<112x128xf32, #tpu.memory_space<vmem>>) target(%dma_start3A_69 : memref<112x128xf32, #tpu.memory_space<hbm>>) target_semaphore(%run_scoped3A : memref<!tpu.dma_semaphore, #tpu.memory_space<semaphore_mem>>)
      %dma_wait3A_73 = arith.constant 0 : i32
      %dma_wait3A_74 = arith.constant 0 : i32
      %dma_wait3A_75 = tpu.memref_slice %arg9[%dma_wait3A_73, %dma_wait3A_74] : memref<128x128xf32, #tpu.memory_space<vmem>> -> memref<112x128xf32, #tpu.memory_space<vmem>>
      %dma_wait3A_76 = arith.constant 0 : i32
      %dma_wait3A_77 = arith.constant 0 : i32
      %dma_wait3A_78 = tpu.memref_slice %arg5[%arg0, %dma_wait3A_76, %dma_wait3A_77] : memref<2x10000x128xf32, #tpu.memory_space<hbm>> -> memref<1x10000x128xf32, #tpu.memory_space<hbm>>
      %dma_wait3A_79 = tpu.memref_squeeze %dma_wait3A_78 : memref<1x10000x128xf32, #tpu.memory_space<hbm>> -> memref<10000x128xf32, #tpu.memory_space<hbm>>
      %dma_wait3A_80 = arith.constant 0 : i32
      %dma_wait3A_81 = tpu.memref_slice %dma_wait3A_79[%add3A_49, %dma_wait3A_80] : memref<10000x128xf32, #tpu.memory_space<hbm>> -> memref<112x128xf32, #tpu.memory_space<hbm>>
      %dma_wait3A_82 = arith.constant 0 : i32
      %dma_wait3A_83 = arith.constant 0 : i32
      %dma_wait3A_84 = tpu.memref_slice %arg5[%arg0, %dma_wait3A_82, %dma_wait3A_83] : memref<2x10000x128xf32, #tpu.memory_space<hbm>> -> memref<1x10000x128xf32, #tpu.memory_space<hbm>>
      %dma_wait3A_85 = tpu.memref_squeeze %dma_wait3A_84 : memref<1x10000x128xf32, #tpu.memory_space<hbm>> -> memref<10000x128xf32, #tpu.memory_space<hbm>>
      %dma_wait3A_86 = arith.constant 0 : i32
      %dma_wait3A_87 = tpu.memref_slice %dma_wait3A_85[%add3A_49, %dma_wait3A_86] : memref<10000x128xf32, #tpu.memory_space<hbm>> -> memref<112x128xf32, #tpu.memory_space<hbm>>
      %dma_wait3A_88 = arith.constant 0 : i32
      %dma_wait3A_89 = arith.constant 0 : i32
      %dma_wait3A_90 = tpu.memref_slice %arg9[%dma_wait3A_88, %dma_wait3A_89] : memref<128x128xf32, #tpu.memory_space<vmem>> -> memref<112x128xf32, #tpu.memory_space<vmem>>
      tpu.wait_dma2 semaphore(%run_scoped3A : memref<!tpu.dma_semaphore, #tpu.memory_space<semaphore_mem>>) src(%dma_wait3A_90 : memref<112x128xf32, #tpu.memory_space<vmem>>) dst(%dma_wait3A_87 : memref<112x128xf32, #tpu.memory_space<hbm>>)
      tpu.yield
    }) : () -> ()
    %eq3A_50 = arith.constant 15 : i32
    %eq3A_51 = arith.cmpi eq, %arg1, %eq3A_50 : i32
    %convert_element_type3A_52 = arith.extui %eq3A_51 : i1 to i32
    %cond3A_53 = arith.constant 0 : i32
    %cond3A_54 = arith.cmpi ne, %convert_element_type3A_52, %cond3A_53 : i32
    scf.if %cond3A_54 {
      "tpu.region"() ({
        %run_scoped3A = tpu.sem_alloc : memref<!tpu.dma_semaphore, #tpu.memory_space<semaphore_mem>>
        %dma_start3A_55 = arith.constant 0 : i32
        %dma_start3A_56 = arith.constant 0 : i32
        %dma_start3A_57 = tpu.memref_slice %arg9[%dma_start3A_55, %dma_start3A_56] : memref<128x128xf32, #tpu.memory_space<vmem>> -> memref<16x128xf32, #tpu.memory_space<vmem>>
        %dma_start3A_58 = arith.constant 9984 : i32
        %dma_start3A_59 = arith.constant 0 : i32
        %dma_start3A_60 = tpu.memref_slice %arg14[%dma_start3A_58, %dma_start3A_59] : memref<10000x128xf32, #tpu.memory_space<vmem_shared>> -> memref<16x128xf32, #tpu.memory_space<vmem_shared>>
        %dma_start3A_61 = arith.constant 0 : i32
        %dma_start3A_62 = arith.constant 0 : i32
        %dma_start3A_63 = tpu.memref_slice %arg9[%dma_start3A_61, %dma_start3A_62] : memref<128x128xf32, #tpu.memory_space<vmem>> -> memref<16x128xf32, #tpu.memory_space<vmem>>
        %dma_start3A_64 = arith.constant 9984 : i32
        %dma_start3A_65 = arith.constant 0 : i32
        %dma_start3A_66 = tpu.memref_slice %arg14[%dma_start3A_64, %dma_start3A_65] : memref<10000x128xf32, #tpu.memory_space<vmem_shared>> -> memref<16x128xf32, #tpu.memory_space<vmem_shared>>
        tpu.enqueue_dma source(%dma_start3A_66 : memref<16x128xf32, #tpu.memory_space<vmem_shared>>) target(%dma_start3A_63 : memref<16x128xf32, #tpu.memory_space<vmem>>) target_semaphore(%run_scoped3A : memref<!tpu.dma_semaphore, #tpu.memory_space<semaphore_mem>>)
        %dma_wait3A_67 = arith.constant 0 : i32
        %dma_wait3A_68 = arith.constant 0 : i32
        %dma_wait3A_69 = tpu.memref_slice %arg9[%dma_wait3A_67, %dma_wait3A_68] : memref<128x128xf32, #tpu.memory_space<vmem>> -> memref<16x128xf32, #tpu.memory_space<vmem>>
        %dma_wait3A_70 = arith.constant 9984 : i32
        %dma_wait3A_71 = arith.constant 0 : i32
        %dma_wait3A_72 = tpu.memref_slice %arg14[%dma_wait3A_70, %dma_wait3A_71] : memref<10000x128xf32, #tpu.memory_space<vmem_shared>> -> memref<16x128xf32, #tpu.memory_space<vmem_shared>>
        %dma_wait3A_73 = arith.constant 0 : i32
        %dma_wait3A_74 = arith.constant 0 : i32
        %dma_wait3A_75 = tpu.memref_slice %arg9[%dma_wait3A_73, %dma_wait3A_74] : memref<128x128xf32, #tpu.memory_space<vmem>> -> memref<16x128xf32, #tpu.memory_space<vmem>>
        %dma_wait3A_76 = arith.constant 9984 : i32
        %dma_wait3A_77 = arith.constant 0 : i32
        %dma_wait3A_78 = tpu.memref_slice %arg14[%dma_wait3A_76, %dma_wait3A_77] : memref<10000x128xf32, #tpu.memory_space<vmem_shared>> -> memref<16x128xf32, #tpu.memory_space<vmem_shared>>
        tpu.wait_dma2 semaphore(%run_scoped3A : memref<!tpu.dma_semaphore, #tpu.memory_space<semaphore_mem>>) src(%dma_wait3A_78 : memref<16x128xf32, #tpu.memory_space<vmem_shared>>) dst(%dma_wait3A_75 : memref<16x128xf32, #tpu.memory_space<vmem>>)
        tpu.yield
      }) : () -> ()
      "tpu.region"() ({
        %run_scoped3A = tpu.sem_alloc : memref<!tpu.dma_semaphore, #tpu.memory_space<semaphore_mem>>
        %dma_start3A_55 = arith.constant 0 : i32
        %dma_start3A_56 = arith.constant 0 : i32
        %dma_start3A_57 = tpu.memref_slice %arg9[%dma_start3A_55, %dma_start3A_56] : memref<128x128xf32, #tpu.memory_space<vmem>> -> memref<16x128xf32, #tpu.memory_space<vmem>>
        %dma_start3A_58 = arith.constant 0 : i32
        %dma_start3A_59 = arith.constant 0 : i32
        %dma_start3A_60 = tpu.memref_slice %arg5[%arg0, %dma_start3A_58, %dma_start3A_59] : memref<2x10000x128xf32, #tpu.memory_space<hbm>> -> memref<1x10000x128xf32, #tpu.memory_space<hbm>>
        %dma_start3A_61 = tpu.memref_squeeze %dma_start3A_60 : memref<1x10000x128xf32, #tpu.memory_space<hbm>> -> memref<10000x128xf32, #tpu.memory_space<hbm>>
        %dma_start3A_62 = arith.constant 9984 : i32
        %dma_start3A_63 = arith.constant 0 : i32
        %dma_start3A_64 = tpu.memref_slice %dma_start3A_61[%dma_start3A_62, %dma_start3A_63] : memref<10000x128xf32, #tpu.memory_space<hbm>> -> memref<16x128xf32, #tpu.memory_space<hbm>>
        %dma_start3A_65 = arith.constant 0 : i32
        %dma_start3A_66 = arith.constant 0 : i32
        %dma_start3A_67 = tpu.memref_slice %arg5[%arg0, %dma_start3A_65, %dma_start3A_66] : memref<2x10000x128xf32, #tpu.memory_space<hbm>> -> memref<1x10000x128xf32, #tpu.memory_space<hbm>>
        %dma_start3A_68 = tpu.memref_squeeze %dma_start3A_67 : memref<1x10000x128xf32, #tpu.memory_space<hbm>> -> memref<10000x128xf32, #tpu.memory_space<hbm>>
        %dma_start3A_69 = arith.constant 9984 : i32
        %dma_start3A_70 = arith.constant 0 : i32
        %dma_start3A_71 = tpu.memref_slice %dma_start3A_68[%dma_start3A_69, %dma_start3A_70] : memref<10000x128xf32, #tpu.memory_space<hbm>> -> memref<16x128xf32, #tpu.memory_space<hbm>>
        %dma_start3A_72 = arith.constant 0 : i32
        %dma_start3A_73 = arith.constant 0 : i32
        %dma_start3A_74 = tpu.memref_slice %arg9[%dma_start3A_72, %dma_start3A_73] : memref<128x128xf32, #tpu.memory_space<vmem>> -> memref<16x128xf32, #tpu.memory_space<vmem>>
        tpu.enqueue_dma source(%dma_start3A_74 : memref<16x128xf32, #tpu.memory_space<vmem>>) target(%dma_start3A_71 : memref<16x128xf32, #tpu.memory_space<hbm>>) target_semaphore(%run_scoped3A : memref<!tpu.dma_semaphore, #tpu.memory_space<semaphore_mem>>)
        %dma_wait3A_75 = arith.constant 0 : i32
        %dma_wait3A_76 = arith.constant 0 : i32
        %dma_wait3A_77 = tpu.memref_slice %arg9[%dma_wait3A_75, %dma_wait3A_76] : memref<128x128xf32, #tpu.memory_space<vmem>> -> memref<16x128xf32, #tpu.memory_space<vmem>>
        %dma_wait3A_78 = arith.constant 0 : i32
        %dma_wait3A_79 = arith.constant 0 : i32
        %dma_wait3A_80 = tpu.memref_slice %arg5[%arg0, %dma_wait3A_78, %dma_wait3A_79] : memref<2x10000x128xf32, #tpu.memory_space<hbm>> -> memref<1x10000x128xf32, #tpu.memory_space<hbm>>
        %dma_wait3A_81 = tpu.memref_squeeze %dma_wait3A_80 : memref<1x10000x128xf32, #tpu.memory_space<hbm>> -> memref<10000x128xf32, #tpu.memory_space<hbm>>
        %dma_wait3A_82 = arith.constant 9984 : i32
        %dma_wait3A_83 = arith.constant 0 : i32
        %dma_wait3A_84 = tpu.memref_slice %dma_wait3A_81[%dma_wait3A_82, %dma_wait3A_83] : memref<10000x128xf32, #tpu.memory_space<hbm>> -> memref<16x128xf32, #tpu.memory_space<hbm>>
        %dma_wait3A_85 = arith.constant 0 : i32
        %dma_wait3A_86 = arith.constant 0 : i32
        %dma_wait3A_87 = tpu.memref_slice %arg5[%arg0, %dma_wait3A_85, %dma_wait3A_86] : memref<2x10000x128xf32, #tpu.memory_space<hbm>> -> memref<1x10000x128xf32, #tpu.memory_space<hbm>>
        %dma_wait3A_88 = tpu.memref_squeeze %dma_wait3A_87 : memref<1x10000x128xf32, #tpu.memory_space<hbm>> -> memref<10000x128xf32, #tpu.memory_space<hbm>>
        %dma_wait3A_89 = arith.constant 9984 : i32
        %dma_wait3A_90 = arith.constant 0 : i32
        %dma_wait3A_91 = tpu.memref_slice %dma_wait3A_88[%dma_wait3A_89, %dma_wait3A_90] : memref<10000x128xf32, #tpu.memory_space<hbm>> -> memref<16x128xf32, #tpu.memory_space<hbm>>
        %dma_wait3A_92 = arith.constant 0 : i32
        %dma_wait3A_93 = arith.constant 0 : i32
        %dma_wait3A_94 = tpu.memref_slice %arg9[%dma_wait3A_92, %dma_wait3A_93] : memref<128x128xf32, #tpu.memory_space<vmem>> -> memref<16x128xf32, #tpu.memory_space<vmem>>
        tpu.wait_dma2 semaphore(%run_scoped3A : memref<!tpu.dma_semaphore, #tpu.memory_space<semaphore_mem>>) src(%dma_wait3A_94 : memref<16x128xf32, #tpu.memory_space<vmem>>) dst(%dma_wait3A_91 : memref<16x128xf32, #tpu.memory_space<hbm>>)
        tpu.yield
      }) : () -> ()
    } else {
    }
    return
  }
}

#map = affine_map<(d0, d1) -> (0, 0)>
#map1 = affine_map<(d0, d1) -> (0, 0, 0)>
module attributes {stable_mosaic.version = 14 : i64} {
  func.func @_deg_body(%arg0: i32, %arg1: i32, %arg2: memref<32x15632xi32, #tpu.memory_space<hbm>>, %arg3: memref<32x10000xi32, #tpu.memory_space<hbm>>, %arg4: memref<32x10000xi32, #tpu.memory_space<hbm>>, %arg5: memref<2x10000x128xf32, #tpu.memory_space<hbm>>, %arg6: memref<32x80x128xf32, #tpu.memory_space<hbm>>, %arg7: memref<32x80x128xf32, #tpu.memory_space<hbm>>, %arg8: memref<32x80x128xf32, #tpu.memory_space<hbm>>, %arg9: memref<15632xi32, #tpu.memory_space<vmem>>, %arg10: memref<10000xi32, #tpu.memory_space<vmem>>, %arg11: memref<80x128xf32, #tpu.memory_space<vmem>>, %arg12: memref<80x128xf32, #tpu.memory_space<vmem>>, %arg13: memref<80x128xf32, #tpu.memory_space<vmem>>) attributes {dimension_semantics = [#tpu.dimension_semantics<core_parallel>, #tpu.dimension_semantics<subcore_parallel>], iteration_bounds = array<i64: 2, 16>, scalar_prefetch = 0 : i64, scratch_operands = 5 : i64, tpu.core_type = #tpu.core_type<sc_vector_subcore>, window_params = [{transform_indices = #map}, {transform_indices = #map}, {transform_indices = #map}, {transform_indices = #map1}, {transform_indices = #map1}, {transform_indices = #map1}, {transform_indices = #map1}]} {
    %mul3A = arith.constant 16 : i32
    %mul3A_0 = arith.muli %arg0, %mul3A : i32
    %add3A = arith.addi %mul3A_0, %arg1 : i32
    %scan3A = arith.constant 0 : i32
    %scan3A_1 = arith.constant 80 : i32
    %scan3A_2 = arith.addi %scan3A, %scan3A_1 : i32
    %scan3A_3 = arith.constant 1 : i32
    scf.for %scan3A_35 = %scan3A to %scan3A_2 step %scan3A_3  : i32 {
      %mul3A_36 = arith.constant 1 : i32
      %mul3A_37 = arith.muli %scan3A_35, %mul3A_36 : i32
      %add3A_38 = arith.constant 0 : i32
      %add3A_39 = arith.addi %add3A_38, %mul3A_37 : i32
      %broadcast_in_dim3A_40 = arith.constant 0.000000e+00 : f32
      %broadcast_in_dim3A_41 = vector.broadcast %broadcast_in_dim3A_40 : f32 to vector<16xf32>
      %swap3A = arith.index_cast %add3A_39 : i32 to index
      %swap3A_42 = arith.constant 0 : index
      %swap3A_43 = tpu.vector_load %arg11[%swap3A, %swap3A_42] {strides = array<i32>} : memref<80x128xf32, #tpu.memory_space<vmem>>, vector<16xf32>,
      tpu.vector_store %arg11[%swap3A, %swap3A_42], %broadcast_in_dim3A_41 {strides = array<i32>} : memref<80x128xf32, #tpu.memory_space<vmem>>, vector<16xf32>,
      %broadcast_in_dim3A_44 = arith.constant 0.000000e+00 : f32
      %broadcast_in_dim3A_45 = vector.broadcast %broadcast_in_dim3A_44 : f32 to vector<16xf32>
      %swap3A_46 = arith.index_cast %add3A_39 : i32 to index
      %swap3A_47 = arith.constant 16 : index
      %swap3A_48 = tpu.vector_load %arg11[%swap3A_46, %swap3A_47] {strides = array<i32>} : memref<80x128xf32, #tpu.memory_space<vmem>>, vector<16xf32>,
      tpu.vector_store %arg11[%swap3A_46, %swap3A_47], %broadcast_in_dim3A_45 {strides = array<i32>} : memref<80x128xf32, #tpu.memory_space<vmem>>, vector<16xf32>,
      %broadcast_in_dim3A_49 = arith.constant 0.000000e+00 : f32
      %broadcast_in_dim3A_50 = vector.broadcast %broadcast_in_dim3A_49 : f32 to vector<16xf32>
      %swap3A_51 = arith.index_cast %add3A_39 : i32 to index
      %swap3A_52 = arith.constant 32 : index
      %swap3A_53 = tpu.vector_load %arg11[%swap3A_51, %swap3A_52] {strides = array<i32>} : memref<80x128xf32, #tpu.memory_space<vmem>>, vector<16xf32>,
      tpu.vector_store %arg11[%swap3A_51, %swap3A_52], %broadcast_in_dim3A_50 {strides = array<i32>} : memref<80x128xf32, #tpu.memory_space<vmem>>, vector<16xf32>,
      %broadcast_in_dim3A_54 = arith.constant 0.000000e+00 : f32
      %broadcast_in_dim3A_55 = vector.broadcast %broadcast_in_dim3A_54 : f32 to vector<16xf32>
      %swap3A_56 = arith.index_cast %add3A_39 : i32 to index
      %swap3A_57 = arith.constant 48 : index
      %swap3A_58 = tpu.vector_load %arg11[%swap3A_56, %swap3A_57] {strides = array<i32>} : memref<80x128xf32, #tpu.memory_space<vmem>>, vector<16xf32>,
      tpu.vector_store %arg11[%swap3A_56, %swap3A_57], %broadcast_in_dim3A_55 {strides = array<i32>} : memref<80x128xf32, #tpu.memory_space<vmem>>, vector<16xf32>,
      %broadcast_in_dim3A_59 = arith.constant 0.000000e+00 : f32
      %broadcast_in_dim3A_60 = vector.broadcast %broadcast_in_dim3A_59 : f32 to vector<16xf32>
      %swap3A_61 = arith.index_cast %add3A_39 : i32 to index
      %swap3A_62 = arith.constant 64 : index
      %swap3A_63 = tpu.vector_load %arg11[%swap3A_61, %swap3A_62] {strides = array<i32>} : memref<80x128xf32, #tpu.memory_space<vmem>>, vector<16xf32>,
      tpu.vector_store %arg11[%swap3A_61, %swap3A_62], %broadcast_in_dim3A_60 {strides = array<i32>} : memref<80x128xf32, #tpu.memory_space<vmem>>, vector<16xf32>,
      %broadcast_in_dim3A_64 = arith.constant 0.000000e+00 : f32
      %broadcast_in_dim3A_65 = vector.broadcast %broadcast_in_dim3A_64 : f32 to vector<16xf32>
      %swap3A_66 = arith.index_cast %add3A_39 : i32 to index
      %swap3A_67 = arith.constant 80 : index
      %swap3A_68 = tpu.vector_load %arg11[%swap3A_66, %swap3A_67] {strides = array<i32>} : memref<80x128xf32, #tpu.memory_space<vmem>>, vector<16xf32>,
      tpu.vector_store %arg11[%swap3A_66, %swap3A_67], %broadcast_in_dim3A_65 {strides = array<i32>} : memref<80x128xf32, #tpu.memory_space<vmem>>, vector<16xf32>,
      %broadcast_in_dim3A_69 = arith.constant 0.000000e+00 : f32
      %broadcast_in_dim3A_70 = vector.broadcast %broadcast_in_dim3A_69 : f32 to vector<16xf32>
      %swap3A_71 = arith.index_cast %add3A_39 : i32 to index
      %swap3A_72 = arith.constant 96 : index
      %swap3A_73 = tpu.vector_load %arg11[%swap3A_71, %swap3A_72] {strides = array<i32>} : memref<80x128xf32, #tpu.memory_space<vmem>>, vector<16xf32>,
      tpu.vector_store %arg11[%swap3A_71, %swap3A_72], %broadcast_in_dim3A_70 {strides = array<i32>} : memref<80x128xf32, #tpu.memory_space<vmem>>, vector<16xf32>,
      %broadcast_in_dim3A_74 = arith.constant 0.000000e+00 : f32
      %broadcast_in_dim3A_75 = vector.broadcast %broadcast_in_dim3A_74 : f32 to vector<16xf32>
      %swap3A_76 = arith.index_cast %add3A_39 : i32 to index
      %swap3A_77 = arith.constant 112 : index
      %swap3A_78 = tpu.vector_load %arg11[%swap3A_76, %swap3A_77] {strides = array<i32>} : memref<80x128xf32, #tpu.memory_space<vmem>>, vector<16xf32>,
      tpu.vector_store %arg11[%swap3A_76, %swap3A_77], %broadcast_in_dim3A_75 {strides = array<i32>} : memref<80x128xf32, #tpu.memory_space<vmem>>, vector<16xf32>,
    }
    %scan3A_4 = arith.constant 80 : i32
    %scan3A_5 = arith.constant 0 : i32
    %scan3A_6 = arith.constant 80 : i32
    %scan3A_7 = arith.addi %scan3A_5, %scan3A_6 : i32
    %scan3A_8 = arith.constant 1 : i32
    scf.for %scan3A_35 = %scan3A_5 to %scan3A_7 step %scan3A_8  : i32 {
      %mul3A_36 = arith.constant 1 : i32
      %mul3A_37 = arith.muli %scan3A_35, %mul3A_36 : i32
      %add3A_38 = arith.constant 0 : i32
      %add3A_39 = arith.addi %add3A_38, %mul3A_37 : i32
      %broadcast_in_dim3A_40 = arith.constant 0.000000e+00 : f32
      %broadcast_in_dim3A_41 = vector.broadcast %broadcast_in_dim3A_40 : f32 to vector<16xf32>
      %swap3A = arith.index_cast %add3A_39 : i32 to index
      %swap3A_42 = arith.constant 0 : index
      %swap3A_43 = tpu.vector_load %arg12[%swap3A, %swap3A_42] {strides = array<i32>} : memref<80x128xf32, #tpu.memory_space<vmem>>, vector<16xf32>,
      tpu.vector_store %arg12[%swap3A, %swap3A_42], %broadcast_in_dim3A_41 {strides = array<i32>} : memref<80x128xf32, #tpu.memory_space<vmem>>, vector<16xf32>,
      %broadcast_in_dim3A_44 = arith.constant 0.000000e+00 : f32
      %broadcast_in_dim3A_45 = vector.broadcast %broadcast_in_dim3A_44 : f32 to vector<16xf32>
      %swap3A_46 = arith.index_cast %add3A_39 : i32 to index
      %swap3A_47 = arith.constant 16 : index
      %swap3A_48 = tpu.vector_load %arg12[%swap3A_46, %swap3A_47] {strides = array<i32>} : memref<80x128xf32, #tpu.memory_space<vmem>>, vector<16xf32>,
      tpu.vector_store %arg12[%swap3A_46, %swap3A_47], %broadcast_in_dim3A_45 {strides = array<i32>} : memref<80x128xf32, #tpu.memory_space<vmem>>, vector<16xf32>,
      %broadcast_in_dim3A_49 = arith.constant 0.000000e+00 : f32
      %broadcast_in_dim3A_50 = vector.broadcast %broadcast_in_dim3A_49 : f32 to vector<16xf32>
      %swap3A_51 = arith.index_cast %add3A_39 : i32 to index
      %swap3A_52 = arith.constant 32 : index
      %swap3A_53 = tpu.vector_load %arg12[%swap3A_51, %swap3A_52] {strides = array<i32>} : memref<80x128xf32, #tpu.memory_space<vmem>>, vector<16xf32>,
      tpu.vector_store %arg12[%swap3A_51, %swap3A_52], %broadcast_in_dim3A_50 {strides = array<i32>} : memref<80x128xf32, #tpu.memory_space<vmem>>, vector<16xf32>,
      %broadcast_in_dim3A_54 = arith.constant 0.000000e+00 : f32
      %broadcast_in_dim3A_55 = vector.broadcast %broadcast_in_dim3A_54 : f32 to vector<16xf32>
      %swap3A_56 = arith.index_cast %add3A_39 : i32 to index
      %swap3A_57 = arith.constant 48 : index
      %swap3A_58 = tpu.vector_load %arg12[%swap3A_56, %swap3A_57] {strides = array<i32>} : memref<80x128xf32, #tpu.memory_space<vmem>>, vector<16xf32>,
      tpu.vector_store %arg12[%swap3A_56, %swap3A_57], %broadcast_in_dim3A_55 {strides = array<i32>} : memref<80x128xf32, #tpu.memory_space<vmem>>, vector<16xf32>,
      %broadcast_in_dim3A_59 = arith.constant 0.000000e+00 : f32
      %broadcast_in_dim3A_60 = vector.broadcast %broadcast_in_dim3A_59 : f32 to vector<16xf32>
      %swap3A_61 = arith.index_cast %add3A_39 : i32 to index
      %swap3A_62 = arith.constant 64 : index
      %swap3A_63 = tpu.vector_load %arg12[%swap3A_61, %swap3A_62] {strides = array<i32>} : memref<80x128xf32, #tpu.memory_space<vmem>>, vector<16xf32>,
      tpu.vector_store %arg12[%swap3A_61, %swap3A_62], %broadcast_in_dim3A_60 {strides = array<i32>} : memref<80x128xf32, #tpu.memory_space<vmem>>, vector<16xf32>,
      %broadcast_in_dim3A_64 = arith.constant 0.000000e+00 : f32
      %broadcast_in_dim3A_65 = vector.broadcast %broadcast_in_dim3A_64 : f32 to vector<16xf32>
      %swap3A_66 = arith.index_cast %add3A_39 : i32 to index
      %swap3A_67 = arith.constant 80 : index
      %swap3A_68 = tpu.vector_load %arg12[%swap3A_66, %swap3A_67] {strides = array<i32>} : memref<80x128xf32, #tpu.memory_space<vmem>>, vector<16xf32>,
      tpu.vector_store %arg12[%swap3A_66, %swap3A_67], %broadcast_in_dim3A_65 {strides = array<i32>} : memref<80x128xf32, #tpu.memory_space<vmem>>, vector<16xf32>,
      %broadcast_in_dim3A_69 = arith.constant 0.000000e+00 : f32
      %broadcast_in_dim3A_70 = vector.broadcast %broadcast_in_dim3A_69 : f32 to vector<16xf32>
      %swap3A_71 = arith.index_cast %add3A_39 : i32 to index
      %swap3A_72 = arith.constant 96 : index
      %swap3A_73 = tpu.vector_load %arg12[%swap3A_71, %swap3A_72] {strides = array<i32>} : memref<80x128xf32, #tpu.memory_space<vmem>>, vector<16xf32>,
      tpu.vector_store %arg12[%swap3A_71, %swap3A_72], %broadcast_in_dim3A_70 {strides = array<i32>} : memref<80x128xf32, #tpu.memory_space<vmem>>, vector<16xf32>,
      %broadcast_in_dim3A_74 = arith.constant 0.000000e+00 : f32
      %broadcast_in_dim3A_75 = vector.broadcast %broadcast_in_dim3A_74 : f32 to vector<16xf32>
      %swap3A_76 = arith.index_cast %add3A_39 : i32 to index
      %swap3A_77 = arith.constant 112 : index
      %swap3A_78 = tpu.vector_load %arg12[%swap3A_76, %swap3A_77] {strides = array<i32>} : memref<80x128xf32, #tpu.memory_space<vmem>>, vector<16xf32>,
      tpu.vector_store %arg12[%swap3A_76, %swap3A_77], %broadcast_in_dim3A_75 {strides = array<i32>} : memref<80x128xf32, #tpu.memory_space<vmem>>, vector<16xf32>,
    }
    %scan3A_9 = arith.constant 80 : i32
    %scan3A_10 = arith.constant 0 : i32
    %scan3A_11 = arith.constant 80 : i32
    %scan3A_12 = arith.addi %scan3A_10, %scan3A_11 : i32
    %scan3A_13 = arith.constant 1 : i32
    scf.for %scan3A_35 = %scan3A_10 to %scan3A_12 step %scan3A_13  : i32 {
      %mul3A_36 = arith.constant 1 : i32
      %mul3A_37 = arith.muli %scan3A_35, %mul3A_36 : i32
      %add3A_38 = arith.constant 0 : i32
      %add3A_39 = arith.addi %add3A_38, %mul3A_37 : i32
      %broadcast_in_dim3A_40 = arith.constant 0.000000e+00 : f32
      %broadcast_in_dim3A_41 = vector.broadcast %broadcast_in_dim3A_40 : f32 to vector<16xf32>
      %swap3A = arith.index_cast %add3A_39 : i32 to index
      %swap3A_42 = arith.constant 0 : index
      %swap3A_43 = tpu.vector_load %arg13[%swap3A, %swap3A_42] {strides = array<i32>} : memref<80x128xf32, #tpu.memory_space<vmem>>, vector<16xf32>,
      tpu.vector_store %arg13[%swap3A, %swap3A_42], %broadcast_in_dim3A_41 {strides = array<i32>} : memref<80x128xf32, #tpu.memory_space<vmem>>, vector<16xf32>,
      %broadcast_in_dim3A_44 = arith.constant 0.000000e+00 : f32
      %broadcast_in_dim3A_45 = vector.broadcast %broadcast_in_dim3A_44 : f32 to vector<16xf32>
      %swap3A_46 = arith.index_cast %add3A_39 : i32 to index
      %swap3A_47 = arith.constant 16 : index
      %swap3A_48 = tpu.vector_load %arg13[%swap3A_46, %swap3A_47] {strides = array<i32>} : memref<80x128xf32, #tpu.memory_space<vmem>>, vector<16xf32>,
      tpu.vector_store %arg13[%swap3A_46, %swap3A_47], %broadcast_in_dim3A_45 {strides = array<i32>} : memref<80x128xf32, #tpu.memory_space<vmem>>, vector<16xf32>,
      %broadcast_in_dim3A_49 = arith.constant 0.000000e+00 : f32
      %broadcast_in_dim3A_50 = vector.broadcast %broadcast_in_dim3A_49 : f32 to vector<16xf32>
      %swap3A_51 = arith.index_cast %add3A_39 : i32 to index
      %swap3A_52 = arith.constant 32 : index
      %swap3A_53 = tpu.vector_load %arg13[%swap3A_51, %swap3A_52] {strides = array<i32>} : memref<80x128xf32, #tpu.memory_space<vmem>>, vector<16xf32>,
      tpu.vector_store %arg13[%swap3A_51, %swap3A_52], %broadcast_in_dim3A_50 {strides = array<i32>} : memref<80x128xf32, #tpu.memory_space<vmem>>, vector<16xf32>,
      %broadcast_in_dim3A_54 = arith.constant 0.000000e+00 : f32
      %broadcast_in_dim3A_55 = vector.broadcast %broadcast_in_dim3A_54 : f32 to vector<16xf32>
      %swap3A_56 = arith.index_cast %add3A_39 : i32 to index
      %swap3A_57 = arith.constant 48 : index
      %swap3A_58 = tpu.vector_load %arg13[%swap3A_56, %swap3A_57] {strides = array<i32>} : memref<80x128xf32, #tpu.memory_space<vmem>>, vector<16xf32>,
      tpu.vector_store %arg13[%swap3A_56, %swap3A_57], %broadcast_in_dim3A_55 {strides = array<i32>} : memref<80x128xf32, #tpu.memory_space<vmem>>, vector<16xf32>,
      %broadcast_in_dim3A_59 = arith.constant 0.000000e+00 : f32
      %broadcast_in_dim3A_60 = vector.broadcast %broadcast_in_dim3A_59 : f32 to vector<16xf32>
      %swap3A_61 = arith.index_cast %add3A_39 : i32 to index
      %swap3A_62 = arith.constant 64 : index
      %swap3A_63 = tpu.vector_load %arg13[%swap3A_61, %swap3A_62] {strides = array<i32>} : memref<80x128xf32, #tpu.memory_space<vmem>>, vector<16xf32>,
      tpu.vector_store %arg13[%swap3A_61, %swap3A_62], %broadcast_in_dim3A_60 {strides = array<i32>} : memref<80x128xf32, #tpu.memory_space<vmem>>, vector<16xf32>,
      %broadcast_in_dim3A_64 = arith.constant 0.000000e+00 : f32
      %broadcast_in_dim3A_65 = vector.broadcast %broadcast_in_dim3A_64 : f32 to vector<16xf32>
      %swap3A_66 = arith.index_cast %add3A_39 : i32 to index
      %swap3A_67 = arith.constant 80 : index
      %swap3A_68 = tpu.vector_load %arg13[%swap3A_66, %swap3A_67] {strides = array<i32>} : memref<80x128xf32, #tpu.memory_space<vmem>>, vector<16xf32>,
      tpu.vector_store %arg13[%swap3A_66, %swap3A_67], %broadcast_in_dim3A_65 {strides = array<i32>} : memref<80x128xf32, #tpu.memory_space<vmem>>, vector<16xf32>,
      %broadcast_in_dim3A_69 = arith.constant 0.000000e+00 : f32
      %broadcast_in_dim3A_70 = vector.broadcast %broadcast_in_dim3A_69 : f32 to vector<16xf32>
      %swap3A_71 = arith.index_cast %add3A_39 : i32 to index
      %swap3A_72 = arith.constant 96 : index
      %swap3A_73 = tpu.vector_load %arg13[%swap3A_71, %swap3A_72] {strides = array<i32>} : memref<80x128xf32, #tpu.memory_space<vmem>>, vector<16xf32>,
      tpu.vector_store %arg13[%swap3A_71, %swap3A_72], %broadcast_in_dim3A_70 {strides = array<i32>} : memref<80x128xf32, #tpu.memory_space<vmem>>, vector<16xf32>,
      %broadcast_in_dim3A_74 = arith.constant 0.000000e+00 : f32
      %broadcast_in_dim3A_75 = vector.broadcast %broadcast_in_dim3A_74 : f32 to vector<16xf32>
      %swap3A_76 = arith.index_cast %add3A_39 : i32 to index
      %swap3A_77 = arith.constant 112 : index
      %swap3A_78 = tpu.vector_load %arg13[%swap3A_76, %swap3A_77] {strides = array<i32>} : memref<80x128xf32, #tpu.memory_space<vmem>>, vector<16xf32>,
      tpu.vector_store %arg13[%swap3A_76, %swap3A_77], %broadcast_in_dim3A_75 {strides = array<i32>} : memref<80x128xf32, #tpu.memory_space<vmem>>, vector<16xf32>,
    }
    %scan3A_14 = arith.constant 80 : i32
    "tpu.region"() ({
      %run_scoped3A = tpu.sem_alloc : memref<!tpu.dma_semaphore, #tpu.memory_space<semaphore_mem>>
      %dma_start3A = arith.constant 0 : i32
      %dma_start3A_35 = tpu.memref_slice %arg2[%add3A, %dma_start3A] : memref<32x15632xi32, #tpu.memory_space<hbm>> -> memref<1x15632xi32, #tpu.memory_space<hbm>>
      %dma_start3A_36 = tpu.memref_squeeze %dma_start3A_35 : memref<1x15632xi32, #tpu.memory_space<hbm>> -> memref<15632xi32, #tpu.memory_space<hbm>>
      %dma_start3A_37 = arith.constant 0 : i32
      %dma_start3A_38 = tpu.memref_slice %arg2[%add3A, %dma_start3A_37] : memref<32x15632xi32, #tpu.memory_space<hbm>> -> memref<1x15632xi32, #tpu.memory_space<hbm>>
      %dma_start3A_39 = tpu.memref_squeeze %dma_start3A_38 : memref<1x15632xi32, #tpu.memory_space<hbm>> -> memref<15632xi32, #tpu.memory_space<hbm>>
      tpu.enqueue_dma source(%dma_start3A_39 : memref<15632xi32, #tpu.memory_space<hbm>>) target(%arg9 : memref<15632xi32, #tpu.memory_space<vmem>>) target_semaphore(%run_scoped3A : memref<!tpu.dma_semaphore, #tpu.memory_space<semaphore_mem>>)
      %dma_wait3A = arith.constant 0 : i32
      %dma_wait3A_40 = tpu.memref_slice %arg2[%add3A, %dma_wait3A] : memref<32x15632xi32, #tpu.memory_space<hbm>> -> memref<1x15632xi32, #tpu.memory_space<hbm>>
      %dma_wait3A_41 = tpu.memref_squeeze %dma_wait3A_40 : memref<1x15632xi32, #tpu.memory_space<hbm>> -> memref<15632xi32, #tpu.memory_space<hbm>>
      %dma_wait3A_42 = arith.constant 0 : i32
      %dma_wait3A_43 = tpu.memref_slice %arg2[%add3A, %dma_wait3A_42] : memref<32x15632xi32, #tpu.memory_space<hbm>> -> memref<1x15632xi32, #tpu.memory_space<hbm>>
      %dma_wait3A_44 = tpu.memref_squeeze %dma_wait3A_43 : memref<1x15632xi32, #tpu.memory_space<hbm>> -> memref<15632xi32, #tpu.memory_space<hbm>>
      tpu.wait_dma2 semaphore(%run_scoped3A : memref<!tpu.dma_semaphore, #tpu.memory_space<semaphore_mem>>) src(%dma_wait3A_44 : memref<15632xi32, #tpu.memory_space<hbm>>) dst(%arg9 : memref<15632xi32, #tpu.memory_space<vmem>>)
      tpu.yield
    }) : () -> ()
    %broadcast_in_dim3A = arith.constant 1.000000e+00 : f32
    %broadcast_in_dim3A_15 = vector.broadcast %broadcast_in_dim3A : f32 to vector<16xf32>
    %scan3A_16 = arith.constant 0 : i32
    %scan3A_17 = arith.constant 977 : i32
    %scan3A_18 = arith.addi %scan3A_16, %scan3A_17 : i32
    %scan3A_19 = arith.constant 1 : i32
    scf.for %scan3A_35 = %scan3A_16 to %scan3A_18 step %scan3A_19  : i32 {
      %mul3A_36 = arith.constant 1 : i32
      %mul3A_37 = arith.muli %scan3A_35, %mul3A_36 : i32
      %add3A_38 = arith.constant 0 : i32
      %add3A_39 = arith.addi %add3A_38, %mul3A_37 : i32
      %mul3A_40 = arith.constant 16 : i32
      %mul3A_41 = arith.muli %add3A_39, %mul3A_40 : i32
      %get3A = arith.index_cast %mul3A_41 : i32 to index
      %get3A_42 = tpu.vector_load %arg9[%get3A] {strides = array<i32>} : memref<15632xi32, #tpu.memory_space<vmem>>, vector<16xi32>,
      %shift_right_arithmetic3A = arith.constant 7 : i32
      %shift_right_arithmetic3A_43 = vector.broadcast %shift_right_arithmetic3A : i32 to vector<16xi32>
      %shift_right_arithmetic3A_44 = arith.shrsi %get3A_42, %shift_right_arithmetic3A_43 : vector<16xi32>
      %and3A = arith.constant 127 : i32
      %and3A_45 = vector.broadcast %and3A : i32 to vector<16xi32>
      %and3A_46 = arith.andi %get3A_42, %and3A_45 : vector<16xi32>
      tpu.vector_store_idx %arg11[%shift_right_arithmetic3A_44, %and3A_46], %broadcast_in_dim3A_15 {add = true} : memref<80x128xf32, #tpu.memory_space<vmem>>[vector<16xi32>, vector<16xi32>], vector<16xf32>,
    }
    %scan3A_20 = arith.constant 977 : i32
    "tpu.region"() ({
      %run_scoped3A = tpu.sem_alloc : memref<!tpu.dma_semaphore, #tpu.memory_space<semaphore_mem>>
      %dma_start3A = arith.constant 0 : i32
      %dma_start3A_35 = tpu.memref_slice %arg3[%add3A, %dma_start3A] : memref<32x10000xi32, #tpu.memory_space<hbm>> -> memref<1x10000xi32, #tpu.memory_space<hbm>>
      %dma_start3A_36 = tpu.memref_squeeze %dma_start3A_35 : memref<1x10000xi32, #tpu.memory_space<hbm>> -> memref<10000xi32, #tpu.memory_space<hbm>>
      %dma_start3A_37 = arith.constant 0 : i32
      %dma_start3A_38 = tpu.memref_slice %arg3[%add3A, %dma_start3A_37] : memref<32x10000xi32, #tpu.memory_space<hbm>> -> memref<1x10000xi32, #tpu.memory_space<hbm>>
      %dma_start3A_39 = tpu.memref_squeeze %dma_start3A_38 : memref<1x10000xi32, #tpu.memory_space<hbm>> -> memref<10000xi32, #tpu.memory_space<hbm>>
      tpu.enqueue_dma source(%dma_start3A_39 : memref<10000xi32, #tpu.memory_space<hbm>>) target(%arg10 : memref<10000xi32, #tpu.memory_space<vmem>>) target_semaphore(%run_scoped3A : memref<!tpu.dma_semaphore, #tpu.memory_space<semaphore_mem>>)
      %dma_wait3A = arith.constant 0 : i32
      %dma_wait3A_40 = tpu.memref_slice %arg3[%add3A, %dma_wait3A] : memref<32x10000xi32, #tpu.memory_space<hbm>> -> memref<1x10000xi32, #tpu.memory_space<hbm>>
      %dma_wait3A_41 = tpu.memref_squeeze %dma_wait3A_40 : memref<1x10000xi32, #tpu.memory_space<hbm>> -> memref<10000xi32, #tpu.memory_space<hbm>>
      %dma_wait3A_42 = arith.constant 0 : i32
      %dma_wait3A_43 = tpu.memref_slice %arg3[%add3A, %dma_wait3A_42] : memref<32x10000xi32, #tpu.memory_space<hbm>> -> memref<1x10000xi32, #tpu.memory_space<hbm>>
      %dma_wait3A_44 = tpu.memref_squeeze %dma_wait3A_43 : memref<1x10000xi32, #tpu.memory_space<hbm>> -> memref<10000xi32, #tpu.memory_space<hbm>>
      tpu.wait_dma2 semaphore(%run_scoped3A : memref<!tpu.dma_semaphore, #tpu.memory_space<semaphore_mem>>) src(%dma_wait3A_44 : memref<10000xi32, #tpu.memory_space<hbm>>) dst(%arg10 : memref<10000xi32, #tpu.memory_space<vmem>>)
      tpu.yield
    }) : () -> ()
    %broadcast_in_dim3A_21 = arith.constant 1.000000e+00 : f32
    %broadcast_in_dim3A_22 = vector.broadcast %broadcast_in_dim3A_21 : f32 to vector<16xf32>
    %scan3A_23 = arith.constant 0 : i32
    %scan3A_24 = arith.constant 625 : i32
    %scan3A_25 = arith.addi %scan3A_23, %scan3A_24 : i32
    %scan3A_26 = arith.constant 1 : i32
    scf.for %scan3A_35 = %scan3A_23 to %scan3A_25 step %scan3A_26  : i32 {
      %mul3A_36 = arith.constant 1 : i32
      %mul3A_37 = arith.muli %scan3A_35, %mul3A_36 : i32
      %add3A_38 = arith.constant 0 : i32
      %add3A_39 = arith.addi %add3A_38, %mul3A_37 : i32
      %mul3A_40 = arith.constant 16 : i32
      %mul3A_41 = arith.muli %add3A_39, %mul3A_40 : i32
      %get3A = arith.index_cast %mul3A_41 : i32 to index
      %get3A_42 = tpu.vector_load %arg10[%get3A] {strides = array<i32>} : memref<10000xi32, #tpu.memory_space<vmem>>, vector<16xi32>,
      %shift_right_arithmetic3A = arith.constant 7 : i32
      %shift_right_arithmetic3A_43 = vector.broadcast %shift_right_arithmetic3A : i32 to vector<16xi32>
      %shift_right_arithmetic3A_44 = arith.shrsi %get3A_42, %shift_right_arithmetic3A_43 : vector<16xi32>
      %and3A = arith.constant 127 : i32
      %and3A_45 = vector.broadcast %and3A : i32 to vector<16xi32>
      %and3A_46 = arith.andi %get3A_42, %and3A_45 : vector<16xi32>
      tpu.vector_store_idx %arg12[%shift_right_arithmetic3A_44, %and3A_46], %broadcast_in_dim3A_22 {add = true} : memref<80x128xf32, #tpu.memory_space<vmem>>[vector<16xi32>, vector<16xi32>], vector<16xf32>,
    }
    %scan3A_27 = arith.constant 625 : i32
    "tpu.region"() ({
      %run_scoped3A = tpu.sem_alloc : memref<!tpu.dma_semaphore, #tpu.memory_space<semaphore_mem>>
      %dma_start3A = arith.constant 0 : i32
      %dma_start3A_35 = tpu.memref_slice %arg4[%add3A, %dma_start3A] : memref<32x10000xi32, #tpu.memory_space<hbm>> -> memref<1x10000xi32, #tpu.memory_space<hbm>>
      %dma_start3A_36 = tpu.memref_squeeze %dma_start3A_35 : memref<1x10000xi32, #tpu.memory_space<hbm>> -> memref<10000xi32, #tpu.memory_space<hbm>>
      %dma_start3A_37 = arith.constant 0 : i32
      %dma_start3A_38 = tpu.memref_slice %arg4[%add3A, %dma_start3A_37] : memref<32x10000xi32, #tpu.memory_space<hbm>> -> memref<1x10000xi32, #tpu.memory_space<hbm>>
      %dma_start3A_39 = tpu.memref_squeeze %dma_start3A_38 : memref<1x10000xi32, #tpu.memory_space<hbm>> -> memref<10000xi32, #tpu.memory_space<hbm>>
      tpu.enqueue_dma source(%dma_start3A_39 : memref<10000xi32, #tpu.memory_space<hbm>>) target(%arg10 : memref<10000xi32, #tpu.memory_space<vmem>>) target_semaphore(%run_scoped3A : memref<!tpu.dma_semaphore, #tpu.memory_space<semaphore_mem>>)
      %dma_wait3A = arith.constant 0 : i32
      %dma_wait3A_40 = tpu.memref_slice %arg4[%add3A, %dma_wait3A] : memref<32x10000xi32, #tpu.memory_space<hbm>> -> memref<1x10000xi32, #tpu.memory_space<hbm>>
      %dma_wait3A_41 = tpu.memref_squeeze %dma_wait3A_40 : memref<1x10000xi32, #tpu.memory_space<hbm>> -> memref<10000xi32, #tpu.memory_space<hbm>>
      %dma_wait3A_42 = arith.constant 0 : i32
      %dma_wait3A_43 = tpu.memref_slice %arg4[%add3A, %dma_wait3A_42] : memref<32x10000xi32, #tpu.memory_space<hbm>> -> memref<1x10000xi32, #tpu.memory_space<hbm>>
      %dma_wait3A_44 = tpu.memref_squeeze %dma_wait3A_43 : memref<1x10000xi32, #tpu.memory_space<hbm>> -> memref<10000xi32, #tpu.memory_space<hbm>>
      tpu.wait_dma2 semaphore(%run_scoped3A : memref<!tpu.dma_semaphore, #tpu.memory_space<semaphore_mem>>) src(%dma_wait3A_44 : memref<10000xi32, #tpu.memory_space<hbm>>) dst(%arg10 : memref<10000xi32, #tpu.memory_space<vmem>>)
      tpu.yield
    }) : () -> ()
    %broadcast_in_dim3A_28 = arith.constant 1.000000e+00 : f32
    %broadcast_in_dim3A_29 = vector.broadcast %broadcast_in_dim3A_28 : f32 to vector<16xf32>
    %scan3A_30 = arith.constant 0 : i32
    %scan3A_31 = arith.constant 625 : i32
    %scan3A_32 = arith.addi %scan3A_30, %scan3A_31 : i32
    %scan3A_33 = arith.constant 1 : i32
    scf.for %scan3A_35 = %scan3A_30 to %scan3A_32 step %scan3A_33  : i32 {
      %mul3A_36 = arith.constant 1 : i32
      %mul3A_37 = arith.muli %scan3A_35, %mul3A_36 : i32
      %add3A_38 = arith.constant 0 : i32
      %add3A_39 = arith.addi %add3A_38, %mul3A_37 : i32
      %mul3A_40 = arith.constant 16 : i32
      %mul3A_41 = arith.muli %add3A_39, %mul3A_40 : i32
      %get3A = arith.index_cast %mul3A_41 : i32 to index
      %get3A_42 = tpu.vector_load %arg10[%get3A] {strides = array<i32>} : memref<10000xi32, #tpu.memory_space<vmem>>, vector<16xi32>,
      %shift_right_arithmetic3A = arith.constant 7 : i32
      %shift_right_arithmetic3A_43 = vector.broadcast %shift_right_arithmetic3A : i32 to vector<16xi32>
      %shift_right_arithmetic3A_44 = arith.shrsi %get3A_42, %shift_right_arithmetic3A_43 : vector<16xi32>
      %and3A = arith.constant 127 : i32
      %and3A_45 = vector.broadcast %and3A : i32 to vector<16xi32>
      %and3A_46 = arith.andi %get3A_42, %and3A_45 : vector<16xi32>
      tpu.vector_store_idx %arg13[%shift_right_arithmetic3A_44, %and3A_46], %broadcast_in_dim3A_29 {add = true} : memref<80x128xf32, #tpu.memory_space<vmem>>[vector<16xi32>, vector<16xi32>], vector<16xf32>,
    }
    %scan3A_34 = arith.constant 625 : i32
    "tpu.region"() ({
      %run_scoped3A = tpu.sem_alloc : memref<!tpu.dma_semaphore, #tpu.memory_space<semaphore_mem>>
      %dma_start3A = arith.constant 0 : i32
      %dma_start3A_35 = arith.constant 0 : i32
      %dma_start3A_36 = tpu.memref_slice %arg6[%add3A, %dma_start3A, %dma_start3A_35] : memref<32x80x128xf32, #tpu.memory_space<hbm>> -> memref<1x80x128xf32, #tpu.memory_space<hbm>>
      %dma_start3A_37 = tpu.memref_squeeze %dma_start3A_36 : memref<1x80x128xf32, #tpu.memory_space<hbm>> -> memref<80x128xf32, #tpu.memory_space<hbm>>
      %dma_start3A_38 = arith.constant 0 : i32
      %dma_start3A_39 = arith.constant 0 : i32
      %dma_start3A_40 = tpu.memref_slice %arg6[%add3A, %dma_start3A_38, %dma_start3A_39] : memref<32x80x128xf32, #tpu.memory_space<hbm>> -> memref<1x80x128xf32, #tpu.memory_space<hbm>>
      %dma_start3A_41 = tpu.memref_squeeze %dma_start3A_40 : memref<1x80x128xf32, #tpu.memory_space<hbm>> -> memref<80x128xf32, #tpu.memory_space<hbm>>
      tpu.enqueue_dma source(%arg11 : memref<80x128xf32, #tpu.memory_space<vmem>>) target(%dma_start3A_41 : memref<80x128xf32, #tpu.memory_space<hbm>>) target_semaphore(%run_scoped3A : memref<!tpu.dma_semaphore, #tpu.memory_space<semaphore_mem>>)
      %dma_wait3A = arith.constant 0 : i32
      %dma_wait3A_42 = arith.constant 0 : i32
      %dma_wait3A_43 = tpu.memref_slice %arg6[%add3A, %dma_wait3A, %dma_wait3A_42] : memref<32x80x128xf32, #tpu.memory_space<hbm>> -> memref<1x80x128xf32, #tpu.memory_space<hbm>>
      %dma_wait3A_44 = tpu.memref_squeeze %dma_wait3A_43 : memref<1x80x128xf32, #tpu.memory_space<hbm>> -> memref<80x128xf32, #tpu.memory_space<hbm>>
      %dma_wait3A_45 = arith.constant 0 : i32
      %dma_wait3A_46 = arith.constant 0 : i32
      %dma_wait3A_47 = tpu.memref_slice %arg6[%add3A, %dma_wait3A_45, %dma_wait3A_46] : memref<32x80x128xf32, #tpu.memory_space<hbm>> -> memref<1x80x128xf32, #tpu.memory_space<hbm>>
      %dma_wait3A_48 = tpu.memref_squeeze %dma_wait3A_47 : memref<1x80x128xf32, #tpu.memory_space<hbm>> -> memref<80x128xf32, #tpu.memory_space<hbm>>
      tpu.wait_dma2 semaphore(%run_scoped3A : memref<!tpu.dma_semaphore, #tpu.memory_space<semaphore_mem>>) src(%arg11 : memref<80x128xf32, #tpu.memory_space<vmem>>) dst(%dma_wait3A_48 : memref<80x128xf32, #tpu.memory_space<hbm>>)
      tpu.yield
    }) : () -> ()
    "tpu.region"() ({
      %run_scoped3A = tpu.sem_alloc : memref<!tpu.dma_semaphore, #tpu.memory_space<semaphore_mem>>
      %dma_start3A = arith.constant 0 : i32
      %dma_start3A_35 = arith.constant 0 : i32
      %dma_start3A_36 = tpu.memref_slice %arg7[%add3A, %dma_start3A, %dma_start3A_35] : memref<32x80x128xf32, #tpu.memory_space<hbm>> -> memref<1x80x128xf32, #tpu.memory_space<hbm>>
      %dma_start3A_37 = tpu.memref_squeeze %dma_start3A_36 : memref<1x80x128xf32, #tpu.memory_space<hbm>> -> memref<80x128xf32, #tpu.memory_space<hbm>>
      %dma_start3A_38 = arith.constant 0 : i32
      %dma_start3A_39 = arith.constant 0 : i32
      %dma_start3A_40 = tpu.memref_slice %arg7[%add3A, %dma_start3A_38, %dma_start3A_39] : memref<32x80x128xf32, #tpu.memory_space<hbm>> -> memref<1x80x128xf32, #tpu.memory_space<hbm>>
      %dma_start3A_41 = tpu.memref_squeeze %dma_start3A_40 : memref<1x80x128xf32, #tpu.memory_space<hbm>> -> memref<80x128xf32, #tpu.memory_space<hbm>>
      tpu.enqueue_dma source(%arg12 : memref<80x128xf32, #tpu.memory_space<vmem>>) target(%dma_start3A_41 : memref<80x128xf32, #tpu.memory_space<hbm>>) target_semaphore(%run_scoped3A : memref<!tpu.dma_semaphore, #tpu.memory_space<semaphore_mem>>)
      %dma_wait3A = arith.constant 0 : i32
      %dma_wait3A_42 = arith.constant 0 : i32
      %dma_wait3A_43 = tpu.memref_slice %arg7[%add3A, %dma_wait3A, %dma_wait3A_42] : memref<32x80x128xf32, #tpu.memory_space<hbm>> -> memref<1x80x128xf32, #tpu.memory_space<hbm>>
      %dma_wait3A_44 = tpu.memref_squeeze %dma_wait3A_43 : memref<1x80x128xf32, #tpu.memory_space<hbm>> -> memref<80x128xf32, #tpu.memory_space<hbm>>
      %dma_wait3A_45 = arith.constant 0 : i32
      %dma_wait3A_46 = arith.constant 0 : i32
      %dma_wait3A_47 = tpu.memref_slice %arg7[%add3A, %dma_wait3A_45, %dma_wait3A_46] : memref<32x80x128xf32, #tpu.memory_space<hbm>> -> memref<1x80x128xf32, #tpu.memory_space<hbm>>
      %dma_wait3A_48 = tpu.memref_squeeze %dma_wait3A_47 : memref<1x80x128xf32, #tpu.memory_space<hbm>> -> memref<80x128xf32, #tpu.memory_space<hbm>>
      tpu.wait_dma2 semaphore(%run_scoped3A : memref<!tpu.dma_semaphore, #tpu.memory_space<semaphore_mem>>) src(%arg12 : memref<80x128xf32, #tpu.memory_space<vmem>>) dst(%dma_wait3A_48 : memref<80x128xf32, #tpu.memory_space<hbm>>)
      tpu.yield
    }) : () -> ()
    "tpu.region"() ({
      %run_scoped3A = tpu.sem_alloc : memref<!tpu.dma_semaphore, #tpu.memory_space<semaphore_mem>>
      %dma_start3A = arith.constant 0 : i32
      %dma_start3A_35 = arith.constant 0 : i32
      %dma_start3A_36 = tpu.memref_slice %arg8[%add3A, %dma_start3A, %dma_start3A_35] : memref<32x80x128xf32, #tpu.memory_space<hbm>> -> memref<1x80x128xf32, #tpu.memory_space<hbm>>
      %dma_start3A_37 = tpu.memref_squeeze %dma_start3A_36 : memref<1x80x128xf32, #tpu.memory_space<hbm>> -> memref<80x128xf32, #tpu.memory_space<hbm>>
      %dma_start3A_38 = arith.constant 0 : i32
      %dma_start3A_39 = arith.constant 0 : i32
      %dma_start3A_40 = tpu.memref_slice %arg8[%add3A, %dma_start3A_38, %dma_start3A_39] : memref<32x80x128xf32, #tpu.memory_space<hbm>> -> memref<1x80x128xf32, #tpu.memory_space<hbm>>
      %dma_start3A_41 = tpu.memref_squeeze %dma_start3A_40 : memref<1x80x128xf32, #tpu.memory_space<hbm>> -> memref<80x128xf32, #tpu.memory_space<hbm>>
      tpu.enqueue_dma source(%arg13 : memref<80x128xf32, #tpu.memory_space<vmem>>) target(%dma_start3A_41 : memref<80x128xf32, #tpu.memory_space<hbm>>) target_semaphore(%run_scoped3A : memref<!tpu.dma_semaphore, #tpu.memory_space<semaphore_mem>>)
      %dma_wait3A = arith.constant 0 : i32
      %dma_wait3A_42 = arith.constant 0 : i32
      %dma_wait3A_43 = tpu.memref_slice %arg8[%add3A, %dma_wait3A, %dma_wait3A_42] : memref<32x80x128xf32, #tpu.memory_space<hbm>> -> memref<1x80x128xf32, #tpu.memory_space<hbm>>
      %dma_wait3A_44 = tpu.memref_squeeze %dma_wait3A_43 : memref<1x80x128xf32, #tpu.memory_space<hbm>> -> memref<80x128xf32, #tpu.memory_space<hbm>>
      %dma_wait3A_45 = arith.constant 0 : i32
      %dma_wait3A_46 = arith.constant 0 : i32
      %dma_wait3A_47 = tpu.memref_slice %arg8[%add3A, %dma_wait3A_45, %dma_wait3A_46] : memref<32x80x128xf32, #tpu.memory_space<hbm>> -> memref<1x80x128xf32, #tpu.memory_space<hbm>>
      %dma_wait3A_48 = tpu.memref_squeeze %dma_wait3A_47 : memref<1x80x128xf32, #tpu.memory_space<hbm>> -> memref<80x128xf32, #tpu.memory_space<hbm>>
      tpu.wait_dma2 semaphore(%run_scoped3A : memref<!tpu.dma_semaphore, #tpu.memory_space<semaphore_mem>>) src(%arg13 : memref<80x128xf32, #tpu.memory_space<vmem>>) dst(%dma_wait3A_48 : memref<80x128xf32, #tpu.memory_space<hbm>>)
      tpu.yield
    }) : () -> ()
    return
  }
}

#map = affine_map<(d0, d1) -> (0, 0)>
#map1 = affine_map<(d0, d1) -> (0, 0, 0)>
module attributes {stable_mosaic.version = 14 : i64} {
  func.func @_edge_body(%arg0: i32, %arg1: i32, %arg2: memref<10000x128xf32, #tpu.memory_space<hbm>>, %arg3: memref<2528x1x128xi32, #tpu.memory_space<hbm>>, %arg4: memref<2528x1x128xi32, #tpu.memory_space<hbm>>, %arg5: memref<2528x128x16xf32, #tpu.memory_space<hbm>>, %arg6: memref<2x10112x128xf32, #tpu.memory_space<hbm>>, %arg7: memref<1x128xi32, #tpu.memory_space<vmem>>, %arg8: memref<1x128xi32, #tpu.memory_space<vmem>>, %arg9: memref<128x16xf32, #tpu.memory_space<vmem>>, %arg10: memref<128x128xf32, #tpu.memory_space<vmem>>, %arg11: memref<10112x128xf32, #tpu.memory_space<vmem_shared>>) attributes {dimension_semantics = [#tpu.dimension_semantics<core_parallel>, #tpu.dimension_semantics<subcore_parallel>], iteration_bounds = array<i64: 2, 16>, scalar_prefetch = 0 : i64, scratch_operands = 5 : i64, tpu.core_type = #tpu.core_type<sc_vector_subcore>, window_params = [{transform_indices = #map}, {transform_indices = #map1}, {transform_indices = #map1}, {transform_indices = #map1}, {transform_indices = #map1}]} {
    %mul3A = arith.constant 16 : i32
    %mul3A_0 = arith.muli %arg0, %mul3A : i32
    %add3A = arith.addi %mul3A_0, %arg1 : i32
    %scan3A = arith.constant 0 : i32
    %scan3A_1 = arith.constant 128 : i32
    %scan3A_2 = arith.addi %scan3A, %scan3A_1 : i32
    %scan3A_3 = arith.constant 1 : i32
    scf.for %scan3A_29 = %scan3A to %scan3A_2 step %scan3A_3  : i32 {
      %mul3A_30 = arith.constant 1 : i32
      %mul3A_31 = arith.muli %scan3A_29, %mul3A_30 : i32
      %add3A_32 = arith.constant 0 : i32
      %add3A_33 = arith.addi %add3A_32, %mul3A_31 : i32
      %broadcast_in_dim3A = arith.constant 0.000000e+00 : f32
      %broadcast_in_dim3A_34 = vector.broadcast %broadcast_in_dim3A : f32 to vector<16xf32>
      %swap3A = arith.index_cast %add3A_33 : i32 to index
      %swap3A_35 = arith.constant 0 : index
      %swap3A_36 = tpu.vector_load %arg10[%swap3A, %swap3A_35] {strides = array<i32>} : memref<128x128xf32, #tpu.memory_space<vmem>>, vector<1x16xf32>,
      %swap3A_37 = vector.shape_cast %swap3A_36 : vector<1x16xf32> to vector<16xf32>
      %swap3A_38 = vector.shape_cast %broadcast_in_dim3A_34 : vector<16xf32> to vector<1x16xf32>
      tpu.vector_store %arg10[%swap3A, %swap3A_35], %swap3A_38 {strides = array<i32>} : memref<128x128xf32, #tpu.memory_space<vmem>>, vector<1x16xf32>,
      %broadcast_in_dim3A_39 = arith.constant 0.000000e+00 : f32
      %broadcast_in_dim3A_40 = vector.broadcast %broadcast_in_dim3A_39 : f32 to vector<16xf32>
      %swap3A_41 = arith.index_cast %add3A_33 : i32 to index
      %swap3A_42 = arith.constant 16 : index
      %swap3A_43 = tpu.vector_load %arg10[%swap3A_41, %swap3A_42] {strides = array<i32>} : memref<128x128xf32, #tpu.memory_space<vmem>>, vector<1x16xf32>,
      %swap3A_44 = vector.shape_cast %swap3A_43 : vector<1x16xf32> to vector<16xf32>
      %swap3A_45 = vector.shape_cast %broadcast_in_dim3A_40 : vector<16xf32> to vector<1x16xf32>
      tpu.vector_store %arg10[%swap3A_41, %swap3A_42], %swap3A_45 {strides = array<i32>} : memref<128x128xf32, #tpu.memory_space<vmem>>, vector<1x16xf32>,
      %broadcast_in_dim3A_46 = arith.constant 0.000000e+00 : f32
      %broadcast_in_dim3A_47 = vector.broadcast %broadcast_in_dim3A_46 : f32 to vector<16xf32>
      %swap3A_48 = arith.index_cast %add3A_33 : i32 to index
      %swap3A_49 = arith.constant 32 : index
      %swap3A_50 = tpu.vector_load %arg10[%swap3A_48, %swap3A_49] {strides = array<i32>} : memref<128x128xf32, #tpu.memory_space<vmem>>, vector<1x16xf32>,
      %swap3A_51 = vector.shape_cast %swap3A_50 : vector<1x16xf32> to vector<16xf32>
      %swap3A_52 = vector.shape_cast %broadcast_in_dim3A_47 : vector<16xf32> to vector<1x16xf32>
      tpu.vector_store %arg10[%swap3A_48, %swap3A_49], %swap3A_52 {strides = array<i32>} : memref<128x128xf32, #tpu.memory_space<vmem>>, vector<1x16xf32>,
      %broadcast_in_dim3A_53 = arith.constant 0.000000e+00 : f32
      %broadcast_in_dim3A_54 = vector.broadcast %broadcast_in_dim3A_53 : f32 to vector<16xf32>
      %swap3A_55 = arith.index_cast %add3A_33 : i32 to index
      %swap3A_56 = arith.constant 48 : index
      %swap3A_57 = tpu.vector_load %arg10[%swap3A_55, %swap3A_56] {strides = array<i32>} : memref<128x128xf32, #tpu.memory_space<vmem>>, vector<1x16xf32>,
      %swap3A_58 = vector.shape_cast %swap3A_57 : vector<1x16xf32> to vector<16xf32>
      %swap3A_59 = vector.shape_cast %broadcast_in_dim3A_54 : vector<16xf32> to vector<1x16xf32>
      tpu.vector_store %arg10[%swap3A_55, %swap3A_56], %swap3A_59 {strides = array<i32>} : memref<128x128xf32, #tpu.memory_space<vmem>>, vector<1x16xf32>,
      %broadcast_in_dim3A_60 = arith.constant 0.000000e+00 : f32
      %broadcast_in_dim3A_61 = vector.broadcast %broadcast_in_dim3A_60 : f32 to vector<16xf32>
      %swap3A_62 = arith.index_cast %add3A_33 : i32 to index
      %swap3A_63 = arith.constant 64 : index
      %swap3A_64 = tpu.vector_load %arg10[%swap3A_62, %swap3A_63] {strides = array<i32>} : memref<128x128xf32, #tpu.memory_space<vmem>>, vector<1x16xf32>,
      %swap3A_65 = vector.shape_cast %swap3A_64 : vector<1x16xf32> to vector<16xf32>
      %swap3A_66 = vector.shape_cast %broadcast_in_dim3A_61 : vector<16xf32> to vector<1x16xf32>
      tpu.vector_store %arg10[%swap3A_62, %swap3A_63], %swap3A_66 {strides = array<i32>} : memref<128x128xf32, #tpu.memory_space<vmem>>, vector<1x16xf32>,
      %broadcast_in_dim3A_67 = arith.constant 0.000000e+00 : f32
      %broadcast_in_dim3A_68 = vector.broadcast %broadcast_in_dim3A_67 : f32 to vector<16xf32>
      %swap3A_69 = arith.index_cast %add3A_33 : i32 to index
      %swap3A_70 = arith.constant 80 : index
      %swap3A_71 = tpu.vector_load %arg10[%swap3A_69, %swap3A_70] {strides = array<i32>} : memref<128x128xf32, #tpu.memory_space<vmem>>, vector<1x16xf32>,
      %swap3A_72 = vector.shape_cast %swap3A_71 : vector<1x16xf32> to vector<16xf32>
      %swap3A_73 = vector.shape_cast %broadcast_in_dim3A_68 : vector<16xf32> to vector<1x16xf32>
      tpu.vector_store %arg10[%swap3A_69, %swap3A_70], %swap3A_73 {strides = array<i32>} : memref<128x128xf32, #tpu.memory_space<vmem>>, vector<1x16xf32>,
      %broadcast_in_dim3A_74 = arith.constant 0.000000e+00 : f32
      %broadcast_in_dim3A_75 = vector.broadcast %broadcast_in_dim3A_74 : f32 to vector<16xf32>
      %swap3A_76 = arith.index_cast %add3A_33 : i32 to index
      %swap3A_77 = arith.constant 96 : index
      %swap3A_78 = tpu.vector_load %arg10[%swap3A_76, %swap3A_77] {strides = array<i32>} : memref<128x128xf32, #tpu.memory_space<vmem>>, vector<1x16xf32>,
      %swap3A_79 = vector.shape_cast %swap3A_78 : vector<1x16xf32> to vector<16xf32>
      %swap3A_80 = vector.shape_cast %broadcast_in_dim3A_75 : vector<16xf32> to vector<1x16xf32>
      tpu.vector_store %arg10[%swap3A_76, %swap3A_77], %swap3A_80 {strides = array<i32>} : memref<128x128xf32, #tpu.memory_space<vmem>>, vector<1x16xf32>,
      %broadcast_in_dim3A_81 = arith.constant 0.000000e+00 : f32
      %broadcast_in_dim3A_82 = vector.broadcast %broadcast_in_dim3A_81 : f32 to vector<16xf32>
      %swap3A_83 = arith.index_cast %add3A_33 : i32 to index
      %swap3A_84 = arith.constant 112 : index
      %swap3A_85 = tpu.vector_load %arg10[%swap3A_83, %swap3A_84] {strides = array<i32>} : memref<128x128xf32, #tpu.memory_space<vmem>>, vector<1x16xf32>,
      %swap3A_86 = vector.shape_cast %swap3A_85 : vector<1x16xf32> to vector<16xf32>
      %swap3A_87 = vector.shape_cast %broadcast_in_dim3A_82 : vector<16xf32> to vector<1x16xf32>
      tpu.vector_store %arg10[%swap3A_83, %swap3A_84], %swap3A_87 {strides = array<i32>} : memref<128x128xf32, #tpu.memory_space<vmem>>, vector<1x16xf32>,
    }
    %scan3A_4 = arith.constant 128 : i32
    %scan3A_5 = arith.constant 0 : i32
    %scan3A_6 = arith.constant 4 : i32
    %scan3A_7 = arith.addi %scan3A_5, %scan3A_6 : i32
    %scan3A_8 = arith.constant 1 : i32
    scf.for %scan3A_29 = %scan3A_5 to %scan3A_7 step %scan3A_8  : i32 {
      %mul3A_30 = arith.constant 1 : i32
      %mul3A_31 = arith.muli %scan3A_29, %mul3A_30 : i32
      %add3A_32 = arith.constant 0 : i32
      %add3A_33 = arith.addi %add3A_32, %mul3A_31 : i32
      %mul3A_34 = arith.constant 632 : i32
      %mul3A_35 = arith.muli %arg1, %mul3A_34 : i32
      %mul3A_36 = arith.constant 128 : i32
      %mul3A_37 = arith.muli %add3A_33, %mul3A_36 : i32
      %add3A_38 = arith.addi %mul3A_35, %mul3A_37 : i32
      "tpu.region"() ({
        %run_scoped3A = tpu.sem_alloc : memref<!tpu.dma_semaphore, #tpu.memory_space<semaphore_mem>>
        %dma_start3A = arith.constant 0 : i32
        %dma_start3A_39 = tpu.memref_slice %arg11[%add3A_38, %dma_start3A] : memref<10112x128xf32, #tpu.memory_space<vmem_shared>> -> memref<128x128xf32, #tpu.memory_space<vmem_shared>>
        %dma_start3A_40 = arith.constant 0 : i32
        %dma_start3A_41 = tpu.memref_slice %arg11[%add3A_38, %dma_start3A_40] : memref<10112x128xf32, #tpu.memory_space<vmem_shared>> -> memref<128x128xf32, #tpu.memory_space<vmem_shared>>
        tpu.enqueue_dma source(%arg10 : memref<128x128xf32, #tpu.memory_space<vmem>>) target(%dma_start3A_41 : memref<128x128xf32, #tpu.memory_space<vmem_shared>>) target_semaphore(%run_scoped3A : memref<!tpu.dma_semaphore, #tpu.memory_space<semaphore_mem>>)
        %dma_wait3A = arith.constant 0 : i32
        %dma_wait3A_42 = tpu.memref_slice %arg11[%add3A_38, %dma_wait3A] : memref<10112x128xf32, #tpu.memory_space<vmem_shared>> -> memref<128x128xf32, #tpu.memory_space<vmem_shared>>
        %dma_wait3A_43 = arith.constant 0 : i32
        %dma_wait3A_44 = tpu.memref_slice %arg11[%add3A_38, %dma_wait3A_43] : memref<10112x128xf32, #tpu.memory_space<vmem_shared>> -> memref<128x128xf32, #tpu.memory_space<vmem_shared>>
        tpu.wait_dma2 semaphore(%run_scoped3A : memref<!tpu.dma_semaphore, #tpu.memory_space<semaphore_mem>>) src(%arg10 : memref<128x128xf32, #tpu.memory_space<vmem>>) dst(%dma_wait3A_44 : memref<128x128xf32, #tpu.memory_space<vmem_shared>>)
        tpu.yield
      }) : () -> ()
    }
    %scan3A_9 = arith.constant 4 : i32
    %mul3A_10 = arith.constant 632 : i32
    %mul3A_11 = arith.muli %arg1, %mul3A_10 : i32
    %add3A_12 = arith.constant 512 : i32
    %add3A_13 = arith.addi %mul3A_11, %add3A_12 : i32
    "tpu.region"() ({
      %run_scoped3A = tpu.sem_alloc : memref<!tpu.dma_semaphore, #tpu.memory_space<semaphore_mem>>
      %dma_start3A = arith.constant 0 : i32
      %dma_start3A_29 = arith.constant 0 : i32
      %dma_start3A_30 = tpu.memref_slice %arg10[%dma_start3A, %dma_start3A_29] : memref<128x128xf32, #tpu.memory_space<vmem>> -> memref<120x128xf32, #tpu.memory_space<vmem>>
      %dma_start3A_31 = arith.constant 0 : i32
      %dma_start3A_32 = tpu.memref_slice %arg11[%add3A_13, %dma_start3A_31] : memref<10112x128xf32, #tpu.memory_space<vmem_shared>> -> memref<120x128xf32, #tpu.memory_space<vmem_shared>>
      %dma_start3A_33 = arith.constant 0 : i32
      %dma_start3A_34 = tpu.memref_slice %arg11[%add3A_13, %dma_start3A_33] : memref<10112x128xf32, #tpu.memory_space<vmem_shared>> -> memref<120x128xf32, #tpu.memory_space<vmem_shared>>
      %dma_start3A_35 = arith.constant 0 : i32
      %dma_start3A_36 = arith.constant 0 : i32
      %dma_start3A_37 = tpu.memref_slice %arg10[%dma_start3A_35, %dma_start3A_36] : memref<128x128xf32, #tpu.memory_space<vmem>> -> memref<120x128xf32, #tpu.memory_space<vmem>>
      tpu.enqueue_dma source(%dma_start3A_37 : memref<120x128xf32, #tpu.memory_space<vmem>>) target(%dma_start3A_34 : memref<120x128xf32, #tpu.memory_space<vmem_shared>>) target_semaphore(%run_scoped3A : memref<!tpu.dma_semaphore, #tpu.memory_space<semaphore_mem>>)
      %dma_wait3A = arith.constant 0 : i32
      %dma_wait3A_38 = arith.constant 0 : i32
      %dma_wait3A_39 = tpu.memref_slice %arg10[%dma_wait3A, %dma_wait3A_38] : memref<128x128xf32, #tpu.memory_space<vmem>> -> memref<120x128xf32, #tpu.memory_space<vmem>>
      %dma_wait3A_40 = arith.constant 0 : i32
      %dma_wait3A_41 = tpu.memref_slice %arg11[%add3A_13, %dma_wait3A_40] : memref<10112x128xf32, #tpu.memory_space<vmem_shared>> -> memref<120x128xf32, #tpu.memory_space<vmem_shared>>
      %dma_wait3A_42 = arith.constant 0 : i32
      %dma_wait3A_43 = tpu.memref_slice %arg11[%add3A_13, %dma_wait3A_42] : memref<10112x128xf32, #tpu.memory_space<vmem_shared>> -> memref<120x128xf32, #tpu.memory_space<vmem_shared>>
      %dma_wait3A_44 = arith.constant 0 : i32
      %dma_wait3A_45 = arith.constant 0 : i32
      %dma_wait3A_46 = tpu.memref_slice %arg10[%dma_wait3A_44, %dma_wait3A_45] : memref<128x128xf32, #tpu.memory_space<vmem>> -> memref<120x128xf32, #tpu.memory_space<vmem>>
      tpu.wait_dma2 semaphore(%run_scoped3A : memref<!tpu.dma_semaphore, #tpu.memory_space<semaphore_mem>>) src(%dma_wait3A_46 : memref<120x128xf32, #tpu.memory_space<vmem>>) dst(%dma_wait3A_43 : memref<120x128xf32, #tpu.memory_space<vmem_shared>>)
      tpu.yield
    }) : () -> ()
    %barrier3A = arith.constant 0 : index
    tpu.barrier barrier_id(%barrier3A)
    %scan3A_14 = arith.constant 0 : i32
    %scan3A_15 = arith.constant 79 : i32
    %scan3A_16 = arith.addi %scan3A_14, %scan3A_15 : i32
    %scan3A_17 = arith.constant 1 : i32
    scf.for %scan3A_29 = %scan3A_14 to %scan3A_16 step %scan3A_17  : i32 {
      %mul3A_30 = arith.constant 1 : i32
      %mul3A_31 = arith.muli %scan3A_29, %mul3A_30 : i32
      %add3A_32 = arith.constant 0 : i32
      %add3A_33 = arith.addi %add3A_32, %mul3A_31 : i32
      %mul3A_34 = arith.constant 79 : i32
      %mul3A_35 = arith.muli %add3A, %mul3A_34 : i32
      %add3A_36 = arith.addi %mul3A_35, %add3A_33 : i32
      "tpu.region"() ({
        %run_scoped3A_43 = tpu.sem_alloc : memref<!tpu.dma_semaphore, #tpu.memory_space<semaphore_mem>>
        %dma_start3A = arith.constant 0 : i32
        %dma_start3A_44 = arith.constant 0 : i32
        %dma_start3A_45 = tpu.memref_slice %arg3[%add3A_36, %dma_start3A, %dma_start3A_44] : memref<2528x1x128xi32, #tpu.memory_space<hbm>> -> memref<1x1x128xi32, #tpu.memory_space<hbm>>
        %dma_start3A_46 = tpu.memref_squeeze %dma_start3A_45 : memref<1x1x128xi32, #tpu.memory_space<hbm>> -> memref<1x128xi32, #tpu.memory_space<hbm>>
        %dma_start3A_47 = arith.constant 0 : i32
        %dma_start3A_48 = arith.constant 0 : i32
        %dma_start3A_49 = tpu.memref_slice %arg3[%add3A_36, %dma_start3A_47, %dma_start3A_48] : memref<2528x1x128xi32, #tpu.memory_space<hbm>> -> memref<1x1x128xi32, #tpu.memory_space<hbm>>
        %dma_start3A_50 = tpu.memref_squeeze %dma_start3A_49 : memref<1x1x128xi32, #tpu.memory_space<hbm>> -> memref<1x128xi32, #tpu.memory_space<hbm>>
        tpu.enqueue_dma source(%dma_start3A_50 : memref<1x128xi32, #tpu.memory_space<hbm>>) target(%arg7 : memref<1x128xi32, #tpu.memory_space<vmem>>) target_semaphore(%run_scoped3A_43 : memref<!tpu.dma_semaphore, #tpu.memory_space<semaphore_mem>>)
        %dma_wait3A = arith.constant 0 : i32
        %dma_wait3A_51 = arith.constant 0 : i32
        %dma_wait3A_52 = tpu.memref_slice %arg3[%add3A_36, %dma_wait3A, %dma_wait3A_51] : memref<2528x1x128xi32, #tpu.memory_space<hbm>> -> memref<1x1x128xi32, #tpu.memory_space<hbm>>
        %dma_wait3A_53 = tpu.memref_squeeze %dma_wait3A_52 : memref<1x1x128xi32, #tpu.memory_space<hbm>> -> memref<1x128xi32, #tpu.memory_space<hbm>>
        %dma_wait3A_54 = arith.constant 0 : i32
        %dma_wait3A_55 = arith.constant 0 : i32
        %dma_wait3A_56 = tpu.memref_slice %arg3[%add3A_36, %dma_wait3A_54, %dma_wait3A_55] : memref<2528x1x128xi32, #tpu.memory_space<hbm>> -> memref<1x1x128xi32, #tpu.memory_space<hbm>>
        %dma_wait3A_57 = tpu.memref_squeeze %dma_wait3A_56 : memref<1x1x128xi32, #tpu.memory_space<hbm>> -> memref<1x128xi32, #tpu.memory_space<hbm>>
        tpu.wait_dma2 semaphore(%run_scoped3A_43 : memref<!tpu.dma_semaphore, #tpu.memory_space<semaphore_mem>>) src(%dma_wait3A_57 : memref<1x128xi32, #tpu.memory_space<hbm>>) dst(%arg7 : memref<1x128xi32, #tpu.memory_space<vmem>>)
        tpu.yield
      }) : () -> ()
      "tpu.region"() ({
        %run_scoped3A_43 = tpu.sem_alloc : memref<!tpu.dma_semaphore, #tpu.memory_space<semaphore_mem>>
        %dma_start3A = arith.constant 0 : i32
        %dma_start3A_44 = arith.constant 0 : i32
        %dma_start3A_45 = tpu.memref_slice %arg4[%add3A_36, %dma_start3A, %dma_start3A_44] : memref<2528x1x128xi32, #tpu.memory_space<hbm>> -> memref<1x1x128xi32, #tpu.memory_space<hbm>>
        %dma_start3A_46 = tpu.memref_squeeze %dma_start3A_45 : memref<1x1x128xi32, #tpu.memory_space<hbm>> -> memref<1x128xi32, #tpu.memory_space<hbm>>
        %dma_start3A_47 = arith.constant 0 : i32
        %dma_start3A_48 = arith.constant 0 : i32
        %dma_start3A_49 = tpu.memref_slice %arg4[%add3A_36, %dma_start3A_47, %dma_start3A_48] : memref<2528x1x128xi32, #tpu.memory_space<hbm>> -> memref<1x1x128xi32, #tpu.memory_space<hbm>>
        %dma_start3A_50 = tpu.memref_squeeze %dma_start3A_49 : memref<1x1x128xi32, #tpu.memory_space<hbm>> -> memref<1x128xi32, #tpu.memory_space<hbm>>
        tpu.enqueue_dma source(%dma_start3A_50 : memref<1x128xi32, #tpu.memory_space<hbm>>) target(%arg8 : memref<1x128xi32, #tpu.memory_space<vmem>>) target_semaphore(%run_scoped3A_43 : memref<!tpu.dma_semaphore, #tpu.memory_space<semaphore_mem>>)
        %dma_wait3A = arith.constant 0 : i32
        %dma_wait3A_51 = arith.constant 0 : i32
        %dma_wait3A_52 = tpu.memref_slice %arg4[%add3A_36, %dma_wait3A, %dma_wait3A_51] : memref<2528x1x128xi32, #tpu.memory_space<hbm>> -> memref<1x1x128xi32, #tpu.memory_space<hbm>>
        %dma_wait3A_53 = tpu.memref_squeeze %dma_wait3A_52 : memref<1x1x128xi32, #tpu.memory_space<hbm>> -> memref<1x128xi32, #tpu.memory_space<hbm>>
        %dma_wait3A_54 = arith.constant 0 : i32
        %dma_wait3A_55 = arith.constant 0 : i32
        %dma_wait3A_56 = tpu.memref_slice %arg4[%add3A_36, %dma_wait3A_54, %dma_wait3A_55] : memref<2528x1x128xi32, #tpu.memory_space<hbm>> -> memref<1x1x128xi32, #tpu.memory_space<hbm>>
        %dma_wait3A_57 = tpu.memref_squeeze %dma_wait3A_56 : memref<1x1x128xi32, #tpu.memory_space<hbm>> -> memref<1x128xi32, #tpu.memory_space<hbm>>
        tpu.wait_dma2 semaphore(%run_scoped3A_43 : memref<!tpu.dma_semaphore, #tpu.memory_space<semaphore_mem>>) src(%dma_wait3A_57 : memref<1x128xi32, #tpu.memory_space<hbm>>) dst(%arg8 : memref<1x128xi32, #tpu.memory_space<vmem>>)
        tpu.yield
      }) : () -> ()
      "tpu.region"() ({
        %run_scoped3A_43 = tpu.sem_alloc : memref<!tpu.dma_semaphore, #tpu.memory_space<semaphore_mem>>
        %dma_start3A = arith.constant 0 : i32
        %dma_start3A_44 = arith.constant 0 : i32
        %dma_start3A_45 = tpu.memref_slice %arg5[%add3A_36, %dma_start3A, %dma_start3A_44] : memref<2528x128x16xf32, #tpu.memory_space<hbm>> -> memref<1x128x16xf32, #tpu.memory_space<hbm>>
        %dma_start3A_46 = tpu.memref_squeeze %dma_start3A_45 : memref<1x128x16xf32, #tpu.memory_space<hbm>> -> memref<128x16xf32, #tpu.memory_space<hbm>>
        %dma_start3A_47 = arith.constant 0 : i32
        %dma_start3A_48 = arith.constant 0 : i32
        %dma_start3A_49 = tpu.memref_slice %arg5[%add3A_36, %dma_start3A_47, %dma_start3A_48] : memref<2528x128x16xf32, #tpu.memory_space<hbm>> -> memref<1x128x16xf32, #tpu.memory_space<hbm>>
        %dma_start3A_50 = tpu.memref_squeeze %dma_start3A_49 : memref<1x128x16xf32, #tpu.memory_space<hbm>> -> memref<128x16xf32, #tpu.memory_space<hbm>>
        tpu.enqueue_dma source(%dma_start3A_50 : memref<128x16xf32, #tpu.memory_space<hbm>>) target(%arg9 : memref<128x16xf32, #tpu.memory_space<vmem>>) target_semaphore(%run_scoped3A_43 : memref<!tpu.dma_semaphore, #tpu.memory_space<semaphore_mem>>)
        %dma_wait3A = arith.constant 0 : i32
        %dma_wait3A_51 = arith.constant 0 : i32
        %dma_wait3A_52 = tpu.memref_slice %arg5[%add3A_36, %dma_wait3A, %dma_wait3A_51] : memref<2528x128x16xf32, #tpu.memory_space<hbm>> -> memref<1x128x16xf32, #tpu.memory_space<hbm>>
        %dma_wait3A_53 = tpu.memref_squeeze %dma_wait3A_52 : memref<1x128x16xf32, #tpu.memory_space<hbm>> -> memref<128x16xf32, #tpu.memory_space<hbm>>
        %dma_wait3A_54 = arith.constant 0 : i32
        %dma_wait3A_55 = arith.constant 0 : i32
        %dma_wait3A_56 = tpu.memref_slice %arg5[%add3A_36, %dma_wait3A_54, %dma_wait3A_55] : memref<2528x128x16xf32, #tpu.memory_space<hbm>> -> memref<1x128x16xf32, #tpu.memory_space<hbm>>
        %dma_wait3A_57 = tpu.memref_squeeze %dma_wait3A_56 : memref<1x128x16xf32, #tpu.memory_space<hbm>> -> memref<128x16xf32, #tpu.memory_space<hbm>>
        tpu.wait_dma2 semaphore(%run_scoped3A_43 : memref<!tpu.dma_semaphore, #tpu.memory_space<semaphore_mem>>) src(%dma_wait3A_57 : memref<128x16xf32, #tpu.memory_space<hbm>>) dst(%arg9 : memref<128x16xf32, #tpu.memory_space<vmem>>)
        tpu.yield
      }) : () -> ()
      %run_scoped3A = arith.constant 0 : i32
      "tpu.region"() ({
        %run_scoped3A_43 = tpu.sem_alloc : memref<!tpu.dma_semaphore, #tpu.memory_space<semaphore_mem>>
        %dma_start3A = arith.constant 0 : i32
        %dma_start3A_44 = tpu.memref_slice %arg7[%run_scoped3A, %dma_start3A] : memref<1x128xi32, #tpu.memory_space<vmem>> -> memref<1x128xi32, #tpu.memory_space<vmem>>
        %dma_start3A_45 = tpu.memref_squeeze %dma_start3A_44 : memref<1x128xi32, #tpu.memory_space<vmem>> -> memref<128xi32, #tpu.memory_space<vmem>>
        %dma_start3A_46 = arith.constant 0 : i32
        %dma_start3A_47 = arith.constant 0 : i32
        %dma_start3A_48 = tpu.memref_slice %arg2[%dma_start3A_46, %dma_start3A_47] : memref<10000x128xf32, #tpu.memory_space<hbm>> -> memref<10000x128xf32, #tpu.memory_space<hbm>>
        tpu.enqueue_indirect_dma source(%dma_start3A_48 : memref<10000x128xf32, #tpu.memory_space<hbm>>) target(%arg10 : memref<128x128xf32, #tpu.memory_space<vmem>>) offsets(%dma_start3A_45 : memref<128xi32, #tpu.memory_space<vmem>>) semaphore(%run_scoped3A_43 : memref<!tpu.dma_semaphore, #tpu.memory_space<semaphore_mem>>)
        %dma_wait3A = arith.constant 0 : i32
        %dma_wait3A_49 = tpu.memref_slice %arg7[%run_scoped3A, %dma_wait3A] : memref<1x128xi32, #tpu.memory_space<vmem>> -> memref<1x128xi32, #tpu.memory_space<vmem>>
        %dma_wait3A_50 = tpu.memref_squeeze %dma_wait3A_49 : memref<1x128xi32, #tpu.memory_space<vmem>> -> memref<128xi32, #tpu.memory_space<vmem>>
        %dma_wait3A_51 = arith.constant 0 : i32
        %dma_wait3A_52 = arith.constant 0 : i32
        %dma_wait3A_53 = tpu.memref_slice %arg2[%dma_wait3A_51, %dma_wait3A_52] : memref<10000x128xf32, #tpu.memory_space<hbm>> -> memref<10000x128xf32, #tpu.memory_space<hbm>>
        tpu.wait_indirect_dma semaphore(%run_scoped3A_43 : memref<!tpu.dma_semaphore, #tpu.memory_space<semaphore_mem>>) src(%dma_wait3A_53 : memref<10000x128xf32, #tpu.memory_space<hbm>>) dst(%arg10 : memref<128x128xf32, #tpu.memory_space<vmem>>)
        tpu.yield
      }) : () -> ()
      %scan3A_37 = arith.constant 0 : i32
      %scan3A_38 = arith.constant 32 : i32
      %scan3A_39 = arith.addi %scan3A_37, %scan3A_38 : i32
      %scan3A_40 = arith.constant 1 : i32
      scf.for %scan3A_43 = %scan3A_37 to %scan3A_39 step %scan3A_40  : i32 {
        %mul3A_44 = arith.constant 1 : i32
        %mul3A_45 = arith.muli %scan3A_43, %mul3A_44 : i32
        %add3A_46 = arith.constant 0 : i32
        %add3A_47 = arith.addi %add3A_46, %mul3A_45 : i32
        %mul3A_48 = arith.constant 4 : i32
        %mul3A_49 = arith.muli %mul3A_48, %add3A_47 : i32
        %add3A_50 = arith.constant 0 : i32
        %add3A_51 = arith.addi %mul3A_49, %add3A_50 : i32
        %get3A = arith.index_cast %add3A_51 : i32 to index
        %get3A_52 = arith.constant 0 : index
        %get3A_53 = tpu.vector_load %arg9[%get3A, %get3A_52] {strides = array<i32>} : memref<128x16xf32, #tpu.memory_space<vmem>>, vector<1x16xf32>,
        %get3A_54 = vector.shape_cast %get3A_53 : vector<1x16xf32> to vector<16xf32>
        %get3A_55 = arith.index_cast %add3A_51 : i32 to index
        %get3A_56 = arith.constant 0 : index
        %get3A_57 = tpu.vector_load %arg10[%get3A_55, %get3A_56] {strides = array<i32>} : memref<128x128xf32, #tpu.memory_space<vmem>>, vector<1x16xf32>,
        %get3A_58 = vector.shape_cast %get3A_57 : vector<1x16xf32> to vector<16xf32>
        %mul3A_59 = arith.mulf %get3A_58, %get3A_54 : vector<16xf32>
        %swap3A = arith.index_cast %add3A_51 : i32 to index
        %swap3A_60 = arith.constant 0 : index
        %swap3A_61 = tpu.vector_load %arg10[%swap3A, %swap3A_60] {strides = array<i32>} : memref<128x128xf32, #tpu.memory_space<vmem>>, vector<1x16xf32>,
        %swap3A_62 = vector.shape_cast %swap3A_61 : vector<1x16xf32> to vector<16xf32>
        %swap3A_63 = vector.shape_cast %mul3A_59 : vector<16xf32> to vector<1x16xf32>
        tpu.vector_store %arg10[%swap3A, %swap3A_60], %swap3A_63 {strides = array<i32>} : memref<128x128xf32, #tpu.memory_space<vmem>>, vector<1x16xf32>,
        %get3A_64 = arith.index_cast %add3A_51 : i32 to index
        %get3A_65 = arith.constant 16 : index
        %get3A_66 = tpu.vector_load %arg10[%get3A_64, %get3A_65] {strides = array<i32>} : memref<128x128xf32, #tpu.memory_space<vmem>>, vector<1x16xf32>,
        %get3A_67 = vector.shape_cast %get3A_66 : vector<1x16xf32> to vector<16xf32>
        %mul3A_68 = arith.mulf %get3A_67, %get3A_54 : vector<16xf32>
        %swap3A_69 = arith.index_cast %add3A_51 : i32 to index
        %swap3A_70 = arith.constant 16 : index
        %swap3A_71 = tpu.vector_load %arg10[%swap3A_69, %swap3A_70] {strides = array<i32>} : memref<128x128xf32, #tpu.memory_space<vmem>>, vector<1x16xf32>,
        %swap3A_72 = vector.shape_cast %swap3A_71 : vector<1x16xf32> to vector<16xf32>
        %swap3A_73 = vector.shape_cast %mul3A_68 : vector<16xf32> to vector<1x16xf32>
        tpu.vector_store %arg10[%swap3A_69, %swap3A_70], %swap3A_73 {strides = array<i32>} : memref<128x128xf32, #tpu.memory_space<vmem>>, vector<1x16xf32>,
        %get3A_74 = arith.index_cast %add3A_51 : i32 to index
        %get3A_75 = arith.constant 32 : index
        %get3A_76 = tpu.vector_load %arg10[%get3A_74, %get3A_75] {strides = array<i32>} : memref<128x128xf32, #tpu.memory_space<vmem>>, vector<1x16xf32>,
        %get3A_77 = vector.shape_cast %get3A_76 : vector<1x16xf32> to vector<16xf32>
        %mul3A_78 = arith.mulf %get3A_77, %get3A_54 : vector<16xf32>
        %swap3A_79 = arith.index_cast %add3A_51 : i32 to index
        %swap3A_80 = arith.constant 32 : index
        %swap3A_81 = tpu.vector_load %arg10[%swap3A_79, %swap3A_80] {strides = array<i32>} : memref<128x128xf32, #tpu.memory_space<vmem>>, vector<1x16xf32>,
        %swap3A_82 = vector.shape_cast %swap3A_81 : vector<1x16xf32> to vector<16xf32>
        %swap3A_83 = vector.shape_cast %mul3A_78 : vector<16xf32> to vector<1x16xf32>
        tpu.vector_store %arg10[%swap3A_79, %swap3A_80], %swap3A_83 {strides = array<i32>} : memref<128x128xf32, #tpu.memory_space<vmem>>, vector<1x16xf32>,
        %get3A_84 = arith.index_cast %add3A_51 : i32 to index
        %get3A_85 = arith.constant 48 : index
        %get3A_86 = tpu.vector_load %arg10[%get3A_84, %get3A_85] {strides = array<i32>} : memref<128x128xf32, #tpu.memory_space<vmem>>, vector<1x16xf32>,
        %get3A_87 = vector.shape_cast %get3A_86 : vector<1x16xf32> to vector<16xf32>
        %mul3A_88 = arith.mulf %get3A_87, %get3A_54 : vector<16xf32>
        %swap3A_89 = arith.index_cast %add3A_51 : i32 to index
        %swap3A_90 = arith.constant 48 : index
        %swap3A_91 = tpu.vector_load %arg10[%swap3A_89, %swap3A_90] {strides = array<i32>} : memref<128x128xf32, #tpu.memory_space<vmem>>, vector<1x16xf32>,
        %swap3A_92 = vector.shape_cast %swap3A_91 : vector<1x16xf32> to vector<16xf32>
        %swap3A_93 = vector.shape_cast %mul3A_88 : vector<16xf32> to vector<1x16xf32>
        tpu.vector_store %arg10[%swap3A_89, %swap3A_90], %swap3A_93 {strides = array<i32>} : memref<128x128xf32, #tpu.memory_space<vmem>>, vector<1x16xf32>,
        %get3A_94 = arith.index_cast %add3A_51 : i32 to index
        %get3A_95 = arith.constant 64 : index
        %get3A_96 = tpu.vector_load %arg10[%get3A_94, %get3A_95] {strides = array<i32>} : memref<128x128xf32, #tpu.memory_space<vmem>>, vector<1x16xf32>,
        %get3A_97 = vector.shape_cast %get3A_96 : vector<1x16xf32> to vector<16xf32>
        %mul3A_98 = arith.mulf %get3A_97, %get3A_54 : vector<16xf32>
        %swap3A_99 = arith.index_cast %add3A_51 : i32 to index
        %swap3A_100 = arith.constant 64 : index
        %swap3A_101 = tpu.vector_load %arg10[%swap3A_99, %swap3A_100] {strides = array<i32>} : memref<128x128xf32, #tpu.memory_space<vmem>>, vector<1x16xf32>,
        %swap3A_102 = vector.shape_cast %swap3A_101 : vector<1x16xf32> to vector<16xf32>
        %swap3A_103 = vector.shape_cast %mul3A_98 : vector<16xf32> to vector<1x16xf32>
        tpu.vector_store %arg10[%swap3A_99, %swap3A_100], %swap3A_103 {strides = array<i32>} : memref<128x128xf32, #tpu.memory_space<vmem>>, vector<1x16xf32>,
        %get3A_104 = arith.index_cast %add3A_51 : i32 to index
        %get3A_105 = arith.constant 80 : index
        %get3A_106 = tpu.vector_load %arg10[%get3A_104, %get3A_105] {strides = array<i32>} : memref<128x128xf32, #tpu.memory_space<vmem>>, vector<1x16xf32>,
        %get3A_107 = vector.shape_cast %get3A_106 : vector<1x16xf32> to vector<16xf32>
        %mul3A_108 = arith.mulf %get3A_107, %get3A_54 : vector<16xf32>
        %swap3A_109 = arith.index_cast %add3A_51 : i32 to index
        %swap3A_110 = arith.constant 80 : index
        %swap3A_111 = tpu.vector_load %arg10[%swap3A_109, %swap3A_110] {strides = array<i32>} : memref<128x128xf32, #tpu.memory_space<vmem>>, vector<1x16xf32>,
        %swap3A_112 = vector.shape_cast %swap3A_111 : vector<1x16xf32> to vector<16xf32>
        %swap3A_113 = vector.shape_cast %mul3A_108 : vector<16xf32> to vector<1x16xf32>
        tpu.vector_store %arg10[%swap3A_109, %swap3A_110], %swap3A_113 {strides = array<i32>} : memref<128x128xf32, #tpu.memory_space<vmem>>, vector<1x16xf32>,
        %get3A_114 = arith.index_cast %add3A_51 : i32 to index
        %get3A_115 = arith.constant 96 : index
        %get3A_116 = tpu.vector_load %arg10[%get3A_114, %get3A_115] {strides = array<i32>} : memref<128x128xf32, #tpu.memory_space<vmem>>, vector<1x16xf32>,
        %get3A_117 = vector.shape_cast %get3A_116 : vector<1x16xf32> to vector<16xf32>
        %mul3A_118 = arith.mulf %get3A_117, %get3A_54 : vector<16xf32>
        %swap3A_119 = arith.index_cast %add3A_51 : i32 to index
        %swap3A_120 = arith.constant 96 : index
        %swap3A_121 = tpu.vector_load %arg10[%swap3A_119, %swap3A_120] {strides = array<i32>} : memref<128x128xf32, #tpu.memory_space<vmem>>, vector<1x16xf32>,
        %swap3A_122 = vector.shape_cast %swap3A_121 : vector<1x16xf32> to vector<16xf32>
        %swap3A_123 = vector.shape_cast %mul3A_118 : vector<16xf32> to vector<1x16xf32>
        tpu.vector_store %arg10[%swap3A_119, %swap3A_120], %swap3A_123 {strides = array<i32>} : memref<128x128xf32, #tpu.memory_space<vmem>>, vector<1x16xf32>,
        %get3A_124 = arith.index_cast %add3A_51 : i32 to index
        %get3A_125 = arith.constant 112 : index
        %get3A_126 = tpu.vector_load %arg10[%get3A_124, %get3A_125] {strides = array<i32>} : memref<128x128xf32, #tpu.memory_space<vmem>>, vector<1x16xf32>,
        %get3A_127 = vector.shape_cast %get3A_126 : vector<1x16xf32> to vector<16xf32>
        %mul3A_128 = arith.mulf %get3A_127, %get3A_54 : vector<16xf32>
        %swap3A_129 = arith.index_cast %add3A_51 : i32 to index
        %swap3A_130 = arith.constant 112 : index
        %swap3A_131 = tpu.vector_load %arg10[%swap3A_129, %swap3A_130] {strides = array<i32>} : memref<128x128xf32, #tpu.memory_space<vmem>>, vector<1x16xf32>,
        %swap3A_132 = vector.shape_cast %swap3A_131 : vector<1x16xf32> to vector<16xf32>
        %swap3A_133 = vector.shape_cast %mul3A_128 : vector<16xf32> to vector<1x16xf32>
        tpu.vector_store %arg10[%swap3A_129, %swap3A_130], %swap3A_133 {strides = array<i32>} : memref<128x128xf32, #tpu.memory_space<vmem>>, vector<1x16xf32>,
        %mul3A_134 = arith.constant 4 : i32
        %mul3A_135 = arith.muli %mul3A_134, %add3A_47 : i32
        %add3A_136 = arith.constant 1 : i32
        %add3A_137 = arith.addi %mul3A_135, %add3A_136 : i32
        %get3A_138 = arith.index_cast %add3A_137 : i32 to index
        %get3A_139 = arith.constant 0 : index
        %get3A_140 = tpu.vector_load %arg9[%get3A_138, %get3A_139] {strides = array<i32>} : memref<128x16xf32, #tpu.memory_space<vmem>>, vector<1x16xf32>,
        %get3A_141 = vector.shape_cast %get3A_140 : vector<1x16xf32> to vector<16xf32>
        %get3A_142 = arith.index_cast %add3A_137 : i32 to index
        %get3A_143 = arith.constant 0 : index
        %get3A_144 = tpu.vector_load %arg10[%get3A_142, %get3A_143] {strides = array<i32>} : memref<128x128xf32, #tpu.memory_space<vmem>>, vector<1x16xf32>,
        %get3A_145 = vector.shape_cast %get3A_144 : vector<1x16xf32> to vector<16xf32>
        %mul3A_146 = arith.mulf %get3A_145, %get3A_141 : vector<16xf32>
        %swap3A_147 = arith.index_cast %add3A_137 : i32 to index
        %swap3A_148 = arith.constant 0 : index
        %swap3A_149 = tpu.vector_load %arg10[%swap3A_147, %swap3A_148] {strides = array<i32>} : memref<128x128xf32, #tpu.memory_space<vmem>>, vector<1x16xf32>,
        %swap3A_150 = vector.shape_cast %swap3A_149 : vector<1x16xf32> to vector<16xf32>
        %swap3A_151 = vector.shape_cast %mul3A_146 : vector<16xf32> to vector<1x16xf32>
        tpu.vector_store %arg10[%swap3A_147, %swap3A_148], %swap3A_151 {strides = array<i32>} : memref<128x128xf32, #tpu.memory_space<vmem>>, vector<1x16xf32>,
        %get3A_152 = arith.index_cast %add3A_137 : i32 to index
        %get3A_153 = arith.constant 16 : index
        %get3A_154 = tpu.vector_load %arg10[%get3A_152, %get3A_153] {strides = array<i32>} : memref<128x128xf32, #tpu.memory_space<vmem>>, vector<1x16xf32>,
        %get3A_155 = vector.shape_cast %get3A_154 : vector<1x16xf32> to vector<16xf32>
        %mul3A_156 = arith.mulf %get3A_155, %get3A_141 : vector<16xf32>
        %swap3A_157 = arith.index_cast %add3A_137 : i32 to index
        %swap3A_158 = arith.constant 16 : index
        %swap3A_159 = tpu.vector_load %arg10[%swap3A_157, %swap3A_158] {strides = array<i32>} : memref<128x128xf32, #tpu.memory_space<vmem>>, vector<1x16xf32>,
        %swap3A_160 = vector.shape_cast %swap3A_159 : vector<1x16xf32> to vector<16xf32>
        %swap3A_161 = vector.shape_cast %mul3A_156 : vector<16xf32> to vector<1x16xf32>
        tpu.vector_store %arg10[%swap3A_157, %swap3A_158], %swap3A_161 {strides = array<i32>} : memref<128x128xf32, #tpu.memory_space<vmem>>, vector<1x16xf32>,
        %get3A_162 = arith.index_cast %add3A_137 : i32 to index
        %get3A_163 = arith.constant 32 : index
        %get3A_164 = tpu.vector_load %arg10[%get3A_162, %get3A_163] {strides = array<i32>} : memref<128x128xf32, #tpu.memory_space<vmem>>, vector<1x16xf32>,
        %get3A_165 = vector.shape_cast %get3A_164 : vector<1x16xf32> to vector<16xf32>
        %mul3A_166 = arith.mulf %get3A_165, %get3A_141 : vector<16xf32>
        %swap3A_167 = arith.index_cast %add3A_137 : i32 to index
        %swap3A_168 = arith.constant 32 : index
        %swap3A_169 = tpu.vector_load %arg10[%swap3A_167, %swap3A_168] {strides = array<i32>} : memref<128x128xf32, #tpu.memory_space<vmem>>, vector<1x16xf32>,
        %swap3A_170 = vector.shape_cast %swap3A_169 : vector<1x16xf32> to vector<16xf32>
        %swap3A_171 = vector.shape_cast %mul3A_166 : vector<16xf32> to vector<1x16xf32>
        tpu.vector_store %arg10[%swap3A_167, %swap3A_168], %swap3A_171 {strides = array<i32>} : memref<128x128xf32, #tpu.memory_space<vmem>>, vector<1x16xf32>,
        %get3A_172 = arith.index_cast %add3A_137 : i32 to index
        %get3A_173 = arith.constant 48 : index
        %get3A_174 = tpu.vector_load %arg10[%get3A_172, %get3A_173] {strides = array<i32>} : memref<128x128xf32, #tpu.memory_space<vmem>>, vector<1x16xf32>,
        %get3A_175 = vector.shape_cast %get3A_174 : vector<1x16xf32> to vector<16xf32>
        %mul3A_176 = arith.mulf %get3A_175, %get3A_141 : vector<16xf32>
        %swap3A_177 = arith.index_cast %add3A_137 : i32 to index
        %swap3A_178 = arith.constant 48 : index
        %swap3A_179 = tpu.vector_load %arg10[%swap3A_177, %swap3A_178] {strides = array<i32>} : memref<128x128xf32, #tpu.memory_space<vmem>>, vector<1x16xf32>,
        %swap3A_180 = vector.shape_cast %swap3A_179 : vector<1x16xf32> to vector<16xf32>
        %swap3A_181 = vector.shape_cast %mul3A_176 : vector<16xf32> to vector<1x16xf32>
        tpu.vector_store %arg10[%swap3A_177, %swap3A_178], %swap3A_181 {strides = array<i32>} : memref<128x128xf32, #tpu.memory_space<vmem>>, vector<1x16xf32>,
        %get3A_182 = arith.index_cast %add3A_137 : i32 to index
        %get3A_183 = arith.constant 64 : index
        %get3A_184 = tpu.vector_load %arg10[%get3A_182, %get3A_183] {strides = array<i32>} : memref<128x128xf32, #tpu.memory_space<vmem>>, vector<1x16xf32>,
        %get3A_185 = vector.shape_cast %get3A_184 : vector<1x16xf32> to vector<16xf32>
        %mul3A_186 = arith.mulf %get3A_185, %get3A_141 : vector<16xf32>
        %swap3A_187 = arith.index_cast %add3A_137 : i32 to index
        %swap3A_188 = arith.constant 64 : index
        %swap3A_189 = tpu.vector_load %arg10[%swap3A_187, %swap3A_188] {strides = array<i32>} : memref<128x128xf32, #tpu.memory_space<vmem>>, vector<1x16xf32>,
        %swap3A_190 = vector.shape_cast %swap3A_189 : vector<1x16xf32> to vector<16xf32>
        %swap3A_191 = vector.shape_cast %mul3A_186 : vector<16xf32> to vector<1x16xf32>
        tpu.vector_store %arg10[%swap3A_187, %swap3A_188], %swap3A_191 {strides = array<i32>} : memref<128x128xf32, #tpu.memory_space<vmem>>, vector<1x16xf32>,
        %get3A_192 = arith.index_cast %add3A_137 : i32 to index
        %get3A_193 = arith.constant 80 : index
        %get3A_194 = tpu.vector_load %arg10[%get3A_192, %get3A_193] {strides = array<i32>} : memref<128x128xf32, #tpu.memory_space<vmem>>, vector<1x16xf32>,
        %get3A_195 = vector.shape_cast %get3A_194 : vector<1x16xf32> to vector<16xf32>
        %mul3A_196 = arith.mulf %get3A_195, %get3A_141 : vector<16xf32>
        %swap3A_197 = arith.index_cast %add3A_137 : i32 to index
        %swap3A_198 = arith.constant 80 : index
        %swap3A_199 = tpu.vector_load %arg10[%swap3A_197, %swap3A_198] {strides = array<i32>} : memref<128x128xf32, #tpu.memory_space<vmem>>, vector<1x16xf32>,
        %swap3A_200 = vector.shape_cast %swap3A_199 : vector<1x16xf32> to vector<16xf32>
        %swap3A_201 = vector.shape_cast %mul3A_196 : vector<16xf32> to vector<1x16xf32>
        tpu.vector_store %arg10[%swap3A_197, %swap3A_198], %swap3A_201 {strides = array<i32>} : memref<128x128xf32, #tpu.memory_space<vmem>>, vector<1x16xf32>,
        %get3A_202 = arith.index_cast %add3A_137 : i32 to index
        %get3A_203 = arith.constant 96 : index
        %get3A_204 = tpu.vector_load %arg10[%get3A_202, %get3A_203] {strides = array<i32>} : memref<128x128xf32, #tpu.memory_space<vmem>>, vector<1x16xf32>,
        %get3A_205 = vector.shape_cast %get3A_204 : vector<1x16xf32> to vector<16xf32>
        %mul3A_206 = arith.mulf %get3A_205, %get3A_141 : vector<16xf32>
        %swap3A_207 = arith.index_cast %add3A_137 : i32 to index
        %swap3A_208 = arith.constant 96 : index
        %swap3A_209 = tpu.vector_load %arg10[%swap3A_207, %swap3A_208] {strides = array<i32>} : memref<128x128xf32, #tpu.memory_space<vmem>>, vector<1x16xf32>,
        %swap3A_210 = vector.shape_cast %swap3A_209 : vector<1x16xf32> to vector<16xf32>
        %swap3A_211 = vector.shape_cast %mul3A_206 : vector<16xf32> to vector<1x16xf32>
        tpu.vector_store %arg10[%swap3A_207, %swap3A_208], %swap3A_211 {strides = array<i32>} : memref<128x128xf32, #tpu.memory_space<vmem>>, vector<1x16xf32>,
        %get3A_212 = arith.index_cast %add3A_137 : i32 to index
        %get3A_213 = arith.constant 112 : index
        %get3A_214 = tpu.vector_load %arg10[%get3A_212, %get3A_213] {strides = array<i32>} : memref<128x128xf32, #tpu.memory_space<vmem>>, vector<1x16xf32>,
        %get3A_215 = vector.shape_cast %get3A_214 : vector<1x16xf32> to vector<16xf32>
        %mul3A_216 = arith.mulf %get3A_215, %get3A_141 : vector<16xf32>
        %swap3A_217 = arith.index_cast %add3A_137 : i32 to index
        %swap3A_218 = arith.constant 112 : index
        %swap3A_219 = tpu.vector_load %arg10[%swap3A_217, %swap3A_218] {strides = array<i32>} : memref<128x128xf32, #tpu.memory_space<vmem>>, vector<1x16xf32>,
        %swap3A_220 = vector.shape_cast %swap3A_219 : vector<1x16xf32> to vector<16xf32>
        %swap3A_221 = vector.shape_cast %mul3A_216 : vector<16xf32> to vector<1x16xf32>
        tpu.vector_store %arg10[%swap3A_217, %swap3A_218], %swap3A_221 {strides = array<i32>} : memref<128x128xf32, #tpu.memory_space<vmem>>, vector<1x16xf32>,
        %mul3A_222 = arith.constant 4 : i32
        %mul3A_223 = arith.muli %mul3A_222, %add3A_47 : i32
        %add3A_224 = arith.constant 2 : i32
        %add3A_225 = arith.addi %mul3A_223, %add3A_224 : i32
        %get3A_226 = arith.index_cast %add3A_225 : i32 to index
        %get3A_227 = arith.constant 0 : index
        %get3A_228 = tpu.vector_load %arg9[%get3A_226, %get3A_227] {strides = array<i32>} : memref<128x16xf32, #tpu.memory_space<vmem>>, vector<1x16xf32>,
        %get3A_229 = vector.shape_cast %get3A_228 : vector<1x16xf32> to vector<16xf32>
        %get3A_230 = arith.index_cast %add3A_225 : i32 to index
        %get3A_231 = arith.constant 0 : index
        %get3A_232 = tpu.vector_load %arg10[%get3A_230, %get3A_231] {strides = array<i32>} : memref<128x128xf32, #tpu.memory_space<vmem>>, vector<1x16xf32>,
        %get3A_233 = vector.shape_cast %get3A_232 : vector<1x16xf32> to vector<16xf32>
        %mul3A_234 = arith.mulf %get3A_233, %get3A_229 : vector<16xf32>
        %swap3A_235 = arith.index_cast %add3A_225 : i32 to index
        %swap3A_236 = arith.constant 0 : index
        %swap3A_237 = tpu.vector_load %arg10[%swap3A_235, %swap3A_236] {strides = array<i32>} : memref<128x128xf32, #tpu.memory_space<vmem>>, vector<1x16xf32>,
        %swap3A_238 = vector.shape_cast %swap3A_237 : vector<1x16xf32> to vector<16xf32>
        %swap3A_239 = vector.shape_cast %mul3A_234 : vector<16xf32> to vector<1x16xf32>
        tpu.vector_store %arg10[%swap3A_235, %swap3A_236], %swap3A_239 {strides = array<i32>} : memref<128x128xf32, #tpu.memory_space<vmem>>, vector<1x16xf32>,
        %get3A_240 = arith.index_cast %add3A_225 : i32 to index
        %get3A_241 = arith.constant 16 : index
        %get3A_242 = tpu.vector_load %arg10[%get3A_240, %get3A_241] {strides = array<i32>} : memref<128x128xf32, #tpu.memory_space<vmem>>, vector<1x16xf32>,
        %get3A_243 = vector.shape_cast %get3A_242 : vector<1x16xf32> to vector<16xf32>
        %mul3A_244 = arith.mulf %get3A_243, %get3A_229 : vector<16xf32>
        %swap3A_245 = arith.index_cast %add3A_225 : i32 to index
        %swap3A_246 = arith.constant 16 : index
        %swap3A_247 = tpu.vector_load %arg10[%swap3A_245, %swap3A_246] {strides = array<i32>} : memref<128x128xf32, #tpu.memory_space<vmem>>, vector<1x16xf32>,
        %swap3A_248 = vector.shape_cast %swap3A_247 : vector<1x16xf32> to vector<16xf32>
        %swap3A_249 = vector.shape_cast %mul3A_244 : vector<16xf32> to vector<1x16xf32>
        tpu.vector_store %arg10[%swap3A_245, %swap3A_246], %swap3A_249 {strides = array<i32>} : memref<128x128xf32, #tpu.memory_space<vmem>>, vector<1x16xf32>,
        %get3A_250 = arith.index_cast %add3A_225 : i32 to index
        %get3A_251 = arith.constant 32 : index
        %get3A_252 = tpu.vector_load %arg10[%get3A_250, %get3A_251] {strides = array<i32>} : memref<128x128xf32, #tpu.memory_space<vmem>>, vector<1x16xf32>,
        %get3A_253 = vector.shape_cast %get3A_252 : vector<1x16xf32> to vector<16xf32>
        %mul3A_254 = arith.mulf %get3A_253, %get3A_229 : vector<16xf32>
        %swap3A_255 = arith.index_cast %add3A_225 : i32 to index
        %swap3A_256 = arith.constant 32 : index
        %swap3A_257 = tpu.vector_load %arg10[%swap3A_255, %swap3A_256] {strides = array<i32>} : memref<128x128xf32, #tpu.memory_space<vmem>>, vector<1x16xf32>,
        %swap3A_258 = vector.shape_cast %swap3A_257 : vector<1x16xf32> to vector<16xf32>
        %swap3A_259 = vector.shape_cast %mul3A_254 : vector<16xf32> to vector<1x16xf32>
        tpu.vector_store %arg10[%swap3A_255, %swap3A_256], %swap3A_259 {strides = array<i32>} : memref<128x128xf32, #tpu.memory_space<vmem>>, vector<1x16xf32>,
        %get3A_260 = arith.index_cast %add3A_225 : i32 to index
        %get3A_261 = arith.constant 48 : index
        %get3A_262 = tpu.vector_load %arg10[%get3A_260, %get3A_261] {strides = array<i32>} : memref<128x128xf32, #tpu.memory_space<vmem>>, vector<1x16xf32>,
        %get3A_263 = vector.shape_cast %get3A_262 : vector<1x16xf32> to vector<16xf32>
        %mul3A_264 = arith.mulf %get3A_263, %get3A_229 : vector<16xf32>
        %swap3A_265 = arith.index_cast %add3A_225 : i32 to index
        %swap3A_266 = arith.constant 48 : index
        %swap3A_267 = tpu.vector_load %arg10[%swap3A_265, %swap3A_266] {strides = array<i32>} : memref<128x128xf32, #tpu.memory_space<vmem>>, vector<1x16xf32>,
        %swap3A_268 = vector.shape_cast %swap3A_267 : vector<1x16xf32> to vector<16xf32>
        %swap3A_269 = vector.shape_cast %mul3A_264 : vector<16xf32> to vector<1x16xf32>
        tpu.vector_store %arg10[%swap3A_265, %swap3A_266], %swap3A_269 {strides = array<i32>} : memref<128x128xf32, #tpu.memory_space<vmem>>, vector<1x16xf32>,
        %get3A_270 = arith.index_cast %add3A_225 : i32 to index
        %get3A_271 = arith.constant 64 : index
        %get3A_272 = tpu.vector_load %arg10[%get3A_270, %get3A_271] {strides = array<i32>} : memref<128x128xf32, #tpu.memory_space<vmem>>, vector<1x16xf32>,
        %get3A_273 = vector.shape_cast %get3A_272 : vector<1x16xf32> to vector<16xf32>
        %mul3A_274 = arith.mulf %get3A_273, %get3A_229 : vector<16xf32>
        %swap3A_275 = arith.index_cast %add3A_225 : i32 to index
        %swap3A_276 = arith.constant 64 : index
        %swap3A_277 = tpu.vector_load %arg10[%swap3A_275, %swap3A_276] {strides = array<i32>} : memref<128x128xf32, #tpu.memory_space<vmem>>, vector<1x16xf32>,
        %swap3A_278 = vector.shape_cast %swap3A_277 : vector<1x16xf32> to vector<16xf32>
        %swap3A_279 = vector.shape_cast %mul3A_274 : vector<16xf32> to vector<1x16xf32>
        tpu.vector_store %arg10[%swap3A_275, %swap3A_276], %swap3A_279 {strides = array<i32>} : memref<128x128xf32, #tpu.memory_space<vmem>>, vector<1x16xf32>,
        %get3A_280 = arith.index_cast %add3A_225 : i32 to index
        %get3A_281 = arith.constant 80 : index
        %get3A_282 = tpu.vector_load %arg10[%get3A_280, %get3A_281] {strides = array<i32>} : memref<128x128xf32, #tpu.memory_space<vmem>>, vector<1x16xf32>,
        %get3A_283 = vector.shape_cast %get3A_282 : vector<1x16xf32> to vector<16xf32>
        %mul3A_284 = arith.mulf %get3A_283, %get3A_229 : vector<16xf32>
        %swap3A_285 = arith.index_cast %add3A_225 : i32 to index
        %swap3A_286 = arith.constant 80 : index
        %swap3A_287 = tpu.vector_load %arg10[%swap3A_285, %swap3A_286] {strides = array<i32>} : memref<128x128xf32, #tpu.memory_space<vmem>>, vector<1x16xf32>,
        %swap3A_288 = vector.shape_cast %swap3A_287 : vector<1x16xf32> to vector<16xf32>
        %swap3A_289 = vector.shape_cast %mul3A_284 : vector<16xf32> to vector<1x16xf32>
        tpu.vector_store %arg10[%swap3A_285, %swap3A_286], %swap3A_289 {strides = array<i32>} : memref<128x128xf32, #tpu.memory_space<vmem>>, vector<1x16xf32>,
        %get3A_290 = arith.index_cast %add3A_225 : i32 to index
        %get3A_291 = arith.constant 96 : index
        %get3A_292 = tpu.vector_load %arg10[%get3A_290, %get3A_291] {strides = array<i32>} : memref<128x128xf32, #tpu.memory_space<vmem>>, vector<1x16xf32>,
        %get3A_293 = vector.shape_cast %get3A_292 : vector<1x16xf32> to vector<16xf32>
        %mul3A_294 = arith.mulf %get3A_293, %get3A_229 : vector<16xf32>
        %swap3A_295 = arith.index_cast %add3A_225 : i32 to index
        %swap3A_296 = arith.constant 96 : index
        %swap3A_297 = tpu.vector_load %arg10[%swap3A_295, %swap3A_296] {strides = array<i32>} : memref<128x128xf32, #tpu.memory_space<vmem>>, vector<1x16xf32>,
        %swap3A_298 = vector.shape_cast %swap3A_297 : vector<1x16xf32> to vector<16xf32>
        %swap3A_299 = vector.shape_cast %mul3A_294 : vector<16xf32> to vector<1x16xf32>
        tpu.vector_store %arg10[%swap3A_295, %swap3A_296], %swap3A_299 {strides = array<i32>} : memref<128x128xf32, #tpu.memory_space<vmem>>, vector<1x16xf32>,
        %get3A_300 = arith.index_cast %add3A_225 : i32 to index
        %get3A_301 = arith.constant 112 : index
        %get3A_302 = tpu.vector_load %arg10[%get3A_300, %get3A_301] {strides = array<i32>} : memref<128x128xf32, #tpu.memory_space<vmem>>, vector<1x16xf32>,
        %get3A_303 = vector.shape_cast %get3A_302 : vector<1x16xf32> to vector<16xf32>
        %mul3A_304 = arith.mulf %get3A_303, %get3A_229 : vector<16xf32>
        %swap3A_305 = arith.index_cast %add3A_225 : i32 to index
        %swap3A_306 = arith.constant 112 : index
        %swap3A_307 = tpu.vector_load %arg10[%swap3A_305, %swap3A_306] {strides = array<i32>} : memref<128x128xf32, #tpu.memory_space<vmem>>, vector<1x16xf32>,
        %swap3A_308 = vector.shape_cast %swap3A_307 : vector<1x16xf32> to vector<16xf32>
        %swap3A_309 = vector.shape_cast %mul3A_304 : vector<16xf32> to vector<1x16xf32>
        tpu.vector_store %arg10[%swap3A_305, %swap3A_306], %swap3A_309 {strides = array<i32>} : memref<128x128xf32, #tpu.memory_space<vmem>>, vector<1x16xf32>,
        %mul3A_310 = arith.constant 4 : i32
        %mul3A_311 = arith.muli %mul3A_310, %add3A_47 : i32
        %add3A_312 = arith.constant 3 : i32
        %add3A_313 = arith.addi %mul3A_311, %add3A_312 : i32
        %get3A_314 = arith.index_cast %add3A_313 : i32 to index
        %get3A_315 = arith.constant 0 : index
        %get3A_316 = tpu.vector_load %arg9[%get3A_314, %get3A_315] {strides = array<i32>} : memref<128x16xf32, #tpu.memory_space<vmem>>, vector<1x16xf32>,
        %get3A_317 = vector.shape_cast %get3A_316 : vector<1x16xf32> to vector<16xf32>
        %get3A_318 = arith.index_cast %add3A_313 : i32 to index
        %get3A_319 = arith.constant 0 : index
        %get3A_320 = tpu.vector_load %arg10[%get3A_318, %get3A_319] {strides = array<i32>} : memref<128x128xf32, #tpu.memory_space<vmem>>, vector<1x16xf32>,
        %get3A_321 = vector.shape_cast %get3A_320 : vector<1x16xf32> to vector<16xf32>
        %mul3A_322 = arith.mulf %get3A_321, %get3A_317 : vector<16xf32>
        %swap3A_323 = arith.index_cast %add3A_313 : i32 to index
        %swap3A_324 = arith.constant 0 : index
        %swap3A_325 = tpu.vector_load %arg10[%swap3A_323, %swap3A_324] {strides = array<i32>} : memref<128x128xf32, #tpu.memory_space<vmem>>, vector<1x16xf32>,
        %swap3A_326 = vector.shape_cast %swap3A_325 : vector<1x16xf32> to vector<16xf32>
        %swap3A_327 = vector.shape_cast %mul3A_322 : vector<16xf32> to vector<1x16xf32>
        tpu.vector_store %arg10[%swap3A_323, %swap3A_324], %swap3A_327 {strides = array<i32>} : memref<128x128xf32, #tpu.memory_space<vmem>>, vector<1x16xf32>,
        %get3A_328 = arith.index_cast %add3A_313 : i32 to index
        %get3A_329 = arith.constant 16 : index
        %get3A_330 = tpu.vector_load %arg10[%get3A_328, %get3A_329] {strides = array<i32>} : memref<128x128xf32, #tpu.memory_space<vmem>>, vector<1x16xf32>,
        %get3A_331 = vector.shape_cast %get3A_330 : vector<1x16xf32> to vector<16xf32>
        %mul3A_332 = arith.mulf %get3A_331, %get3A_317 : vector<16xf32>
        %swap3A_333 = arith.index_cast %add3A_313 : i32 to index
        %swap3A_334 = arith.constant 16 : index
        %swap3A_335 = tpu.vector_load %arg10[%swap3A_333, %swap3A_334] {strides = array<i32>} : memref<128x128xf32, #tpu.memory_space<vmem>>, vector<1x16xf32>,
        %swap3A_336 = vector.shape_cast %swap3A_335 : vector<1x16xf32> to vector<16xf32>
        %swap3A_337 = vector.shape_cast %mul3A_332 : vector<16xf32> to vector<1x16xf32>
        tpu.vector_store %arg10[%swap3A_333, %swap3A_334], %swap3A_337 {strides = array<i32>} : memref<128x128xf32, #tpu.memory_space<vmem>>, vector<1x16xf32>,
        %get3A_338 = arith.index_cast %add3A_313 : i32 to index
        %get3A_339 = arith.constant 32 : index
        %get3A_340 = tpu.vector_load %arg10[%get3A_338, %get3A_339] {strides = array<i32>} : memref<128x128xf32, #tpu.memory_space<vmem>>, vector<1x16xf32>,
        %get3A_341 = vector.shape_cast %get3A_340 : vector<1x16xf32> to vector<16xf32>
        %mul3A_342 = arith.mulf %get3A_341, %get3A_317 : vector<16xf32>
        %swap3A_343 = arith.index_cast %add3A_313 : i32 to index
        %swap3A_344 = arith.constant 32 : index
        %swap3A_345 = tpu.vector_load %arg10[%swap3A_343, %swap3A_344] {strides = array<i32>} : memref<128x128xf32, #tpu.memory_space<vmem>>, vector<1x16xf32>,
        %swap3A_346 = vector.shape_cast %swap3A_345 : vector<1x16xf32> to vector<16xf32>
        %swap3A_347 = vector.shape_cast %mul3A_342 : vector<16xf32> to vector<1x16xf32>
        tpu.vector_store %arg10[%swap3A_343, %swap3A_344], %swap3A_347 {strides = array<i32>} : memref<128x128xf32, #tpu.memory_space<vmem>>, vector<1x16xf32>,
        %get3A_348 = arith.index_cast %add3A_313 : i32 to index
        %get3A_349 = arith.constant 48 : index
        %get3A_350 = tpu.vector_load %arg10[%get3A_348, %get3A_349] {strides = array<i32>} : memref<128x128xf32, #tpu.memory_space<vmem>>, vector<1x16xf32>,
        %get3A_351 = vector.shape_cast %get3A_350 : vector<1x16xf32> to vector<16xf32>
        %mul3A_352 = arith.mulf %get3A_351, %get3A_317 : vector<16xf32>
        %swap3A_353 = arith.index_cast %add3A_313 : i32 to index
        %swap3A_354 = arith.constant 48 : index
        %swap3A_355 = tpu.vector_load %arg10[%swap3A_353, %swap3A_354] {strides = array<i32>} : memref<128x128xf32, #tpu.memory_space<vmem>>, vector<1x16xf32>,
        %swap3A_356 = vector.shape_cast %swap3A_355 : vector<1x16xf32> to vector<16xf32>
        %swap3A_357 = vector.shape_cast %mul3A_352 : vector<16xf32> to vector<1x16xf32>
        tpu.vector_store %arg10[%swap3A_353, %swap3A_354], %swap3A_357 {strides = array<i32>} : memref<128x128xf32, #tpu.memory_space<vmem>>, vector<1x16xf32>,
        %get3A_358 = arith.index_cast %add3A_313 : i32 to index
        %get3A_359 = arith.constant 64 : index
        %get3A_360 = tpu.vector_load %arg10[%get3A_358, %get3A_359] {strides = array<i32>} : memref<128x128xf32, #tpu.memory_space<vmem>>, vector<1x16xf32>,
        %get3A_361 = vector.shape_cast %get3A_360 : vector<1x16xf32> to vector<16xf32>
        %mul3A_362 = arith.mulf %get3A_361, %get3A_317 : vector<16xf32>
        %swap3A_363 = arith.index_cast %add3A_313 : i32 to index
        %swap3A_364 = arith.constant 64 : index
        %swap3A_365 = tpu.vector_load %arg10[%swap3A_363, %swap3A_364] {strides = array<i32>} : memref<128x128xf32, #tpu.memory_space<vmem>>, vector<1x16xf32>,
        %swap3A_366 = vector.shape_cast %swap3A_365 : vector<1x16xf32> to vector<16xf32>
        %swap3A_367 = vector.shape_cast %mul3A_362 : vector<16xf32> to vector<1x16xf32>
        tpu.vector_store %arg10[%swap3A_363, %swap3A_364], %swap3A_367 {strides = array<i32>} : memref<128x128xf32, #tpu.memory_space<vmem>>, vector<1x16xf32>,
        %get3A_368 = arith.index_cast %add3A_313 : i32 to index
        %get3A_369 = arith.constant 80 : index
        %get3A_370 = tpu.vector_load %arg10[%get3A_368, %get3A_369] {strides = array<i32>} : memref<128x128xf32, #tpu.memory_space<vmem>>, vector<1x16xf32>,
        %get3A_371 = vector.shape_cast %get3A_370 : vector<1x16xf32> to vector<16xf32>
        %mul3A_372 = arith.mulf %get3A_371, %get3A_317 : vector<16xf32>
        %swap3A_373 = arith.index_cast %add3A_313 : i32 to index
        %swap3A_374 = arith.constant 80 : index
        %swap3A_375 = tpu.vector_load %arg10[%swap3A_373, %swap3A_374] {strides = array<i32>} : memref<128x128xf32, #tpu.memory_space<vmem>>, vector<1x16xf32>,
        %swap3A_376 = vector.shape_cast %swap3A_375 : vector<1x16xf32> to vector<16xf32>
        %swap3A_377 = vector.shape_cast %mul3A_372 : vector<16xf32> to vector<1x16xf32>
        tpu.vector_store %arg10[%swap3A_373, %swap3A_374], %swap3A_377 {strides = array<i32>} : memref<128x128xf32, #tpu.memory_space<vmem>>, vector<1x16xf32>,
        %get3A_378 = arith.index_cast %add3A_313 : i32 to index
        %get3A_379 = arith.constant 96 : index
        %get3A_380 = tpu.vector_load %arg10[%get3A_378, %get3A_379] {strides = array<i32>} : memref<128x128xf32, #tpu.memory_space<vmem>>, vector<1x16xf32>,
        %get3A_381 = vector.shape_cast %get3A_380 : vector<1x16xf32> to vector<16xf32>
        %mul3A_382 = arith.mulf %get3A_381, %get3A_317 : vector<16xf32>
        %swap3A_383 = arith.index_cast %add3A_313 : i32 to index
        %swap3A_384 = arith.constant 96 : index
        %swap3A_385 = tpu.vector_load %arg10[%swap3A_383, %swap3A_384] {strides = array<i32>} : memref<128x128xf32, #tpu.memory_space<vmem>>, vector<1x16xf32>,
        %swap3A_386 = vector.shape_cast %swap3A_385 : vector<1x16xf32> to vector<16xf32>
        %swap3A_387 = vector.shape_cast %mul3A_382 : vector<16xf32> to vector<1x16xf32>
        tpu.vector_store %arg10[%swap3A_383, %swap3A_384], %swap3A_387 {strides = array<i32>} : memref<128x128xf32, #tpu.memory_space<vmem>>, vector<1x16xf32>,
        %get3A_388 = arith.index_cast %add3A_313 : i32 to index
        %get3A_389 = arith.constant 112 : index
        %get3A_390 = tpu.vector_load %arg10[%get3A_388, %get3A_389] {strides = array<i32>} : memref<128x128xf32, #tpu.memory_space<vmem>>, vector<1x16xf32>,
        %get3A_391 = vector.shape_cast %get3A_390 : vector<1x16xf32> to vector<16xf32>
        %mul3A_392 = arith.mulf %get3A_391, %get3A_317 : vector<16xf32>
        %swap3A_393 = arith.index_cast %add3A_313 : i32 to index
        %swap3A_394 = arith.constant 112 : index
        %swap3A_395 = tpu.vector_load %arg10[%swap3A_393, %swap3A_394] {strides = array<i32>} : memref<128x128xf32, #tpu.memory_space<vmem>>, vector<1x16xf32>,
        %swap3A_396 = vector.shape_cast %swap3A_395 : vector<1x16xf32> to vector<16xf32>
        %swap3A_397 = vector.shape_cast %mul3A_392 : vector<16xf32> to vector<1x16xf32>
        tpu.vector_store %arg10[%swap3A_393, %swap3A_394], %swap3A_397 {strides = array<i32>} : memref<128x128xf32, #tpu.memory_space<vmem>>, vector<1x16xf32>,
      }
      %scan3A_41 = arith.constant 32 : i32
      %run_scoped3A_42 = arith.constant 0 : i32
      "tpu.region"() ({
        %run_scoped3A_43 = tpu.sem_alloc : memref<!tpu.dma_semaphore, #tpu.memory_space<semaphore_mem>>
        %dma_start3A = arith.constant 0 : i32
        %dma_start3A_44 = tpu.memref_slice %arg8[%run_scoped3A_42, %dma_start3A] : memref<1x128xi32, #tpu.memory_space<vmem>> -> memref<1x128xi32, #tpu.memory_space<vmem>>
        %dma_start3A_45 = tpu.memref_squeeze %dma_start3A_44 : memref<1x128xi32, #tpu.memory_space<vmem>> -> memref<128xi32, #tpu.memory_space<vmem>>
        %dma_start3A_46 = arith.constant 0 : i32
        %dma_start3A_47 = arith.constant 0 : i32
        %dma_start3A_48 = tpu.memref_slice %arg11[%dma_start3A_46, %dma_start3A_47] : memref<10112x128xf32, #tpu.memory_space<vmem_shared>> -> memref<10112x128xf32, #tpu.memory_space<vmem_shared>>
        tpu.enqueue_indirect_dma source(%arg10 : memref<128x128xf32, #tpu.memory_space<vmem>>) target(%dma_start3A_48 : memref<10112x128xf32, #tpu.memory_space<vmem_shared>>) offsets(%dma_start3A_45 : memref<128xi32, #tpu.memory_space<vmem>>) semaphore(%run_scoped3A_43 : memref<!tpu.dma_semaphore, #tpu.memory_space<semaphore_mem>>) {add = true}
        %dma_wait3A = arith.constant 0 : i32
        %dma_wait3A_49 = tpu.memref_slice %arg8[%run_scoped3A_42, %dma_wait3A] : memref<1x128xi32, #tpu.memory_space<vmem>> -> memref<1x128xi32, #tpu.memory_space<vmem>>
        %dma_wait3A_50 = tpu.memref_squeeze %dma_wait3A_49 : memref<1x128xi32, #tpu.memory_space<vmem>> -> memref<128xi32, #tpu.memory_space<vmem>>
        %dma_wait3A_51 = arith.constant 0 : i32
        %dma_wait3A_52 = arith.constant 0 : i32
        %dma_wait3A_53 = tpu.memref_slice %arg11[%dma_wait3A_51, %dma_wait3A_52] : memref<10112x128xf32, #tpu.memory_space<vmem_shared>> -> memref<10112x128xf32, #tpu.memory_space<vmem_shared>>
        tpu.wait_indirect_dma semaphore(%run_scoped3A_43 : memref<!tpu.dma_semaphore, #tpu.memory_space<semaphore_mem>>) src(%arg10 : memref<128x128xf32, #tpu.memory_space<vmem>>) dst(%dma_wait3A_53 : memref<10112x128xf32, #tpu.memory_space<vmem_shared>>)
        tpu.yield
      }) : () -> ()
    }
    %scan3A_18 = arith.constant 79 : i32
    %barrier3A_19 = arith.constant 0 : index
    tpu.barrier barrier_id(%barrier3A_19)
    %scan3A_20 = arith.constant 0 : i32
    %scan3A_21 = arith.constant 4 : i32
    %scan3A_22 = arith.addi %scan3A_20, %scan3A_21 : i32
    %scan3A_23 = arith.constant 1 : i32
    scf.for %scan3A_29 = %scan3A_20 to %scan3A_22 step %scan3A_23  : i32 {
      %mul3A_30 = arith.constant 1 : i32
      %mul3A_31 = arith.muli %scan3A_29, %mul3A_30 : i32
      %add3A_32 = arith.constant 0 : i32
      %add3A_33 = arith.addi %add3A_32, %mul3A_31 : i32
      %mul3A_34 = arith.constant 632 : i32
      %mul3A_35 = arith.muli %arg1, %mul3A_34 : i32
      %mul3A_36 = arith.constant 128 : i32
      %mul3A_37 = arith.muli %add3A_33, %mul3A_36 : i32
      %add3A_38 = arith.addi %mul3A_35, %mul3A_37 : i32
      "tpu.region"() ({
        %run_scoped3A = tpu.sem_alloc : memref<!tpu.dma_semaphore, #tpu.memory_space<semaphore_mem>>
        %dma_start3A = arith.constant 0 : i32
        %dma_start3A_39 = tpu.memref_slice %arg11[%add3A_38, %dma_start3A] : memref<10112x128xf32, #tpu.memory_space<vmem_shared>> -> memref<128x128xf32, #tpu.memory_space<vmem_shared>>
        %dma_start3A_40 = arith.constant 0 : i32
        %dma_start3A_41 = tpu.memref_slice %arg11[%add3A_38, %dma_start3A_40] : memref<10112x128xf32, #tpu.memory_space<vmem_shared>> -> memref<128x128xf32, #tpu.memory_space<vmem_shared>>
        tpu.enqueue_dma source(%dma_start3A_41 : memref<128x128xf32, #tpu.memory_space<vmem_shared>>) target(%arg10 : memref<128x128xf32, #tpu.memory_space<vmem>>) target_semaphore(%run_scoped3A : memref<!tpu.dma_semaphore, #tpu.memory_space<semaphore_mem>>)
        %dma_wait3A = arith.constant 0 : i32
        %dma_wait3A_42 = tpu.memref_slice %arg11[%add3A_38, %dma_wait3A] : memref<10112x128xf32, #tpu.memory_space<vmem_shared>> -> memref<128x128xf32, #tpu.memory_space<vmem_shared>>
        %dma_wait3A_43 = arith.constant 0 : i32
        %dma_wait3A_44 = tpu.memref_slice %arg11[%add3A_38, %dma_wait3A_43] : memref<10112x128xf32, #tpu.memory_space<vmem_shared>> -> memref<128x128xf32, #tpu.memory_space<vmem_shared>>
        tpu.wait_dma2 semaphore(%run_scoped3A : memref<!tpu.dma_semaphore, #tpu.memory_space<semaphore_mem>>) src(%dma_wait3A_44 : memref<128x128xf32, #tpu.memory_space<vmem_shared>>) dst(%arg10 : memref<128x128xf32, #tpu.memory_space<vmem>>)
        tpu.yield
      }) : () -> ()
      "tpu.region"() ({
        %run_scoped3A = tpu.sem_alloc : memref<!tpu.dma_semaphore, #tpu.memory_space<semaphore_mem>>
        %dma_start3A = arith.constant 0 : i32
        %dma_start3A_39 = arith.constant 0 : i32
        %dma_start3A_40 = tpu.memref_slice %arg6[%arg0, %dma_start3A, %dma_start3A_39] : memref<2x10112x128xf32, #tpu.memory_space<hbm>> -> memref<1x10112x128xf32, #tpu.memory_space<hbm>>
        %dma_start3A_41 = tpu.memref_squeeze %dma_start3A_40 : memref<1x10112x128xf32, #tpu.memory_space<hbm>> -> memref<10112x128xf32, #tpu.memory_space<hbm>>
        %dma_start3A_42 = arith.constant 0 : i32
        %dma_start3A_43 = tpu.memref_slice %dma_start3A_41[%add3A_38, %dma_start3A_42] : memref<10112x128xf32, #tpu.memory_space<hbm>> -> memref<128x128xf32, #tpu.memory_space<hbm>>
        %dma_start3A_44 = arith.constant 0 : i32
        %dma_start3A_45 = arith.constant 0 : i32
        %dma_start3A_46 = tpu.memref_slice %arg6[%arg0, %dma_start3A_44, %dma_start3A_45] : memref<2x10112x128xf32, #tpu.memory_space<hbm>> -> memref<1x10112x128xf32, #tpu.memory_space<hbm>>
        %dma_start3A_47 = tpu.memref_squeeze %dma_start3A_46 : memref<1x10112x128xf32, #tpu.memory_space<hbm>> -> memref<10112x128xf32, #tpu.memory_space<hbm>>
        %dma_start3A_48 = arith.constant 0 : i32
        %dma_start3A_49 = tpu.memref_slice %dma_start3A_47[%add3A_38, %dma_start3A_48] : memref<10112x128xf32, #tpu.memory_space<hbm>> -> memref<128x128xf32, #tpu.memory_space<hbm>>
        tpu.enqueue_dma source(%arg10 : memref<128x128xf32, #tpu.memory_space<vmem>>) target(%dma_start3A_49 : memref<128x128xf32, #tpu.memory_space<hbm>>) target_semaphore(%run_scoped3A : memref<!tpu.dma_semaphore, #tpu.memory_space<semaphore_mem>>)
        %dma_wait3A = arith.constant 0 : i32
        %dma_wait3A_50 = arith.constant 0 : i32
        %dma_wait3A_51 = tpu.memref_slice %arg6[%arg0, %dma_wait3A, %dma_wait3A_50] : memref<2x10112x128xf32, #tpu.memory_space<hbm>> -> memref<1x10112x128xf32, #tpu.memory_space<hbm>>
        %dma_wait3A_52 = tpu.memref_squeeze %dma_wait3A_51 : memref<1x10112x128xf32, #tpu.memory_space<hbm>> -> memref<10112x128xf32, #tpu.memory_space<hbm>>
        %dma_wait3A_53 = arith.constant 0 : i32
        %dma_wait3A_54 = tpu.memref_slice %dma_wait3A_52[%add3A_38, %dma_wait3A_53] : memref<10112x128xf32, #tpu.memory_space<hbm>> -> memref<128x128xf32, #tpu.memory_space<hbm>>
        %dma_wait3A_55 = arith.constant 0 : i32
        %dma_wait3A_56 = arith.constant 0 : i32
        %dma_wait3A_57 = tpu.memref_slice %arg6[%arg0, %dma_wait3A_55, %dma_wait3A_56] : memref<2x10112x128xf32, #tpu.memory_space<hbm>> -> memref<1x10112x128xf32, #tpu.memory_space<hbm>>
        %dma_wait3A_58 = tpu.memref_squeeze %dma_wait3A_57 : memref<1x10112x128xf32, #tpu.memory_space<hbm>> -> memref<10112x128xf32, #tpu.memory_space<hbm>>
        %dma_wait3A_59 = arith.constant 0 : i32
        %dma_wait3A_60 = tpu.memref_slice %dma_wait3A_58[%add3A_38, %dma_wait3A_59] : memref<10112x128xf32, #tpu.memory_space<hbm>> -> memref<128x128xf32, #tpu.memory_space<hbm>>
        tpu.wait_dma2 semaphore(%run_scoped3A : memref<!tpu.dma_semaphore, #tpu.memory_space<semaphore_mem>>) src(%arg10 : memref<128x128xf32, #tpu.memory_space<vmem>>) dst(%dma_wait3A_60 : memref<128x128xf32, #tpu.memory_space<hbm>>)
        tpu.yield
      }) : () -> ()
    }
    %scan3A_24 = arith.constant 4 : i32
    %mul3A_25 = arith.constant 632 : i32
    %mul3A_26 = arith.muli %arg1, %mul3A_25 : i32
    %add3A_27 = arith.constant 512 : i32
    %add3A_28 = arith.addi %mul3A_26, %add3A_27 : i32
    "tpu.region"() ({
      %run_scoped3A = tpu.sem_alloc : memref<!tpu.dma_semaphore, #tpu.memory_space<semaphore_mem>>
      %dma_start3A = arith.constant 0 : i32
      %dma_start3A_29 = arith.constant 0 : i32
      %dma_start3A_30 = tpu.memref_slice %arg10[%dma_start3A, %dma_start3A_29] : memref<128x128xf32, #tpu.memory_space<vmem>> -> memref<120x128xf32, #tpu.memory_space<vmem>>
      %dma_start3A_31 = arith.constant 0 : i32
      %dma_start3A_32 = tpu.memref_slice %arg11[%add3A_28, %dma_start3A_31] : memref<10112x128xf32, #tpu.memory_space<vmem_shared>> -> memref<120x128xf32, #tpu.memory_space<vmem_shared>>
      %dma_start3A_33 = arith.constant 0 : i32
      %dma_start3A_34 = arith.constant 0 : i32
      %dma_start3A_35 = tpu.memref_slice %arg10[%dma_start3A_33, %dma_start3A_34] : memref<128x128xf32, #tpu.memory_space<vmem>> -> memref<120x128xf32, #tpu.memory_space<vmem>>
      %dma_start3A_36 = arith.constant 0 : i32
      %dma_start3A_37 = tpu.memref_slice %arg11[%add3A_28, %dma_start3A_36] : memref<10112x128xf32, #tpu.memory_space<vmem_shared>> -> memref<120x128xf32, #tpu.memory_space<vmem_shared>>
      tpu.enqueue_dma source(%dma_start3A_37 : memref<120x128xf32, #tpu.memory_space<vmem_shared>>) target(%dma_start3A_35 : memref<120x128xf32, #tpu.memory_space<vmem>>) target_semaphore(%run_scoped3A : memref<!tpu.dma_semaphore, #tpu.memory_space<semaphore_mem>>)
      %dma_wait3A = arith.constant 0 : i32
      %dma_wait3A_38 = arith.constant 0 : i32
      %dma_wait3A_39 = tpu.memref_slice %arg10[%dma_wait3A, %dma_wait3A_38] : memref<128x128xf32, #tpu.memory_space<vmem>> -> memref<120x128xf32, #tpu.memory_space<vmem>>
      %dma_wait3A_40 = arith.constant 0 : i32
      %dma_wait3A_41 = tpu.memref_slice %arg11[%add3A_28, %dma_wait3A_40] : memref<10112x128xf32, #tpu.memory_space<vmem_shared>> -> memref<120x128xf32, #tpu.memory_space<vmem_shared>>
      %dma_wait3A_42 = arith.constant 0 : i32
      %dma_wait3A_43 = arith.constant 0 : i32
      %dma_wait3A_44 = tpu.memref_slice %arg10[%dma_wait3A_42, %dma_wait3A_43] : memref<128x128xf32, #tpu.memory_space<vmem>> -> memref<120x128xf32, #tpu.memory_space<vmem>>
      %dma_wait3A_45 = arith.constant 0 : i32
      %dma_wait3A_46 = tpu.memref_slice %arg11[%add3A_28, %dma_wait3A_45] : memref<10112x128xf32, #tpu.memory_space<vmem_shared>> -> memref<120x128xf32, #tpu.memory_space<vmem_shared>>
      tpu.wait_dma2 semaphore(%run_scoped3A : memref<!tpu.dma_semaphore, #tpu.memory_space<semaphore_mem>>) src(%dma_wait3A_46 : memref<120x128xf32, #tpu.memory_space<vmem_shared>>) dst(%dma_wait3A_44 : memref<120x128xf32, #tpu.memory_space<vmem>>)
      tpu.yield
    }) : () -> ()
    "tpu.region"() ({
      %run_scoped3A = tpu.sem_alloc : memref<!tpu.dma_semaphore, #tpu.memory_space<semaphore_mem>>
      %dma_start3A = arith.constant 0 : i32
      %dma_start3A_29 = arith.constant 0 : i32
      %dma_start3A_30 = tpu.memref_slice %arg10[%dma_start3A, %dma_start3A_29] : memref<128x128xf32, #tpu.memory_space<vmem>> -> memref<120x128xf32, #tpu.memory_space<vmem>>
      %dma_start3A_31 = arith.constant 0 : i32
      %dma_start3A_32 = arith.constant 0 : i32
      %dma_start3A_33 = tpu.memref_slice %arg6[%arg0, %dma_start3A_31, %dma_start3A_32] : memref<2x10112x128xf32, #tpu.memory_space<hbm>> -> memref<1x10112x128xf32, #tpu.memory_space<hbm>>
      %dma_start3A_34 = tpu.memref_squeeze %dma_start3A_33 : memref<1x10112x128xf32, #tpu.memory_space<hbm>> -> memref<10112x128xf32, #tpu.memory_space<hbm>>
      %dma_start3A_35 = arith.constant 0 : i32
      %dma_start3A_36 = tpu.memref_slice %dma_start3A_34[%add3A_28, %dma_start3A_35] : memref<10112x128xf32, #tpu.memory_space<hbm>> -> memref<120x128xf32, #tpu.memory_space<hbm>>
      %dma_start3A_37 = arith.constant 0 : i32
      %dma_start3A_38 = arith.constant 0 : i32
      %dma_start3A_39 = tpu.memref_slice %arg6[%arg0, %dma_start3A_37, %dma_start3A_38] : memref<2x10112x128xf32, #tpu.memory_space<hbm>> -> memref<1x10112x128xf32, #tpu.memory_space<hbm>>
      %dma_start3A_40 = tpu.memref_squeeze %dma_start3A_39 : memref<1x10112x128xf32, #tpu.memory_space<hbm>> -> memref<10112x128xf32, #tpu.memory_space<hbm>>
      %dma_start3A_41 = arith.constant 0 : i32
      %dma_start3A_42 = tpu.memref_slice %dma_start3A_40[%add3A_28, %dma_start3A_41] : memref<10112x128xf32, #tpu.memory_space<hbm>> -> memref<120x128xf32, #tpu.memory_space<hbm>>
      %dma_start3A_43 = arith.constant 0 : i32
      %dma_start3A_44 = arith.constant 0 : i32
      %dma_start3A_45 = tpu.memref_slice %arg10[%dma_start3A_43, %dma_start3A_44] : memref<128x128xf32, #tpu.memory_space<vmem>> -> memref<120x128xf32, #tpu.memory_space<vmem>>
      tpu.enqueue_dma source(%dma_start3A_45 : memref<120x128xf32, #tpu.memory_space<vmem>>) target(%dma_start3A_42 : memref<120x128xf32, #tpu.memory_space<hbm>>) target_semaphore(%run_scoped3A : memref<!tpu.dma_semaphore, #tpu.memory_space<semaphore_mem>>)
      %dma_wait3A = arith.constant 0 : i32
      %dma_wait3A_46 = arith.constant 0 : i32
      %dma_wait3A_47 = tpu.memref_slice %arg10[%dma_wait3A, %dma_wait3A_46] : memref<128x128xf32, #tpu.memory_space<vmem>> -> memref<120x128xf32, #tpu.memory_space<vmem>>
      %dma_wait3A_48 = arith.constant 0 : i32
      %dma_wait3A_49 = arith.constant 0 : i32
      %dma_wait3A_50 = tpu.memref_slice %arg6[%arg0, %dma_wait3A_48, %dma_wait3A_49] : memref<2x10112x128xf32, #tpu.memory_space<hbm>> -> memref<1x10112x128xf32, #tpu.memory_space<hbm>>
      %dma_wait3A_51 = tpu.memref_squeeze %dma_wait3A_50 : memref<1x10112x128xf32, #tpu.memory_space<hbm>> -> memref<10112x128xf32, #tpu.memory_space<hbm>>
      %dma_wait3A_52 = arith.constant 0 : i32
      %dma_wait3A_53 = tpu.memref_slice %dma_wait3A_51[%add3A_28, %dma_wait3A_52] : memref<10112x128xf32, #tpu.memory_space<hbm>> -> memref<120x128xf32, #tpu.memory_space<hbm>>
      %dma_wait3A_54 = arith.constant 0 : i32
      %dma_wait3A_55 = arith.constant 0 : i32
      %dma_wait3A_56 = tpu.memref_slice %arg6[%arg0, %dma_wait3A_54, %dma_wait3A_55] : memref<2x10112x128xf32, #tpu.memory_space<hbm>> -> memref<1x10112x128xf32, #tpu.memory_space<hbm>>
      %dma_wait3A_57 = tpu.memref_squeeze %dma_wait3A_56 : memref<1x10112x128xf32, #tpu.memory_space<hbm>> -> memref<10112x128xf32, #tpu.memory_space<hbm>>
      %dma_wait3A_58 = arith.constant 0 : i32
      %dma_wait3A_59 = tpu.memref_slice %dma_wait3A_57[%add3A_28, %dma_wait3A_58] : memref<10112x128xf32, #tpu.memory_space<hbm>> -> memref<120x128xf32, #tpu.memory_space<hbm>>
      %dma_wait3A_60 = arith.constant 0 : i32
      %dma_wait3A_61 = arith.constant 0 : i32
      %dma_wait3A_62 = tpu.memref_slice %arg10[%dma_wait3A_60, %dma_wait3A_61] : memref<128x128xf32, #tpu.memory_space<vmem>> -> memref<120x128xf32, #tpu.memory_space<vmem>>
      tpu.wait_dma2 semaphore(%run_scoped3A : memref<!tpu.dma_semaphore, #tpu.memory_space<semaphore_mem>>) src(%dma_wait3A_62 : memref<120x128xf32, #tpu.memory_space<vmem>>) dst(%dma_wait3A_59 : memref<120x128xf32, #tpu.memory_space<hbm>>)
      tpu.yield
    }) : () -> ()
    return
  }
}

#map = affine_map<(d0, d1) -> (0, 0)>
#map1 = affine_map<(d0, d1) -> (0, 0, 0)>
module attributes {stable_mosaic.version = 14 : i64} {
  func.func @_edge_body(%arg0: i32, %arg1: i32, %arg2: memref<10000x128xf32, #tpu.memory_space<hbm>>, %arg3: memref<2528x1x128xi32, #tpu.memory_space<hbm>>, %arg4: memref<2528x1x128xi32, #tpu.memory_space<hbm>>, %arg5: memref<2528x128x16xf32, #tpu.memory_space<hbm>>, %arg6: memref<2x10112x128xf32, #tpu.memory_space<hbm>>, %arg7: memref<1x128xi32, #tpu.memory_space<vmem>>, %arg8: memref<1x128xi32, #tpu.memory_space<vmem>>, %arg9: memref<128x16xf32, #tpu.memory_space<vmem>>, %arg10: memref<128x128xf32, #tpu.memory_space<vmem>>, %arg11: memref<10112x128xf32, #tpu.memory_space<vmem_shared>>) attributes {dimension_semantics = [#tpu.dimension_semantics<core_parallel>, #tpu.dimension_semantics<subcore_parallel>], iteration_bounds = array<i64: 2, 16>, scalar_prefetch = 0 : i64, scratch_operands = 5 : i64, tpu.core_type = #tpu.core_type<sc_vector_subcore>, window_params = [{transform_indices = #map}, {transform_indices = #map1}, {transform_indices = #map1}, {transform_indices = #map1}, {transform_indices = #map1}]} {
    %mul3A = arith.constant 16 : i32
    %mul3A_0 = arith.muli %arg0, %mul3A : i32
    %add3A = arith.addi %mul3A_0, %arg1 : i32
    %scan3A = arith.constant 0 : i32
    %scan3A_1 = arith.constant 128 : i32
    %scan3A_2 = arith.addi %scan3A, %scan3A_1 : i32
    %scan3A_3 = arith.constant 1 : i32
    scf.for %scan3A_29 = %scan3A to %scan3A_2 step %scan3A_3  : i32 {
      %mul3A_30 = arith.constant 1 : i32
      %mul3A_31 = arith.muli %scan3A_29, %mul3A_30 : i32
      %add3A_32 = arith.constant 0 : i32
      %add3A_33 = arith.addi %add3A_32, %mul3A_31 : i32
      %broadcast_in_dim3A = arith.constant 0.000000e+00 : f32
      %broadcast_in_dim3A_34 = vector.broadcast %broadcast_in_dim3A : f32 to vector<16xf32>
      %swap3A = arith.index_cast %add3A_33 : i32 to index
      %swap3A_35 = arith.constant 0 : index
      %swap3A_36 = tpu.vector_load %arg10[%swap3A, %swap3A_35] {strides = array<i32>} : memref<128x128xf32, #tpu.memory_space<vmem>>, vector<1x16xf32>,
      %swap3A_37 = vector.shape_cast %swap3A_36 : vector<1x16xf32> to vector<16xf32>
      %swap3A_38 = vector.shape_cast %broadcast_in_dim3A_34 : vector<16xf32> to vector<1x16xf32>
      tpu.vector_store %arg10[%swap3A, %swap3A_35], %swap3A_38 {strides = array<i32>} : memref<128x128xf32, #tpu.memory_space<vmem>>, vector<1x16xf32>,
      %broadcast_in_dim3A_39 = arith.constant 0.000000e+00 : f32
      %broadcast_in_dim3A_40 = vector.broadcast %broadcast_in_dim3A_39 : f32 to vector<16xf32>
      %swap3A_41 = arith.index_cast %add3A_33 : i32 to index
      %swap3A_42 = arith.constant 16 : index
      %swap3A_43 = tpu.vector_load %arg10[%swap3A_41, %swap3A_42] {strides = array<i32>} : memref<128x128xf32, #tpu.memory_space<vmem>>, vector<1x16xf32>,
      %swap3A_44 = vector.shape_cast %swap3A_43 : vector<1x16xf32> to vector<16xf32>
      %swap3A_45 = vector.shape_cast %broadcast_in_dim3A_40 : vector<16xf32> to vector<1x16xf32>
      tpu.vector_store %arg10[%swap3A_41, %swap3A_42], %swap3A_45 {strides = array<i32>} : memref<128x128xf32, #tpu.memory_space<vmem>>, vector<1x16xf32>,
      %broadcast_in_dim3A_46 = arith.constant 0.000000e+00 : f32
      %broadcast_in_dim3A_47 = vector.broadcast %broadcast_in_dim3A_46 : f32 to vector<16xf32>
      %swap3A_48 = arith.index_cast %add3A_33 : i32 to index
      %swap3A_49 = arith.constant 32 : index
      %swap3A_50 = tpu.vector_load %arg10[%swap3A_48, %swap3A_49] {strides = array<i32>} : memref<128x128xf32, #tpu.memory_space<vmem>>, vector<1x16xf32>,
      %swap3A_51 = vector.shape_cast %swap3A_50 : vector<1x16xf32> to vector<16xf32>
      %swap3A_52 = vector.shape_cast %broadcast_in_dim3A_47 : vector<16xf32> to vector<1x16xf32>
      tpu.vector_store %arg10[%swap3A_48, %swap3A_49], %swap3A_52 {strides = array<i32>} : memref<128x128xf32, #tpu.memory_space<vmem>>, vector<1x16xf32>,
      %broadcast_in_dim3A_53 = arith.constant 0.000000e+00 : f32
      %broadcast_in_dim3A_54 = vector.broadcast %broadcast_in_dim3A_53 : f32 to vector<16xf32>
      %swap3A_55 = arith.index_cast %add3A_33 : i32 to index
      %swap3A_56 = arith.constant 48 : index
      %swap3A_57 = tpu.vector_load %arg10[%swap3A_55, %swap3A_56] {strides = array<i32>} : memref<128x128xf32, #tpu.memory_space<vmem>>, vector<1x16xf32>,
      %swap3A_58 = vector.shape_cast %swap3A_57 : vector<1x16xf32> to vector<16xf32>
      %swap3A_59 = vector.shape_cast %broadcast_in_dim3A_54 : vector<16xf32> to vector<1x16xf32>
      tpu.vector_store %arg10[%swap3A_55, %swap3A_56], %swap3A_59 {strides = array<i32>} : memref<128x128xf32, #tpu.memory_space<vmem>>, vector<1x16xf32>,
      %broadcast_in_dim3A_60 = arith.constant 0.000000e+00 : f32
      %broadcast_in_dim3A_61 = vector.broadcast %broadcast_in_dim3A_60 : f32 to vector<16xf32>
      %swap3A_62 = arith.index_cast %add3A_33 : i32 to index
      %swap3A_63 = arith.constant 64 : index
      %swap3A_64 = tpu.vector_load %arg10[%swap3A_62, %swap3A_63] {strides = array<i32>} : memref<128x128xf32, #tpu.memory_space<vmem>>, vector<1x16xf32>,
      %swap3A_65 = vector.shape_cast %swap3A_64 : vector<1x16xf32> to vector<16xf32>
      %swap3A_66 = vector.shape_cast %broadcast_in_dim3A_61 : vector<16xf32> to vector<1x16xf32>
      tpu.vector_store %arg10[%swap3A_62, %swap3A_63], %swap3A_66 {strides = array<i32>} : memref<128x128xf32, #tpu.memory_space<vmem>>, vector<1x16xf32>,
      %broadcast_in_dim3A_67 = arith.constant 0.000000e+00 : f32
      %broadcast_in_dim3A_68 = vector.broadcast %broadcast_in_dim3A_67 : f32 to vector<16xf32>
      %swap3A_69 = arith.index_cast %add3A_33 : i32 to index
      %swap3A_70 = arith.constant 80 : index
      %swap3A_71 = tpu.vector_load %arg10[%swap3A_69, %swap3A_70] {strides = array<i32>} : memref<128x128xf32, #tpu.memory_space<vmem>>, vector<1x16xf32>,
      %swap3A_72 = vector.shape_cast %swap3A_71 : vector<1x16xf32> to vector<16xf32>
      %swap3A_73 = vector.shape_cast %broadcast_in_dim3A_68 : vector<16xf32> to vector<1x16xf32>
      tpu.vector_store %arg10[%swap3A_69, %swap3A_70], %swap3A_73 {strides = array<i32>} : memref<128x128xf32, #tpu.memory_space<vmem>>, vector<1x16xf32>,
      %broadcast_in_dim3A_74 = arith.constant 0.000000e+00 : f32
      %broadcast_in_dim3A_75 = vector.broadcast %broadcast_in_dim3A_74 : f32 to vector<16xf32>
      %swap3A_76 = arith.index_cast %add3A_33 : i32 to index
      %swap3A_77 = arith.constant 96 : index
      %swap3A_78 = tpu.vector_load %arg10[%swap3A_76, %swap3A_77] {strides = array<i32>} : memref<128x128xf32, #tpu.memory_space<vmem>>, vector<1x16xf32>,
      %swap3A_79 = vector.shape_cast %swap3A_78 : vector<1x16xf32> to vector<16xf32>
      %swap3A_80 = vector.shape_cast %broadcast_in_dim3A_75 : vector<16xf32> to vector<1x16xf32>
      tpu.vector_store %arg10[%swap3A_76, %swap3A_77], %swap3A_80 {strides = array<i32>} : memref<128x128xf32, #tpu.memory_space<vmem>>, vector<1x16xf32>,
      %broadcast_in_dim3A_81 = arith.constant 0.000000e+00 : f32
      %broadcast_in_dim3A_82 = vector.broadcast %broadcast_in_dim3A_81 : f32 to vector<16xf32>
      %swap3A_83 = arith.index_cast %add3A_33 : i32 to index
      %swap3A_84 = arith.constant 112 : index
      %swap3A_85 = tpu.vector_load %arg10[%swap3A_83, %swap3A_84] {strides = array<i32>} : memref<128x128xf32, #tpu.memory_space<vmem>>, vector<1x16xf32>,
      %swap3A_86 = vector.shape_cast %swap3A_85 : vector<1x16xf32> to vector<16xf32>
      %swap3A_87 = vector.shape_cast %broadcast_in_dim3A_82 : vector<16xf32> to vector<1x16xf32>
      tpu.vector_store %arg10[%swap3A_83, %swap3A_84], %swap3A_87 {strides = array<i32>} : memref<128x128xf32, #tpu.memory_space<vmem>>, vector<1x16xf32>,
    }
    %scan3A_4 = arith.constant 128 : i32
    %scan3A_5 = arith.constant 0 : i32
    %scan3A_6 = arith.constant 4 : i32
    %scan3A_7 = arith.addi %scan3A_5, %scan3A_6 : i32
    %scan3A_8 = arith.constant 1 : i32
    scf.for %scan3A_29 = %scan3A_5 to %scan3A_7 step %scan3A_8  : i32 {
      %mul3A_30 = arith.constant 1 : i32
      %mul3A_31 = arith.muli %scan3A_29, %mul3A_30 : i32
      %add3A_32 = arith.constant 0 : i32
      %add3A_33 = arith.addi %add3A_32, %mul3A_31 : i32
      %mul3A_34 = arith.constant 632 : i32
      %mul3A_35 = arith.muli %arg1, %mul3A_34 : i32
      %mul3A_36 = arith.constant 128 : i32
      %mul3A_37 = arith.muli %add3A_33, %mul3A_36 : i32
      %add3A_38 = arith.addi %mul3A_35, %mul3A_37 : i32
      "tpu.region"() ({
        %run_scoped3A = tpu.sem_alloc : memref<!tpu.dma_semaphore, #tpu.memory_space<semaphore_mem>>
        %dma_start3A = arith.constant 0 : i32
        %dma_start3A_39 = tpu.memref_slice %arg11[%add3A_38, %dma_start3A] : memref<10112x128xf32, #tpu.memory_space<vmem_shared>> -> memref<128x128xf32, #tpu.memory_space<vmem_shared>>
        %dma_start3A_40 = arith.constant 0 : i32
        %dma_start3A_41 = tpu.memref_slice %arg11[%add3A_38, %dma_start3A_40] : memref<10112x128xf32, #tpu.memory_space<vmem_shared>> -> memref<128x128xf32, #tpu.memory_space<vmem_shared>>
        tpu.enqueue_dma source(%arg10 : memref<128x128xf32, #tpu.memory_space<vmem>>) target(%dma_start3A_41 : memref<128x128xf32, #tpu.memory_space<vmem_shared>>) target_semaphore(%run_scoped3A : memref<!tpu.dma_semaphore, #tpu.memory_space<semaphore_mem>>)
        %dma_wait3A = arith.constant 0 : i32
        %dma_wait3A_42 = tpu.memref_slice %arg11[%add3A_38, %dma_wait3A] : memref<10112x128xf32, #tpu.memory_space<vmem_shared>> -> memref<128x128xf32, #tpu.memory_space<vmem_shared>>
        %dma_wait3A_43 = arith.constant 0 : i32
        %dma_wait3A_44 = tpu.memref_slice %arg11[%add3A_38, %dma_wait3A_43] : memref<10112x128xf32, #tpu.memory_space<vmem_shared>> -> memref<128x128xf32, #tpu.memory_space<vmem_shared>>
        tpu.wait_dma2 semaphore(%run_scoped3A : memref<!tpu.dma_semaphore, #tpu.memory_space<semaphore_mem>>) src(%arg10 : memref<128x128xf32, #tpu.memory_space<vmem>>) dst(%dma_wait3A_44 : memref<128x128xf32, #tpu.memory_space<vmem_shared>>)
        tpu.yield
      }) : () -> ()
    }
    %scan3A_9 = arith.constant 4 : i32
    %mul3A_10 = arith.constant 632 : i32
    %mul3A_11 = arith.muli %arg1, %mul3A_10 : i32
    %add3A_12 = arith.constant 512 : i32
    %add3A_13 = arith.addi %mul3A_11, %add3A_12 : i32
    "tpu.region"() ({
      %run_scoped3A = tpu.sem_alloc : memref<!tpu.dma_semaphore, #tpu.memory_space<semaphore_mem>>
      %dma_start3A = arith.constant 0 : i32
      %dma_start3A_29 = arith.constant 0 : i32
      %dma_start3A_30 = tpu.memref_slice %arg10[%dma_start3A, %dma_start3A_29] : memref<128x128xf32, #tpu.memory_space<vmem>> -> memref<120x128xf32, #tpu.memory_space<vmem>>
      %dma_start3A_31 = arith.constant 0 : i32
      %dma_start3A_32 = tpu.memref_slice %arg11[%add3A_13, %dma_start3A_31] : memref<10112x128xf32, #tpu.memory_space<vmem_shared>> -> memref<120x128xf32, #tpu.memory_space<vmem_shared>>
      %dma_start3A_33 = arith.constant 0 : i32
      %dma_start3A_34 = tpu.memref_slice %arg11[%add3A_13, %dma_start3A_33] : memref<10112x128xf32, #tpu.memory_space<vmem_shared>> -> memref<120x128xf32, #tpu.memory_space<vmem_shared>>
      %dma_start3A_35 = arith.constant 0 : i32
      %dma_start3A_36 = arith.constant 0 : i32
      %dma_start3A_37 = tpu.memref_slice %arg10[%dma_start3A_35, %dma_start3A_36] : memref<128x128xf32, #tpu.memory_space<vmem>> -> memref<120x128xf32, #tpu.memory_space<vmem>>
      tpu.enqueue_dma source(%dma_start3A_37 : memref<120x128xf32, #tpu.memory_space<vmem>>) target(%dma_start3A_34 : memref<120x128xf32, #tpu.memory_space<vmem_shared>>) target_semaphore(%run_scoped3A : memref<!tpu.dma_semaphore, #tpu.memory_space<semaphore_mem>>)
      %dma_wait3A = arith.constant 0 : i32
      %dma_wait3A_38 = arith.constant 0 : i32
      %dma_wait3A_39 = tpu.memref_slice %arg10[%dma_wait3A, %dma_wait3A_38] : memref<128x128xf32, #tpu.memory_space<vmem>> -> memref<120x128xf32, #tpu.memory_space<vmem>>
      %dma_wait3A_40 = arith.constant 0 : i32
      %dma_wait3A_41 = tpu.memref_slice %arg11[%add3A_13, %dma_wait3A_40] : memref<10112x128xf32, #tpu.memory_space<vmem_shared>> -> memref<120x128xf32, #tpu.memory_space<vmem_shared>>
      %dma_wait3A_42 = arith.constant 0 : i32
      %dma_wait3A_43 = tpu.memref_slice %arg11[%add3A_13, %dma_wait3A_42] : memref<10112x128xf32, #tpu.memory_space<vmem_shared>> -> memref<120x128xf32, #tpu.memory_space<vmem_shared>>
      %dma_wait3A_44 = arith.constant 0 : i32
      %dma_wait3A_45 = arith.constant 0 : i32
      %dma_wait3A_46 = tpu.memref_slice %arg10[%dma_wait3A_44, %dma_wait3A_45] : memref<128x128xf32, #tpu.memory_space<vmem>> -> memref<120x128xf32, #tpu.memory_space<vmem>>
      tpu.wait_dma2 semaphore(%run_scoped3A : memref<!tpu.dma_semaphore, #tpu.memory_space<semaphore_mem>>) src(%dma_wait3A_46 : memref<120x128xf32, #tpu.memory_space<vmem>>) dst(%dma_wait3A_43 : memref<120x128xf32, #tpu.memory_space<vmem_shared>>)
      tpu.yield
    }) : () -> ()
    %barrier3A = arith.constant 0 : index
    tpu.barrier barrier_id(%barrier3A)
    %scan3A_14 = arith.constant 0 : i32
    %scan3A_15 = arith.constant 79 : i32
    %scan3A_16 = arith.addi %scan3A_14, %scan3A_15 : i32
    %scan3A_17 = arith.constant 1 : i32
    scf.for %scan3A_29 = %scan3A_14 to %scan3A_16 step %scan3A_17  : i32 {
      %mul3A_30 = arith.constant 1 : i32
      %mul3A_31 = arith.muli %scan3A_29, %mul3A_30 : i32
      %add3A_32 = arith.constant 0 : i32
      %add3A_33 = arith.addi %add3A_32, %mul3A_31 : i32
      %mul3A_34 = arith.constant 79 : i32
      %mul3A_35 = arith.muli %add3A, %mul3A_34 : i32
      %add3A_36 = arith.addi %mul3A_35, %add3A_33 : i32
      "tpu.region"() ({
        %run_scoped3A_43 = tpu.sem_alloc : memref<!tpu.dma_semaphore, #tpu.memory_space<semaphore_mem>>
        %dma_start3A = arith.constant 0 : i32
        %dma_start3A_44 = arith.constant 0 : i32
        %dma_start3A_45 = tpu.memref_slice %arg3[%add3A_36, %dma_start3A, %dma_start3A_44] : memref<2528x1x128xi32, #tpu.memory_space<hbm>> -> memref<1x1x128xi32, #tpu.memory_space<hbm>>
        %dma_start3A_46 = tpu.memref_squeeze %dma_start3A_45 : memref<1x1x128xi32, #tpu.memory_space<hbm>> -> memref<1x128xi32, #tpu.memory_space<hbm>>
        %dma_start3A_47 = arith.constant 0 : i32
        %dma_start3A_48 = arith.constant 0 : i32
        %dma_start3A_49 = tpu.memref_slice %arg3[%add3A_36, %dma_start3A_47, %dma_start3A_48] : memref<2528x1x128xi32, #tpu.memory_space<hbm>> -> memref<1x1x128xi32, #tpu.memory_space<hbm>>
        %dma_start3A_50 = tpu.memref_squeeze %dma_start3A_49 : memref<1x1x128xi32, #tpu.memory_space<hbm>> -> memref<1x128xi32, #tpu.memory_space<hbm>>
        tpu.enqueue_dma source(%dma_start3A_50 : memref<1x128xi32, #tpu.memory_space<hbm>>) target(%arg7 : memref<1x128xi32, #tpu.memory_space<vmem>>) target_semaphore(%run_scoped3A_43 : memref<!tpu.dma_semaphore, #tpu.memory_space<semaphore_mem>>)
        %dma_wait3A = arith.constant 0 : i32
        %dma_wait3A_51 = arith.constant 0 : i32
        %dma_wait3A_52 = tpu.memref_slice %arg3[%add3A_36, %dma_wait3A, %dma_wait3A_51] : memref<2528x1x128xi32, #tpu.memory_space<hbm>> -> memref<1x1x128xi32, #tpu.memory_space<hbm>>
        %dma_wait3A_53 = tpu.memref_squeeze %dma_wait3A_52 : memref<1x1x128xi32, #tpu.memory_space<hbm>> -> memref<1x128xi32, #tpu.memory_space<hbm>>
        %dma_wait3A_54 = arith.constant 0 : i32
        %dma_wait3A_55 = arith.constant 0 : i32
        %dma_wait3A_56 = tpu.memref_slice %arg3[%add3A_36, %dma_wait3A_54, %dma_wait3A_55] : memref<2528x1x128xi32, #tpu.memory_space<hbm>> -> memref<1x1x128xi32, #tpu.memory_space<hbm>>
        %dma_wait3A_57 = tpu.memref_squeeze %dma_wait3A_56 : memref<1x1x128xi32, #tpu.memory_space<hbm>> -> memref<1x128xi32, #tpu.memory_space<hbm>>
        tpu.wait_dma2 semaphore(%run_scoped3A_43 : memref<!tpu.dma_semaphore, #tpu.memory_space<semaphore_mem>>) src(%dma_wait3A_57 : memref<1x128xi32, #tpu.memory_space<hbm>>) dst(%arg7 : memref<1x128xi32, #tpu.memory_space<vmem>>)
        tpu.yield
      }) : () -> ()
      "tpu.region"() ({
        %run_scoped3A_43 = tpu.sem_alloc : memref<!tpu.dma_semaphore, #tpu.memory_space<semaphore_mem>>
        %dma_start3A = arith.constant 0 : i32
        %dma_start3A_44 = arith.constant 0 : i32
        %dma_start3A_45 = tpu.memref_slice %arg4[%add3A_36, %dma_start3A, %dma_start3A_44] : memref<2528x1x128xi32, #tpu.memory_space<hbm>> -> memref<1x1x128xi32, #tpu.memory_space<hbm>>
        %dma_start3A_46 = tpu.memref_squeeze %dma_start3A_45 : memref<1x1x128xi32, #tpu.memory_space<hbm>> -> memref<1x128xi32, #tpu.memory_space<hbm>>
        %dma_start3A_47 = arith.constant 0 : i32
        %dma_start3A_48 = arith.constant 0 : i32
        %dma_start3A_49 = tpu.memref_slice %arg4[%add3A_36, %dma_start3A_47, %dma_start3A_48] : memref<2528x1x128xi32, #tpu.memory_space<hbm>> -> memref<1x1x128xi32, #tpu.memory_space<hbm>>
        %dma_start3A_50 = tpu.memref_squeeze %dma_start3A_49 : memref<1x1x128xi32, #tpu.memory_space<hbm>> -> memref<1x128xi32, #tpu.memory_space<hbm>>
        tpu.enqueue_dma source(%dma_start3A_50 : memref<1x128xi32, #tpu.memory_space<hbm>>) target(%arg8 : memref<1x128xi32, #tpu.memory_space<vmem>>) target_semaphore(%run_scoped3A_43 : memref<!tpu.dma_semaphore, #tpu.memory_space<semaphore_mem>>)
        %dma_wait3A = arith.constant 0 : i32
        %dma_wait3A_51 = arith.constant 0 : i32
        %dma_wait3A_52 = tpu.memref_slice %arg4[%add3A_36, %dma_wait3A, %dma_wait3A_51] : memref<2528x1x128xi32, #tpu.memory_space<hbm>> -> memref<1x1x128xi32, #tpu.memory_space<hbm>>
        %dma_wait3A_53 = tpu.memref_squeeze %dma_wait3A_52 : memref<1x1x128xi32, #tpu.memory_space<hbm>> -> memref<1x128xi32, #tpu.memory_space<hbm>>
        %dma_wait3A_54 = arith.constant 0 : i32
        %dma_wait3A_55 = arith.constant 0 : i32
        %dma_wait3A_56 = tpu.memref_slice %arg4[%add3A_36, %dma_wait3A_54, %dma_wait3A_55] : memref<2528x1x128xi32, #tpu.memory_space<hbm>> -> memref<1x1x128xi32, #tpu.memory_space<hbm>>
        %dma_wait3A_57 = tpu.memref_squeeze %dma_wait3A_56 : memref<1x1x128xi32, #tpu.memory_space<hbm>> -> memref<1x128xi32, #tpu.memory_space<hbm>>
        tpu.wait_dma2 semaphore(%run_scoped3A_43 : memref<!tpu.dma_semaphore, #tpu.memory_space<semaphore_mem>>) src(%dma_wait3A_57 : memref<1x128xi32, #tpu.memory_space<hbm>>) dst(%arg8 : memref<1x128xi32, #tpu.memory_space<vmem>>)
        tpu.yield
      }) : () -> ()
      "tpu.region"() ({
        %run_scoped3A_43 = tpu.sem_alloc : memref<!tpu.dma_semaphore, #tpu.memory_space<semaphore_mem>>
        %dma_start3A = arith.constant 0 : i32
        %dma_start3A_44 = arith.constant 0 : i32
        %dma_start3A_45 = tpu.memref_slice %arg5[%add3A_36, %dma_start3A, %dma_start3A_44] : memref<2528x128x16xf32, #tpu.memory_space<hbm>> -> memref<1x128x16xf32, #tpu.memory_space<hbm>>
        %dma_start3A_46 = tpu.memref_squeeze %dma_start3A_45 : memref<1x128x16xf32, #tpu.memory_space<hbm>> -> memref<128x16xf32, #tpu.memory_space<hbm>>
        %dma_start3A_47 = arith.constant 0 : i32
        %dma_start3A_48 = arith.constant 0 : i32
        %dma_start3A_49 = tpu.memref_slice %arg5[%add3A_36, %dma_start3A_47, %dma_start3A_48] : memref<2528x128x16xf32, #tpu.memory_space<hbm>> -> memref<1x128x16xf32, #tpu.memory_space<hbm>>
        %dma_start3A_50 = tpu.memref_squeeze %dma_start3A_49 : memref<1x128x16xf32, #tpu.memory_space<hbm>> -> memref<128x16xf32, #tpu.memory_space<hbm>>
        tpu.enqueue_dma source(%dma_start3A_50 : memref<128x16xf32, #tpu.memory_space<hbm>>) target(%arg9 : memref<128x16xf32, #tpu.memory_space<vmem>>) target_semaphore(%run_scoped3A_43 : memref<!tpu.dma_semaphore, #tpu.memory_space<semaphore_mem>>)
        %dma_wait3A = arith.constant 0 : i32
        %dma_wait3A_51 = arith.constant 0 : i32
        %dma_wait3A_52 = tpu.memref_slice %arg5[%add3A_36, %dma_wait3A, %dma_wait3A_51] : memref<2528x128x16xf32, #tpu.memory_space<hbm>> -> memref<1x128x16xf32, #tpu.memory_space<hbm>>
        %dma_wait3A_53 = tpu.memref_squeeze %dma_wait3A_52 : memref<1x128x16xf32, #tpu.memory_space<hbm>> -> memref<128x16xf32, #tpu.memory_space<hbm>>
        %dma_wait3A_54 = arith.constant 0 : i32
        %dma_wait3A_55 = arith.constant 0 : i32
        %dma_wait3A_56 = tpu.memref_slice %arg5[%add3A_36, %dma_wait3A_54, %dma_wait3A_55] : memref<2528x128x16xf32, #tpu.memory_space<hbm>> -> memref<1x128x16xf32, #tpu.memory_space<hbm>>
        %dma_wait3A_57 = tpu.memref_squeeze %dma_wait3A_56 : memref<1x128x16xf32, #tpu.memory_space<hbm>> -> memref<128x16xf32, #tpu.memory_space<hbm>>
        tpu.wait_dma2 semaphore(%run_scoped3A_43 : memref<!tpu.dma_semaphore, #tpu.memory_space<semaphore_mem>>) src(%dma_wait3A_57 : memref<128x16xf32, #tpu.memory_space<hbm>>) dst(%arg9 : memref<128x16xf32, #tpu.memory_space<vmem>>)
        tpu.yield
      }) : () -> ()
      %run_scoped3A = arith.constant 0 : i32
      "tpu.region"() ({
        %run_scoped3A_43 = tpu.sem_alloc : memref<!tpu.dma_semaphore, #tpu.memory_space<semaphore_mem>>
        %dma_start3A = arith.constant 0 : i32
        %dma_start3A_44 = tpu.memref_slice %arg7[%run_scoped3A, %dma_start3A] : memref<1x128xi32, #tpu.memory_space<vmem>> -> memref<1x128xi32, #tpu.memory_space<vmem>>
        %dma_start3A_45 = tpu.memref_squeeze %dma_start3A_44 : memref<1x128xi32, #tpu.memory_space<vmem>> -> memref<128xi32, #tpu.memory_space<vmem>>
        %dma_start3A_46 = arith.constant 0 : i32
        %dma_start3A_47 = arith.constant 0 : i32
        %dma_start3A_48 = tpu.memref_slice %arg2[%dma_start3A_46, %dma_start3A_47] : memref<10000x128xf32, #tpu.memory_space<hbm>> -> memref<10000x128xf32, #tpu.memory_space<hbm>>
        tpu.enqueue_indirect_dma source(%dma_start3A_48 : memref<10000x128xf32, #tpu.memory_space<hbm>>) target(%arg10 : memref<128x128xf32, #tpu.memory_space<vmem>>) offsets(%dma_start3A_45 : memref<128xi32, #tpu.memory_space<vmem>>) semaphore(%run_scoped3A_43 : memref<!tpu.dma_semaphore, #tpu.memory_space<semaphore_mem>>)
        %dma_wait3A = arith.constant 0 : i32
        %dma_wait3A_49 = tpu.memref_slice %arg7[%run_scoped3A, %dma_wait3A] : memref<1x128xi32, #tpu.memory_space<vmem>> -> memref<1x128xi32, #tpu.memory_space<vmem>>
        %dma_wait3A_50 = tpu.memref_squeeze %dma_wait3A_49 : memref<1x128xi32, #tpu.memory_space<vmem>> -> memref<128xi32, #tpu.memory_space<vmem>>
        %dma_wait3A_51 = arith.constant 0 : i32
        %dma_wait3A_52 = arith.constant 0 : i32
        %dma_wait3A_53 = tpu.memref_slice %arg2[%dma_wait3A_51, %dma_wait3A_52] : memref<10000x128xf32, #tpu.memory_space<hbm>> -> memref<10000x128xf32, #tpu.memory_space<hbm>>
        tpu.wait_indirect_dma semaphore(%run_scoped3A_43 : memref<!tpu.dma_semaphore, #tpu.memory_space<semaphore_mem>>) src(%dma_wait3A_53 : memref<10000x128xf32, #tpu.memory_space<hbm>>) dst(%arg10 : memref<128x128xf32, #tpu.memory_space<vmem>>)
        tpu.yield
      }) : () -> ()
      %scan3A_37 = arith.constant 0 : i32
      %scan3A_38 = arith.constant 32 : i32
      %scan3A_39 = arith.addi %scan3A_37, %scan3A_38 : i32
      %scan3A_40 = arith.constant 1 : i32
      scf.for %scan3A_43 = %scan3A_37 to %scan3A_39 step %scan3A_40  : i32 {
        %mul3A_44 = arith.constant 1 : i32
        %mul3A_45 = arith.muli %scan3A_43, %mul3A_44 : i32
        %add3A_46 = arith.constant 0 : i32
        %add3A_47 = arith.addi %add3A_46, %mul3A_45 : i32
        %mul3A_48 = arith.constant 4 : i32
        %mul3A_49 = arith.muli %mul3A_48, %add3A_47 : i32
        %add3A_50 = arith.constant 0 : i32
        %add3A_51 = arith.addi %mul3A_49, %add3A_50 : i32
        %get3A = arith.index_cast %add3A_51 : i32 to index
        %get3A_52 = arith.constant 0 : index
        %get3A_53 = tpu.vector_load %arg9[%get3A, %get3A_52] {strides = array<i32>} : memref<128x16xf32, #tpu.memory_space<vmem>>, vector<1x16xf32>,
        %get3A_54 = vector.shape_cast %get3A_53 : vector<1x16xf32> to vector<16xf32>
        %get3A_55 = arith.index_cast %add3A_51 : i32 to index
        %get3A_56 = arith.constant 0 : index
        %get3A_57 = tpu.vector_load %arg10[%get3A_55, %get3A_56] {strides = array<i32>} : memref<128x128xf32, #tpu.memory_space<vmem>>, vector<1x16xf32>,
        %get3A_58 = vector.shape_cast %get3A_57 : vector<1x16xf32> to vector<16xf32>
        %mul3A_59 = arith.mulf %get3A_58, %get3A_54 : vector<16xf32>
        %swap3A = arith.index_cast %add3A_51 : i32 to index
        %swap3A_60 = arith.constant 0 : index
        %swap3A_61 = tpu.vector_load %arg10[%swap3A, %swap3A_60] {strides = array<i32>} : memref<128x128xf32, #tpu.memory_space<vmem>>, vector<1x16xf32>,
        %swap3A_62 = vector.shape_cast %swap3A_61 : vector<1x16xf32> to vector<16xf32>
        %swap3A_63 = vector.shape_cast %mul3A_59 : vector<16xf32> to vector<1x16xf32>
        tpu.vector_store %arg10[%swap3A, %swap3A_60], %swap3A_63 {strides = array<i32>} : memref<128x128xf32, #tpu.memory_space<vmem>>, vector<1x16xf32>,
        %get3A_64 = arith.index_cast %add3A_51 : i32 to index
        %get3A_65 = arith.constant 16 : index
        %get3A_66 = tpu.vector_load %arg10[%get3A_64, %get3A_65] {strides = array<i32>} : memref<128x128xf32, #tpu.memory_space<vmem>>, vector<1x16xf32>,
        %get3A_67 = vector.shape_cast %get3A_66 : vector<1x16xf32> to vector<16xf32>
        %mul3A_68 = arith.mulf %get3A_67, %get3A_54 : vector<16xf32>
        %swap3A_69 = arith.index_cast %add3A_51 : i32 to index
        %swap3A_70 = arith.constant 16 : index
        %swap3A_71 = tpu.vector_load %arg10[%swap3A_69, %swap3A_70] {strides = array<i32>} : memref<128x128xf32, #tpu.memory_space<vmem>>, vector<1x16xf32>,
        %swap3A_72 = vector.shape_cast %swap3A_71 : vector<1x16xf32> to vector<16xf32>
        %swap3A_73 = vector.shape_cast %mul3A_68 : vector<16xf32> to vector<1x16xf32>
        tpu.vector_store %arg10[%swap3A_69, %swap3A_70], %swap3A_73 {strides = array<i32>} : memref<128x128xf32, #tpu.memory_space<vmem>>, vector<1x16xf32>,
        %get3A_74 = arith.index_cast %add3A_51 : i32 to index
        %get3A_75 = arith.constant 32 : index
        %get3A_76 = tpu.vector_load %arg10[%get3A_74, %get3A_75] {strides = array<i32>} : memref<128x128xf32, #tpu.memory_space<vmem>>, vector<1x16xf32>,
        %get3A_77 = vector.shape_cast %get3A_76 : vector<1x16xf32> to vector<16xf32>
        %mul3A_78 = arith.mulf %get3A_77, %get3A_54 : vector<16xf32>
        %swap3A_79 = arith.index_cast %add3A_51 : i32 to index
        %swap3A_80 = arith.constant 32 : index
        %swap3A_81 = tpu.vector_load %arg10[%swap3A_79, %swap3A_80] {strides = array<i32>} : memref<128x128xf32, #tpu.memory_space<vmem>>, vector<1x16xf32>,
        %swap3A_82 = vector.shape_cast %swap3A_81 : vector<1x16xf32> to vector<16xf32>
        %swap3A_83 = vector.shape_cast %mul3A_78 : vector<16xf32> to vector<1x16xf32>
        tpu.vector_store %arg10[%swap3A_79, %swap3A_80], %swap3A_83 {strides = array<i32>} : memref<128x128xf32, #tpu.memory_space<vmem>>, vector<1x16xf32>,
        %get3A_84 = arith.index_cast %add3A_51 : i32 to index
        %get3A_85 = arith.constant 48 : index
        %get3A_86 = tpu.vector_load %arg10[%get3A_84, %get3A_85] {strides = array<i32>} : memref<128x128xf32, #tpu.memory_space<vmem>>, vector<1x16xf32>,
        %get3A_87 = vector.shape_cast %get3A_86 : vector<1x16xf32> to vector<16xf32>
        %mul3A_88 = arith.mulf %get3A_87, %get3A_54 : vector<16xf32>
        %swap3A_89 = arith.index_cast %add3A_51 : i32 to index
        %swap3A_90 = arith.constant 48 : index
        %swap3A_91 = tpu.vector_load %arg10[%swap3A_89, %swap3A_90] {strides = array<i32>} : memref<128x128xf32, #tpu.memory_space<vmem>>, vector<1x16xf32>,
        %swap3A_92 = vector.shape_cast %swap3A_91 : vector<1x16xf32> to vector<16xf32>
        %swap3A_93 = vector.shape_cast %mul3A_88 : vector<16xf32> to vector<1x16xf32>
        tpu.vector_store %arg10[%swap3A_89, %swap3A_90], %swap3A_93 {strides = array<i32>} : memref<128x128xf32, #tpu.memory_space<vmem>>, vector<1x16xf32>,
        %get3A_94 = arith.index_cast %add3A_51 : i32 to index
        %get3A_95 = arith.constant 64 : index
        %get3A_96 = tpu.vector_load %arg10[%get3A_94, %get3A_95] {strides = array<i32>} : memref<128x128xf32, #tpu.memory_space<vmem>>, vector<1x16xf32>,
        %get3A_97 = vector.shape_cast %get3A_96 : vector<1x16xf32> to vector<16xf32>
        %mul3A_98 = arith.mulf %get3A_97, %get3A_54 : vector<16xf32>
        %swap3A_99 = arith.index_cast %add3A_51 : i32 to index
        %swap3A_100 = arith.constant 64 : index
        %swap3A_101 = tpu.vector_load %arg10[%swap3A_99, %swap3A_100] {strides = array<i32>} : memref<128x128xf32, #tpu.memory_space<vmem>>, vector<1x16xf32>,
        %swap3A_102 = vector.shape_cast %swap3A_101 : vector<1x16xf32> to vector<16xf32>
        %swap3A_103 = vector.shape_cast %mul3A_98 : vector<16xf32> to vector<1x16xf32>
        tpu.vector_store %arg10[%swap3A_99, %swap3A_100], %swap3A_103 {strides = array<i32>} : memref<128x128xf32, #tpu.memory_space<vmem>>, vector<1x16xf32>,
        %get3A_104 = arith.index_cast %add3A_51 : i32 to index
        %get3A_105 = arith.constant 80 : index
        %get3A_106 = tpu.vector_load %arg10[%get3A_104, %get3A_105] {strides = array<i32>} : memref<128x128xf32, #tpu.memory_space<vmem>>, vector<1x16xf32>,
        %get3A_107 = vector.shape_cast %get3A_106 : vector<1x16xf32> to vector<16xf32>
        %mul3A_108 = arith.mulf %get3A_107, %get3A_54 : vector<16xf32>
        %swap3A_109 = arith.index_cast %add3A_51 : i32 to index
        %swap3A_110 = arith.constant 80 : index
        %swap3A_111 = tpu.vector_load %arg10[%swap3A_109, %swap3A_110] {strides = array<i32>} : memref<128x128xf32, #tpu.memory_space<vmem>>, vector<1x16xf32>,
        %swap3A_112 = vector.shape_cast %swap3A_111 : vector<1x16xf32> to vector<16xf32>
        %swap3A_113 = vector.shape_cast %mul3A_108 : vector<16xf32> to vector<1x16xf32>
        tpu.vector_store %arg10[%swap3A_109, %swap3A_110], %swap3A_113 {strides = array<i32>} : memref<128x128xf32, #tpu.memory_space<vmem>>, vector<1x16xf32>,
        %get3A_114 = arith.index_cast %add3A_51 : i32 to index
        %get3A_115 = arith.constant 96 : index
        %get3A_116 = tpu.vector_load %arg10[%get3A_114, %get3A_115] {strides = array<i32>} : memref<128x128xf32, #tpu.memory_space<vmem>>, vector<1x16xf32>,
        %get3A_117 = vector.shape_cast %get3A_116 : vector<1x16xf32> to vector<16xf32>
        %mul3A_118 = arith.mulf %get3A_117, %get3A_54 : vector<16xf32>
        %swap3A_119 = arith.index_cast %add3A_51 : i32 to index
        %swap3A_120 = arith.constant 96 : index
        %swap3A_121 = tpu.vector_load %arg10[%swap3A_119, %swap3A_120] {strides = array<i32>} : memref<128x128xf32, #tpu.memory_space<vmem>>, vector<1x16xf32>,
        %swap3A_122 = vector.shape_cast %swap3A_121 : vector<1x16xf32> to vector<16xf32>
        %swap3A_123 = vector.shape_cast %mul3A_118 : vector<16xf32> to vector<1x16xf32>
        tpu.vector_store %arg10[%swap3A_119, %swap3A_120], %swap3A_123 {strides = array<i32>} : memref<128x128xf32, #tpu.memory_space<vmem>>, vector<1x16xf32>,
        %get3A_124 = arith.index_cast %add3A_51 : i32 to index
        %get3A_125 = arith.constant 112 : index
        %get3A_126 = tpu.vector_load %arg10[%get3A_124, %get3A_125] {strides = array<i32>} : memref<128x128xf32, #tpu.memory_space<vmem>>, vector<1x16xf32>,
        %get3A_127 = vector.shape_cast %get3A_126 : vector<1x16xf32> to vector<16xf32>
        %mul3A_128 = arith.mulf %get3A_127, %get3A_54 : vector<16xf32>
        %swap3A_129 = arith.index_cast %add3A_51 : i32 to index
        %swap3A_130 = arith.constant 112 : index
        %swap3A_131 = tpu.vector_load %arg10[%swap3A_129, %swap3A_130] {strides = array<i32>} : memref<128x128xf32, #tpu.memory_space<vmem>>, vector<1x16xf32>,
        %swap3A_132 = vector.shape_cast %swap3A_131 : vector<1x16xf32> to vector<16xf32>
        %swap3A_133 = vector.shape_cast %mul3A_128 : vector<16xf32> to vector<1x16xf32>
        tpu.vector_store %arg10[%swap3A_129, %swap3A_130], %swap3A_133 {strides = array<i32>} : memref<128x128xf32, #tpu.memory_space<vmem>>, vector<1x16xf32>,
        %mul3A_134 = arith.constant 4 : i32
        %mul3A_135 = arith.muli %mul3A_134, %add3A_47 : i32
        %add3A_136 = arith.constant 1 : i32
        %add3A_137 = arith.addi %mul3A_135, %add3A_136 : i32
        %get3A_138 = arith.index_cast %add3A_137 : i32 to index
        %get3A_139 = arith.constant 0 : index
        %get3A_140 = tpu.vector_load %arg9[%get3A_138, %get3A_139] {strides = array<i32>} : memref<128x16xf32, #tpu.memory_space<vmem>>, vector<1x16xf32>,
        %get3A_141 = vector.shape_cast %get3A_140 : vector<1x16xf32> to vector<16xf32>
        %get3A_142 = arith.index_cast %add3A_137 : i32 to index
        %get3A_143 = arith.constant 0 : index
        %get3A_144 = tpu.vector_load %arg10[%get3A_142, %get3A_143] {strides = array<i32>} : memref<128x128xf32, #tpu.memory_space<vmem>>, vector<1x16xf32>,
        %get3A_145 = vector.shape_cast %get3A_144 : vector<1x16xf32> to vector<16xf32>
        %mul3A_146 = arith.mulf %get3A_145, %get3A_141 : vector<16xf32>
        %swap3A_147 = arith.index_cast %add3A_137 : i32 to index
        %swap3A_148 = arith.constant 0 : index
        %swap3A_149 = tpu.vector_load %arg10[%swap3A_147, %swap3A_148] {strides = array<i32>} : memref<128x128xf32, #tpu.memory_space<vmem>>, vector<1x16xf32>,
        %swap3A_150 = vector.shape_cast %swap3A_149 : vector<1x16xf32> to vector<16xf32>
        %swap3A_151 = vector.shape_cast %mul3A_146 : vector<16xf32> to vector<1x16xf32>
        tpu.vector_store %arg10[%swap3A_147, %swap3A_148], %swap3A_151 {strides = array<i32>} : memref<128x128xf32, #tpu.memory_space<vmem>>, vector<1x16xf32>,
        %get3A_152 = arith.index_cast %add3A_137 : i32 to index
        %get3A_153 = arith.constant 16 : index
        %get3A_154 = tpu.vector_load %arg10[%get3A_152, %get3A_153] {strides = array<i32>} : memref<128x128xf32, #tpu.memory_space<vmem>>, vector<1x16xf32>,
        %get3A_155 = vector.shape_cast %get3A_154 : vector<1x16xf32> to vector<16xf32>
        %mul3A_156 = arith.mulf %get3A_155, %get3A_141 : vector<16xf32>
        %swap3A_157 = arith.index_cast %add3A_137 : i32 to index
        %swap3A_158 = arith.constant 16 : index
        %swap3A_159 = tpu.vector_load %arg10[%swap3A_157, %swap3A_158] {strides = array<i32>} : memref<128x128xf32, #tpu.memory_space<vmem>>, vector<1x16xf32>,
        %swap3A_160 = vector.shape_cast %swap3A_159 : vector<1x16xf32> to vector<16xf32>
        %swap3A_161 = vector.shape_cast %mul3A_156 : vector<16xf32> to vector<1x16xf32>
        tpu.vector_store %arg10[%swap3A_157, %swap3A_158], %swap3A_161 {strides = array<i32>} : memref<128x128xf32, #tpu.memory_space<vmem>>, vector<1x16xf32>,
        %get3A_162 = arith.index_cast %add3A_137 : i32 to index
        %get3A_163 = arith.constant 32 : index
        %get3A_164 = tpu.vector_load %arg10[%get3A_162, %get3A_163] {strides = array<i32>} : memref<128x128xf32, #tpu.memory_space<vmem>>, vector<1x16xf32>,
        %get3A_165 = vector.shape_cast %get3A_164 : vector<1x16xf32> to vector<16xf32>
        %mul3A_166 = arith.mulf %get3A_165, %get3A_141 : vector<16xf32>
        %swap3A_167 = arith.index_cast %add3A_137 : i32 to index
        %swap3A_168 = arith.constant 32 : index
        %swap3A_169 = tpu.vector_load %arg10[%swap3A_167, %swap3A_168] {strides = array<i32>} : memref<128x128xf32, #tpu.memory_space<vmem>>, vector<1x16xf32>,
        %swap3A_170 = vector.shape_cast %swap3A_169 : vector<1x16xf32> to vector<16xf32>
        %swap3A_171 = vector.shape_cast %mul3A_166 : vector<16xf32> to vector<1x16xf32>
        tpu.vector_store %arg10[%swap3A_167, %swap3A_168], %swap3A_171 {strides = array<i32>} : memref<128x128xf32, #tpu.memory_space<vmem>>, vector<1x16xf32>,
        %get3A_172 = arith.index_cast %add3A_137 : i32 to index
        %get3A_173 = arith.constant 48 : index
        %get3A_174 = tpu.vector_load %arg10[%get3A_172, %get3A_173] {strides = array<i32>} : memref<128x128xf32, #tpu.memory_space<vmem>>, vector<1x16xf32>,
        %get3A_175 = vector.shape_cast %get3A_174 : vector<1x16xf32> to vector<16xf32>
        %mul3A_176 = arith.mulf %get3A_175, %get3A_141 : vector<16xf32>
        %swap3A_177 = arith.index_cast %add3A_137 : i32 to index
        %swap3A_178 = arith.constant 48 : index
        %swap3A_179 = tpu.vector_load %arg10[%swap3A_177, %swap3A_178] {strides = array<i32>} : memref<128x128xf32, #tpu.memory_space<vmem>>, vector<1x16xf32>,
        %swap3A_180 = vector.shape_cast %swap3A_179 : vector<1x16xf32> to vector<16xf32>
        %swap3A_181 = vector.shape_cast %mul3A_176 : vector<16xf32> to vector<1x16xf32>
        tpu.vector_store %arg10[%swap3A_177, %swap3A_178], %swap3A_181 {strides = array<i32>} : memref<128x128xf32, #tpu.memory_space<vmem>>, vector<1x16xf32>,
        %get3A_182 = arith.index_cast %add3A_137 : i32 to index
        %get3A_183 = arith.constant 64 : index
        %get3A_184 = tpu.vector_load %arg10[%get3A_182, %get3A_183] {strides = array<i32>} : memref<128x128xf32, #tpu.memory_space<vmem>>, vector<1x16xf32>,
        %get3A_185 = vector.shape_cast %get3A_184 : vector<1x16xf32> to vector<16xf32>
        %mul3A_186 = arith.mulf %get3A_185, %get3A_141 : vector<16xf32>
        %swap3A_187 = arith.index_cast %add3A_137 : i32 to index
        %swap3A_188 = arith.constant 64 : index
        %swap3A_189 = tpu.vector_load %arg10[%swap3A_187, %swap3A_188] {strides = array<i32>} : memref<128x128xf32, #tpu.memory_space<vmem>>, vector<1x16xf32>,
        %swap3A_190 = vector.shape_cast %swap3A_189 : vector<1x16xf32> to vector<16xf32>
        %swap3A_191 = vector.shape_cast %mul3A_186 : vector<16xf32> to vector<1x16xf32>
        tpu.vector_store %arg10[%swap3A_187, %swap3A_188], %swap3A_191 {strides = array<i32>} : memref<128x128xf32, #tpu.memory_space<vmem>>, vector<1x16xf32>,
        %get3A_192 = arith.index_cast %add3A_137 : i32 to index
        %get3A_193 = arith.constant 80 : index
        %get3A_194 = tpu.vector_load %arg10[%get3A_192, %get3A_193] {strides = array<i32>} : memref<128x128xf32, #tpu.memory_space<vmem>>, vector<1x16xf32>,
        %get3A_195 = vector.shape_cast %get3A_194 : vector<1x16xf32> to vector<16xf32>
        %mul3A_196 = arith.mulf %get3A_195, %get3A_141 : vector<16xf32>
        %swap3A_197 = arith.index_cast %add3A_137 : i32 to index
        %swap3A_198 = arith.constant 80 : index
        %swap3A_199 = tpu.vector_load %arg10[%swap3A_197, %swap3A_198] {strides = array<i32>} : memref<128x128xf32, #tpu.memory_space<vmem>>, vector<1x16xf32>,
        %swap3A_200 = vector.shape_cast %swap3A_199 : vector<1x16xf32> to vector<16xf32>
        %swap3A_201 = vector.shape_cast %mul3A_196 : vector<16xf32> to vector<1x16xf32>
        tpu.vector_store %arg10[%swap3A_197, %swap3A_198], %swap3A_201 {strides = array<i32>} : memref<128x128xf32, #tpu.memory_space<vmem>>, vector<1x16xf32>,
        %get3A_202 = arith.index_cast %add3A_137 : i32 to index
        %get3A_203 = arith.constant 96 : index
        %get3A_204 = tpu.vector_load %arg10[%get3A_202, %get3A_203] {strides = array<i32>} : memref<128x128xf32, #tpu.memory_space<vmem>>, vector<1x16xf32>,
        %get3A_205 = vector.shape_cast %get3A_204 : vector<1x16xf32> to vector<16xf32>
        %mul3A_206 = arith.mulf %get3A_205, %get3A_141 : vector<16xf32>
        %swap3A_207 = arith.index_cast %add3A_137 : i32 to index
        %swap3A_208 = arith.constant 96 : index
        %swap3A_209 = tpu.vector_load %arg10[%swap3A_207, %swap3A_208] {strides = array<i32>} : memref<128x128xf32, #tpu.memory_space<vmem>>, vector<1x16xf32>,
        %swap3A_210 = vector.shape_cast %swap3A_209 : vector<1x16xf32> to vector<16xf32>
        %swap3A_211 = vector.shape_cast %mul3A_206 : vector<16xf32> to vector<1x16xf32>
        tpu.vector_store %arg10[%swap3A_207, %swap3A_208], %swap3A_211 {strides = array<i32>} : memref<128x128xf32, #tpu.memory_space<vmem>>, vector<1x16xf32>,
        %get3A_212 = arith.index_cast %add3A_137 : i32 to index
        %get3A_213 = arith.constant 112 : index
        %get3A_214 = tpu.vector_load %arg10[%get3A_212, %get3A_213] {strides = array<i32>} : memref<128x128xf32, #tpu.memory_space<vmem>>, vector<1x16xf32>,
        %get3A_215 = vector.shape_cast %get3A_214 : vector<1x16xf32> to vector<16xf32>
        %mul3A_216 = arith.mulf %get3A_215, %get3A_141 : vector<16xf32>
        %swap3A_217 = arith.index_cast %add3A_137 : i32 to index
        %swap3A_218 = arith.constant 112 : index
        %swap3A_219 = tpu.vector_load %arg10[%swap3A_217, %swap3A_218] {strides = array<i32>} : memref<128x128xf32, #tpu.memory_space<vmem>>, vector<1x16xf32>,
        %swap3A_220 = vector.shape_cast %swap3A_219 : vector<1x16xf32> to vector<16xf32>
        %swap3A_221 = vector.shape_cast %mul3A_216 : vector<16xf32> to vector<1x16xf32>
        tpu.vector_store %arg10[%swap3A_217, %swap3A_218], %swap3A_221 {strides = array<i32>} : memref<128x128xf32, #tpu.memory_space<vmem>>, vector<1x16xf32>,
        %mul3A_222 = arith.constant 4 : i32
        %mul3A_223 = arith.muli %mul3A_222, %add3A_47 : i32
        %add3A_224 = arith.constant 2 : i32
        %add3A_225 = arith.addi %mul3A_223, %add3A_224 : i32
        %get3A_226 = arith.index_cast %add3A_225 : i32 to index
        %get3A_227 = arith.constant 0 : index
        %get3A_228 = tpu.vector_load %arg9[%get3A_226, %get3A_227] {strides = array<i32>} : memref<128x16xf32, #tpu.memory_space<vmem>>, vector<1x16xf32>,
        %get3A_229 = vector.shape_cast %get3A_228 : vector<1x16xf32> to vector<16xf32>
        %get3A_230 = arith.index_cast %add3A_225 : i32 to index
        %get3A_231 = arith.constant 0 : index
        %get3A_232 = tpu.vector_load %arg10[%get3A_230, %get3A_231] {strides = array<i32>} : memref<128x128xf32, #tpu.memory_space<vmem>>, vector<1x16xf32>,
        %get3A_233 = vector.shape_cast %get3A_232 : vector<1x16xf32> to vector<16xf32>
        %mul3A_234 = arith.mulf %get3A_233, %get3A_229 : vector<16xf32>
        %swap3A_235 = arith.index_cast %add3A_225 : i32 to index
        %swap3A_236 = arith.constant 0 : index
        %swap3A_237 = tpu.vector_load %arg10[%swap3A_235, %swap3A_236] {strides = array<i32>} : memref<128x128xf32, #tpu.memory_space<vmem>>, vector<1x16xf32>,
        %swap3A_238 = vector.shape_cast %swap3A_237 : vector<1x16xf32> to vector<16xf32>
        %swap3A_239 = vector.shape_cast %mul3A_234 : vector<16xf32> to vector<1x16xf32>
        tpu.vector_store %arg10[%swap3A_235, %swap3A_236], %swap3A_239 {strides = array<i32>} : memref<128x128xf32, #tpu.memory_space<vmem>>, vector<1x16xf32>,
        %get3A_240 = arith.index_cast %add3A_225 : i32 to index
        %get3A_241 = arith.constant 16 : index
        %get3A_242 = tpu.vector_load %arg10[%get3A_240, %get3A_241] {strides = array<i32>} : memref<128x128xf32, #tpu.memory_space<vmem>>, vector<1x16xf32>,
        %get3A_243 = vector.shape_cast %get3A_242 : vector<1x16xf32> to vector<16xf32>
        %mul3A_244 = arith.mulf %get3A_243, %get3A_229 : vector<16xf32>
        %swap3A_245 = arith.index_cast %add3A_225 : i32 to index
        %swap3A_246 = arith.constant 16 : index
        %swap3A_247 = tpu.vector_load %arg10[%swap3A_245, %swap3A_246] {strides = array<i32>} : memref<128x128xf32, #tpu.memory_space<vmem>>, vector<1x16xf32>,
        %swap3A_248 = vector.shape_cast %swap3A_247 : vector<1x16xf32> to vector<16xf32>
        %swap3A_249 = vector.shape_cast %mul3A_244 : vector<16xf32> to vector<1x16xf32>
        tpu.vector_store %arg10[%swap3A_245, %swap3A_246], %swap3A_249 {strides = array<i32>} : memref<128x128xf32, #tpu.memory_space<vmem>>, vector<1x16xf32>,
        %get3A_250 = arith.index_cast %add3A_225 : i32 to index
        %get3A_251 = arith.constant 32 : index
        %get3A_252 = tpu.vector_load %arg10[%get3A_250, %get3A_251] {strides = array<i32>} : memref<128x128xf32, #tpu.memory_space<vmem>>, vector<1x16xf32>,
        %get3A_253 = vector.shape_cast %get3A_252 : vector<1x16xf32> to vector<16xf32>
        %mul3A_254 = arith.mulf %get3A_253, %get3A_229 : vector<16xf32>
        %swap3A_255 = arith.index_cast %add3A_225 : i32 to index
        %swap3A_256 = arith.constant 32 : index
        %swap3A_257 = tpu.vector_load %arg10[%swap3A_255, %swap3A_256] {strides = array<i32>} : memref<128x128xf32, #tpu.memory_space<vmem>>, vector<1x16xf32>,
        %swap3A_258 = vector.shape_cast %swap3A_257 : vector<1x16xf32> to vector<16xf32>
        %swap3A_259 = vector.shape_cast %mul3A_254 : vector<16xf32> to vector<1x16xf32>
        tpu.vector_store %arg10[%swap3A_255, %swap3A_256], %swap3A_259 {strides = array<i32>} : memref<128x128xf32, #tpu.memory_space<vmem>>, vector<1x16xf32>,
        %get3A_260 = arith.index_cast %add3A_225 : i32 to index
        %get3A_261 = arith.constant 48 : index
        %get3A_262 = tpu.vector_load %arg10[%get3A_260, %get3A_261] {strides = array<i32>} : memref<128x128xf32, #tpu.memory_space<vmem>>, vector<1x16xf32>,
        %get3A_263 = vector.shape_cast %get3A_262 : vector<1x16xf32> to vector<16xf32>
        %mul3A_264 = arith.mulf %get3A_263, %get3A_229 : vector<16xf32>
        %swap3A_265 = arith.index_cast %add3A_225 : i32 to index
        %swap3A_266 = arith.constant 48 : index
        %swap3A_267 = tpu.vector_load %arg10[%swap3A_265, %swap3A_266] {strides = array<i32>} : memref<128x128xf32, #tpu.memory_space<vmem>>, vector<1x16xf32>,
        %swap3A_268 = vector.shape_cast %swap3A_267 : vector<1x16xf32> to vector<16xf32>
        %swap3A_269 = vector.shape_cast %mul3A_264 : vector<16xf32> to vector<1x16xf32>
        tpu.vector_store %arg10[%swap3A_265, %swap3A_266], %swap3A_269 {strides = array<i32>} : memref<128x128xf32, #tpu.memory_space<vmem>>, vector<1x16xf32>,
        %get3A_270 = arith.index_cast %add3A_225 : i32 to index
        %get3A_271 = arith.constant 64 : index
        %get3A_272 = tpu.vector_load %arg10[%get3A_270, %get3A_271] {strides = array<i32>} : memref<128x128xf32, #tpu.memory_space<vmem>>, vector<1x16xf32>,
        %get3A_273 = vector.shape_cast %get3A_272 : vector<1x16xf32> to vector<16xf32>
        %mul3A_274 = arith.mulf %get3A_273, %get3A_229 : vector<16xf32>
        %swap3A_275 = arith.index_cast %add3A_225 : i32 to index
        %swap3A_276 = arith.constant 64 : index
        %swap3A_277 = tpu.vector_load %arg10[%swap3A_275, %swap3A_276] {strides = array<i32>} : memref<128x128xf32, #tpu.memory_space<vmem>>, vector<1x16xf32>,
        %swap3A_278 = vector.shape_cast %swap3A_277 : vector<1x16xf32> to vector<16xf32>
        %swap3A_279 = vector.shape_cast %mul3A_274 : vector<16xf32> to vector<1x16xf32>
        tpu.vector_store %arg10[%swap3A_275, %swap3A_276], %swap3A_279 {strides = array<i32>} : memref<128x128xf32, #tpu.memory_space<vmem>>, vector<1x16xf32>,
        %get3A_280 = arith.index_cast %add3A_225 : i32 to index
        %get3A_281 = arith.constant 80 : index
        %get3A_282 = tpu.vector_load %arg10[%get3A_280, %get3A_281] {strides = array<i32>} : memref<128x128xf32, #tpu.memory_space<vmem>>, vector<1x16xf32>,
        %get3A_283 = vector.shape_cast %get3A_282 : vector<1x16xf32> to vector<16xf32>
        %mul3A_284 = arith.mulf %get3A_283, %get3A_229 : vector<16xf32>
        %swap3A_285 = arith.index_cast %add3A_225 : i32 to index
        %swap3A_286 = arith.constant 80 : index
        %swap3A_287 = tpu.vector_load %arg10[%swap3A_285, %swap3A_286] {strides = array<i32>} : memref<128x128xf32, #tpu.memory_space<vmem>>, vector<1x16xf32>,
        %swap3A_288 = vector.shape_cast %swap3A_287 : vector<1x16xf32> to vector<16xf32>
        %swap3A_289 = vector.shape_cast %mul3A_284 : vector<16xf32> to vector<1x16xf32>
        tpu.vector_store %arg10[%swap3A_285, %swap3A_286], %swap3A_289 {strides = array<i32>} : memref<128x128xf32, #tpu.memory_space<vmem>>, vector<1x16xf32>,
        %get3A_290 = arith.index_cast %add3A_225 : i32 to index
        %get3A_291 = arith.constant 96 : index
        %get3A_292 = tpu.vector_load %arg10[%get3A_290, %get3A_291] {strides = array<i32>} : memref<128x128xf32, #tpu.memory_space<vmem>>, vector<1x16xf32>,
        %get3A_293 = vector.shape_cast %get3A_292 : vector<1x16xf32> to vector<16xf32>
        %mul3A_294 = arith.mulf %get3A_293, %get3A_229 : vector<16xf32>
        %swap3A_295 = arith.index_cast %add3A_225 : i32 to index
        %swap3A_296 = arith.constant 96 : index
        %swap3A_297 = tpu.vector_load %arg10[%swap3A_295, %swap3A_296] {strides = array<i32>} : memref<128x128xf32, #tpu.memory_space<vmem>>, vector<1x16xf32>,
        %swap3A_298 = vector.shape_cast %swap3A_297 : vector<1x16xf32> to vector<16xf32>
        %swap3A_299 = vector.shape_cast %mul3A_294 : vector<16xf32> to vector<1x16xf32>
        tpu.vector_store %arg10[%swap3A_295, %swap3A_296], %swap3A_299 {strides = array<i32>} : memref<128x128xf32, #tpu.memory_space<vmem>>, vector<1x16xf32>,
        %get3A_300 = arith.index_cast %add3A_225 : i32 to index
        %get3A_301 = arith.constant 112 : index
        %get3A_302 = tpu.vector_load %arg10[%get3A_300, %get3A_301] {strides = array<i32>} : memref<128x128xf32, #tpu.memory_space<vmem>>, vector<1x16xf32>,
        %get3A_303 = vector.shape_cast %get3A_302 : vector<1x16xf32> to vector<16xf32>
        %mul3A_304 = arith.mulf %get3A_303, %get3A_229 : vector<16xf32>
        %swap3A_305 = arith.index_cast %add3A_225 : i32 to index
        %swap3A_306 = arith.constant 112 : index
        %swap3A_307 = tpu.vector_load %arg10[%swap3A_305, %swap3A_306] {strides = array<i32>} : memref<128x128xf32, #tpu.memory_space<vmem>>, vector<1x16xf32>,
        %swap3A_308 = vector.shape_cast %swap3A_307 : vector<1x16xf32> to vector<16xf32>
        %swap3A_309 = vector.shape_cast %mul3A_304 : vector<16xf32> to vector<1x16xf32>
        tpu.vector_store %arg10[%swap3A_305, %swap3A_306], %swap3A_309 {strides = array<i32>} : memref<128x128xf32, #tpu.memory_space<vmem>>, vector<1x16xf32>,
        %mul3A_310 = arith.constant 4 : i32
        %mul3A_311 = arith.muli %mul3A_310, %add3A_47 : i32
        %add3A_312 = arith.constant 3 : i32
        %add3A_313 = arith.addi %mul3A_311, %add3A_312 : i32
        %get3A_314 = arith.index_cast %add3A_313 : i32 to index
        %get3A_315 = arith.constant 0 : index
        %get3A_316 = tpu.vector_load %arg9[%get3A_314, %get3A_315] {strides = array<i32>} : memref<128x16xf32, #tpu.memory_space<vmem>>, vector<1x16xf32>,
        %get3A_317 = vector.shape_cast %get3A_316 : vector<1x16xf32> to vector<16xf32>
        %get3A_318 = arith.index_cast %add3A_313 : i32 to index
        %get3A_319 = arith.constant 0 : index
        %get3A_320 = tpu.vector_load %arg10[%get3A_318, %get3A_319] {strides = array<i32>} : memref<128x128xf32, #tpu.memory_space<vmem>>, vector<1x16xf32>,
        %get3A_321 = vector.shape_cast %get3A_320 : vector<1x16xf32> to vector<16xf32>
        %mul3A_322 = arith.mulf %get3A_321, %get3A_317 : vector<16xf32>
        %swap3A_323 = arith.index_cast %add3A_313 : i32 to index
        %swap3A_324 = arith.constant 0 : index
        %swap3A_325 = tpu.vector_load %arg10[%swap3A_323, %swap3A_324] {strides = array<i32>} : memref<128x128xf32, #tpu.memory_space<vmem>>, vector<1x16xf32>,
        %swap3A_326 = vector.shape_cast %swap3A_325 : vector<1x16xf32> to vector<16xf32>
        %swap3A_327 = vector.shape_cast %mul3A_322 : vector<16xf32> to vector<1x16xf32>
        tpu.vector_store %arg10[%swap3A_323, %swap3A_324], %swap3A_327 {strides = array<i32>} : memref<128x128xf32, #tpu.memory_space<vmem>>, vector<1x16xf32>,
        %get3A_328 = arith.index_cast %add3A_313 : i32 to index
        %get3A_329 = arith.constant 16 : index
        %get3A_330 = tpu.vector_load %arg10[%get3A_328, %get3A_329] {strides = array<i32>} : memref<128x128xf32, #tpu.memory_space<vmem>>, vector<1x16xf32>,
        %get3A_331 = vector.shape_cast %get3A_330 : vector<1x16xf32> to vector<16xf32>
        %mul3A_332 = arith.mulf %get3A_331, %get3A_317 : vector<16xf32>
        %swap3A_333 = arith.index_cast %add3A_313 : i32 to index
        %swap3A_334 = arith.constant 16 : index
        %swap3A_335 = tpu.vector_load %arg10[%swap3A_333, %swap3A_334] {strides = array<i32>} : memref<128x128xf32, #tpu.memory_space<vmem>>, vector<1x16xf32>,
        %swap3A_336 = vector.shape_cast %swap3A_335 : vector<1x16xf32> to vector<16xf32>
        %swap3A_337 = vector.shape_cast %mul3A_332 : vector<16xf32> to vector<1x16xf32>
        tpu.vector_store %arg10[%swap3A_333, %swap3A_334], %swap3A_337 {strides = array<i32>} : memref<128x128xf32, #tpu.memory_space<vmem>>, vector<1x16xf32>,
        %get3A_338 = arith.index_cast %add3A_313 : i32 to index
        %get3A_339 = arith.constant 32 : index
        %get3A_340 = tpu.vector_load %arg10[%get3A_338, %get3A_339] {strides = array<i32>} : memref<128x128xf32, #tpu.memory_space<vmem>>, vector<1x16xf32>,
        %get3A_341 = vector.shape_cast %get3A_340 : vector<1x16xf32> to vector<16xf32>
        %mul3A_342 = arith.mulf %get3A_341, %get3A_317 : vector<16xf32>
        %swap3A_343 = arith.index_cast %add3A_313 : i32 to index
        %swap3A_344 = arith.constant 32 : index
        %swap3A_345 = tpu.vector_load %arg10[%swap3A_343, %swap3A_344] {strides = array<i32>} : memref<128x128xf32, #tpu.memory_space<vmem>>, vector<1x16xf32>,
        %swap3A_346 = vector.shape_cast %swap3A_345 : vector<1x16xf32> to vector<16xf32>
        %swap3A_347 = vector.shape_cast %mul3A_342 : vector<16xf32> to vector<1x16xf32>
        tpu.vector_store %arg10[%swap3A_343, %swap3A_344], %swap3A_347 {strides = array<i32>} : memref<128x128xf32, #tpu.memory_space<vmem>>, vector<1x16xf32>,
        %get3A_348 = arith.index_cast %add3A_313 : i32 to index
        %get3A_349 = arith.constant 48 : index
        %get3A_350 = tpu.vector_load %arg10[%get3A_348, %get3A_349] {strides = array<i32>} : memref<128x128xf32, #tpu.memory_space<vmem>>, vector<1x16xf32>,
        %get3A_351 = vector.shape_cast %get3A_350 : vector<1x16xf32> to vector<16xf32>
        %mul3A_352 = arith.mulf %get3A_351, %get3A_317 : vector<16xf32>
        %swap3A_353 = arith.index_cast %add3A_313 : i32 to index
        %swap3A_354 = arith.constant 48 : index
        %swap3A_355 = tpu.vector_load %arg10[%swap3A_353, %swap3A_354] {strides = array<i32>} : memref<128x128xf32, #tpu.memory_space<vmem>>, vector<1x16xf32>,
        %swap3A_356 = vector.shape_cast %swap3A_355 : vector<1x16xf32> to vector<16xf32>
        %swap3A_357 = vector.shape_cast %mul3A_352 : vector<16xf32> to vector<1x16xf32>
        tpu.vector_store %arg10[%swap3A_353, %swap3A_354], %swap3A_357 {strides = array<i32>} : memref<128x128xf32, #tpu.memory_space<vmem>>, vector<1x16xf32>,
        %get3A_358 = arith.index_cast %add3A_313 : i32 to index
        %get3A_359 = arith.constant 64 : index
        %get3A_360 = tpu.vector_load %arg10[%get3A_358, %get3A_359] {strides = array<i32>} : memref<128x128xf32, #tpu.memory_space<vmem>>, vector<1x16xf32>,
        %get3A_361 = vector.shape_cast %get3A_360 : vector<1x16xf32> to vector<16xf32>
        %mul3A_362 = arith.mulf %get3A_361, %get3A_317 : vector<16xf32>
        %swap3A_363 = arith.index_cast %add3A_313 : i32 to index
        %swap3A_364 = arith.constant 64 : index
        %swap3A_365 = tpu.vector_load %arg10[%swap3A_363, %swap3A_364] {strides = array<i32>} : memref<128x128xf32, #tpu.memory_space<vmem>>, vector<1x16xf32>,
        %swap3A_366 = vector.shape_cast %swap3A_365 : vector<1x16xf32> to vector<16xf32>
        %swap3A_367 = vector.shape_cast %mul3A_362 : vector<16xf32> to vector<1x16xf32>
        tpu.vector_store %arg10[%swap3A_363, %swap3A_364], %swap3A_367 {strides = array<i32>} : memref<128x128xf32, #tpu.memory_space<vmem>>, vector<1x16xf32>,
        %get3A_368 = arith.index_cast %add3A_313 : i32 to index
        %get3A_369 = arith.constant 80 : index
        %get3A_370 = tpu.vector_load %arg10[%get3A_368, %get3A_369] {strides = array<i32>} : memref<128x128xf32, #tpu.memory_space<vmem>>, vector<1x16xf32>,
        %get3A_371 = vector.shape_cast %get3A_370 : vector<1x16xf32> to vector<16xf32>
        %mul3A_372 = arith.mulf %get3A_371, %get3A_317 : vector<16xf32>
        %swap3A_373 = arith.index_cast %add3A_313 : i32 to index
        %swap3A_374 = arith.constant 80 : index
        %swap3A_375 = tpu.vector_load %arg10[%swap3A_373, %swap3A_374] {strides = array<i32>} : memref<128x128xf32, #tpu.memory_space<vmem>>, vector<1x16xf32>,
        %swap3A_376 = vector.shape_cast %swap3A_375 : vector<1x16xf32> to vector<16xf32>
        %swap3A_377 = vector.shape_cast %mul3A_372 : vector<16xf32> to vector<1x16xf32>
        tpu.vector_store %arg10[%swap3A_373, %swap3A_374], %swap3A_377 {strides = array<i32>} : memref<128x128xf32, #tpu.memory_space<vmem>>, vector<1x16xf32>,
        %get3A_378 = arith.index_cast %add3A_313 : i32 to index
        %get3A_379 = arith.constant 96 : index
        %get3A_380 = tpu.vector_load %arg10[%get3A_378, %get3A_379] {strides = array<i32>} : memref<128x128xf32, #tpu.memory_space<vmem>>, vector<1x16xf32>,
        %get3A_381 = vector.shape_cast %get3A_380 : vector<1x16xf32> to vector<16xf32>
        %mul3A_382 = arith.mulf %get3A_381, %get3A_317 : vector<16xf32>
        %swap3A_383 = arith.index_cast %add3A_313 : i32 to index
        %swap3A_384 = arith.constant 96 : index
        %swap3A_385 = tpu.vector_load %arg10[%swap3A_383, %swap3A_384] {strides = array<i32>} : memref<128x128xf32, #tpu.memory_space<vmem>>, vector<1x16xf32>,
        %swap3A_386 = vector.shape_cast %swap3A_385 : vector<1x16xf32> to vector<16xf32>
        %swap3A_387 = vector.shape_cast %mul3A_382 : vector<16xf32> to vector<1x16xf32>
        tpu.vector_store %arg10[%swap3A_383, %swap3A_384], %swap3A_387 {strides = array<i32>} : memref<128x128xf32, #tpu.memory_space<vmem>>, vector<1x16xf32>,
        %get3A_388 = arith.index_cast %add3A_313 : i32 to index
        %get3A_389 = arith.constant 112 : index
        %get3A_390 = tpu.vector_load %arg10[%get3A_388, %get3A_389] {strides = array<i32>} : memref<128x128xf32, #tpu.memory_space<vmem>>, vector<1x16xf32>,
        %get3A_391 = vector.shape_cast %get3A_390 : vector<1x16xf32> to vector<16xf32>
        %mul3A_392 = arith.mulf %get3A_391, %get3A_317 : vector<16xf32>
        %swap3A_393 = arith.index_cast %add3A_313 : i32 to index
        %swap3A_394 = arith.constant 112 : index
        %swap3A_395 = tpu.vector_load %arg10[%swap3A_393, %swap3A_394] {strides = array<i32>} : memref<128x128xf32, #tpu.memory_space<vmem>>, vector<1x16xf32>,
        %swap3A_396 = vector.shape_cast %swap3A_395 : vector<1x16xf32> to vector<16xf32>
        %swap3A_397 = vector.shape_cast %mul3A_392 : vector<16xf32> to vector<1x16xf32>
        tpu.vector_store %arg10[%swap3A_393, %swap3A_394], %swap3A_397 {strides = array<i32>} : memref<128x128xf32, #tpu.memory_space<vmem>>, vector<1x16xf32>,
      }
      %scan3A_41 = arith.constant 32 : i32
      %run_scoped3A_42 = arith.constant 0 : i32
      "tpu.region"() ({
        %run_scoped3A_43 = tpu.sem_alloc : memref<!tpu.dma_semaphore, #tpu.memory_space<semaphore_mem>>
        %dma_start3A = arith.constant 0 : i32
        %dma_start3A_44 = tpu.memref_slice %arg8[%run_scoped3A_42, %dma_start3A] : memref<1x128xi32, #tpu.memory_space<vmem>> -> memref<1x128xi32, #tpu.memory_space<vmem>>
        %dma_start3A_45 = tpu.memref_squeeze %dma_start3A_44 : memref<1x128xi32, #tpu.memory_space<vmem>> -> memref<128xi32, #tpu.memory_space<vmem>>
        %dma_start3A_46 = arith.constant 0 : i32
        %dma_start3A_47 = arith.constant 0 : i32
        %dma_start3A_48 = tpu.memref_slice %arg11[%dma_start3A_46, %dma_start3A_47] : memref<10112x128xf32, #tpu.memory_space<vmem_shared>> -> memref<10112x128xf32, #tpu.memory_space<vmem_shared>>
        tpu.enqueue_indirect_dma source(%arg10 : memref<128x128xf32, #tpu.memory_space<vmem>>) target(%dma_start3A_48 : memref<10112x128xf32, #tpu.memory_space<vmem_shared>>) offsets(%dma_start3A_45 : memref<128xi32, #tpu.memory_space<vmem>>) semaphore(%run_scoped3A_43 : memref<!tpu.dma_semaphore, #tpu.memory_space<semaphore_mem>>) {add = true}
        %dma_wait3A = arith.constant 0 : i32
        %dma_wait3A_49 = tpu.memref_slice %arg8[%run_scoped3A_42, %dma_wait3A] : memref<1x128xi32, #tpu.memory_space<vmem>> -> memref<1x128xi32, #tpu.memory_space<vmem>>
        %dma_wait3A_50 = tpu.memref_squeeze %dma_wait3A_49 : memref<1x128xi32, #tpu.memory_space<vmem>> -> memref<128xi32, #tpu.memory_space<vmem>>
        %dma_wait3A_51 = arith.constant 0 : i32
        %dma_wait3A_52 = arith.constant 0 : i32
        %dma_wait3A_53 = tpu.memref_slice %arg11[%dma_wait3A_51, %dma_wait3A_52] : memref<10112x128xf32, #tpu.memory_space<vmem_shared>> -> memref<10112x128xf32, #tpu.memory_space<vmem_shared>>
        tpu.wait_indirect_dma semaphore(%run_scoped3A_43 : memref<!tpu.dma_semaphore, #tpu.memory_space<semaphore_mem>>) src(%arg10 : memref<128x128xf32, #tpu.memory_space<vmem>>) dst(%dma_wait3A_53 : memref<10112x128xf32, #tpu.memory_space<vmem_shared>>)
        tpu.yield
      }) : () -> ()
    }
    %scan3A_18 = arith.constant 79 : i32
    %barrier3A_19 = arith.constant 0 : index
    tpu.barrier barrier_id(%barrier3A_19)
    %scan3A_20 = arith.constant 0 : i32
    %scan3A_21 = arith.constant 4 : i32
    %scan3A_22 = arith.addi %scan3A_20, %scan3A_21 : i32
    %scan3A_23 = arith.constant 1 : i32
    scf.for %scan3A_29 = %scan3A_20 to %scan3A_22 step %scan3A_23  : i32 {
      %mul3A_30 = arith.constant 1 : i32
      %mul3A_31 = arith.muli %scan3A_29, %mul3A_30 : i32
      %add3A_32 = arith.constant 0 : i32
      %add3A_33 = arith.addi %add3A_32, %mul3A_31 : i32
      %mul3A_34 = arith.constant 632 : i32
      %mul3A_35 = arith.muli %arg1, %mul3A_34 : i32
      %mul3A_36 = arith.constant 128 : i32
      %mul3A_37 = arith.muli %add3A_33, %mul3A_36 : i32
      %add3A_38 = arith.addi %mul3A_35, %mul3A_37 : i32
      "tpu.region"() ({
        %run_scoped3A = tpu.sem_alloc : memref<!tpu.dma_semaphore, #tpu.memory_space<semaphore_mem>>
        %dma_start3A = arith.constant 0 : i32
        %dma_start3A_39 = tpu.memref_slice %arg11[%add3A_38, %dma_start3A] : memref<10112x128xf32, #tpu.memory_space<vmem_shared>> -> memref<128x128xf32, #tpu.memory_space<vmem_shared>>
        %dma_start3A_40 = arith.constant 0 : i32
        %dma_start3A_41 = tpu.memref_slice %arg11[%add3A_38, %dma_start3A_40] : memref<10112x128xf32, #tpu.memory_space<vmem_shared>> -> memref<128x128xf32, #tpu.memory_space<vmem_shared>>
        tpu.enqueue_dma source(%dma_start3A_41 : memref<128x128xf32, #tpu.memory_space<vmem_shared>>) target(%arg10 : memref<128x128xf32, #tpu.memory_space<vmem>>) target_semaphore(%run_scoped3A : memref<!tpu.dma_semaphore, #tpu.memory_space<semaphore_mem>>)
        %dma_wait3A = arith.constant 0 : i32
        %dma_wait3A_42 = tpu.memref_slice %arg11[%add3A_38, %dma_wait3A] : memref<10112x128xf32, #tpu.memory_space<vmem_shared>> -> memref<128x128xf32, #tpu.memory_space<vmem_shared>>
        %dma_wait3A_43 = arith.constant 0 : i32
        %dma_wait3A_44 = tpu.memref_slice %arg11[%add3A_38, %dma_wait3A_43] : memref<10112x128xf32, #tpu.memory_space<vmem_shared>> -> memref<128x128xf32, #tpu.memory_space<vmem_shared>>
        tpu.wait_dma2 semaphore(%run_scoped3A : memref<!tpu.dma_semaphore, #tpu.memory_space<semaphore_mem>>) src(%dma_wait3A_44 : memref<128x128xf32, #tpu.memory_space<vmem_shared>>) dst(%arg10 : memref<128x128xf32, #tpu.memory_space<vmem>>)
        tpu.yield
      }) : () -> ()
      "tpu.region"() ({
        %run_scoped3A = tpu.sem_alloc : memref<!tpu.dma_semaphore, #tpu.memory_space<semaphore_mem>>
        %dma_start3A = arith.constant 0 : i32
        %dma_start3A_39 = arith.constant 0 : i32
        %dma_start3A_40 = tpu.memref_slice %arg6[%arg0, %dma_start3A, %dma_start3A_39] : memref<2x10112x128xf32, #tpu.memory_space<hbm>> -> memref<1x10112x128xf32, #tpu.memory_space<hbm>>
        %dma_start3A_41 = tpu.memref_squeeze %dma_start3A_40 : memref<1x10112x128xf32, #tpu.memory_space<hbm>> -> memref<10112x128xf32, #tpu.memory_space<hbm>>
        %dma_start3A_42 = arith.constant 0 : i32
        %dma_start3A_43 = tpu.memref_slice %dma_start3A_41[%add3A_38, %dma_start3A_42] : memref<10112x128xf32, #tpu.memory_space<hbm>> -> memref<128x128xf32, #tpu.memory_space<hbm>>
        %dma_start3A_44 = arith.constant 0 : i32
        %dma_start3A_45 = arith.constant 0 : i32
        %dma_start3A_46 = tpu.memref_slice %arg6[%arg0, %dma_start3A_44, %dma_start3A_45] : memref<2x10112x128xf32, #tpu.memory_space<hbm>> -> memref<1x10112x128xf32, #tpu.memory_space<hbm>>
        %dma_start3A_47 = tpu.memref_squeeze %dma_start3A_46 : memref<1x10112x128xf32, #tpu.memory_space<hbm>> -> memref<10112x128xf32, #tpu.memory_space<hbm>>
        %dma_start3A_48 = arith.constant 0 : i32
        %dma_start3A_49 = tpu.memref_slice %dma_start3A_47[%add3A_38, %dma_start3A_48] : memref<10112x128xf32, #tpu.memory_space<hbm>> -> memref<128x128xf32, #tpu.memory_space<hbm>>
        tpu.enqueue_dma source(%arg10 : memref<128x128xf32, #tpu.memory_space<vmem>>) target(%dma_start3A_49 : memref<128x128xf32, #tpu.memory_space<hbm>>) target_semaphore(%run_scoped3A : memref<!tpu.dma_semaphore, #tpu.memory_space<semaphore_mem>>)
        %dma_wait3A = arith.constant 0 : i32
        %dma_wait3A_50 = arith.constant 0 : i32
        %dma_wait3A_51 = tpu.memref_slice %arg6[%arg0, %dma_wait3A, %dma_wait3A_50] : memref<2x10112x128xf32, #tpu.memory_space<hbm>> -> memref<1x10112x128xf32, #tpu.memory_space<hbm>>
        %dma_wait3A_52 = tpu.memref_squeeze %dma_wait3A_51 : memref<1x10112x128xf32, #tpu.memory_space<hbm>> -> memref<10112x128xf32, #tpu.memory_space<hbm>>
        %dma_wait3A_53 = arith.constant 0 : i32
        %dma_wait3A_54 = tpu.memref_slice %dma_wait3A_52[%add3A_38, %dma_wait3A_53] : memref<10112x128xf32, #tpu.memory_space<hbm>> -> memref<128x128xf32, #tpu.memory_space<hbm>>
        %dma_wait3A_55 = arith.constant 0 : i32
        %dma_wait3A_56 = arith.constant 0 : i32
        %dma_wait3A_57 = tpu.memref_slice %arg6[%arg0, %dma_wait3A_55, %dma_wait3A_56] : memref<2x10112x128xf32, #tpu.memory_space<hbm>> -> memref<1x10112x128xf32, #tpu.memory_space<hbm>>
        %dma_wait3A_58 = tpu.memref_squeeze %dma_wait3A_57 : memref<1x10112x128xf32, #tpu.memory_space<hbm>> -> memref<10112x128xf32, #tpu.memory_space<hbm>>
        %dma_wait3A_59 = arith.constant 0 : i32
        %dma_wait3A_60 = tpu.memref_slice %dma_wait3A_58[%add3A_38, %dma_wait3A_59] : memref<10112x128xf32, #tpu.memory_space<hbm>> -> memref<128x128xf32, #tpu.memory_space<hbm>>
        tpu.wait_dma2 semaphore(%run_scoped3A : memref<!tpu.dma_semaphore, #tpu.memory_space<semaphore_mem>>) src(%arg10 : memref<128x128xf32, #tpu.memory_space<vmem>>) dst(%dma_wait3A_60 : memref<128x128xf32, #tpu.memory_space<hbm>>)
        tpu.yield
      }) : () -> ()
    }
    %scan3A_24 = arith.constant 4 : i32
    %mul3A_25 = arith.constant 632 : i32
    %mul3A_26 = arith.muli %arg1, %mul3A_25 : i32
    %add3A_27 = arith.constant 512 : i32
    %add3A_28 = arith.addi %mul3A_26, %add3A_27 : i32
    "tpu.region"() ({
      %run_scoped3A = tpu.sem_alloc : memref<!tpu.dma_semaphore, #tpu.memory_space<semaphore_mem>>
      %dma_start3A = arith.constant 0 : i32
      %dma_start3A_29 = arith.constant 0 : i32
      %dma_start3A_30 = tpu.memref_slice %arg10[%dma_start3A, %dma_start3A_29] : memref<128x128xf32, #tpu.memory_space<vmem>> -> memref<120x128xf32, #tpu.memory_space<vmem>>
      %dma_start3A_31 = arith.constant 0 : i32
      %dma_start3A_32 = tpu.memref_slice %arg11[%add3A_28, %dma_start3A_31] : memref<10112x128xf32, #tpu.memory_space<vmem_shared>> -> memref<120x128xf32, #tpu.memory_space<vmem_shared>>
      %dma_start3A_33 = arith.constant 0 : i32
      %dma_start3A_34 = arith.constant 0 : i32
      %dma_start3A_35 = tpu.memref_slice %arg10[%dma_start3A_33, %dma_start3A_34] : memref<128x128xf32, #tpu.memory_space<vmem>> -> memref<120x128xf32, #tpu.memory_space<vmem>>
      %dma_start3A_36 = arith.constant 0 : i32
      %dma_start3A_37 = tpu.memref_slice %arg11[%add3A_28, %dma_start3A_36] : memref<10112x128xf32, #tpu.memory_space<vmem_shared>> -> memref<120x128xf32, #tpu.memory_space<vmem_shared>>
      tpu.enqueue_dma source(%dma_start3A_37 : memref<120x128xf32, #tpu.memory_space<vmem_shared>>) target(%dma_start3A_35 : memref<120x128xf32, #tpu.memory_space<vmem>>) target_semaphore(%run_scoped3A : memref<!tpu.dma_semaphore, #tpu.memory_space<semaphore_mem>>)
      %dma_wait3A = arith.constant 0 : i32
      %dma_wait3A_38 = arith.constant 0 : i32
      %dma_wait3A_39 = tpu.memref_slice %arg10[%dma_wait3A, %dma_wait3A_38] : memref<128x128xf32, #tpu.memory_space<vmem>> -> memref<120x128xf32, #tpu.memory_space<vmem>>
      %dma_wait3A_40 = arith.constant 0 : i32
      %dma_wait3A_41 = tpu.memref_slice %arg11[%add3A_28, %dma_wait3A_40] : memref<10112x128xf32, #tpu.memory_space<vmem_shared>> -> memref<120x128xf32, #tpu.memory_space<vmem_shared>>
      %dma_wait3A_42 = arith.constant 0 : i32
      %dma_wait3A_43 = arith.constant 0 : i32
      %dma_wait3A_44 = tpu.memref_slice %arg10[%dma_wait3A_42, %dma_wait3A_43] : memref<128x128xf32, #tpu.memory_space<vmem>> -> memref<120x128xf32, #tpu.memory_space<vmem>>
      %dma_wait3A_45 = arith.constant 0 : i32
      %dma_wait3A_46 = tpu.memref_slice %arg11[%add3A_28, %dma_wait3A_45] : memref<10112x128xf32, #tpu.memory_space<vmem_shared>> -> memref<120x128xf32, #tpu.memory_space<vmem_shared>>
      tpu.wait_dma2 semaphore(%run_scoped3A : memref<!tpu.dma_semaphore, #tpu.memory_space<semaphore_mem>>) src(%dma_wait3A_46 : memref<120x128xf32, #tpu.memory_space<vmem_shared>>) dst(%dma_wait3A_44 : memref<120x128xf32, #tpu.memory_space<vmem>>)
      tpu.yield
    }) : () -> ()
    "tpu.region"() ({
      %run_scoped3A = tpu.sem_alloc : memref<!tpu.dma_semaphore, #tpu.memory_space<semaphore_mem>>
      %dma_start3A = arith.constant 0 : i32
      %dma_start3A_29 = arith.constant 0 : i32
      %dma_start3A_30 = tpu.memref_slice %arg10[%dma_start3A, %dma_start3A_29] : memref<128x128xf32, #tpu.memory_space<vmem>> -> memref<120x128xf32, #tpu.memory_space<vmem>>
      %dma_start3A_31 = arith.constant 0 : i32
      %dma_start3A_32 = arith.constant 0 : i32
      %dma_start3A_33 = tpu.memref_slice %arg6[%arg0, %dma_start3A_31, %dma_start3A_32] : memref<2x10112x128xf32, #tpu.memory_space<hbm>> -> memref<1x10112x128xf32, #tpu.memory_space<hbm>>
      %dma_start3A_34 = tpu.memref_squeeze %dma_start3A_33 : memref<1x10112x128xf32, #tpu.memory_space<hbm>> -> memref<10112x128xf32, #tpu.memory_space<hbm>>
      %dma_start3A_35 = arith.constant 0 : i32
      %dma_start3A_36 = tpu.memref_slice %dma_start3A_34[%add3A_28, %dma_start3A_35] : memref<10112x128xf32, #tpu.memory_space<hbm>> -> memref<120x128xf32, #tpu.memory_space<hbm>>
      %dma_start3A_37 = arith.constant 0 : i32
      %dma_start3A_38 = arith.constant 0 : i32
      %dma_start3A_39 = tpu.memref_slice %arg6[%arg0, %dma_start3A_37, %dma_start3A_38] : memref<2x10112x128xf32, #tpu.memory_space<hbm>> -> memref<1x10112x128xf32, #tpu.memory_space<hbm>>
      %dma_start3A_40 = tpu.memref_squeeze %dma_start3A_39 : memref<1x10112x128xf32, #tpu.memory_space<hbm>> -> memref<10112x128xf32, #tpu.memory_space<hbm>>
      %dma_start3A_41 = arith.constant 0 : i32
      %dma_start3A_42 = tpu.memref_slice %dma_start3A_40[%add3A_28, %dma_start3A_41] : memref<10112x128xf32, #tpu.memory_space<hbm>> -> memref<120x128xf32, #tpu.memory_space<hbm>>
      %dma_start3A_43 = arith.constant 0 : i32
      %dma_start3A_44 = arith.constant 0 : i32
      %dma_start3A_45 = tpu.memref_slice %arg10[%dma_start3A_43, %dma_start3A_44] : memref<128x128xf32, #tpu.memory_space<vmem>> -> memref<120x128xf32, #tpu.memory_space<vmem>>
      tpu.enqueue_dma source(%dma_start3A_45 : memref<120x128xf32, #tpu.memory_space<vmem>>) target(%dma_start3A_42 : memref<120x128xf32, #tpu.memory_space<hbm>>) target_semaphore(%run_scoped3A : memref<!tpu.dma_semaphore, #tpu.memory_space<semaphore_mem>>)
      %dma_wait3A = arith.constant 0 : i32
      %dma_wait3A_46 = arith.constant 0 : i32
      %dma_wait3A_47 = tpu.memref_slice %arg10[%dma_wait3A, %dma_wait3A_46] : memref<128x128xf32, #tpu.memory_space<vmem>> -> memref<120x128xf32, #tpu.memory_space<vmem>>
      %dma_wait3A_48 = arith.constant 0 : i32
      %dma_wait3A_49 = arith.constant 0 : i32
      %dma_wait3A_50 = tpu.memref_slice %arg6[%arg0, %dma_wait3A_48, %dma_wait3A_49] : memref<2x10112x128xf32, #tpu.memory_space<hbm>> -> memref<1x10112x128xf32, #tpu.memory_space<hbm>>
      %dma_wait3A_51 = tpu.memref_squeeze %dma_wait3A_50 : memref<1x10112x128xf32, #tpu.memory_space<hbm>> -> memref<10112x128xf32, #tpu.memory_space<hbm>>
      %dma_wait3A_52 = arith.constant 0 : i32
      %dma_wait3A_53 = tpu.memref_slice %dma_wait3A_51[%add3A_28, %dma_wait3A_52] : memref<10112x128xf32, #tpu.memory_space<hbm>> -> memref<120x128xf32, #tpu.memory_space<hbm>>
      %dma_wait3A_54 = arith.constant 0 : i32
      %dma_wait3A_55 = arith.constant 0 : i32
      %dma_wait3A_56 = tpu.memref_slice %arg6[%arg0, %dma_wait3A_54, %dma_wait3A_55] : memref<2x10112x128xf32, #tpu.memory_space<hbm>> -> memref<1x10112x128xf32, #tpu.memory_space<hbm>>
      %dma_wait3A_57 = tpu.memref_squeeze %dma_wait3A_56 : memref<1x10112x128xf32, #tpu.memory_space<hbm>> -> memref<10112x128xf32, #tpu.memory_space<hbm>>
      %dma_wait3A_58 = arith.constant 0 : i32
      %dma_wait3A_59 = tpu.memref_slice %dma_wait3A_57[%add3A_28, %dma_wait3A_58] : memref<10112x128xf32, #tpu.memory_space<hbm>> -> memref<120x128xf32, #tpu.memory_space<hbm>>
      %dma_wait3A_60 = arith.constant 0 : i32
      %dma_wait3A_61 = arith.constant 0 : i32
      %dma_wait3A_62 = tpu.memref_slice %arg10[%dma_wait3A_60, %dma_wait3A_61] : memref<128x128xf32, #tpu.memory_space<vmem>> -> memref<120x128xf32, #tpu.memory_space<vmem>>
      tpu.wait_dma2 semaphore(%run_scoped3A : memref<!tpu.dma_semaphore, #tpu.memory_space<semaphore_mem>>) src(%dma_wait3A_62 : memref<120x128xf32, #tpu.memory_space<vmem>>) dst(%dma_wait3A_59 : memref<120x128xf32, #tpu.memory_space<hbm>>)
      tpu.yield
    }) : () -> ()
    return
  }
}

module attributes {stable_mosaic.version = 14 : i64} {
  func.func @_tc_prep_body(%arg0: memref<2x10000x128xf32, #tpu.memory_space<vmem>>, %arg1: memref<32x80x128xf32, #tpu.memory_space<vmem>>, %arg2: memref<32x80x128xf32, #tpu.memory_space<vmem>>, %arg3: memref<10000x128xf32, #tpu.memory_space<vmem>>) attributes {dimension_semantics = [], scalar_prefetch = 0 : i64, scratch_operands = 0 : i64, tpu.core_type = #tpu.core_type<tc>} {
    %get3A = arith.constant 0 : index
    %get3A_0 = arith.constant 0 : index
    %get3A_1 = arith.constant 0 : index
    %get3A_2 = vector.load %arg0[%get3A, %get3A_0, %get3A_1] : memref<2x10000x128xf32, #tpu.memory_space<vmem>>, vector<1x10000x128xf32>
    %get3A_3 = vector.shape_cast %get3A_2 : vector<1x10000x128xf32> to vector<10000x128xf32>
    %get3A_4 = arith.constant 1 : index
    %get3A_5 = arith.constant 0 : index
    %get3A_6 = arith.constant 0 : index
    %get3A_7 = vector.load %arg0[%get3A_4, %get3A_5, %get3A_6] : memref<2x10000x128xf32, #tpu.memory_space<vmem>>, vector<1x10000x128xf32>
    %get3A_8 = vector.shape_cast %get3A_7 : vector<1x10000x128xf32> to vector<10000x128xf32>
    %add3A = arith.addf %get3A_3, %get3A_8 : vector<10000x128xf32>
    %get3A_9 = arith.constant 0 : index
    %get3A_10 = arith.constant 0 : index
    %get3A_11 = arith.constant 0 : index
    %get3A_12 = vector.load %arg1[%get3A_9, %get3A_10, %get3A_11] : memref<32x80x128xf32, #tpu.memory_space<vmem>>, vector<32x80x128xf32>
    %reduce_sum3A = arith.constant dense<0.000000e+00> : vector<80x128xf32>
    %reduce_sum3A_13 = vector.multi_reduction <add>, %get3A_12, %reduce_sum3A [0] : vector<32x80x128xf32> to vector<80x128xf32>
    %reshape3A = vector.shape_cast %reduce_sum3A_13 : vector<80x128xf32> to vector<10240xf32>
    %slice3A = vector.extract_strided_slice %reshape3A {offsets = [0], sizes = [10000], strides = [1]} : vector<10240xf32> to vector<10000xf32>
    %broadcast_in_dim3A = vector.shape_cast %slice3A : vector<10000xf32> to vector<10000x1xf32>
    %max3A = arith.constant 1.000000e+00 : f32
    %max3A_14 = vector.broadcast %max3A : f32 to vector<10000x1xf32>
    %max3A_15 = arith.maximumf %broadcast_in_dim3A, %max3A_14 : vector<10000x1xf32>
    %div3A = vector.broadcast %max3A_15 : vector<10000x1xf32> to vector<10000x128xf32>
    %div3A_16 = arith.divf %add3A, %div3A : vector<10000x128xf32>
    %get3A_17 = arith.constant 0 : index
    %get3A_18 = arith.constant 0 : index
    %get3A_19 = arith.constant 0 : index
    %get3A_20 = vector.load %arg2[%get3A_17, %get3A_18, %get3A_19] : memref<32x80x128xf32, #tpu.memory_space<vmem>>, vector<32x80x128xf32>
    %reduce_sum3A_21 = arith.constant dense<0.000000e+00> : vector<80x128xf32>
    %reduce_sum3A_22 = vector.multi_reduction <add>, %get3A_20, %reduce_sum3A_21 [0] : vector<32x80x128xf32> to vector<80x128xf32>
    %reshape3A_23 = vector.shape_cast %reduce_sum3A_22 : vector<80x128xf32> to vector<10240xf32>
    %slice3A_24 = vector.extract_strided_slice %reshape3A_23 {offsets = [0], sizes = [10000], strides = [1]} : vector<10240xf32> to vector<10000xf32>
    %broadcast_in_dim3A_25 = vector.shape_cast %slice3A_24 : vector<10000xf32> to vector<10000x1xf32>
    %max3A_26 = arith.constant 1.000000e+00 : f32
    %max3A_27 = vector.broadcast %max3A_26 : f32 to vector<10000x1xf32>
    %max3A_28 = arith.maximumf %broadcast_in_dim3A_25, %max3A_27 : vector<10000x1xf32>
    %rsqrt3A = math.rsqrt %max3A_28 : vector<10000x1xf32>
    %mul3A = vector.broadcast %rsqrt3A : vector<10000x1xf32> to vector<10000x128xf32>
    %mul3A_29 = arith.mulf %div3A_16, %mul3A : vector<10000x128xf32>
    %swap3A = arith.constant 0 : index
    %swap3A_30 = arith.constant 0 : index
    %swap3A_31 = vector.load %arg3[%swap3A, %swap3A_30] : memref<10000x128xf32, #tpu.memory_space<vmem>>, vector<10000x128xf32>
    tpu.vector_store %arg3[%swap3A, %swap3A_30], %mul3A_29 {strides = array<i32>} : memref<10000x128xf32, #tpu.memory_space<vmem>>, vector<10000x128xf32>,
    return
  }
}

module attributes {stable_mosaic.version = 14 : i64} {
  func.func @_tc_conv_body(%arg0: memref<2x10112x128xf32, #tpu.memory_space<vmem>>, %arg1: memref<32x80x128xf32, #tpu.memory_space<vmem>>, %arg2: memref<32x80x128xf32, #tpu.memory_space<vmem>>, %arg3: memref<128x128xf32, #tpu.memory_space<vmem>>, %arg4: memref<1x128xf32, #tpu.memory_space<vmem>>, %arg5: memref<10000x128xf32, #tpu.memory_space<vmem>>) attributes {dimension_semantics = [], scalar_prefetch = 0 : i64, scratch_operands = 0 : i64, tpu.core_type = #tpu.core_type<tc>} {
    %get3A = arith.constant 0 : index
    %get3A_0 = arith.constant 0 : index
    %get3A_1 = arith.constant 0 : index
    %get3A_2 = vector.load %arg0[%get3A, %get3A_0, %get3A_1] : memref<2x10112x128xf32, #tpu.memory_space<vmem>>, vector<1x10000x128xf32>
    %get3A_3 = vector.shape_cast %get3A_2 : vector<1x10000x128xf32> to vector<10000x128xf32>
    %get3A_4 = arith.constant 1 : index
    %get3A_5 = arith.constant 0 : index
    %get3A_6 = arith.constant 0 : index
    %get3A_7 = vector.load %arg0[%get3A_4, %get3A_5, %get3A_6] : memref<2x10112x128xf32, #tpu.memory_space<vmem>>, vector<1x10000x128xf32>
    %get3A_8 = vector.shape_cast %get3A_7 : vector<1x10000x128xf32> to vector<10000x128xf32>
    %add3A = arith.addf %get3A_3, %get3A_8 : vector<10000x128xf32>
    %get3A_9 = arith.constant 0 : index
    %get3A_10 = arith.constant 0 : index
    %get3A_11 = arith.constant 0 : index
    %get3A_12 = vector.load %arg1[%get3A_9, %get3A_10, %get3A_11] : memref<32x80x128xf32, #tpu.memory_space<vmem>>, vector<32x80x128xf32>
    %reduce_sum3A = arith.constant dense<0.000000e+00> : vector<80x128xf32>
    %reduce_sum3A_13 = vector.multi_reduction <add>, %get3A_12, %reduce_sum3A [0] : vector<32x80x128xf32> to vector<80x128xf32>
    %reshape3A = vector.shape_cast %reduce_sum3A_13 : vector<80x128xf32> to vector<10240xf32>
    %slice3A = vector.extract_strided_slice %reshape3A {offsets = [0], sizes = [10000], strides = [1]} : vector<10240xf32> to vector<10000xf32>
    %broadcast_in_dim3A = vector.shape_cast %slice3A : vector<10000xf32> to vector<10000x1xf32>
    %max3A = arith.constant 1.000000e+00 : f32
    %max3A_14 = vector.broadcast %max3A : f32 to vector<10000x1xf32>
    %max3A_15 = arith.maximumf %broadcast_in_dim3A, %max3A_14 : vector<10000x1xf32>
    %rsqrt3A = math.rsqrt %max3A_15 : vector<10000x1xf32>
    %mul3A = vector.broadcast %rsqrt3A : vector<10000x1xf32> to vector<10000x128xf32>
    %mul3A_16 = arith.mulf %add3A, %mul3A : vector<10000x128xf32>
    %get3A_17 = arith.constant 0 : index
    %get3A_18 = arith.constant 0 : index
    %get3A_19 = vector.load %arg3[%get3A_17, %get3A_18] : memref<128x128xf32, #tpu.memory_space<vmem>>, vector<128x128xf32>
    %dot_general3A = arith.constant dense<0.000000e+00> : vector<10000x128xf32>
    %dot_general3A_20 = tpu.matmul %mul3A_16, %get3A_19, %dot_general3A {dimension_numbers = #tpu.dot_dimension_numbers<[1], [0], [0], [1], [0, 0, 1, 1], [], []>, precision = #tpu.contract_precision<fp32>, transpose_lhs_hint = false} : vector<10000x128xf32>, vector<128x128xf32>, vector<10000x128xf32> -> vector<10000x128xf32>
    %get3A_21 = arith.constant 0 : index
    %get3A_22 = arith.constant 0 : index
    %get3A_23 = vector.load %arg4[%get3A_21, %get3A_22] : memref<1x128xf32, #tpu.memory_space<vmem>>, vector<1x128xf32>
    %add3A_24 = vector.broadcast %get3A_23 : vector<1x128xf32> to vector<10000x128xf32>
    %add3A_25 = arith.addf %dot_general3A_20, %add3A_24 : vector<10000x128xf32>
    %max3A_26 = arith.constant 0.000000e+00 : f32
    %max3A_27 = vector.broadcast %max3A_26 : f32 to vector<10000x128xf32>
    %max3A_28 = arith.maximumf %add3A_25, %max3A_27 : vector<10000x128xf32>
    %get3A_29 = arith.constant 0 : index
    %get3A_30 = arith.constant 0 : index
    %get3A_31 = arith.constant 0 : index
    %get3A_32 = vector.load %arg2[%get3A_29, %get3A_30, %get3A_31] : memref<32x80x128xf32, #tpu.memory_space<vmem>>, vector<32x80x128xf32>
    %reduce_sum3A_33 = arith.constant dense<0.000000e+00> : vector<80x128xf32>
    %reduce_sum3A_34 = vector.multi_reduction <add>, %get3A_32, %reduce_sum3A_33 [0] : vector<32x80x128xf32> to vector<80x128xf32>
    %reshape3A_35 = vector.shape_cast %reduce_sum3A_34 : vector<80x128xf32> to vector<10240xf32>
    %slice3A_36 = vector.extract_strided_slice %reshape3A_35 {offsets = [0], sizes = [10000], strides = [1]} : vector<10240xf32> to vector<10000xf32>
    %broadcast_in_dim3A_37 = vector.shape_cast %slice3A_36 : vector<10000xf32> to vector<10000x1xf32>
    %max3A_38 = arith.constant 1.000000e+00 : f32
    %max3A_39 = vector.broadcast %max3A_38 : f32 to vector<10000x1xf32>
    %max3A_40 = arith.maximumf %broadcast_in_dim3A_37, %max3A_39 : vector<10000x1xf32>
    %rsqrt3A_41 = math.rsqrt %max3A_40 : vector<10000x1xf32>
    %mul3A_42 = vector.broadcast %rsqrt3A_41 : vector<10000x1xf32> to vector<10000x128xf32>
    %mul3A_43 = arith.mulf %max3A_28, %mul3A_42 : vector<10000x128xf32>
    %swap3A = arith.constant 0 : index
    %swap3A_44 = arith.constant 0 : index
    %swap3A_45 = vector.load %arg5[%swap3A, %swap3A_44] : memref<10000x128xf32, #tpu.memory_space<vmem>>, vector<10000x128xf32>
    tpu.vector_store %arg5[%swap3A, %swap3A_44], %mul3A_43 {strides = array<i32>} : memref<10000x128xf32, #tpu.memory_space<vmem>>, vector<10000x128xf32>,
    return
  }
}

module attributes {stable_mosaic.version = 14 : i64} {
  func.func @_tc_head_body(%arg0: memref<2x10112x128xf32, #tpu.memory_space<vmem>>, %arg1: memref<32x80x128xf32, #tpu.memory_space<vmem>>, %arg2: memref<128x128xf32, #tpu.memory_space<vmem>>, %arg3: memref<1x128xf32, #tpu.memory_space<vmem>>, %arg4: memref<128x64xf32, #tpu.memory_space<vmem>>, %arg5: memref<1x64xf32, #tpu.memory_space<vmem>>, %arg6: memref<1x64xf32, #tpu.memory_space<vmem>>) attributes {dimension_semantics = [], scalar_prefetch = 0 : i64, scratch_operands = 0 : i64, tpu.core_type = #tpu.core_type<tc>} {
    %get3A = arith.constant 0 : index
    %get3A_0 = arith.constant 0 : index
    %get3A_1 = arith.constant 0 : index
    %get3A_2 = vector.load %arg0[%get3A, %get3A_0, %get3A_1] : memref<2x10112x128xf32, #tpu.memory_space<vmem>>, vector<1x10000x128xf32>
    %get3A_3 = vector.shape_cast %get3A_2 : vector<1x10000x128xf32> to vector<10000x128xf32>
    %get3A_4 = arith.constant 1 : index
    %get3A_5 = arith.constant 0 : index
    %get3A_6 = arith.constant 0 : index
    %get3A_7 = vector.load %arg0[%get3A_4, %get3A_5, %get3A_6] : memref<2x10112x128xf32, #tpu.memory_space<vmem>>, vector<1x10000x128xf32>
    %get3A_8 = vector.shape_cast %get3A_7 : vector<1x10000x128xf32> to vector<10000x128xf32>
    %add3A = arith.addf %get3A_3, %get3A_8 : vector<10000x128xf32>
    %get3A_9 = arith.constant 0 : index
    %get3A_10 = arith.constant 0 : index
    %get3A_11 = arith.constant 0 : index
    %get3A_12 = vector.load %arg1[%get3A_9, %get3A_10, %get3A_11] : memref<32x80x128xf32, #tpu.memory_space<vmem>>, vector<32x80x128xf32>
    %reduce_sum3A = arith.constant dense<0.000000e+00> : vector<80x128xf32>
    %reduce_sum3A_13 = vector.multi_reduction <add>, %get3A_12, %reduce_sum3A [0] : vector<32x80x128xf32> to vector<80x128xf32>
    %reshape3A = vector.shape_cast %reduce_sum3A_13 : vector<80x128xf32> to vector<10240xf32>
    %slice3A = vector.extract_strided_slice %reshape3A {offsets = [0], sizes = [10000], strides = [1]} : vector<10240xf32> to vector<10000xf32>
    %broadcast_in_dim3A = vector.shape_cast %slice3A : vector<10000xf32> to vector<10000x1xf32>
    %max3A = arith.constant 1.000000e+00 : f32
    %max3A_14 = vector.broadcast %max3A : f32 to vector<10000x1xf32>
    %max3A_15 = arith.maximumf %broadcast_in_dim3A, %max3A_14 : vector<10000x1xf32>
    %rsqrt3A = math.rsqrt %max3A_15 : vector<10000x1xf32>
    %mul3A = vector.broadcast %rsqrt3A : vector<10000x1xf32> to vector<10000x128xf32>
    %mul3A_16 = arith.mulf %add3A, %mul3A : vector<10000x128xf32>
    %get3A_17 = arith.constant 0 : index
    %get3A_18 = arith.constant 0 : index
    %get3A_19 = vector.load %arg2[%get3A_17, %get3A_18] : memref<128x128xf32, #tpu.memory_space<vmem>>, vector<128x128xf32>
    %dot_general3A = arith.constant dense<0.000000e+00> : vector<10000x128xf32>
    %dot_general3A_20 = tpu.matmul %mul3A_16, %get3A_19, %dot_general3A {dimension_numbers = #tpu.dot_dimension_numbers<[1], [0], [0], [1], [0, 0, 1, 1], [], []>, precision = #tpu.contract_precision<fp32>, transpose_lhs_hint = false} : vector<10000x128xf32>, vector<128x128xf32>, vector<10000x128xf32> -> vector<10000x128xf32>
    %get3A_21 = arith.constant 0 : index
    %get3A_22 = arith.constant 0 : index
    %get3A_23 = vector.load %arg3[%get3A_21, %get3A_22] : memref<1x128xf32, #tpu.memory_space<vmem>>, vector<1x128xf32>
    %add3A_24 = vector.broadcast %get3A_23 : vector<1x128xf32> to vector<10000x128xf32>
    %add3A_25 = arith.addf %dot_general3A_20, %add3A_24 : vector<10000x128xf32>
    %max3A_26 = arith.constant 0.000000e+00 : f32
    %max3A_27 = vector.broadcast %max3A_26 : f32 to vector<10000x128xf32>
    %max3A_28 = arith.maximumf %add3A_25, %max3A_27 : vector<10000x128xf32>
    %reduce_sum3A_29 = arith.constant dense<0.000000e+00> : vector<128xf32>
    %reduce_sum3A_30 = vector.multi_reduction <add>, %max3A_28, %reduce_sum3A_29 [0] : vector<10000x128xf32> to vector<128xf32>
    %broadcast_in_dim3A_31 = vector.shape_cast %reduce_sum3A_30 : vector<128xf32> to vector<1x128xf32>
    %div3A = arith.constant 1.000000e+04 : f32
    %div3A_32 = vector.broadcast %div3A : f32 to vector<1x128xf32>
    %div3A_33 = arith.divf %broadcast_in_dim3A_31, %div3A_32 : vector<1x128xf32>
    %get3A_34 = arith.constant 0 : index
    %get3A_35 = arith.constant 0 : index
    %get3A_36 = vector.load %arg4[%get3A_34, %get3A_35] : memref<128x64xf32, #tpu.memory_space<vmem>>, vector<128x64xf32>
    %dot_general3A_37 = arith.constant dense<0.000000e+00> : vector<1x64xf32>
    %dot_general3A_38 = tpu.matmul %div3A_33, %get3A_36, %dot_general3A_37 {dimension_numbers = #tpu.dot_dimension_numbers<[1], [0], [0], [1], [0, 0, 1, 1], [], []>, precision = #tpu.contract_precision<fp32>, transpose_lhs_hint = false} : vector<1x128xf32>, vector<128x64xf32>, vector<1x64xf32> -> vector<1x64xf32>
    %get3A_39 = arith.constant 0 : index
    %get3A_40 = arith.constant 0 : index
    %get3A_41 = vector.load %arg5[%get3A_39, %get3A_40] : memref<1x64xf32, #tpu.memory_space<vmem>>, vector<1x64xf32>
    %add3A_42 = arith.addf %dot_general3A_38, %get3A_41 : vector<1x64xf32>
    %swap3A = arith.constant 0 : index
    %swap3A_43 = arith.constant 0 : index
    %swap3A_44 = vector.load %arg6[%swap3A, %swap3A_43] : memref<1x64xf32, #tpu.memory_space<vmem>>, vector<1x64xf32>
    tpu.vector_store %arg6[%swap3A, %swap3A_43], %add3A_42 {strides = array<i32>} : memref<1x64xf32, #tpu.memory_space<vmem>>, vector<1x64xf32>,
    return
  }
}

</mosaic_0001>

<sc_bundles>
// kernel: kernel.12.cloned.1.call-start
scs
__scs_entry_jumppad:
0x0: {  	(pc) =	sbr.rel $0x88, $3  }
0x1: {  	(tag) =	ssettag $0x0;
	lr =	simm.s32 $0x1  }
0x2: {  	[smem:$0x3F97] =	sst lr;
	_ =	strace $0xD0000000  }
0x3: {  	_ = 	snop  }
0x4: {  	_ = 	snop  }
0x5: {  	_ = 	snop  }
0x6: {  	_ = 	snop  }
0x7: {  	_ = 	snop  }
__scs_overlays_trampoline_lowered:
0x8: {  	[smem:$0x3FA6] =	sst s0  }
0x9: {  	[smem:$0x3FA7] =	sst s1  }
0xa: {  	[smem:$0x3FA8] =	sst s2  }
0xb: {  	[smem:$0x3FA9] =	sst s3  }
0xc: {  	[smem:$0x3FAA] =	sst s4  }
0xd: {  	[smem:$0x3FAB] =	sst s5  }
0xe: {  	[smem:$0x3FAC] =	sst s6  }
0xf: {  	[smem:$0x3FAD] =	sst s7  }
0x10: {  	[smem:$0x3FAE] =	sst s8  }
0x11: {  	[smem:$0x3FAF] =	sst s9;
	s0 =	simm.s32 @!p0 $0x0  }
0x12: {  	s1 =	sld [smem:$0x3F95];
	s0 =	simm.s32 @p0 $0x1  }
0x13: {  	[smem:$0x3FB0] =	sst s0;
	s0 =	simm.s32 @!p1 $0x0  }
0x14: {  	s2 =	sld [smem:$0x3F94];
	s0 =	simm.s32 @p1 $0x1  }
0x15: {  	[smem:$0x3FB1] =	sst s0;
	s0 =	simm.s32 @!p2 $0x0  }
0x16: {  	s3 =	sld [smem:$0x3FDB];
	s0 =	simm.s32 @p2 $0x1  }
0x17: {  	s4 =	simm.s32 $0x1BF5;
	[smem:$0x3FB3] =	sst s0  }
0x18: {  	s0 =	sld [smem:$0x3F96];
	_ =	swait.ge [sflag:s4], $0x0  }
0x19: {  	s7 =	sld [smem:$0x3F97]  }
0x1a: {  	s8 =	sadd.s32 $0xFFFFE003, lr  }
0x1b: {  	s9 =	sadd.s32 $0xFFFFFEF7, lr;
	s5 =	simm.s32 $0xFFFFFFFF;
	p2 =	slt.u32 s8, $0xFFFFF086  }
0x1c: {  	p1 =	slt.u32 s9, $0xF7A;
	s5 =	simm.s32 @!p2 $0x0  }
0x1d: {  	s5 =	simm.s32 @p1 $0x1;
	p0 =	seq.s32 s7, s2  }
0x1e: {  	s7 =	smul.u32 @!p0 $0xF7A, s2;
	p2 =	seq.s32 @!p0 s5, $0x0  }
0x1f: {  	s9 =	smul.u32 $0xF7A, s1;
	s8 =	simm.s32 @!p0 $0x1BF5;
	p2 =	por !p2, p0  }
0x20: {  	[sflag:s8] =	ssyncset.s32 @!p0 $0xFFFFF086;
	s6 =	sadd.s32 @!p0 s3, s7;
	s7 =	simm.s32 @!p0 $0x108  }
0x21: {  	s3 =	sadd.s32 s3, s9;
	s6 =	sadd.s32 @!p0 $0x88, s6;
	s7 =	simm.s32 @p2 $0x1082  }
0x22: {  	[simem:s7], [sflag:s8] =	dma.local @!p0 [hbm:s6], $0xF7A  }
0x23: {  	s9 =	sor.u32 $0xD0000000, s2;
	s6 =	simm.s32 $0x108;
	_ =	swait.ge @!p0 [sflag:s8], $0x0  }
0x24: {  	s3 =	sadd.s32 $0x88, s3;
	s6 =	simm.s32 @!p1 $0x1082;
	[sflag:s4] =	ssyncset.s32 $0xFFFFF086  }
0x25: {  	[simem:s6], [sflag:s4] =	dma.local [hbm:s3], $0xF7A  }
0x26: {  	[smem:$0x3F97] =	sst s1;
	(tag) =	ssettag s2;
	_ =	strace s9  }
0x27: {  	s1 =	sld [smem:$0x3FA7]  }
0x28: {  	s2 =	sld [smem:$0x3FA8]  }
0x29: {  	s4 =	sld [smem:$0x3FAA]  }
0x2a: {  	p0 =	seq.s32 s5, $0x0;
	s5 =	sld [smem:$0x3FAB]  }
0x2b: {  	s6 =	sld [smem:$0x3FAC]  }
0x2c: {  	s7 =	sld [smem:$0x3FAD]  }
0x2d: {  	s3 =	simm.s32 $0x108;
	s8 =	sld [smem:$0x3FAE]  }
0x2e: {  	s3 =	simm.s32 @!p0 $0x1082;
	s9 =	sld [smem:$0x3FAF]  }
0x2f: {  	lr =	sadd.s32 s0, s3;
	s0 =	sld [smem:$0x3FA6]  }
0x30: {  	s3 =	sld [smem:$0x3FA9]  }
0x31: {  	[smem:$0x3FB2] =	sst s10  }
0x32: {  	s10 =	sld [smem:$0x3FB0];
	_ =	sdelay $0x3  }
0x33: {  	p0 =	seq.s32 s10, $0x1;
	s10 =	sld [smem:$0x3FB2];
	_ =	sdelay $0x3  }
0x34: {  	[smem:$0x3FB2] =	sst s10  }
0x35: {  	s10 =	sld [smem:$0x3FB1];
	_ =	sdelay $0x3  }
0x36: {  	p1 =	seq.s32 s10, $0x1;
	s10 =	sld [smem:$0x3FB2];
	_ =	sdelay $0x3  }
0x37: {  	[smem:$0x3FB2] =	sst s10  }
0x38: {  	s10 =	sld [smem:$0x3FB3]  }
0x39: {  	_ = 	snop;
	(pc) =	sbr.ind lr, $3  }
0x3a: {  	_ = 	snop  }
0x3b: {  	_ = 	snop  }
0x3c: {  	p2 =	seq.s32 s10, $0x1;
	s10 =	sld [smem:$0x3FB2]  }
0x3d: {  	_ =	shalt  }
0x3e: {  	_ =	shalt  }
0x3f: {  	_ =	shalt  }
0x40: {  	_ =	shalt  }
0x41: {  	_ =	shalt  }
0x42: {  	_ =	shalt  }
0x43: {  	_ =	shalt  }
0x44: {  	_ =	shalt  }
0x45: {  	_ =	shalt  }
0x46: {  	_ =	shalt  }
0x47: {  	_ =	shalt  }
0x48: {  	_ =	shalt  }
0x49: {  	_ =	shalt  }
0x4a: {  	_ =	shalt  }
0x4b: {  	_ =	shalt  }
0x4c: {  	_ =	shalt  }
0x4d: {  	_ =	shalt  }
0x4e: {  	_ =	shalt  }
0x4f: {  	_ =	shalt  }
0x50: {  	_ =	shalt  }
0x51: {  	_ =	shalt  }
0x52: {  	_ =	shalt  }
0x53: {  	_ =	shalt  }
0x54: {  	_ =	shalt  }
0x55: {  	_ =	shalt  }
0x56: {  	_ =	shalt  }
0x57: {  	_ =	shalt  }
0x58: {  	_ =	shalt  }
0x59: {  	_ =	shalt  }
0x5a: {  	_ =	shalt  }
0x5b: {  	_ =	shalt  }
0x5c: {  	_ =	shalt  }
0x5d: {  	_ =	shalt  }
0x5e: {  	_ =	shalt  }
0x5f: {  	_ =	shalt  }
0x60: {  	_ =	shalt  }
0x61: {  	_ =	shalt  }
0x62: {  	_ =	shalt  }
0x63: {  	_ =	shalt  }
0x64: {  	_ =	shalt  }
0x65: {  	_ =	shalt  }
0x66: {  	_ =	shalt  }
0x67: {  	_ =	shalt  }
0x68: {  	_ =	shalt  }
0x69: {  	_ =	shalt  }
0x6a: {  	_ =	shalt  }
0x6b: {  	_ =	shalt  }
0x6c: {  	_ =	shalt  }
0x6d: {  	_ =	shalt  }
0x6e: {  	_ =	shalt  }
0x6f: {  	_ =	shalt  }
0x70: {  	_ =	shalt  }
0x71: {  	_ =	shalt  }
0x72: {  	_ =	shalt  }
0x73: {  	_ =	shalt  }
0x74: {  	_ =	shalt  }
0x75: {  	_ =	shalt  }
0x76: {  	_ =	shalt  }
0x77: {  	_ =	shalt  }
0x78: {  	_ =	shalt  }
0x79: {  	_ =	shalt  }
0x7a: {  	_ =	shalt  }
0x7b: {  	_ =	shalt  }
0x7c: {  	_ =	shalt  }
0x7d: {  	_ =	shalt  }
0x7e: {  	_ =	shalt  }
0x7f: {  	_ =	shalt  }
0x80: {  	_ =	shalt  }
0x81: {  	_ =	shalt  }
0x82: {  	_ =	shalt  }
0x83: {  	_ =	shalt  }
0x84: {  	_ =	shalt  }
0x85: {  	_ =	shalt  }
0x86: {  	_ =	shalt  }
0x87: {  	_ =	shalt  }
.Lfunc_end0:
.L_simem_size_0:
called_computation.1_lowered:
.L_overlay_start_0:
0x88: {  	s2 =	sld [smem:$0x3FD9]  }
0x89: {  	s3 =	sld [smem:$0x3FFE];
	_ =	sdelay $0x1  }
0x8a: {  	s1 =	srdreg.scid  }
0x8b: {  	s0 =	sand.u32 $0x1, s1  }
0x8c: {  	s16 =	sshll.u32 s0, $0xA;
	s2 =	sadd.s32 s3, s2  }
0x8d: {  	s2 =	sadd.s32 s2, s16  }
0x8e: {  	[smem:$0x3FBE] =	sst s2  }
0x8f: {  	_ = 	snop  }
0x90: {  	(tm) =	ssettm $0x1  }
0x91: {  	s17 =	sld [smem:$0x3FFB];
	_ =	sdelay $0x3  }
0x92: {  	_ =	strace s17  }
0x93: {  	s2 =	sld [smem:$0x3FFC];
	_ =	sdelay $0x3  }
0x94: {  	_ =	strace s2  }
0x95: {  	s2 =	sld [smem:$0x3FFD];
	_ =	sdelay $0x3  }
0x96: {  	_ =	strace s2  }
0x97: {  	_ =	strace $0x8FFFFFFF  }
0x98: {  	s18 =	sld [smem:$0x3FDB];
	_ =	sdelay $0x1  }
0x99: {  	s19 =	simm.s32 $_scs_section_size  }
0x9a: {  	s4 =	simm.s32 $_size__tile_overlayer_lowered;
	s5 =	simm.s32 $_tile_overlayer_lowered  }
0x9b: {  	s22 =	simm.s32 $0x1BFF;
	s21 =	sshll.u32 s5, $0x1;
	s2 =	sadd.s32 s19, s18  }
0x9c: {  	s6 =	simm.s32 $0x0;
	s20 =	sshll.u32 s4, $0x1;
	s4 =	sadd.s32 s21, s2  }
0x9d: {  	[timem:s6], [sflag:s22] =	dma.local [hbm:s4], s20  }
0x9e: {  	_ =	swait.ge [sflag:s22], s20  }
0x9f: {  	s3 =	ssub.s32 $0x0, s20;
	[sflag:s22] =	ssyncset.done $0x0  }
0xa0: {  	[sflag:s22] =	ssyncadd.s32 s3;
	_ =	sdelay $0x1  }
0xa1: {  	s23 =	simm.s32 $0x1B8B  }
0xa2: {  	_ =	swait.ge [sflag:s23], $0x1  }
0xa3: {  	[sflag:s23] =	ssyncset.done $0x0  }
0xa4: {  	s25 =	simm.s32 $0x1B8E;
	s24 =	sld [smem:$0x3FFE];
	[sflag:s23] =	ssyncadd.s32 $0xFFFFFFFF  }
0xa5: {  	s26 =	simm.s32 $execute0_lowered;
	[smem:$0x3FD2] =	sst s25  }
0xa6: {  	s4 =	sshll.u32 s26, $0x1;
	_ =	strace $0x80000049;
	[dreg:$0x1] =	wrdreg $0xFFFFFFFF  }
0xa7: {  	s28 =	simm.s32 $_size_execute0_lowered;
	s2 =	sadd.s32 s2, s4;
	[dreg:$0x0] =	wrdreg $0x0  }
0xa8: {  	s4 =	sshll.u32 s28, $0x1;
	[dreg:$0x2] =	wrdreg s2  }
0xa9: {  	[dreg:$0x3] =	wrdreg s4  }
0xaa: {  	[dreg:$0x4] =	wrdreg $0xC0  }
0xab: {  	_ =	task [dreg:s6], $0x5FFFF  }
0xac: {  	[dreg:$0x1] =	wrdreg $0xFFFFFFFF  }
0xad: {  	[dreg:$0x0] =	wrdreg $0x60  }
0xae: {  	[dreg:$0x2] =	wrdreg s24  }
0xaf: {  	[dreg:$0x3] =	wrdreg $0x9  }
0xb0: {  	_ =	task.clear_ibuf [dreg:s6], $0x4FFFF;
	_ =	strace $0x90000049  }
0xb1: {  	s29 =	simm.s32 $0x9;
	_ =	strace $0x8000004B  }
0xb2: {  	_ =	swait.ge [sflag:s29], $0x1  }
0xb3: {  	[sflag:s29] =	ssyncadd.s32 $0xFFFFFFFF  }
0xb4: {  	_ =	strace $0x9000004B  }
0xb5: {  	_ =	sfence  }
0xb6: {  	s30 =	sld [smem:$0x0];
	_ =	sdelay $0x2  }
0xb7: {  	s31 =	sshll.u32 s1, $0xD;
	s1 =	sshrl.u32 s1, $0x2  }
0xb8: {  	s3 =	sand.u32 $0x4000, s31;
	s1 =	sadd.s32 s1, s30  }
0xb9: {  	s0 =	sor.u32 s3, s0;
	s1 =	sshll.u32 s1, $0x11  }
0xba: {  	s0 =	sor.u32 s1, s0  }
0xbb: {  	s0 =	sadd.s32 $0x8F2B, s0  }
0xbc: {  	[sflag:s0] =	ssyncadd.remote.s32 $0x1  }
0xbd: {  	_ =	sfence.sel $0xFFFF  }
0xbe: {  	[dreg:$0x0] =	wrdreg $0xFFFFFFFF;
	(pc) =	sbr.abs _section_cstart, $3  }
0xbf: {  	[dreg:$0x1] =	wrdreg $0xFFFFFFFF  }
0xc0: {  	_ =	task.clear_ibuf [dreg:s6], $0x2FFFF;
	_ =	strace $0x9FFFFFFF  }
0xc1: {  	(tm) =	ssettm $0x7FFFFFFF  }
tec
execute0_lowered:
.L_overlay_start_1:
0x0: {  	(tag) =	ssettag $0x1  }
0x1: {  	s0 =	srdreg.scid;
	s6 =	rddreg [dreg:$0x0]  }
0x2: {  	s2 =	simm.s32 $0x0;
	s11 =	simm.s32 $0x400;
	s12 =	simm.s32 $0x1  }
0x3: {  	s13 =	simm.s32 $0x6500;
	s14 =	simm.s32 $0x3D80;
	s3 =	sand.u32 $0x1, s0  }
0x4: {  	s15 =	simm.s32 $0x8D00;
	s0 =	stileid.u32;
	s1 =	sshll.u32 s3, $0x4  }
0x5: {  	s16 =	simm.s32 $0xB500;
	s17 =	simm.s32 $0x0;
	s4 =	sor.u32 s0, s1  }
0x6: {  	[smem:$0x7FF] =	sst s2;
	s5 =	sshrl.u32 s4, $0x3;
	s4 =	smul.u32 $0x500, s4  }
0x7: {  	s7 =	sshll.u32 s0, $0x7;
	s3 =	ssub.s32 $0x2, s3;
	s8 =	smul.u32 $0x1EC00, s5  }
0x8: {  	s1 =	rddreg [dreg:$0x1];
	s31 =	sshrl.u32 s3, $0x1;
	s5 =	smul.u32 $0x13C00, s5  }
0x9: {  	s7 =	sand.u32 $0x380, s7;
	_ =	strace $0x8000004A;
	s10 =	ssub.s32 s3, s31  }
0xa: {  	s9 =	sadd.s32 s4, s6;
	s8 =	sor.u32 s7, s8;
	s5 =	sor.u32 s7, s5  }
0xb: {  	s7 =	sadd.s32 $0x83E00, s9;
	s8 =	sshrl.u32 s8, $0x3;
	s5 =	sshrl.u32 s5, $0x3  }
0xc: {  	s30 =	sadd.s32 s8, s6;
	s5 =	sadd.s32 s5, s6;
	s6 =	sadd.s32 $0x3400, s9  }
0xd: {  	s8 =	sadd.s32 $0x8DE00, s9;
	s9 =	smax.u32 s10, $0x1;
	s10 =	simm.s32 $0x80  }
0xe: {  	v0 =	vimm.f32 $0.0e+00;
	v1 =	vimm.f32 $1.000000000e+00;
	s3 =	sadd.s32 $0x74800, s30;
	s4 =	sadd.s32 $0x60C00, s5;
	s5 =	sadd.s32 $0x6AA00, s5  }
.LBB2_1:
0xf: {  	s18 =	simm.s32 $0x0;
	s19 =	simm.s32 $0x200  }
.LBB2_2:
0x10: {  	p0 =	sne.s32 s19, $0x9E00;
	[tilespmem:s18+$0x6570] =	vst v0  }
0x11: {  	[tilespmem:s18+$0x6500] =	vst v0  }
0x12: {  	[tilespmem:s18+$0x6510] =	vst v0  }
.Ltmp0:
0x13: {  	[tilespmem:s18+$0x6520] =	vst v0;
	(pc) =	sbr.rel @p0 .LBB2_2-.Ltmp0, $4  }
0x14: {  	[tilespmem:s18+$0x6530] =	vst v0  }
0x15: {  	[tilespmem:s18+$0x6540] =	vst v0  }
0x16: {  	[tilespmem:s18+$0x6550] =	vst v0  }
0x17: {  	[tilespmem:s18+$0x6560] =	vst v0;
	s18 =	sshra.s32 s19, $0x2;
	s19 =	sadd.s32 $0x200, s19  }
0x18: {  	[tilespmem:s18+$0x6570] =	vst v0  }
0x19: {  	[tilespmem:s18+$0x6500] =	vst v0  }
0x1a: {  	[tilespmem:s18+$0x6510] =	vst v0  }
0x1b: {  	[tilespmem:s18+$0x6520] =	vst v0  }
0x1c: {  	[tilespmem:s18+$0x6530] =	vst v0  }
0x1d: {  	[tilespmem:s18+$0x6540] =	vst v0  }
0x1e: {  	[tilespmem:s18+$0x6550] =	vst v0  }
0x1f: {  	[tilespmem:s18+$0x6560] =	vst v0;
	s18 =	simm.s32 $0x0;
	s19 =	simm.s32 $0x200  }
.LBB2_4:
0x20: {  	p0 =	sne.s32 s19, $0x9E00;
	[tilespmem:s18+$0x8D70] =	vst v0  }
0x21: {  	[tilespmem:s18+$0x8D00] =	vst v0  }
0x22: {  	[tilespmem:s18+$0x8D10] =	vst v0  }
.Ltmp1:
0x23: {  	[tilespmem:s18+$0x8D20] =	vst v0;
	(pc) =	sbr.rel @p0 .LBB2_4-.Ltmp1, $4  }
0x24: {  	[tilespmem:s18+$0x8D30] =	vst v0  }
0x25: {  	[tilespmem:s18+$0x8D40] =	vst v0  }
0x26: {  	[tilespmem:s18+$0x8D50] =	vst v0  }
0x27: {  	[tilespmem:s18+$0x8D60] =	vst v0;
	s18 =	sshra.s32 s19, $0x2;
	s19 =	sadd.s32 $0x200, s19  }
0x28: {  	[tilespmem:s18+$0x8D70] =	vst v0  }
0x29: {  	[tilespmem:s18+$0x8D00] =	vst v0  }
0x2a: {  	[tilespmem:s18+$0x8D10] =	vst v0  }
0x2b: {  	[tilespmem:s18+$0x8D20] =	vst v0  }
0x2c: {  	[tilespmem:s18+$0x8D30] =	vst v0  }
0x2d: {  	[tilespmem:s18+$0x8D40] =	vst v0  }
0x2e: {  	[tilespmem:s18+$0x8D50] =	vst v0  }
0x2f: {  	[tilespmem:s18+$0x8D60] =	vst v0;
	s18 =	simm.s32 $0x0;
	s19 =	simm.s32 $0x200  }
.LBB2_6:
0x30: {  	p0 =	sne.s32 s19, $0x9E00;
	[tilespmem:s18+$0xB570] =	vst v0  }
0x31: {  	[tilespmem:s18+$0xB500] =	vst v0  }
0x32: {  	[tilespmem:s18+$0xB510] =	vst v0  }
.Ltmp2:
0x33: {  	[tilespmem:s18+$0xB520] =	vst v0;
	(pc) =	sbr.rel @p0 .LBB2_6-.Ltmp2, $4  }
0x34: {  	[tilespmem:s18+$0xB530] =	vst v0  }
0x35: {  	[tilespmem:s18+$0xB540] =	vst v0  }
0x36: {  	[tilespmem:s18+$0xB550] =	vst v0  }
0x37: {  	[tilespmem:s18+$0xB560] =	vst v0;
	s18 =	sshra.s32 s19, $0x2;
	s19 =	sadd.s32 $0x200, s19  }
0x38: {  	[tilespmem:s18+$0xB570] =	vst v0  }
0x39: {  	[tilespmem:s18+$0xB500] =	vst v0  }
0x3a: {  	[tilespmem:s18+$0xB510] =	vst v0  }
0x3b: {  	[tilespmem:s18+$0xB520] =	vst v0  }
0x3c: {  	[tilespmem:s18+$0xB530] =	vst v0  }
0x3d: {  	[tilespmem:s18+$0xB540] =	vst v0  }
0x3e: {  	[tilespmem:s18+$0xB550] =	vst v0  }
0x3f: {  	[tilespmem:s18+$0xB560] =	vst v0;
	s31 =	simm.s32 $0x0  }
0x40: {  	[tilespmem:s31], [sflag:$0x1] =	stream.strided.gather [hbm4b:s3+s10], $0x3D80, s11, s10, $0x38;
	[tilespmem:$0xDD00] =	vst v63  }
0x41: {  	_ =	swait.ge [sflag:s12], $0x3D80  }
0x42: {  	[sflag:s12] =	ssyncset.done $0x0  }
0x43: {  	s19 =	simm.s32 $0x0;
	s18 =	simm.s32 $0x40;
	[sflag:s12] =	ssyncadd.s32 $0xFFFFC280  }
.LBB2_8:
0x44: {  	p0 =	sne.s32 s18, $0xF400;
	v2 =	vld [tilespmem:s19+$0x0];
	_ =	sdelay $0x3  }
.Ltmp3:
0x45: {  	(pc) =	sbr.rel @p0 .LBB2_8-.Ltmp3, $2  }
0x46: {  	_ =	sdelay $0x2  }
0x47: {  	s19 =	sshra.s32 s18, $0x2;
	s18 =	sadd.s32 $0x40, s18;
	[tilespmem:v2+s13+$0x0] =	vst.idx.add.f32.msk $0xffff, v1  }
0x48: {  	v2 =	vld [tilespmem:s19+$0x0];
	_ =	sdelay $0x7  }
0x49: {  	[tilespmem:v2+s13+$0x0] =	vst.idx.add.f32.msk $0xffff, v1  }
0x4a: {  	[tilespmem:s14], [sflag:$0x1] =	stream.strided.gather [hbm4b:s4+s10], $0x2780, s11, s10, $0x38;
	[tilespmem:$0xDD00] =	vst v63  }
0x4b: {  	_ =	swait.ge [sflag:s12], $0x2780  }
0x4c: {  	[sflag:s12] =	ssyncset.done $0x0  }
0x4d: {  	s19 =	simm.s32 $0x0;
	s18 =	simm.s32 $0x40;
	[sflag:s12] =	ssyncadd.s32 $0xFFFFD880  }
.LBB2_10:
0x4e: {  	p0 =	sne.s32 s18, $0x9C00;
	v2 =	vld [tilespmem:s19+$0x3D80];
	_ =	sdelay $0x3  }
.Ltmp4:
0x4f: {  	(pc) =	sbr.rel @p0 .LBB2_10-.Ltmp4, $2  }
0x50: {  	_ =	sdelay $0x2  }
0x51: {  	s19 =	sshra.s32 s18, $0x2;
	s18 =	sadd.s32 $0x40, s18;
	[tilespmem:v2+s15+$0x0] =	vst.idx.add.f32.msk $0xffff, v1  }
0x52: {  	v2 =	vld [tilespmem:s19+$0x3D80];
	_ =	sdelay $0x7  }
0x53: {  	[tilespmem:v2+s15+$0x0] =	vst.idx.add.f32.msk $0xffff, v1  }
0x54: {  	[tilespmem:s14], [sflag:$0x1] =	stream.strided.gather [hbm4b:s5+s10], $0x2780, s11, s10, $0x38;
	[tilespmem:$0xDD00] =	vst v63  }
0x55: {  	_ =	swait.ge [sflag:s12], $0x2780  }
0x56: {  	[sflag:s12] =	ssyncset.done $0x0  }
0x57: {  	s19 =	simm.s32 $0x0;
	s18 =	simm.s32 $0x40;
	[sflag:s12] =	ssyncadd.s32 $0xFFFFD880  }
.LBB2_12:
0x58: {  	p0 =	sne.s32 s18, $0x9C00;
	v2 =	vld [tilespmem:s19+$0x3D80];
	_ =	sdelay $0x3  }
.Ltmp5:
0x59: {  	(pc) =	sbr.rel @p0 .LBB2_12-.Ltmp5, $2  }
0x5a: {  	_ =	sdelay $0x2  }
0x5b: {  	s19 =	sshra.s32 s18, $0x2;
	s18 =	sadd.s32 $0x40, s18;
	[tilespmem:v2+s16+$0x0] =	vst.idx.add.f32.msk $0xffff, v1  }
0x5c: {  	v2 =	vld [tilespmem:s19+$0x3D80];
	_ =	sdelay $0x7  }
0x5d: {  	[tilespmem:v2+s16+$0x0] =	vst.idx.add.f32.msk $0xffff, v1  }
0x5e: {  	[hbm4b:s6+s2] =	stream.linear.scatter [tilespmem:s13], [sflag:$0x1], $0x2800, $0x38;
	[tilespmem:$0xDD00] =	vst v63  }
0x5f: {  	_ =	swait.ge [sflag:s12], $0x2800  }
0x60: {  	[sflag:s12] =	ssyncset.done $0x0  }
0x61: {  	[sflag:s12] =	ssyncadd.s32 $0xFFFFD800  }
0x62: {  	[hbm4b:s7+s2] =	stream.linear.scatter [tilespmem:s15], [sflag:$0x1], $0x2800, $0x38;
	[tilespmem:$0xDD00] =	vst v63  }
0x63: {  	s17 =	sadd.s32 $0x1, s17;
	_ =	swait.ge [sflag:s12], $0x2800  }
0x64: {  	p0 =	sne.s32 s17, s9;
	[sflag:s12] =	ssyncset.done $0x0  }
.Ltmp6:
0x65: {  	[sflag:s12] =	ssyncadd.s32 $0xFFFFD800;
	(pc) =	sbr.rel @p0 .LBB2_1-.Ltmp6, $4  }
0x66: {  	[hbm4b:s8+s2] =	stream.linear.scatter [tilespmem:s16], [sflag:$0x1], $0x2800, $0x38;
	[tilespmem:$0xDD00] =	vst v63  }
0x67: {  	_ =	swait.ge [sflag:s12], $0x2800  }
0x68: {  	[sflag:s12] =	ssyncset.done $0x0  }
0x69: {  	[sflag:s12] =	ssyncadd.s32 $0xFFFFD800  }
0x6a: {  	_ =	sfence.sel $0x180000  }
0x6b: {  	[bflag:$0x0] =	sbarrier.arrive $0xFFFF  }
0x6c: {  	p0 =	sne.s32 s0, $0x0;
	_ =	strace $0x9000004A  }
0x6d: {  	s0 =	sadd.s32 @!p0 $0x100000, s1;
	[bflag:$0x2] =	sbarrier.arrive $0xFFFF  }
0x6e: {  	[sflag:s0] =	ssyncadd.tile.s32 @!p0 $0x1;
	_ =	shalt  }
.Lfunc_end2:
_tile_overlayer_lowered:
.L_overlay_start_2:
0x6f: {  	(tag) =	ssettag $0x2  }
0x70: {  	s0 =	rddreg [dreg:$0x0];
	s2 =	stileid.u32  }
0x71: {  	s1 =	rddreg [dreg:$0x1];
	p0 =	sne.s32 s2, $0x0  }
0x72: {  	s3 =	rddreg [dreg:$0x2];
	[bflag:$0x3] =	sbarrier.arrive $0xFFFF;
	s2 =	simm.s32 @!p0 $0x1C01  }
0x73: {  	[timem:s3], [sflag:s2] =	dma.local @!p0 [hbm:s0], s1  }
0x74: {  	s0 =	simm.s32 @!p0 $0x1  }
0x75: {  	_ =	swait.ge @!p0 [sflag:s0], s1  }
0x76: {  	s1 =	ssub.s32 @!p0 $0x0, s1;
	[sflag:s0] =	ssyncset.done @!p0 $0x0  }
0x77: {  	[sflag:s0] =	ssyncadd.s32 @!p0 s1  }
0x78: {  	[bflag:$0x3] =	sbarrier.arrive $0xFFFF  }
0x79: {  	_ =	shalt  }

// kernel: kernel.15.cloned.1.call-start
scs
__scs_entry_jumppad:
0x0: {  	(pc) =	sbr.rel $0x88, $3  }
0x1: {  	(tag) =	ssettag $0x0;
	lr =	simm.s32 $0x1  }
0x2: {  	[smem:$0x3F97] =	sst lr;
	_ =	strace $0xD0000000  }
0x3: {  	_ = 	snop  }
0x4: {  	_ = 	snop  }
0x5: {  	_ = 	snop  }
0x6: {  	_ = 	snop  }
0x7: {  	_ = 	snop  }
__scs_overlays_trampoline_lowered:
0x8: {  	[smem:$0x3FA6] =	sst s0  }
0x9: {  	[smem:$0x3FA7] =	sst s1  }
0xa: {  	[smem:$0x3FA8] =	sst s2  }
0xb: {  	[smem:$0x3FA9] =	sst s3  }
0xc: {  	[smem:$0x3FAA] =	sst s4  }
0xd: {  	[smem:$0x3FAB] =	sst s5  }
0xe: {  	[smem:$0x3FAC] =	sst s6  }
0xf: {  	[smem:$0x3FAD] =	sst s7  }
0x10: {  	[smem:$0x3FAE] =	sst s8  }
0x11: {  	[smem:$0x3FAF] =	sst s9;
	s0 =	simm.s32 @!p0 $0x0  }
0x12: {  	s1 =	sld [smem:$0x3F95];
	s0 =	simm.s32 @p0 $0x1  }
0x13: {  	[smem:$0x3FB0] =	sst s0;
	s0 =	simm.s32 @!p1 $0x0  }
0x14: {  	s2 =	sld [smem:$0x3F94];
	s0 =	simm.s32 @p1 $0x1  }
0x15: {  	[smem:$0x3FB1] =	sst s0;
	s0 =	simm.s32 @!p2 $0x0  }
0x16: {  	s3 =	sld [smem:$0x3FDB];
	s0 =	simm.s32 @p2 $0x1  }
0x17: {  	s4 =	simm.s32 $0x1BF5;
	[smem:$0x3FB3] =	sst s0  }
0x18: {  	s0 =	sld [smem:$0x3F96];
	_ =	swait.ge [sflag:s4], $0x0  }
0x19: {  	s7 =	sld [smem:$0x3F97]  }
0x1a: {  	s8 =	sadd.s32 $0xFFFFE003, lr  }
0x1b: {  	s9 =	sadd.s32 $0xFFFFFEF7, lr;
	s5 =	simm.s32 $0xFFFFFFFF;
	p2 =	slt.u32 s8, $0xFFFFF086  }
0x1c: {  	p1 =	slt.u32 s9, $0xF7A;
	s5 =	simm.s32 @!p2 $0x0  }
0x1d: {  	s5 =	simm.s32 @p1 $0x1;
	p0 =	seq.s32 s7, s2  }
0x1e: {  	s7 =	smul.u32 @!p0 $0xF7A, s2;
	p2 =	seq.s32 @!p0 s5, $0x0  }
0x1f: {  	s9 =	smul.u32 $0xF7A, s1;
	s8 =	simm.s32 @!p0 $0x1BF5;
	p2 =	por !p2, p0  }
0x20: {  	[sflag:s8] =	ssyncset.s32 @!p0 $0xFFFFF086;
	s6 =	sadd.s32 @!p0 s3, s7;
	s7 =	simm.s32 @!p0 $0x108  }
0x21: {  	s3 =	sadd.s32 s3, s9;
	s6 =	sadd.s32 @!p0 $0x88, s6;
	s7 =	simm.s32 @p2 $0x1082  }
0x22: {  	[simem:s7], [sflag:s8] =	dma.local @!p0 [hbm:s6], $0xF7A  }
0x23: {  	s9 =	sor.u32 $0xD0000000, s2;
	s6 =	simm.s32 $0x108;
	_ =	swait.ge @!p0 [sflag:s8], $0x0  }
0x24: {  	s3 =	sadd.s32 $0x88, s3;
	s6 =	simm.s32 @!p1 $0x1082;
	[sflag:s4] =	ssyncset.s32 $0xFFFFF086  }
0x25: {  	[simem:s6], [sflag:s4] =	dma.local [hbm:s3], $0xF7A  }
0x26: {  	[smem:$0x3F97] =	sst s1;
	(tag) =	ssettag s2;
	_ =	strace s9  }
0x27: {  	s1 =	sld [smem:$0x3FA7]  }
0x28: {  	s2 =	sld [smem:$0x3FA8]  }
0x29: {  	s4 =	sld [smem:$0x3FAA]  }
0x2a: {  	p0 =	seq.s32 s5, $0x0;
	s5 =	sld [smem:$0x3FAB]  }
0x2b: {  	s6 =	sld [smem:$0x3FAC]  }
0x2c: {  	s7 =	sld [smem:$0x3FAD]  }
0x2d: {  	s3 =	simm.s32 $0x108;
	s8 =	sld [smem:$0x3FAE]  }
0x2e: {  	s3 =	simm.s32 @!p0 $0x1082;
	s9 =	sld [smem:$0x3FAF]  }
0x2f: {  	lr =	sadd.s32 s0, s3;
	s0 =	sld [smem:$0x3FA6]  }
0x30: {  	s3 =	sld [smem:$0x3FA9]  }
0x31: {  	[smem:$0x3FB2] =	sst s10  }
0x32: {  	s10 =	sld [smem:$0x3FB0];
	_ =	sdelay $0x3  }
0x33: {  	p0 =	seq.s32 s10, $0x1;
	s10 =	sld [smem:$0x3FB2];
	_ =	sdelay $0x3  }
0x34: {  	[smem:$0x3FB2] =	sst s10  }
0x35: {  	s10 =	sld [smem:$0x3FB1];
	_ =	sdelay $0x3  }
0x36: {  	p1 =	seq.s32 s10, $0x1;
	s10 =	sld [smem:$0x3FB2];
	_ =	sdelay $0x3  }
0x37: {  	[smem:$0x3FB2] =	sst s10  }
0x38: {  	s10 =	sld [smem:$0x3FB3]  }
0x39: {  	_ = 	snop;
	(pc) =	sbr.ind lr, $3  }
0x3a: {  	_ = 	snop  }
0x3b: {  	_ = 	snop  }
0x3c: {  	p2 =	seq.s32 s10, $0x1;
	s10 =	sld [smem:$0x3FB2]  }
0x3d: {  	_ =	shalt  }
0x3e: {  	_ =	shalt  }
0x3f: {  	_ =	shalt  }
0x40: {  	_ =	shalt  }
0x41: {  	_ =	shalt  }
0x42: {  	_ =	shalt  }
0x43: {  	_ =	shalt  }
0x44: {  	_ =	shalt  }
0x45: {  	_ =	shalt  }
0x46: {  	_ =	shalt  }
0x47: {  	_ =	shalt  }
0x48: {  	_ =	shalt  }
0x49: {  	_ =	shalt  }
0x4a: {  	_ =	shalt  }
0x4b: {  	_ =	shalt  }
0x4c: {  	_ =	shalt  }
0x4d: {  	_ =	shalt  }
0x4e: {  	_ =	shalt  }
0x4f: {  	_ =	shalt  }
0x50: {  	_ =	shalt  }
0x51: {  	_ =	shalt  }
0x52: {  	_ =	shalt  }
0x53: {  	_ =	shalt  }
0x54: {  	_ =	shalt  }
0x55: {  	_ =	shalt  }
0x56: {  	_ =	shalt  }
0x57: {  	_ =	shalt  }
0x58: {  	_ =	shalt  }
0x59: {  	_ =	shalt  }
0x5a: {  	_ =	shalt  }
0x5b: {  	_ =	shalt  }
0x5c: {  	_ =	shalt  }
0x5d: {  	_ =	shalt  }
0x5e: {  	_ =	shalt  }
0x5f: {  	_ =	shalt  }
0x60: {  	_ =	shalt  }
0x61: {  	_ =	shalt  }
0x62: {  	_ =	shalt  }
0x63: {  	_ =	shalt  }
0x64: {  	_ =	shalt  }
0x65: {  	_ =	shalt  }
0x66: {  	_ =	shalt  }
0x67: {  	_ =	shalt  }
0x68: {  	_ =	shalt  }
0x69: {  	_ =	shalt  }
0x6a: {  	_ =	shalt  }
0x6b: {  	_ =	shalt  }
0x6c: {  	_ =	shalt  }
0x6d: {  	_ =	shalt  }
0x6e: {  	_ =	shalt  }
0x6f: {  	_ =	shalt  }
0x70: {  	_ =	shalt  }
0x71: {  	_ =	shalt  }
0x72: {  	_ =	shalt  }
0x73: {  	_ =	shalt  }
0x74: {  	_ =	shalt  }
0x75: {  	_ =	shalt  }
0x76: {  	_ =	shalt  }
0x77: {  	_ =	shalt  }
0x78: {  	_ =	shalt  }
0x79: {  	_ =	shalt  }
0x7a: {  	_ =	shalt  }
0x7b: {  	_ =	shalt  }
0x7c: {  	_ =	shalt  }
0x7d: {  	_ =	shalt  }
0x7e: {  	_ =	shalt  }
0x7f: {  	_ =	shalt  }
0x80: {  	_ =	shalt  }
0x81: {  	_ =	shalt  }
0x82: {  	_ =	shalt  }
0x83: {  	_ =	shalt  }
0x84: {  	_ =	shalt  }
0x85: {  	_ =	shalt  }
0x86: {  	_ =	shalt  }
0x87: {  	_ =	shalt  }
.Lfunc_end0:
.L_simem_size_0:
called_computation.2_lowered:
.L_overlay_start_0:
0x88: {  	s2 =	sld [smem:$0x3FD9]  }
0x89: {  	s3 =	sld [smem:$0x3FFE];
	_ =	sdelay $0x1  }
0x8a: {  	s1 =	srdreg.scid  }
0x8b: {  	s0 =	sand.u32 $0x1, s1  }
0x8c: {  	s16 =	sshll.u32 s0, $0xA;
	s2 =	sadd.s32 s3, s2  }
0x8d: {  	s2 =	sadd.s32 s2, s16  }
0x8e: {  	[smem:$0x3FBE] =	sst s2  }
0x8f: {  	_ = 	snop  }
0x90: {  	(tm) =	ssettm $0x1  }
0x91: {  	s17 =	sld [smem:$0x3FFB];
	_ =	sdelay $0x3  }
0x92: {  	_ =	strace s17  }
0x93: {  	s2 =	sld [smem:$0x3FFC];
	_ =	sdelay $0x3  }
0x94: {  	_ =	strace s2  }
0x95: {  	s2 =	sld [smem:$0x3FFD];
	_ =	sdelay $0x3  }
0x96: {  	_ =	strace s2  }
0x97: {  	_ =	strace $0x8FFFFFFF  }
0x98: {  	s18 =	sld [smem:$0x3FDB];
	_ =	sdelay $0x1  }
0x99: {  	s19 =	simm.s32 $_scs_section_size  }
0x9a: {  	s4 =	simm.s32 $_size__tile_overlayer_lowered;
	s5 =	simm.s32 $_tile_overlayer_lowered  }
0x9b: {  	s22 =	simm.s32 $0x1BFF;
	s21 =	sshll.u32 s5, $0x1;
	s2 =	sadd.s32 s19, s18  }
0x9c: {  	s6 =	simm.s32 $0x0;
	s20 =	sshll.u32 s4, $0x1;
	s4 =	sadd.s32 s21, s2  }
0x9d: {  	[timem:s6], [sflag:s22] =	dma.local [hbm:s4], s20  }
0x9e: {  	_ =	swait.ge [sflag:s22], s20  }
0x9f: {  	s3 =	ssub.s32 $0x0, s20;
	[sflag:s22] =	ssyncset.done $0x0  }
0xa0: {  	[sflag:s22] =	ssyncadd.s32 s3;
	_ =	sdelay $0x1  }
0xa1: {  	s23 =	simm.s32 $0x1B8B  }
0xa2: {  	_ =	swait.ge [sflag:s23], $0x1  }
0xa3: {  	[sflag:s23] =	ssyncset.done $0x0  }
0xa4: {  	s25 =	simm.s32 $0x1B8E;
	s24 =	sld [smem:$0x3FFE];
	[sflag:s23] =	ssyncadd.s32 $0xFFFFFFFF  }
0xa5: {  	s26 =	simm.s32 $execute0_lowered;
	[smem:$0x3FD2] =	sst s25  }
0xa6: {  	s4 =	sshll.u32 s26, $0x1;
	_ =	strace $0x8000004C;
	[dreg:$0x1] =	wrdreg $0xFFFFFFFF  }
0xa7: {  	s28 =	simm.s32 $_size_execute0_lowered;
	s2 =	sadd.s32 s2, s4;
	[dreg:$0x0] =	wrdreg $0x0  }
0xa8: {  	s4 =	sshll.u32 s28, $0x1;
	[dreg:$0x2] =	wrdreg s2  }
0xa9: {  	[dreg:$0x3] =	wrdreg s4  }
0xaa: {  	[dreg:$0x4] =	wrdreg $0xC0  }
0xab: {  	_ =	task [dreg:s6], $0x5FFFF  }
0xac: {  	[dreg:$0x1] =	wrdreg $0xFFFFFFFF  }
0xad: {  	[dreg:$0x0] =	wrdreg $0x60  }
0xae: {  	[dreg:$0x2] =	wrdreg s24  }
0xaf: {  	[dreg:$0x3] =	wrdreg $0x81000  }
0xb0: {  	[dreg:$0x4] =	wrdreg $0x9  }
0xb1: {  	_ =	task.clear_ibuf [dreg:s6], $0x5FFFF;
	_ =	strace $0x9000004C  }
0xb2: {  	s29 =	simm.s32 $0x9;
	_ =	strace $0x8000004E  }
0xb3: {  	_ =	swait.ge [sflag:s29], $0x1  }
0xb4: {  	[sflag:s29] =	ssyncadd.s32 $0xFFFFFFFF  }
0xb5: {  	_ =	strace $0x9000004E  }
0xb6: {  	_ =	sfence  }
0xb7: {  	s30 =	sld [smem:$0x0];
	_ =	sdelay $0x2  }
0xb8: {  	s31 =	sshll.u32 s1, $0xD;
	s1 =	sshrl.u32 s1, $0x2  }
0xb9: {  	s3 =	sand.u32 $0x4000, s31;
	s1 =	sadd.s32 s1, s30  }
0xba: {  	s0 =	sor.u32 s3, s0;
	s1 =	sshll.u32 s1, $0x11  }
0xbb: {  	s0 =	sor.u32 s1, s0  }
0xbc: {  	s0 =	sadd.s32 $0x8F2B, s0  }
0xbd: {  	[sflag:s0] =	ssyncadd.remote.s32 $0x1  }
0xbe: {  	_ =	sfence.sel $0xFFFF  }
0xbf: {  	[dreg:$0x0] =	wrdreg $0xFFFFFFFF;
	(pc) =	sbr.abs _section_cstart, $3  }
0xc0: {  	[dreg:$0x1] =	wrdreg $0xFFFFFFFF  }
0xc1: {  	_ =	task.clear_ibuf [dreg:s6], $0x2FFFF;
	_ =	strace $0x9FFFFFFF  }
0xc2: {  	(tm) =	ssettm $0x7FFFFFFF  }
0xc3: {  	_ =	shalt  }
tec
execute0_lowered:
.L_overlay_start_1:
0x0: {  	(tag) =	ssettag $0x1  }
0x1: {  	s0 =	rddreg [dreg:$0x0]  }
0x2: {  	s1 =	rddreg [dreg:$0x1]  }
0x3: {  	s2 =	simm.s32 $0x0;
	s3 =	srdreg.scid;
	s23 =	stileid.u32  }
0x4: {  	s28 =	simm.s32 $0x0;
	[smem:$0x7FF] =	sst s2;
	s4 =	sadd.s32 $0x3400, s0  }
0x5: {  	s8 =	sand.u32 $0x1, s3;
	s5 =	sadd.s32 $0x97E00, s0;
	s16 =	smul.u32 $0x278, s23  }
0x6: {  	s6 =	sadd.s32 $0xA1C00, s0;
	s7 =	sadd.s32 $0xABA00, s0;
	s12 =	smul.u32 $0x4F000, s23  }
0x7: {  	s20 =	smul.u32 $0x2780, s23;
	_ =	strace $0x8000004D;
	s10 =	ssub.s32 $0x2, s8  }
0x8: {  	s9 =	smul.u32 $0x27800, s8;
	s8 =	sshll.u32 s8, $0x4;
	s11 =	sshrl.u32 s10, $0x1  }
0x9: {  	s13 =	sadd.s32 $0x200, s16;
	s25 =	sshrl.u32 s12, $0x2;
	s29 =	sor.u32 s23, s8  }
0xa: {  	s17 =	sadd.s32 $0x80, s16;
	s18 =	sadd.s32 $0x100, s16;
	s19 =	sadd.s32 $0x180, s16  }
0xb: {  	s0 =	sadd.s32 s9, s0;
	s11 =	ssub.s32 s10, s11;
	s26 =	sshll.u32 s13, $0x7  }
0xc: {  	s8 =	sadd.s32 s25, s1;
	s10 =	smul.u32 $0x4F, s29;
	s24 =	sshll.u32 s13, $0x4  }
0xd: {  	s15 =	sshll.u32 s17, $0x7;
	s21 =	sshll.u32 s17, $0x4;
	s30 =	sshll.u32 s18, $0x7  }
0xe: {  	s22 =	sshll.u32 s18, $0x4;
	s31 =	sshll.u32 s19, $0x7;
	s23 =	sshll.u32 s19, $0x4  }
0xf: {  	s18 =	simm.s32 $0x4100;
	s19 =	simm.s32 $0x1;
	s25 =	simm.s32 $0x80  }
0x10: {  	s9 =	sadd.s32 s26, s1;
	s0 =	sadd.s32 $0x2A600, s0;
	s11 =	smax.u32 s11, $0x1  }
0x11: {  	s12 =	sadd.s32 $0x4000, s8;
	s13 =	sadd.s32 $0x8000, s8;
	s14 =	sadd.s32 $0xC000, s8  }
0x12: {  	s15 =	sadd.s32 s15, s1;
	s16 =	sadd.s32 s30, s1;
	s17 =	sadd.s32 s31, s1  }
0x13: {  	s26 =	simm.s32 $0x100;
	s20 =	sadd.s32 s20, s0;
	s21 =	sadd.s32 s21, s0  }
0x14: {  	v0 =	vimm.f32 $0.0e+00;
	s22 =	sadd.s32 s22, s0;
	s23 =	sadd.s32 s23, s0;
	s24 =	sadd.s32 s24, s0  }
.LBB2_1:
0x15: {  	s0 =	simm.s32 $0x0;
	s29 =	simm.s32 $0x200  }
.LBB2_2:
0x16: {  	p0 =	sne.s32 s29, $0xFE00;
	[tilespmem:s0+$0x4170] =	vst v0  }
0x17: {  	[tilespmem:s0+$0x4100] =	vst v0  }
0x18: {  	[tilespmem:s0+$0x4110] =	vst v0  }
.Ltmp0:
0x19: {  	[tilespmem:s0+$0x4120] =	vst v0;
	(pc) =	sbr.rel @p0 .LBB2_2-.Ltmp0, $4  }
0x1a: {  	[tilespmem:s0+$0x4130] =	vst v0  }
0x1b: {  	[tilespmem:s0+$0x4140] =	vst v0  }
0x1c: {  	[tilespmem:s0+$0x4150] =	vst v0  }
0x1d: {  	[tilespmem:s0+$0x4160] =	vst v0;
	s0 =	sshra.s32 s29, $0x2;
	s29 =	sadd.s32 $0x200, s29  }
0x1e: {  	[tilespmem:s0+$0x4170] =	vst v0  }
0x1f: {  	[tilespmem:s0+$0x4100] =	vst v0  }
0x20: {  	[tilespmem:s0+$0x4110] =	vst v0  }
0x21: {  	[tilespmem:s0+$0x4120] =	vst v0  }
0x22: {  	[tilespmem:s0+$0x4130] =	vst v0  }
0x23: {  	[tilespmem:s0+$0x4140] =	vst v0  }
0x24: {  	[tilespmem:s0+$0x4150] =	vst v0  }
0x25: {  	[tilespmem:s0+$0x4160] =	vst v0  }
0x26: {  	[spmem:s8] =	stream.linear.scatter [tilespmem:s18], [sflag:$0x1], $0x4000, $0x38;
	[tilespmem:$0x1BD00] =	vst v63  }
0x27: {  	_ =	swait.ge [sflag:s19], $0x4000  }
0x28: {  	[sflag:s19] =	ssyncset.done $0x0  }
0x29: {  	[sflag:s19] =	ssyncadd.s32 $0xFFFFC000  }
0x2a: {  	[spmem:s12] =	stream.linear.scatter [tilespmem:s18], [sflag:$0x1], $0x4000, $0x38;
	[tilespmem:$0x1BD00] =	vst v63  }
0x2b: {  	_ =	swait.ge [sflag:s19], $0x4000  }
0x2c: {  	[sflag:s19] =	ssyncset.done $0x0  }
0x2d: {  	[sflag:s19] =	ssyncadd.s32 $0xFFFFC000  }
0x2e: {  	[spmem:s13] =	stream.linear.scatter [tilespmem:s18], [sflag:$0x1], $0x4000, $0x38;
	[tilespmem:$0x1BD00] =	vst v63  }
0x2f: {  	_ =	swait.ge [sflag:s19], $0x4000  }
0x30: {  	[sflag:s19] =	ssyncset.done $0x0  }
0x31: {  	[sflag:s19] =	ssyncadd.s32 $0xFFFFC000  }
0x32: {  	[spmem:s14] =	stream.linear.scatter [tilespmem:s18], [sflag:$0x1], $0x4000, $0x38;
	[tilespmem:$0x1BD00] =	vst v63  }
0x33: {  	_ =	swait.ge [sflag:s19], $0x4000  }
0x34: {  	[sflag:s19] =	ssyncset.done $0x0  }
0x35: {  	[sflag:s19] =	ssyncadd.s32 $0xFFFFC000  }
0x36: {  	[spmem:s9] =	stream.linear.scatter [tilespmem:s18], [sflag:$0x1], $0x3C00, $0x38;
	[tilespmem:$0x1BD00] =	vst v63  }
0x37: {  	_ =	swait.ge [sflag:s19], $0x3C00  }
0x38: {  	[sflag:s19] =	ssyncset.done $0x0  }
0x39: {  	[sflag:s19] =	ssyncadd.s32 $0xFFFFC400  }
0x3a: {  	s29 =	simm.s32 $0x0;
	s30 =	simm.s32 $0x0;
	[bflag:$0x0] =	sbarrier.arrive $0xFFFF  }
.LBB2_4:
0x3b: {  	s0 =	sadd.s32 s10, s30  }
0x3c: {  	s31 =	sshll.u32 s0, $0x4  }
0x3d: {  	s3 =	sadd.s32 s5, s31  }
0x3e: {  	[tilespmem:s29], [sflag:$0x1] =	stream.linear.gather [hbm4b:s3+s29], $0x80, $0x38;
	[tilespmem:$0x1BD00] =	vst v63  }
0x3f: {  	_ =	swait.ge [sflag:s19], $0x80  }
0x40: {  	[sflag:s19] =	ssyncset.done $0x0  }
0x41: {  	s3 =	sadd.s32 s6, s31;
	[sflag:s19] =	ssyncadd.s32 $0xFFFFFF80  }
0x42: {  	[tilespmem:s25], [sflag:$0x1] =	stream.linear.gather [hbm4b:s3+s29], $0x80, $0x38;
	[tilespmem:$0x1BD00] =	vst v63  }
0x43: {  	_ =	swait.ge [sflag:s19], $0x80  }
0x44: {  	s0 =	sshll.u32 s0, $0xB;
	[sflag:s19] =	ssyncset.done $0x0  }
0x45: {  	s0 =	sadd.s32 s7, s0;
	[sflag:s19] =	ssyncadd.s32 $0xFFFFFF80  }
0x46: {  	[tilespmem:s26], [sflag:$0x1] =	stream.linear.gather [hbm4b:s0+s29], $0x4000, $0x38;
	[tilespmem:$0x1BD00] =	vst v63  }
0x47: {  	_ =	swait.ge [sflag:s19], $0x4000  }
0x48: {  	[sflag:s19] =	ssyncset.done $0x0  }
0x49: {  	[sflag:s19] =	ssyncadd.s32 $0xFFFFC000  }
0x4a: {  	[tilespmem:s18], [sflag:$0x1] =	stream.indirect.gather [hbm4b:s4+s25], $0x80, s29, s25, $0xb8;
	[tilespmem:$0x1BD00] =	vst v63  }
0x4b: {  	_ =	swait.ge [sflag:s19], $0x4000  }
0x4c: {  	[sflag:s19] =	ssyncset.done $0x0  }
0x4d: {  	s31 =	simm.s32 $0x0;
	[sflag:s19] =	ssyncadd.s32 $0xFFFFC000  }
0x4e: {  	v2 =	vld [tilespmem:s31+$0x100]  }
0x4f: {  	v3 =	vld [tilespmem:s31+$0x180]  }
0x50: {  	v5 =	vld [tilespmem:s31+$0x200]  }
0x51: {  	v1 =	vld [tilespmem:s31+$0x280]  }
0x52: {  	v4 =	vld [tilespmem:s31+$0x4100]  }
0x53: {  	v6 =	vld [tilespmem:s31+$0x4110]  }
0x54: {  	v7 =	vld [tilespmem:s31+$0x4120]  }
0x55: {  	v8 =	vld [tilespmem:s31+$0x4130]  }
0x56: {  	v9 =	vld [tilespmem:s31+$0x4140]  }
0x57: {  	v10 =	vld [tilespmem:s31+$0x4150];
	v4 =	vmul.f32 v4, v2  }
0x58: {  	v11 =	vld [tilespmem:s31+$0x4160];
	v6 =	vmul.f32 v6, v2  }
0x59: {  	v7 =	vmul.f32 v7, v2;
	[tilespmem:s31+$0x4100] =	vst v4;
	v4 =	vld [tilespmem:s31+$0x4170]  }
0x5a: {  	v8 =	vmul.f32 v8, v2;
	[tilespmem:s31+$0x4110] =	vst v6;
	v6 =	vld [tilespmem:s31+$0x4180]  }
0x5b: {  	v9 =	vmul.f32 v9, v2;
	[tilespmem:s31+$0x4120] =	vst v7;
	v7 =	vld [tilespmem:s31+$0x4190]  }
0x5c: {  	v10 =	vmul.f32 v10, v2;
	[tilespmem:s31+$0x4130] =	vst v8;
	v8 =	vld [tilespmem:s31+$0x41A0]  }
0x5d: {  	v11 =	vmul.f32 v11, v2;
	[tilespmem:s31+$0x4140] =	vst v9;
	v9 =	vld [tilespmem:s31+$0x41B0]  }
0x5e: {  	[tilespmem:s31+$0x4150] =	vst v10;
	v10 =	vld [tilespmem:s31+$0x41C0];
	v2 =	vmul.f32 v4, v2  }
0x5f: {  	[tilespmem:s31+$0x4160] =	vst v11;
	v4 =	vld [tilespmem:s31+$0x41D0];
	v6 =	vmul.f32 v6, v3  }
0x60: {  	v7 =	vmul.f32 v7, v3;
	[tilespmem:s31+$0x4170] =	vst v2;
	v2 =	vld [tilespmem:s31+$0x41E0]  }
0x61: {  	v8 =	vmul.f32 v8, v3;
	[tilespmem:s31+$0x4180] =	vst v6;
	v6 =	vld [tilespmem:s31+$0x41F0]  }
0x62: {  	v9 =	vmul.f32 v9, v3;
	[tilespmem:s31+$0x4190] =	vst v7;
	v7 =	vld [tilespmem:s31+$0x4200]  }
0x63: {  	v10 =	vmul.f32 v10, v3;
	[tilespmem:s31+$0x41A0] =	vst v8;
	v8 =	vld [tilespmem:s31+$0x4210]  }
0x64: {  	[tilespmem:s31+$0x41B0] =	vst v9;
	v9 =	vld [tilespmem:s31+$0x4220];
	v4 =	vmul.f32 v4, v3  }
0x65: {  	[tilespmem:s31+$0x41C0] =	vst v10;
	v10 =	vld [tilespmem:s31+$0x4230];
	v2 =	vmul.f32 v2, v3  }
0x66: {  	[tilespmem:s31+$0x41D0] =	vst v4;
	v4 =	vld [tilespmem:s31+$0x4240];
	v3 =	vmul.f32 v6, v3  }
0x67: {  	v6 =	vmul.f32 v7, v5;
	v7 =	vld [tilespmem:s31+$0x4260];
	[tilespmem:s31+$0x41E0] =	vst v2  }
0x68: {  	v2 =	vld [tilespmem:s31+$0x4250];
	[tilespmem:s31+$0x41F0] =	vst v3;
	v3 =	vmul.f32 v8, v5  }
0x69: {  	[tilespmem:s31+$0x4200] =	vst v6;
	v6 =	vld [tilespmem:s31+$0x4270];
	v8 =	vmul.f32 v9, v5  }
0x6a: {  	v9 =	vld [tilespmem:s31+$0x4280];
	[tilespmem:s31+$0x4210] =	vst v3;
	v3 =	vmul.f32 v10, v5  }
0x6b: {  	[tilespmem:s31+$0x4220] =	vst v8;
	v10 =	vld [tilespmem:s31+$0x4290];
	v4 =	vmul.f32 v4, v5  }
0x6c: {  	v7 =	vmul.f32 v7, v5;
	[tilespmem:s31+$0x4230] =	vst v3;
	v3 =	vld [tilespmem:s31+$0x42A0]  }
0x6d: {  	v8 =	vmul.f32 v2, v5;
	[tilespmem:s31+$0x4240] =	vst v4;
	v2 =	vld [tilespmem:s31+$0x42B0]  }
0x6e: {  	v4 =	vld [tilespmem:s31+$0x42C0];
	v6 =	vmul.f32 v6, v5;
	[tilespmem:s31+$0x4260] =	vst v7  }
0x6f: {  	v5 =	vld [tilespmem:s31+$0x42D0];
	[tilespmem:s31+$0x4250] =	vst v8;
	v8 =	vmul.f32 v9, v1  }
0x70: {  	s0 =	simm.s32 $0x800;
	[tilespmem:s31+$0x4270] =	vst v6;
	v7 =	vmul.f32 v10, v1;
	v6 =	vld [tilespmem:s31+$0x42E0]  }
.LBB2_5:
0x71: {  	s3 =	sshra.s32 s0, $0x2;
	p0 =	sne.s32 s0, $0xF800;
	[tilespmem:s31+$0x4280] =	vst v8;
	v3 =	vmul.f32 v3, v1;
	v8 =	vld [tilespmem:s31+$0x42F0]  }
0x72: {  	v9 =	vld [tilespmem:s3+$0x100];
	[tilespmem:s31+$0x4290] =	vst v7;
	v2 =	vmul.f32 v2, v1  }
0x73: {  	v7 =	vld [tilespmem:s3+$0x180];
	[tilespmem:s31+$0x42A0] =	vst v3;
	v3 =	vmul.f32 v4, v1  }
0x74: {  	v4 =	vld [tilespmem:s3+$0x200];
	[tilespmem:s31+$0x42B0] =	vst v2;
	v2 =	vmul.f32 v5, v1  }
0x75: {  	v5 =	vld [tilespmem:s3+$0x280];
	[tilespmem:s31+$0x42C0] =	vst v3;
	v3 =	vmul.f32 v6, v1  }
0x76: {  	v6 =	vld [tilespmem:s3+$0x4100];
	[tilespmem:s31+$0x42D0] =	vst v2;
	v1 =	vmul.f32 v8, v1  }
0x77: {  	v2 =	vld [tilespmem:s3+$0x4110];
	[tilespmem:s31+$0x42E0] =	vst v3  }
0x78: {  	v3 =	vld [tilespmem:s3+$0x4120];
	[tilespmem:s31+$0x42F0] =	vst v1;
	s31 =	smov.u32 s3  }
0x79: {  	v8 =	vld [tilespmem:s31+$0x4130]  }
0x7a: {  	v10 =	vld [tilespmem:s31+$0x4140];
	v1 =	vmov v5  }
0x7b: {  	v5 =	vmul.f32 v6, v9;
	v6 =	vld [tilespmem:s31+$0x4150]  }
0x7c: {  	v2 =	vmul.f32 v2, v9;
	v11 =	vld [tilespmem:s31+$0x4160]  }
0x7d: {  	[tilespmem:s31+$0x4100] =	vst v5;
	v3 =	vmul.f32 v3, v9;
	v5 =	vld [tilespmem:s31+$0x4170]  }
0x7e: {  	[tilespmem:s31+$0x4110] =	vst v2;
	v2 =	vmul.f32 v8, v9;
	v8 =	vld [tilespmem:s31+$0x4180]  }
0x7f: {  	[tilespmem:s31+$0x4120] =	vst v3;
	v3 =	vmul.f32 v10, v9;
	v10 =	vld [tilespmem:s31+$0x4190]  }
0x80: {  	[tilespmem:s31+$0x4130] =	vst v2;
	v2 =	vmul.f32 v6, v9;
	v6 =	vld [tilespmem:s31+$0x41A0]  }
0x81: {  	[tilespmem:s31+$0x4140] =	vst v3;
	v3 =	vmul.f32 v11, v9;
	v11 =	vld [tilespmem:s31+$0x41B0]  }
0x82: {  	[tilespmem:s31+$0x4150] =	vst v2;
	v2 =	vmul.f32 v5, v9;
	v5 =	vld [tilespmem:s31+$0x41C0]  }
0x83: {  	[tilespmem:s31+$0x4160] =	vst v3;
	v3 =	vmul.f32 v8, v7;
	v8 =	vld [tilespmem:s31+$0x41D0]  }
0x84: {  	[tilespmem:s31+$0x4170] =	vst v2;
	v2 =	vmul.f32 v10, v7;
	v9 =	vld [tilespmem:s31+$0x41E0]  }
0x85: {  	[tilespmem:s31+$0x4180] =	vst v3;
	v3 =	vmul.f32 v6, v7;
	v6 =	vld [tilespmem:s31+$0x41F0]  }
0x86: {  	[tilespmem:s31+$0x4190] =	vst v2;
	v2 =	vmul.f32 v11, v7;
	v10 =	vld [tilespmem:s31+$0x4200]  }
0x87: {  	[tilespmem:s31+$0x41A0] =	vst v3;
	v3 =	vmul.f32 v5, v7;
	v5 =	vld [tilespmem:s31+$0x4210]  }
0x88: {  	[tilespmem:s31+$0x41B0] =	vst v2;
	v2 =	vmul.f32 v8, v7;
	v8 =	vld [tilespmem:s31+$0x4220]  }
0x89: {  	[tilespmem:s31+$0x41C0] =	vst v3;
	v3 =	vmul.f32 v9, v7;
	v9 =	vld [tilespmem:s31+$0x4230]  }
0x8a: {  	[tilespmem:s31+$0x41D0] =	vst v2;
	v2 =	vmul.f32 v6, v7;
	v6 =	vld [tilespmem:s31+$0x4240]  }
0x8b: {  	[tilespmem:s31+$0x41E0] =	vst v3;
	v3 =	vmul.f32 v10, v4;
	v7 =	vld [tilespmem:s31+$0x4250]  }
0x8c: {  	[tilespmem:s31+$0x41F0] =	vst v2;
	v2 =	vmul.f32 v5, v4;
	v5 =	vld [tilespmem:s31+$0x4260]  }
0x8d: {  	[tilespmem:s31+$0x4200] =	vst v3;
	v3 =	vmul.f32 v8, v4;
	v8 =	vld [tilespmem:s31+$0x4270]  }
0x8e: {  	[tilespmem:s31+$0x4210] =	vst v2;
	v2 =	vmul.f32 v9, v4;
	v9 =	vld [tilespmem:s31+$0x4280]  }
0x8f: {  	[tilespmem:s31+$0x4220] =	vst v3;
	v6 =	vmul.f32 v6, v4;
	v10 =	vld [tilespmem:s31+$0x4290]  }
.Ltmp1:
0x90: {  	[tilespmem:s31+$0x4230] =	vst v2;
	v7 =	vmul.f32 v7, v4;
	v3 =	vld [tilespmem:s31+$0x42A0];
	(pc) =	sbr.rel @p0 .LBB2_5-.Ltmp1, $4  }
0x91: {  	[tilespmem:s31+$0x4240] =	vst v6;
	v5 =	vmul.f32 v5, v4;
	v2 =	vld [tilespmem:s31+$0x42B0]  }
0x92: {  	[tilespmem:s31+$0x4250] =	vst v7;
	v6 =	vmul.f32 v8, v4;
	v4 =	vld [tilespmem:s31+$0x42C0]  }
0x93: {  	[tilespmem:s31+$0x4260] =	vst v5;
	v8 =	vmul.f32 v9, v1;
	v5 =	vld [tilespmem:s31+$0x42D0]  }
0x94: {  	s0 =	sadd.s32 $0x800, s0;
	[tilespmem:s31+$0x4270] =	vst v6;
	v7 =	vmul.f32 v10, v1;
	v6 =	vld [tilespmem:s31+$0x42E0]  }
0x95: {  	[tilespmem:s31+$0x4280] =	vst v8;
	v3 =	vmul.f32 v3, v1;
	v63 =	vld [tilespmem:s31+$0x42F0]  }
0x96: {  	[tilespmem:s31+$0x4290] =	vst v7;
	v2 =	vmul.f32 v2, v1  }
0x97: {  	[tilespmem:s31+$0x42A0] =	vst v3;
	v3 =	vmul.f32 v4, v1  }
0x98: {  	[tilespmem:s31+$0x42B0] =	vst v2;
	v2 =	vmul.f32 v5, v1  }
0x99: {  	[tilespmem:s31+$0x42C0] =	vst v3;
	v3 =	vmul.f32 v6, v1  }
0x9a: {  	s30 =	sadd.s32 $0x1, s30;
	[tilespmem:s31+$0x42D0] =	vst v2;
	v1 =	vmul.f32 v63, v1  }
0x9b: {  	p0 =	sne.s32 s30, $0x4F;
	[tilespmem:s31+$0x42E0] =	vst v3  }
.Ltmp2:
0x9c: {  	[tilespmem:s31+$0x42F0] =	vst v1;
	(pc) =	sbr.rel @p0 .LBB2_4-.Ltmp2, $4  }
0x9d: {  	[spmem:s1] =	stream.indirect.scatter.add.f32 [tilespmem:s18], [sflag:$0x1], $0x80, s25, s25, $0xb8;
	[tilespmem:$0x1BD00] =	vst v63  }
0x9e: {  	_ =	swait.ge [sflag:s19], $0x4000  }
0x9f: {  	[sflag:s19] =	ssyncset.done $0x0  }
0xa0: {  	[sflag:s19] =	ssyncadd.s32 $0xFFFFC000  }
0xa1: {  	[bflag:$0x0] =	sbarrier.arrive $0xFFFF  }
0xa2: {  	[tilespmem:s18], [sflag:$0x1] =	stream.linear.gather [spmem:s8], $0x4000, $0x38;
	[tilespmem:$0x1BD00] =	vst v63  }
0xa3: {  	_ =	swait.ge [sflag:s19], $0x4000  }
0xa4: {  	[sflag:s19] =	ssyncset.done $0x0  }
0xa5: {  	[sflag:s19] =	ssyncadd.s32 $0xFFFFC000  }
0xa6: {  	[hbm4b:s20+s2] =	stream.linear.scatter [tilespmem:s18], [sflag:$0x1], $0x4000, $0x38;
	[tilespmem:$0x1BD00] =	vst v63  }
0xa7: {  	_ =	swait.ge [sflag:s19], $0x4000  }
0xa8: {  	[sflag:s19] =	ssyncset.done $0x0  }
0xa9: {  	[sflag:s19] =	ssyncadd.s32 $0xFFFFC000  }
0xaa: {  	[tilespmem:s18], [sflag:$0x1] =	stream.linear.gather [spmem:s15], $0x4000, $0x38;
	[tilespmem:$0x1BD00] =	vst v63  }
0xab: {  	_ =	swait.ge [sflag:s19], $0x4000  }
0xac: {  	[sflag:s19] =	ssyncset.done $0x0  }
0xad: {  	[sflag:s19] =	ssyncadd.s32 $0xFFFFC000  }
0xae: {  	[hbm4b:s21+s2] =	stream.linear.scatter [tilespmem:s18], [sflag:$0x1], $0x4000, $0x38;
	[tilespmem:$0x1BD00] =	vst v63  }
0xaf: {  	_ =	swait.ge [sflag:s19], $0x4000  }
0xb0: {  	[sflag:s19] =	ssyncset.done $0x0  }
0xb1: {  	[sflag:s19] =	ssyncadd.s32 $0xFFFFC000  }
0xb2: {  	[tilespmem:s18], [sflag:$0x1] =	stream.linear.gather [spmem:s16], $0x4000, $0x38;
	[tilespmem:$0x1BD00] =	vst v63  }
0xb3: {  	_ =	swait.ge [sflag:s19], $0x4000  }
0xb4: {  	[sflag:s19] =	ssyncset.done $0x0  }
0xb5: {  	[sflag:s19] =	ssyncadd.s32 $0xFFFFC000  }
0xb6: {  	[hbm4b:s22+s2] =	stream.linear.scatter [tilespmem:s18], [sflag:$0x1], $0x4000, $0x38;
	[tilespmem:$0x1BD00] =	vst v63  }
0xb7: {  	_ =	swait.ge [sflag:s19], $0x4000  }
0xb8: {  	[sflag:s19] =	ssyncset.done $0x0  }
0xb9: {  	[sflag:s19] =	ssyncadd.s32 $0xFFFFC000  }
0xba: {  	[tilespmem:s18], [sflag:$0x1] =	stream.linear.gather [spmem:s17], $0x4000, $0x38;
	[tilespmem:$0x1BD00] =	vst v63  }
0xbb: {  	_ =	swait.ge [sflag:s19], $0x4000  }
0xbc: {  	[sflag:s19] =	ssyncset.done $0x0  }
0xbd: {  	[sflag:s19] =	ssyncadd.s32 $0xFFFFC000  }
0xbe: {  	[hbm4b:s23+s2] =	stream.linear.scatter [tilespmem:s18], [sflag:$0x1], $0x4000, $0x38;
	[tilespmem:$0x1BD00] =	vst v63  }
0xbf: {  	_ =	swait.ge [sflag:s19], $0x4000  }
0xc0: {  	[sflag:s19] =	ssyncset.done $0x0  }
0xc1: {  	[sflag:s19] =	ssyncadd.s32 $0xFFFFC000  }
0xc2: {  	[tilespmem:s18], [sflag:$0x1] =	stream.linear.gather [spmem:s9], $0x3C00, $0x38;
	[tilespmem:$0x1BD00] =	vst v63  }
0xc3: {  	s28 =	sadd.s32 $0x1, s28;
	_ =	swait.ge [sflag:s19], $0x3C00  }
0xc4: {  	p0 =	sne.s32 s28, s11;
	[sflag:s19] =	ssyncset.done $0x0  }
.Ltmp3:
0xc5: {  	[sflag:s19] =	ssyncadd.s32 $0xFFFFC400;
	(pc) =	sbr.rel @p0 .LBB2_1-.Ltmp3, $4  }
0xc6: {  	[hbm4b:s24+s2] =	stream.linear.scatter [tilespmem:s18], [sflag:$0x1], $0x3C00, $0x38;
	[tilespmem:$0x1BD00] =	vst v63  }
0xc7: {  	_ =	swait.ge [sflag:s19], $0x3C00  }
0xc8: {  	[sflag:s19] =	ssyncset.done $0x0  }
0xc9: {  	[sflag:s19] =	ssyncadd.s32 $0xFFFFC400  }
0xca: {  	_ =	sfence.sel $0x180000  }
0xcb: {  	[bflag:$0x0] =	sbarrier.arrive $0xFFFF  }
0xcc: {  	_ =	strace $0x9000004D  }
0xcd: {  	s0 =	stileid.u32;
	[bflag:$0x2] =	sbarrier.arrive $0xFFFF  }
0xce: {  	p0 =	sne.s32 s0, $0x0;
	s0 =	rddreg [dreg:$0x2]  }
0xcf: {  	s0 =	sadd.s32 @!p0 $0x100000, s0  }
0xd0: {  	[sflag:s0] =	ssyncadd.tile.s32 @!p0 $0x1;
	_ =	shalt  }
.Lfunc_end2:
_tile_overlayer_lowered:
.L_overlay_start_2:
0xd1: {  	(tag) =	ssettag $0x2  }
0xd2: {  	s0 =	rddreg [dreg:$0x0];
	s2 =	stileid.u32  }
0xd3: {  	s1 =	rddreg [dreg:$0x1];
	p0 =	sne.s32 s2, $0x0  }
0xd4: {  	s3 =	rddreg [dreg:$0x2];
	[bflag:$0x3] =	sbarrier.arrive $0xFFFF;
	s2 =	simm.s32 @!p0 $0x1C01  }
0xd5: {  	[timem:s3], [sflag:s2] =	dma.local @!p0 [hbm:s0], s1  }
0xd6: {  	s0 =	simm.s32 @!p0 $0x1  }
0xd7: {  	_ =	swait.ge @!p0 [sflag:s0], s1  }
0xd8: {  	s1 =	ssub.s32 @!p0 $0x0, s1;
	[sflag:s0] =	ssyncset.done @!p0 $0x0  }
0xd9: {  	[sflag:s0] =	ssyncadd.s32 @!p0 s1  }
0xda: {  	[bflag:$0x3] =	sbarrier.arrive $0xFFFF  }
0xdb: {  	_ =	shalt  }

// kernel: kernel.18.cloned.1.call-start
scs
__scs_entry_jumppad:
0x0: {  	(pc) =	sbr.rel $0x88, $3  }
0x1: {  	(tag) =	ssettag $0x0;
	lr =	simm.s32 $0x1  }
0x2: {  	[smem:$0x3F97] =	sst lr;
	_ =	strace $0xD0000000  }
0x3: {  	_ = 	snop  }
0x4: {  	_ = 	snop  }
0x5: {  	_ = 	snop  }
0x6: {  	_ = 	snop  }
0x7: {  	_ = 	snop  }
__scs_overlays_trampoline_lowered:
0x8: {  	[smem:$0x3FA6] =	sst s0  }
0x9: {  	[smem:$0x3FA7] =	sst s1  }
0xa: {  	[smem:$0x3FA8] =	sst s2  }
0xb: {  	[smem:$0x3FA9] =	sst s3  }
0xc: {  	[smem:$0x3FAA] =	sst s4  }
0xd: {  	[smem:$0x3FAB] =	sst s5  }
0xe: {  	[smem:$0x3FAC] =	sst s6  }
0xf: {  	[smem:$0x3FAD] =	sst s7  }
0x10: {  	[smem:$0x3FAE] =	sst s8  }
0x11: {  	[smem:$0x3FAF] =	sst s9;
	s0 =	simm.s32 @!p0 $0x0  }
0x12: {  	s1 =	sld [smem:$0x3F95];
	s0 =	simm.s32 @p0 $0x1  }
0x13: {  	[smem:$0x3FB0] =	sst s0;
	s0 =	simm.s32 @!p1 $0x0  }
0x14: {  	s2 =	sld [smem:$0x3F94];
	s0 =	simm.s32 @p1 $0x1  }
0x15: {  	[smem:$0x3FB1] =	sst s0;
	s0 =	simm.s32 @!p2 $0x0  }
0x16: {  	s3 =	sld [smem:$0x3FDB];
	s0 =	simm.s32 @p2 $0x1  }
0x17: {  	s4 =	simm.s32 $0x1BF5;
	[smem:$0x3FB3] =	sst s0  }
0x18: {  	s0 =	sld [smem:$0x3F96];
	_ =	swait.ge [sflag:s4], $0x0  }
0x19: {  	s7 =	sld [smem:$0x3F97]  }
0x1a: {  	s8 =	sadd.s32 $0xFFFFE003, lr  }
0x1b: {  	s9 =	sadd.s32 $0xFFFFFEF7, lr;
	s5 =	simm.s32 $0xFFFFFFFF;
	p2 =	slt.u32 s8, $0xFFFFF086  }
0x1c: {  	p1 =	slt.u32 s9, $0xF7A;
	s5 =	simm.s32 @!p2 $0x0  }
0x1d: {  	s5 =	simm.s32 @p1 $0x1;
	p0 =	seq.s32 s7, s2  }
0x1e: {  	s7 =	smul.u32 @!p0 $0xF7A, s2;
	p2 =	seq.s32 @!p0 s5, $0x0  }
0x1f: {  	s9 =	smul.u32 $0xF7A, s1;
	s8 =	simm.s32 @!p0 $0x1BF5;
	p2 =	por !p2, p0  }
0x20: {  	[sflag:s8] =	ssyncset.s32 @!p0 $0xFFFFF086;
	s6 =	sadd.s32 @!p0 s3, s7;
	s7 =	simm.s32 @!p0 $0x108  }
0x21: {  	s3 =	sadd.s32 s3, s9;
	s6 =	sadd.s32 @!p0 $0x88, s6;
	s7 =	simm.s32 @p2 $0x1082  }
0x22: {  	[simem:s7], [sflag:s8] =	dma.local @!p0 [hbm:s6], $0xF7A  }
0x23: {  	s9 =	sor.u32 $0xD0000000, s2;
	s6 =	simm.s32 $0x108;
	_ =	swait.ge @!p0 [sflag:s8], $0x0  }
0x24: {  	s3 =	sadd.s32 $0x88, s3;
	s6 =	simm.s32 @!p1 $0x1082;
	[sflag:s4] =	ssyncset.s32 $0xFFFFF086  }
0x25: {  	[simem:s6], [sflag:s4] =	dma.local [hbm:s3], $0xF7A  }
0x26: {  	[smem:$0x3F97] =	sst s1;
	(tag) =	ssettag s2;
	_ =	strace s9  }
0x27: {  	s1 =	sld [smem:$0x3FA7]  }
0x28: {  	s2 =	sld [smem:$0x3FA8]  }
0x29: {  	s4 =	sld [smem:$0x3FAA]  }
0x2a: {  	p0 =	seq.s32 s5, $0x0;
	s5 =	sld [smem:$0x3FAB]  }
0x2b: {  	s6 =	sld [smem:$0x3FAC]  }
0x2c: {  	s7 =	sld [smem:$0x3FAD]  }
0x2d: {  	s3 =	simm.s32 $0x108;
	s8 =	sld [smem:$0x3FAE]  }
0x2e: {  	s3 =	simm.s32 @!p0 $0x1082;
	s9 =	sld [smem:$0x3FAF]  }
0x2f: {  	lr =	sadd.s32 s0, s3;
	s0 =	sld [smem:$0x3FA6]  }
0x30: {  	s3 =	sld [smem:$0x3FA9]  }
0x31: {  	[smem:$0x3FB2] =	sst s10  }
0x32: {  	s10 =	sld [smem:$0x3FB0];
	_ =	sdelay $0x3  }
0x33: {  	p0 =	seq.s32 s10, $0x1;
	s10 =	sld [smem:$0x3FB2];
	_ =	sdelay $0x3  }
0x34: {  	[smem:$0x3FB2] =	sst s10  }
0x35: {  	s10 =	sld [smem:$0x3FB1];
	_ =	sdelay $0x3  }
0x36: {  	p1 =	seq.s32 s10, $0x1;
	s10 =	sld [smem:$0x3FB2];
	_ =	sdelay $0x3  }
0x37: {  	[smem:$0x3FB2] =	sst s10  }
0x38: {  	s10 =	sld [smem:$0x3FB3]  }
0x39: {  	_ = 	snop;
	(pc) =	sbr.ind lr, $3  }
0x3a: {  	_ = 	snop  }
0x3b: {  	_ = 	snop  }
0x3c: {  	p2 =	seq.s32 s10, $0x1;
	s10 =	sld [smem:$0x3FB2]  }
0x3d: {  	_ =	shalt  }
0x3e: {  	_ =	shalt  }
0x3f: {  	_ =	shalt  }
0x40: {  	_ =	shalt  }
0x41: {  	_ =	shalt  }
0x42: {  	_ =	shalt  }
0x43: {  	_ =	shalt  }
0x44: {  	_ =	shalt  }
0x45: {  	_ =	shalt  }
0x46: {  	_ =	shalt  }
0x47: {  	_ =	shalt  }
0x48: {  	_ =	shalt  }
0x49: {  	_ =	shalt  }
0x4a: {  	_ =	shalt  }
0x4b: {  	_ =	shalt  }
0x4c: {  	_ =	shalt  }
0x4d: {  	_ =	shalt  }
0x4e: {  	_ =	shalt  }
0x4f: {  	_ =	shalt  }
0x50: {  	_ =	shalt  }
0x51: {  	_ =	shalt  }
0x52: {  	_ =	shalt  }
0x53: {  	_ =	shalt  }
0x54: {  	_ =	shalt  }
0x55: {  	_ =	shalt  }
0x56: {  	_ =	shalt  }
0x57: {  	_ =	shalt  }
0x58: {  	_ =	shalt  }
0x59: {  	_ =	shalt  }
0x5a: {  	_ =	shalt  }
0x5b: {  	_ =	shalt  }
0x5c: {  	_ =	shalt  }
0x5d: {  	_ =	shalt  }
0x5e: {  	_ =	shalt  }
0x5f: {  	_ =	shalt  }
0x60: {  	_ =	shalt  }
0x61: {  	_ =	shalt  }
0x62: {  	_ =	shalt  }
0x63: {  	_ =	shalt  }
0x64: {  	_ =	shalt  }
0x65: {  	_ =	shalt  }
0x66: {  	_ =	shalt  }
0x67: {  	_ =	shalt  }
0x68: {  	_ =	shalt  }
0x69: {  	_ =	shalt  }
0x6a: {  	_ =	shalt  }
0x6b: {  	_ =	shalt  }
0x6c: {  	_ =	shalt  }
0x6d: {  	_ =	shalt  }
0x6e: {  	_ =	shalt  }
0x6f: {  	_ =	shalt  }
0x70: {  	_ =	shalt  }
0x71: {  	_ =	shalt  }
0x72: {  	_ =	shalt  }
0x73: {  	_ =	shalt  }
0x74: {  	_ =	shalt  }
0x75: {  	_ =	shalt  }
0x76: {  	_ =	shalt  }
0x77: {  	_ =	shalt  }
0x78: {  	_ =	shalt  }
0x79: {  	_ =	shalt  }
0x7a: {  	_ =	shalt  }
0x7b: {  	_ =	shalt  }
0x7c: {  	_ =	shalt  }
0x7d: {  	_ =	shalt  }
0x7e: {  	_ =	shalt  }
0x7f: {  	_ =	shalt  }
0x80: {  	_ =	shalt  }
0x81: {  	_ =	shalt  }
0x82: {  	_ =	shalt  }
0x83: {  	_ =	shalt  }
0x84: {  	_ =	shalt  }
0x85: {  	_ =	shalt  }
0x86: {  	_ =	shalt  }
0x87: {  	_ =	shalt  }
.Lfunc_end0:
.L_simem_size_0:
called_computation.3_lowered:
.L_overlay_start_0:
0x88: {  	s2 =	sld [smem:$0x3FD9]  }
0x89: {  	s3 =	sld [smem:$0x3FFE];
	_ =	sdelay $0x1  }
0x8a: {  	s1 =	srdreg.scid  }
0x8b: {  	s0 =	sand.u32 $0x1, s1  }
0x8c: {  	s16 =	sshll.u32 s0, $0xA;
	s2 =	sadd.s32 s3, s2  }
0x8d: {  	s2 =	sadd.s32 s2, s16  }
0x8e: {  	[smem:$0x3FBE] =	sst s2  }
0x8f: {  	_ = 	snop  }
0x90: {  	(tm) =	ssettm $0x1  }
0x91: {  	s17 =	sld [smem:$0x3FFB];
	_ =	sdelay $0x3  }
0x92: {  	_ =	strace s17  }
0x93: {  	s2 =	sld [smem:$0x3FFC];
	_ =	sdelay $0x3  }
0x94: {  	_ =	strace s2  }
0x95: {  	s2 =	sld [smem:$0x3FFD];
	_ =	sdelay $0x3  }
0x96: {  	_ =	strace s2  }
0x97: {  	_ =	strace $0x8FFFFFFF  }
0x98: {  	s18 =	sld [smem:$0x3FDB];
	_ =	sdelay $0x1  }
0x99: {  	s19 =	simm.s32 $_scs_section_size  }
0x9a: {  	s4 =	simm.s32 $_size__tile_overlayer_lowered;
	s5 =	simm.s32 $_tile_overlayer_lowered  }
0x9b: {  	s22 =	simm.s32 $0x1BFF;
	s21 =	sshll.u32 s5, $0x1;
	s2 =	sadd.s32 s19, s18  }
0x9c: {  	s6 =	simm.s32 $0x0;
	s20 =	sshll.u32 s4, $0x1;
	s4 =	sadd.s32 s21, s2  }
0x9d: {  	[timem:s6], [sflag:s22] =	dma.local [hbm:s4], s20  }
0x9e: {  	_ =	swait.ge [sflag:s22], s20  }
0x9f: {  	s3 =	ssub.s32 $0x0, s20;
	[sflag:s22] =	ssyncset.done $0x0  }
0xa0: {  	[sflag:s22] =	ssyncadd.s32 s3;
	_ =	sdelay $0x1  }
0xa1: {  	s23 =	simm.s32 $0x1B8B  }
0xa2: {  	_ =	swait.ge [sflag:s23], $0x1  }
0xa3: {  	[sflag:s23] =	ssyncset.done $0x0  }
0xa4: {  	s25 =	simm.s32 $0x1B8E;
	s24 =	sld [smem:$0x3FFE];
	[sflag:s23] =	ssyncadd.s32 $0xFFFFFFFF  }
0xa5: {  	s26 =	simm.s32 $execute0_lowered;
	[smem:$0x3FD2] =	sst s25  }
0xa6: {  	s4 =	sshll.u32 s26, $0x1;
	_ =	strace $0x8000004F;
	[dreg:$0x1] =	wrdreg $0xFFFFFFFF  }
0xa7: {  	s28 =	simm.s32 $_size_execute0_lowered;
	s2 =	sadd.s32 s2, s4;
	[dreg:$0x0] =	wrdreg $0x0  }
0xa8: {  	s4 =	sshll.u32 s28, $0x1;
	[dreg:$0x2] =	wrdreg s2  }
0xa9: {  	[dreg:$0x3] =	wrdreg s4  }
0xaa: {  	[dreg:$0x4] =	wrdreg $0xC0  }
0xab: {  	_ =	task [dreg:s6], $0x5FFFF  }
0xac: {  	[dreg:$0x1] =	wrdreg $0xFFFFFFFF  }
0xad: {  	[dreg:$0x0] =	wrdreg $0x60  }
0xae: {  	[dreg:$0x2] =	wrdreg s24  }
0xaf: {  	[dreg:$0x3] =	wrdreg $0x81000  }
0xb0: {  	[dreg:$0x4] =	wrdreg $0x9  }
0xb1: {  	_ =	task.clear_ibuf [dreg:s6], $0x5FFFF;
	_ =	strace $0x9000004F  }
0xb2: {  	s29 =	simm.s32 $0x9;
	_ =	strace $0x80000051  }
0xb3: {  	_ =	swait.ge [sflag:s29], $0x1  }
0xb4: {  	[sflag:s29] =	ssyncadd.s32 $0xFFFFFFFF  }
0xb5: {  	_ =	strace $0x90000051  }
0xb6: {  	_ =	sfence  }
0xb7: {  	s30 =	sld [smem:$0x0];
	_ =	sdelay $0x2  }
0xb8: {  	s31 =	sshll.u32 s1, $0xD;
	s1 =	sshrl.u32 s1, $0x2  }
0xb9: {  	s3 =	sand.u32 $0x4000, s31;
	s1 =	sadd.s32 s1, s30  }
0xba: {  	s0 =	sor.u32 s3, s0;
	s1 =	sshll.u32 s1, $0x11  }
0xbb: {  	s0 =	sor.u32 s1, s0  }
0xbc: {  	s0 =	sadd.s32 $0x8F2B, s0  }
0xbd: {  	[sflag:s0] =	ssyncadd.remote.s32 $0x1  }
0xbe: {  	_ =	sfence.sel $0xFFFF  }
0xbf: {  	[dreg:$0x0] =	wrdreg $0xFFFFFFFF;
	(pc) =	sbr.abs _section_cstart, $3  }
0xc0: {  	[dreg:$0x1] =	wrdreg $0xFFFFFFFF  }
0xc1: {  	_ =	task.clear_ibuf [dreg:s6], $0x2FFFF;
	_ =	strace $0x9FFFFFFF  }
0xc2: {  	(tm) =	ssettm $0x7FFFFFFF  }
0xc3: {  	_ =	shalt  }
tec
execute0_lowered:
.L_overlay_start_1:
0x0: {  	(tag) =	ssettag $0x1  }
0x1: {  	s0 =	rddreg [dreg:$0x0]  }
0x2: {  	s1 =	rddreg [dreg:$0x1]  }
0x3: {  	s2 =	simm.s32 $0x0;
	s3 =	srdreg.scid;
	s23 =	stileid.u32  }
0x4: {  	s28 =	simm.s32 $0x0;
	[smem:$0x7FF] =	sst s2;
	s4 =	sadd.s32 $0x3400, s0  }
0x5: {  	s8 =	sand.u32 $0x1, s3;
	s5 =	sadd.s32 $0x97E00, s0;
	s16 =	smul.u32 $0x278, s23  }
0x6: {  	s6 =	sadd.s32 $0xA1C00, s0;
	s7 =	sadd.s32 $0xABA00, s0;
	s12 =	smul.u32 $0x4F000, s23  }
0x7: {  	s20 =	smul.u32 $0x2780, s23;
	_ =	strace $0x80000050;
	s10 =	ssub.s32 $0x2, s8  }
0x8: {  	s9 =	smul.u32 $0x27800, s8;
	s8 =	sshll.u32 s8, $0x4;
	s11 =	sshrl.u32 s10, $0x1  }
0x9: {  	s13 =	sadd.s32 $0x200, s16;
	s25 =	sshrl.u32 s12, $0x2;
	s29 =	sor.u32 s23, s8  }
0xa: {  	s17 =	sadd.s32 $0x80, s16;
	s18 =	sadd.s32 $0x100, s16;
	s19 =	sadd.s32 $0x180, s16  }
0xb: {  	s0 =	sadd.s32 s9, s0;
	s11 =	ssub.s32 s10, s11;
	s26 =	sshll.u32 s13, $0x7  }
0xc: {  	s8 =	sadd.s32 s25, s1;
	s10 =	smul.u32 $0x4F, s29;
	s24 =	sshll.u32 s13, $0x4  }
0xd: {  	s15 =	sshll.u32 s17, $0x7;
	s21 =	sshll.u32 s17, $0x4;
	s30 =	sshll.u32 s18, $0x7  }
0xe: {  	s22 =	sshll.u32 s18, $0x4;
	s31 =	sshll.u32 s19, $0x7;
	s23 =	sshll.u32 s19, $0x4  }
0xf: {  	s18 =	simm.s32 $0x4100;
	s19 =	simm.s32 $0x1;
	s25 =	simm.s32 $0x80  }
0x10: {  	s9 =	sadd.s32 s26, s1;
	s0 =	sadd.s32 $0x2A600, s0;
	s11 =	smax.u32 s11, $0x1  }
0x11: {  	s12 =	sadd.s32 $0x4000, s8;
	s13 =	sadd.s32 $0x8000, s8;
	s14 =	sadd.s32 $0xC000, s8  }
0x12: {  	s15 =	sadd.s32 s15, s1;
	s16 =	sadd.s32 s30, s1;
	s17 =	sadd.s32 s31, s1  }
0x13: {  	s26 =	simm.s32 $0x100;
	s20 =	sadd.s32 s20, s0;
	s21 =	sadd.s32 s21, s0  }
0x14: {  	v0 =	vimm.f32 $0.0e+00;
	s22 =	sadd.s32 s22, s0;
	s23 =	sadd.s32 s23, s0;
	s24 =	sadd.s32 s24, s0  }
.LBB2_1:
0x15: {  	s0 =	simm.s32 $0x0;
	s29 =	simm.s32 $0x200  }
.LBB2_2:
0x16: {  	p0 =	sne.s32 s29, $0xFE00;
	[tilespmem:s0+$0x4170] =	vst v0  }
0x17: {  	[tilespmem:s0+$0x4100] =	vst v0  }
0x18: {  	[tilespmem:s0+$0x4110] =	vst v0  }
.Ltmp0:
0x19: {  	[tilespmem:s0+$0x4120] =	vst v0;
	(pc) =	sbr.rel @p0 .LBB2_2-.Ltmp0, $4  }
0x1a: {  	[tilespmem:s0+$0x4130] =	vst v0  }
0x1b: {  	[tilespmem:s0+$0x4140] =	vst v0  }
0x1c: {  	[tilespmem:s0+$0x4150] =	vst v0  }
0x1d: {  	[tilespmem:s0+$0x4160] =	vst v0;
	s0 =	sshra.s32 s29, $0x2;
	s29 =	sadd.s32 $0x200, s29  }
0x1e: {  	[tilespmem:s0+$0x4170] =	vst v0  }
0x1f: {  	[tilespmem:s0+$0x4100] =	vst v0  }
0x20: {  	[tilespmem:s0+$0x4110] =	vst v0  }
0x21: {  	[tilespmem:s0+$0x4120] =	vst v0  }
0x22: {  	[tilespmem:s0+$0x4130] =	vst v0  }
0x23: {  	[tilespmem:s0+$0x4140] =	vst v0  }
0x24: {  	[tilespmem:s0+$0x4150] =	vst v0  }
0x25: {  	[tilespmem:s0+$0x4160] =	vst v0  }
0x26: {  	[spmem:s8] =	stream.linear.scatter [tilespmem:s18], [sflag:$0x1], $0x4000, $0x38;
	[tilespmem:$0x1BD00] =	vst v63  }
0x27: {  	_ =	swait.ge [sflag:s19], $0x4000  }
0x28: {  	[sflag:s19] =	ssyncset.done $0x0  }
0x29: {  	[sflag:s19] =	ssyncadd.s32 $0xFFFFC000  }
0x2a: {  	[spmem:s12] =	stream.linear.scatter [tilespmem:s18], [sflag:$0x1], $0x4000, $0x38;
	[tilespmem:$0x1BD00] =	vst v63  }
0x2b: {  	_ =	swait.ge [sflag:s19], $0x4000  }
0x2c: {  	[sflag:s19] =	ssyncset.done $0x0  }
0x2d: {  	[sflag:s19] =	ssyncadd.s32 $0xFFFFC000  }
0x2e: {  	[spmem:s13] =	stream.linear.scatter [tilespmem:s18], [sflag:$0x1], $0x4000, $0x38;
	[tilespmem:$0x1BD00] =	vst v63  }
0x2f: {  	_ =	swait.ge [sflag:s19], $0x4000  }
0x30: {  	[sflag:s19] =	ssyncset.done $0x0  }
0x31: {  	[sflag:s19] =	ssyncadd.s32 $0xFFFFC000  }
0x32: {  	[spmem:s14] =	stream.linear.scatter [tilespmem:s18], [sflag:$0x1], $0x4000, $0x38;
	[tilespmem:$0x1BD00] =	vst v63  }
0x33: {  	_ =	swait.ge [sflag:s19], $0x4000  }
0x34: {  	[sflag:s19] =	ssyncset.done $0x0  }
0x35: {  	[sflag:s19] =	ssyncadd.s32 $0xFFFFC000  }
0x36: {  	[spmem:s9] =	stream.linear.scatter [tilespmem:s18], [sflag:$0x1], $0x3C00, $0x38;
	[tilespmem:$0x1BD00] =	vst v63  }
0x37: {  	_ =	swait.ge [sflag:s19], $0x3C00  }
0x38: {  	[sflag:s19] =	ssyncset.done $0x0  }
0x39: {  	[sflag:s19] =	ssyncadd.s32 $0xFFFFC400  }
0x3a: {  	s29 =	simm.s32 $0x0;
	s30 =	simm.s32 $0x0;
	[bflag:$0x0] =	sbarrier.arrive $0xFFFF  }
.LBB2_4:
0x3b: {  	s0 =	sadd.s32 s10, s30  }
0x3c: {  	s31 =	sshll.u32 s0, $0x4  }
0x3d: {  	s3 =	sadd.s32 s5, s31  }
0x3e: {  	[tilespmem:s29], [sflag:$0x1] =	stream.linear.gather [hbm4b:s3+s29], $0x80, $0x38;
	[tilespmem:$0x1BD00] =	vst v63  }
0x3f: {  	_ =	swait.ge [sflag:s19], $0x80  }
0x40: {  	[sflag:s19] =	ssyncset.done $0x0  }
0x41: {  	s3 =	sadd.s32 s6, s31;
	[sflag:s19] =	ssyncadd.s32 $0xFFFFFF80  }
0x42: {  	[tilespmem:s25], [sflag:$0x1] =	stream.linear.gather [hbm4b:s3+s29], $0x80, $0x38;
	[tilespmem:$0x1BD00] =	vst v63  }
0x43: {  	_ =	swait.ge [sflag:s19], $0x80  }
0x44: {  	s0 =	sshll.u32 s0, $0xB;
	[sflag:s19] =	ssyncset.done $0x0  }
0x45: {  	s0 =	sadd.s32 s7, s0;
	[sflag:s19] =	ssyncadd.s32 $0xFFFFFF80  }
0x46: {  	[tilespmem:s26], [sflag:$0x1] =	stream.linear.gather [hbm4b:s0+s29], $0x4000, $0x38;
	[tilespmem:$0x1BD00] =	vst v63  }
0x47: {  	_ =	swait.ge [sflag:s19], $0x4000  }
0x48: {  	[sflag:s19] =	ssyncset.done $0x0  }
0x49: {  	[sflag:s19] =	ssyncadd.s32 $0xFFFFC000  }
0x4a: {  	[tilespmem:s18], [sflag:$0x1] =	stream.indirect.gather [hbm4b:s4+s25], $0x80, s29, s25, $0xb8;
	[tilespmem:$0x1BD00] =	vst v63  }
0x4b: {  	_ =	swait.ge [sflag:s19], $0x4000  }
0x4c: {  	[sflag:s19] =	ssyncset.done $0x0  }
0x4d: {  	s31 =	simm.s32 $0x0;
	[sflag:s19] =	ssyncadd.s32 $0xFFFFC000  }
0x4e: {  	v2 =	vld [tilespmem:s31+$0x100]  }
0x4f: {  	v3 =	vld [tilespmem:s31+$0x180]  }
0x50: {  	v5 =	vld [tilespmem:s31+$0x200]  }
0x51: {  	v1 =	vld [tilespmem:s31+$0x280]  }
0x52: {  	v4 =	vld [tilespmem:s31+$0x4100]  }
0x53: {  	v6 =	vld [tilespmem:s31+$0x4110]  }
0x54: {  	v7 =	vld [tilespmem:s31+$0x4120]  }
0x55: {  	v8 =	vld [tilespmem:s31+$0x4130]  }
0x56: {  	v9 =	vld [tilespmem:s31+$0x4140]  }
0x57: {  	v10 =	vld [tilespmem:s31+$0x4150];
	v4 =	vmul.f32 v4, v2  }
0x58: {  	v11 =	vld [tilespmem:s31+$0x4160];
	v6 =	vmul.f32 v6, v2  }
0x59: {  	v7 =	vmul.f32 v7, v2;
	[tilespmem:s31+$0x4100] =	vst v4;
	v4 =	vld [tilespmem:s31+$0x4170]  }
0x5a: {  	v8 =	vmul.f32 v8, v2;
	[tilespmem:s31+$0x4110] =	vst v6;
	v6 =	vld [tilespmem:s31+$0x4180]  }
0x5b: {  	v9 =	vmul.f32 v9, v2;
	[tilespmem:s31+$0x4120] =	vst v7;
	v7 =	vld [tilespmem:s31+$0x4190]  }
0x5c: {  	v10 =	vmul.f32 v10, v2;
	[tilespmem:s31+$0x4130] =	vst v8;
	v8 =	vld [tilespmem:s31+$0x41A0]  }
0x5d: {  	v11 =	vmul.f32 v11, v2;
	[tilespmem:s31+$0x4140] =	vst v9;
	v9 =	vld [tilespmem:s31+$0x41B0]  }
0x5e: {  	[tilespmem:s31+$0x4150] =	vst v10;
	v10 =	vld [tilespmem:s31+$0x41C0];
	v2 =	vmul.f32 v4, v2  }
0x5f: {  	[tilespmem:s31+$0x4160] =	vst v11;
	v4 =	vld [tilespmem:s31+$0x41D0];
	v6 =	vmul.f32 v6, v3  }
0x60: {  	v7 =	vmul.f32 v7, v3;
	[tilespmem:s31+$0x4170] =	vst v2;
	v2 =	vld [tilespmem:s31+$0x41E0]  }
0x61: {  	v8 =	vmul.f32 v8, v3;
	[tilespmem:s31+$0x4180] =	vst v6;
	v6 =	vld [tilespmem:s31+$0x41F0]  }
0x62: {  	v9 =	vmul.f32 v9, v3;
	[tilespmem:s31+$0x4190] =	vst v7;
	v7 =	vld [tilespmem:s31+$0x4200]  }
0x63: {  	v10 =	vmul.f32 v10, v3;
	[tilespmem:s31+$0x41A0] =	vst v8;
	v8 =	vld [tilespmem:s31+$0x4210]  }
0x64: {  	[tilespmem:s31+$0x41B0] =	vst v9;
	v9 =	vld [tilespmem:s31+$0x4220];
	v4 =	vmul.f32 v4, v3  }
0x65: {  	[tilespmem:s31+$0x41C0] =	vst v10;
	v10 =	vld [tilespmem:s31+$0x4230];
	v2 =	vmul.f32 v2, v3  }
0x66: {  	[tilespmem:s31+$0x41D0] =	vst v4;
	v4 =	vld [tilespmem:s31+$0x4240];
	v3 =	vmul.f32 v6, v3  }
0x67: {  	v6 =	vmul.f32 v7, v5;
	v7 =	vld [tilespmem:s31+$0x4260];
	[tilespmem:s31+$0x41E0] =	vst v2  }
0x68: {  	v2 =	vld [tilespmem:s31+$0x4250];
	[tilespmem:s31+$0x41F0] =	vst v3;
	v3 =	vmul.f32 v8, v5  }
0x69: {  	[tilespmem:s31+$0x4200] =	vst v6;
	v6 =	vld [tilespmem:s31+$0x4270];
	v8 =	vmul.f32 v9, v5  }
0x6a: {  	v9 =	vld [tilespmem:s31+$0x4280];
	[tilespmem:s31+$0x4210] =	vst v3;
	v3 =	vmul.f32 v10, v5  }
0x6b: {  	[tilespmem:s31+$0x4220] =	vst v8;
	v10 =	vld [tilespmem:s31+$0x4290];
	v4 =	vmul.f32 v4, v5  }
0x6c: {  	v7 =	vmul.f32 v7, v5;
	[tilespmem:s31+$0x4230] =	vst v3;
	v3 =	vld [tilespmem:s31+$0x42A0]  }
0x6d: {  	v8 =	vmul.f32 v2, v5;
	[tilespmem:s31+$0x4240] =	vst v4;
	v2 =	vld [tilespmem:s31+$0x42B0]  }
0x6e: {  	v4 =	vld [tilespmem:s31+$0x42C0];
	v6 =	vmul.f32 v6, v5;
	[tilespmem:s31+$0x4260] =	vst v7  }
0x6f: {  	v5 =	vld [tilespmem:s31+$0x42D0];
	[tilespmem:s31+$0x4250] =	vst v8;
	v8 =	vmul.f32 v9, v1  }
0x70: {  	s0 =	simm.s32 $0x800;
	[tilespmem:s31+$0x4270] =	vst v6;
	v7 =	vmul.f32 v10, v1;
	v6 =	vld [tilespmem:s31+$0x42E0]  }
.LBB2_5:
0x71: {  	s3 =	sshra.s32 s0, $0x2;
	p0 =	sne.s32 s0, $0xF800;
	[tilespmem:s31+$0x4280] =	vst v8;
	v3 =	vmul.f32 v3, v1;
	v8 =	vld [tilespmem:s31+$0x42F0]  }
0x72: {  	v9 =	vld [tilespmem:s3+$0x100];
	[tilespmem:s31+$0x4290] =	vst v7;
	v2 =	vmul.f32 v2, v1  }
0x73: {  	v7 =	vld [tilespmem:s3+$0x180];
	[tilespmem:s31+$0x42A0] =	vst v3;
	v3 =	vmul.f32 v4, v1  }
0x74: {  	v4 =	vld [tilespmem:s3+$0x200];
	[tilespmem:s31+$0x42B0] =	vst v2;
	v2 =	vmul.f32 v5, v1  }
0x75: {  	v5 =	vld [tilespmem:s3+$0x280];
	[tilespmem:s31+$0x42C0] =	vst v3;
	v3 =	vmul.f32 v6, v1  }
0x76: {  	v6 =	vld [tilespmem:s3+$0x4100];
	[tilespmem:s31+$0x42D0] =	vst v2;
	v1 =	vmul.f32 v8, v1  }
0x77: {  	v2 =	vld [tilespmem:s3+$0x4110];
	[tilespmem:s31+$0x42E0] =	vst v3  }
0x78: {  	v3 =	vld [tilespmem:s3+$0x4120];
	[tilespmem:s31+$0x42F0] =	vst v1;
	s31 =	smov.u32 s3  }
0x79: {  	v8 =	vld [tilespmem:s31+$0x4130]  }
0x7a: {  	v10 =	vld [tilespmem:s31+$0x4140];
	v1 =	vmov v5  }
0x7b: {  	v5 =	vmul.f32 v6, v9;
	v6 =	vld [tilespmem:s31+$0x4150]  }
0x7c: {  	v2 =	vmul.f32 v2, v9;
	v11 =	vld [tilespmem:s31+$0x4160]  }
0x7d: {  	[tilespmem:s31+$0x4100] =	vst v5;
	v3 =	vmul.f32 v3, v9;
	v5 =	vld [tilespmem:s31+$0x4170]  }
0x7e: {  	[tilespmem:s31+$0x4110] =	vst v2;
	v2 =	vmul.f32 v8, v9;
	v8 =	vld [tilespmem:s31+$0x4180]  }
0x7f: {  	[tilespmem:s31+$0x4120] =	vst v3;
	v3 =	vmul.f32 v10, v9;
	v10 =	vld [tilespmem:s31+$0x4190]  }
0x80: {  	[tilespmem:s31+$0x4130] =	vst v2;
	v2 =	vmul.f32 v6, v9;
	v6 =	vld [tilespmem:s31+$0x41A0]  }
0x81: {  	[tilespmem:s31+$0x4140] =	vst v3;
	v3 =	vmul.f32 v11, v9;
	v11 =	vld [tilespmem:s31+$0x41B0]  }
0x82: {  	[tilespmem:s31+$0x4150] =	vst v2;
	v2 =	vmul.f32 v5, v9;
	v5 =	vld [tilespmem:s31+$0x41C0]  }
0x83: {  	[tilespmem:s31+$0x4160] =	vst v3;
	v3 =	vmul.f32 v8, v7;
	v8 =	vld [tilespmem:s31+$0x41D0]  }
0x84: {  	[tilespmem:s31+$0x4170] =	vst v2;
	v2 =	vmul.f32 v10, v7;
	v9 =	vld [tilespmem:s31+$0x41E0]  }
0x85: {  	[tilespmem:s31+$0x4180] =	vst v3;
	v3 =	vmul.f32 v6, v7;
	v6 =	vld [tilespmem:s31+$0x41F0]  }
0x86: {  	[tilespmem:s31+$0x4190] =	vst v2;
	v2 =	vmul.f32 v11, v7;
	v10 =	vld [tilespmem:s31+$0x4200]  }
0x87: {  	[tilespmem:s31+$0x41A0] =	vst v3;
	v3 =	vmul.f32 v5, v7;
	v5 =	vld [tilespmem:s31+$0x4210]  }
0x88: {  	[tilespmem:s31+$0x41B0] =	vst v2;
	v2 =	vmul.f32 v8, v7;
	v8 =	vld [tilespmem:s31+$0x4220]  }
0x89: {  	[tilespmem:s31+$0x41C0] =	vst v3;
	v3 =	vmul.f32 v9, v7;
	v9 =	vld [tilespmem:s31+$0x4230]  }
0x8a: {  	[tilespmem:s31+$0x41D0] =	vst v2;
	v2 =	vmul.f32 v6, v7;
	v6 =	vld [tilespmem:s31+$0x4240]  }
0x8b: {  	[tilespmem:s31+$0x41E0] =	vst v3;
	v3 =	vmul.f32 v10, v4;
	v7 =	vld [tilespmem:s31+$0x4250]  }
0x8c: {  	[tilespmem:s31+$0x41F0] =	vst v2;
	v2 =	vmul.f32 v5, v4;
	v5 =	vld [tilespmem:s31+$0x4260]  }
0x8d: {  	[tilespmem:s31+$0x4200] =	vst v3;
	v3 =	vmul.f32 v8, v4;
	v8 =	vld [tilespmem:s31+$0x4270]  }
0x8e: {  	[tilespmem:s31+$0x4210] =	vst v2;
	v2 =	vmul.f32 v9, v4;
	v9 =	vld [tilespmem:s31+$0x4280]  }
0x8f: {  	[tilespmem:s31+$0x4220] =	vst v3;
	v6 =	vmul.f32 v6, v4;
	v10 =	vld [tilespmem:s31+$0x4290]  }
.Ltmp1:
0x90: {  	[tilespmem:s31+$0x4230] =	vst v2;
	v7 =	vmul.f32 v7, v4;
	v3 =	vld [tilespmem:s31+$0x42A0];
	(pc) =	sbr.rel @p0 .LBB2_5-.Ltmp1, $4  }
0x91: {  	[tilespmem:s31+$0x4240] =	vst v6;
	v5 =	vmul.f32 v5, v4;
	v2 =	vld [tilespmem:s31+$0x42B0]  }
0x92: {  	[tilespmem:s31+$0x4250] =	vst v7;
	v6 =	vmul.f32 v8, v4;
	v4 =	vld [tilespmem:s31+$0x42C0]  }
0x93: {  	[tilespmem:s31+$0x4260] =	vst v5;
	v8 =	vmul.f32 v9, v1;
	v5 =	vld [tilespmem:s31+$0x42D0]  }
0x94: {  	s0 =	sadd.s32 $0x800, s0;
	[tilespmem:s31+$0x4270] =	vst v6;
	v7 =	vmul.f32 v10, v1;
	v6 =	vld [tilespmem:s31+$0x42E0]  }
0x95: {  	[tilespmem:s31+$0x4280] =	vst v8;
	v3 =	vmul.f32 v3, v1;
	v63 =	vld [tilespmem:s31+$0x42F0]  }
0x96: {  	[tilespmem:s31+$0x4290] =	vst v7;
	v2 =	vmul.f32 v2, v1  }
0x97: {  	[tilespmem:s31+$0x42A0] =	vst v3;
	v3 =	vmul.f32 v4, v1  }
0x98: {  	[tilespmem:s31+$0x42B0] =	vst v2;
	v2 =	vmul.f32 v5, v1  }
0x99: {  	[tilespmem:s31+$0x42C0] =	vst v3;
	v3 =	vmul.f32 v6, v1  }
0x9a: {  	s30 =	sadd.s32 $0x1, s30;
	[tilespmem:s31+$0x42D0] =	vst v2;
	v1 =	vmul.f32 v63, v1  }
0x9b: {  	p0 =	sne.s32 s30, $0x4F;
	[tilespmem:s31+$0x42E0] =	vst v3  }
.Ltmp2:
0x9c: {  	[tilespmem:s31+$0x42F0] =	vst v1;
	(pc) =	sbr.rel @p0 .LBB2_4-.Ltmp2, $4  }
0x9d: {  	[spmem:s1] =	stream.indirect.scatter.add.f32 [tilespmem:s18], [sflag:$0x1], $0x80, s25, s25, $0xb8;
	[tilespmem:$0x1BD00] =	vst v63  }
0x9e: {  	_ =	swait.ge [sflag:s19], $0x4000  }
0x9f: {  	[sflag:s19] =	ssyncset.done $0x0  }
0xa0: {  	[sflag:s19] =	ssyncadd.s32 $0xFFFFC000  }
0xa1: {  	[bflag:$0x0] =	sbarrier.arrive $0xFFFF  }
0xa2: {  	[tilespmem:s18], [sflag:$0x1] =	stream.linear.gather [spmem:s8], $0x4000, $0x38;
	[tilespmem:$0x1BD00] =	vst v63  }
0xa3: {  	_ =	swait.ge [sflag:s19], $0x4000  }
0xa4: {  	[sflag:s19] =	ssyncset.done $0x0  }
0xa5: {  	[sflag:s19] =	ssyncadd.s32 $0xFFFFC000  }
0xa6: {  	[hbm4b:s20+s2] =	stream.linear.scatter [tilespmem:s18], [sflag:$0x1], $0x4000, $0x38;
	[tilespmem:$0x1BD00] =	vst v63  }
0xa7: {  	_ =	swait.ge [sflag:s19], $0x4000  }
0xa8: {  	[sflag:s19] =	ssyncset.done $0x0  }
0xa9: {  	[sflag:s19] =	ssyncadd.s32 $0xFFFFC000  }
0xaa: {  	[tilespmem:s18], [sflag:$0x1] =	stream.linear.gather [spmem:s15], $0x4000, $0x38;
	[tilespmem:$0x1BD00] =	vst v63  }
0xab: {  	_ =	swait.ge [sflag:s19], $0x4000  }
0xac: {  	[sflag:s19] =	ssyncset.done $0x0  }
0xad: {  	[sflag:s19] =	ssyncadd.s32 $0xFFFFC000  }
0xae: {  	[hbm4b:s21+s2] =	stream.linear.scatter [tilespmem:s18], [sflag:$0x1], $0x4000, $0x38;
	[tilespmem:$0x1BD00] =	vst v63  }
0xaf: {  	_ =	swait.ge [sflag:s19], $0x4000  }
0xb0: {  	[sflag:s19] =	ssyncset.done $0x0  }
0xb1: {  	[sflag:s19] =	ssyncadd.s32 $0xFFFFC000  }
0xb2: {  	[tilespmem:s18], [sflag:$0x1] =	stream.linear.gather [spmem:s16], $0x4000, $0x38;
	[tilespmem:$0x1BD00] =	vst v63  }
0xb3: {  	_ =	swait.ge [sflag:s19], $0x4000  }
0xb4: {  	[sflag:s19] =	ssyncset.done $0x0  }
0xb5: {  	[sflag:s19] =	ssyncadd.s32 $0xFFFFC000  }
0xb6: {  	[hbm4b:s22+s2] =	stream.linear.scatter [tilespmem:s18], [sflag:$0x1], $0x4000, $0x38;
	[tilespmem:$0x1BD00] =	vst v63  }
0xb7: {  	_ =	swait.ge [sflag:s19], $0x4000  }
0xb8: {  	[sflag:s19] =	ssyncset.done $0x0  }
0xb9: {  	[sflag:s19] =	ssyncadd.s32 $0xFFFFC000  }
0xba: {  	[tilespmem:s18], [sflag:$0x1] =	stream.linear.gather [spmem:s17], $0x4000, $0x38;
	[tilespmem:$0x1BD00] =	vst v63  }
0xbb: {  	_ =	swait.ge [sflag:s19], $0x4000  }
0xbc: {  	[sflag:s19] =	ssyncset.done $0x0  }
0xbd: {  	[sflag:s19] =	ssyncadd.s32 $0xFFFFC000  }
0xbe: {  	[hbm4b:s23+s2] =	stream.linear.scatter [tilespmem:s18], [sflag:$0x1], $0x4000, $0x38;
	[tilespmem:$0x1BD00] =	vst v63  }
0xbf: {  	_ =	swait.ge [sflag:s19], $0x4000  }
0xc0: {  	[sflag:s19] =	ssyncset.done $0x0  }
0xc1: {  	[sflag:s19] =	ssyncadd.s32 $0xFFFFC000  }
0xc2: {  	[tilespmem:s18], [sflag:$0x1] =	stream.linear.gather [spmem:s9], $0x3C00, $0x38;
	[tilespmem:$0x1BD00] =	vst v63  }
0xc3: {  	s28 =	sadd.s32 $0x1, s28;
	_ =	swait.ge [sflag:s19], $0x3C00  }
0xc4: {  	p0 =	sne.s32 s28, s11;
	[sflag:s19] =	ssyncset.done $0x0  }
.Ltmp3:
0xc5: {  	[sflag:s19] =	ssyncadd.s32 $0xFFFFC400;
	(pc) =	sbr.rel @p0 .LBB2_1-.Ltmp3, $4  }
0xc6: {  	[hbm4b:s24+s2] =	stream.linear.scatter [tilespmem:s18], [sflag:$0x1], $0x3C00, $0x38;
	[tilespmem:$0x1BD00] =	vst v63  }
0xc7: {  	_ =	swait.ge [sflag:s19], $0x3C00  }
0xc8: {  	[sflag:s19] =	ssyncset.done $0x0  }
0xc9: {  	[sflag:s19] =	ssyncadd.s32 $0xFFFFC400  }
0xca: {  	_ =	sfence.sel $0x180000  }
0xcb: {  	[bflag:$0x0] =	sbarrier.arrive $0xFFFF  }
0xcc: {  	_ =	strace $0x90000050  }
0xcd: {  	s0 =	stileid.u32;
	[bflag:$0x2] =	sbarrier.arrive $0xFFFF  }
0xce: {  	p0 =	sne.s32 s0, $0x0;
	s0 =	rddreg [dreg:$0x2]  }
0xcf: {  	s0 =	sadd.s32 @!p0 $0x100000, s0  }
0xd0: {  	[sflag:s0] =	ssyncadd.tile.s32 @!p0 $0x1;
	_ =	shalt  }
.Lfunc_end2:
_tile_overlayer_lowered:
.L_overlay_start_2:
0xd1: {  	(tag) =	ssettag $0x2  }
0xd2: {  	s0 =	rddreg [dreg:$0x0];
	s2 =	stileid.u32  }
0xd3: {  	s1 =	rddreg [dreg:$0x1];
	p0 =	sne.s32 s2, $0x0  }
0xd4: {  	s3 =	rddreg [dreg:$0x2];
	[bflag:$0x3] =	sbarrier.arrive $0xFFFF;
	s2 =	simm.s32 @!p0 $0x1C01  }
0xd5: {  	[timem:s3], [sflag:s2] =	dma.local @!p0 [hbm:s0], s1  }
0xd6: {  	s0 =	simm.s32 @!p0 $0x1  }
0xd7: {  	_ =	swait.ge @!p0 [sflag:s0], s1  }
0xd8: {  	s1 =	ssub.s32 @!p0 $0x0, s1;
	[sflag:s0] =	ssyncset.done @!p0 $0x0  }
0xd9: {  	[sflag:s0] =	ssyncadd.s32 @!p0 s1  }
0xda: {  	[bflag:$0x3] =	sbarrier.arrive $0xFFFF  }
0xdb: {  	_ =	shalt  }

// kernel: kernel.9.cloned.1.call-start
scs
__scs_entry_jumppad:
0x0: {  	(pc) =	sbr.rel $0x88, $3  }
0x1: {  	(tag) =	ssettag $0x0;
	lr =	simm.s32 $0x1  }
0x2: {  	[smem:$0x3F97] =	sst lr;
	_ =	strace $0xD0000000  }
0x3: {  	_ = 	snop  }
0x4: {  	_ = 	snop  }
0x5: {  	_ = 	snop  }
0x6: {  	_ = 	snop  }
0x7: {  	_ = 	snop  }
__scs_overlays_trampoline_lowered:
0x8: {  	[smem:$0x3FA6] =	sst s0  }
0x9: {  	[smem:$0x3FA7] =	sst s1  }
0xa: {  	[smem:$0x3FA8] =	sst s2  }
0xb: {  	[smem:$0x3FA9] =	sst s3  }
0xc: {  	[smem:$0x3FAA] =	sst s4  }
0xd: {  	[smem:$0x3FAB] =	sst s5  }
0xe: {  	[smem:$0x3FAC] =	sst s6  }
0xf: {  	[smem:$0x3FAD] =	sst s7  }
0x10: {  	[smem:$0x3FAE] =	sst s8  }
0x11: {  	[smem:$0x3FAF] =	sst s9;
	s0 =	simm.s32 @!p0 $0x0  }
0x12: {  	s1 =	sld [smem:$0x3F95];
	s0 =	simm.s32 @p0 $0x1  }
0x13: {  	[smem:$0x3FB0] =	sst s0;
	s0 =	simm.s32 @!p1 $0x0  }
0x14: {  	s2 =	sld [smem:$0x3F94];
	s0 =	simm.s32 @p1 $0x1  }
0x15: {  	[smem:$0x3FB1] =	sst s0;
	s0 =	simm.s32 @!p2 $0x0  }
0x16: {  	s3 =	sld [smem:$0x3FDB];
	s0 =	simm.s32 @p2 $0x1  }
0x17: {  	s4 =	simm.s32 $0x1BF5;
	[smem:$0x3FB3] =	sst s0  }
0x18: {  	s0 =	sld [smem:$0x3F96];
	_ =	swait.ge [sflag:s4], $0x0  }
0x19: {  	s7 =	sld [smem:$0x3F97]  }
0x1a: {  	s8 =	sadd.s32 $0xFFFFE003, lr  }
0x1b: {  	s9 =	sadd.s32 $0xFFFFFEF7, lr;
	s5 =	simm.s32 $0xFFFFFFFF;
	p2 =	slt.u32 s8, $0xFFFFF086  }
0x1c: {  	p1 =	slt.u32 s9, $0xF7A;
	s5 =	simm.s32 @!p2 $0x0  }
0x1d: {  	s5 =	simm.s32 @p1 $0x1;
	p0 =	seq.s32 s7, s2  }
0x1e: {  	s7 =	smul.u32 @!p0 $0xF7A, s2;
	p2 =	seq.s32 @!p0 s5, $0x0  }
0x1f: {  	s9 =	smul.u32 $0xF7A, s1;
	s8 =	simm.s32 @!p0 $0x1BF5;
	p2 =	por !p2, p0  }
0x20: {  	[sflag:s8] =	ssyncset.s32 @!p0 $0xFFFFF086;
	s6 =	sadd.s32 @!p0 s3, s7;
	s7 =	simm.s32 @!p0 $0x108  }
0x21: {  	s3 =	sadd.s32 s3, s9;
	s6 =	sadd.s32 @!p0 $0x88, s6;
	s7 =	simm.s32 @p2 $0x1082  }
0x22: {  	[simem:s7], [sflag:s8] =	dma.local @!p0 [hbm:s6], $0xF7A  }
0x23: {  	s9 =	sor.u32 $0xD0000000, s2;
	s6 =	simm.s32 $0x108;
	_ =	swait.ge @!p0 [sflag:s8], $0x0  }
0x24: {  	s3 =	sadd.s32 $0x88, s3;
	s6 =	simm.s32 @!p1 $0x1082;
	[sflag:s4] =	ssyncset.s32 $0xFFFFF086  }
0x25: {  	[simem:s6], [sflag:s4] =	dma.local [hbm:s3], $0xF7A  }
0x26: {  	[smem:$0x3F97] =	sst s1;
	(tag) =	ssettag s2;
	_ =	strace s9  }
0x27: {  	s1 =	sld [smem:$0x3FA7]  }
0x28: {  	s2 =	sld [smem:$0x3FA8]  }
0x29: {  	s4 =	sld [smem:$0x3FAA]  }
0x2a: {  	p0 =	seq.s32 s5, $0x0;
	s5 =	sld [smem:$0x3FAB]  }
0x2b: {  	s6 =	sld [smem:$0x3FAC]  }
0x2c: {  	s7 =	sld [smem:$0x3FAD]  }
0x2d: {  	s3 =	simm.s32 $0x108;
	s8 =	sld [smem:$0x3FAE]  }
0x2e: {  	s3 =	simm.s32 @!p0 $0x1082;
	s9 =	sld [smem:$0x3FAF]  }
0x2f: {  	lr =	sadd.s32 s0, s3;
	s0 =	sld [smem:$0x3FA6]  }
0x30: {  	s3 =	sld [smem:$0x3FA9]  }
0x31: {  	[smem:$0x3FB2] =	sst s10  }
0x32: {  	s10 =	sld [smem:$0x3FB0];
	_ =	sdelay $0x3  }
0x33: {  	p0 =	seq.s32 s10, $0x1;
	s10 =	sld [smem:$0x3FB2];
	_ =	sdelay $0x3  }
0x34: {  	[smem:$0x3FB2] =	sst s10  }
0x35: {  	s10 =	sld [smem:$0x3FB1];
	_ =	sdelay $0x3  }
0x36: {  	p1 =	seq.s32 s10, $0x1;
	s10 =	sld [smem:$0x3FB2];
	_ =	sdelay $0x3  }
0x37: {  	[smem:$0x3FB2] =	sst s10  }
0x38: {  	s10 =	sld [smem:$0x3FB3]  }
0x39: {  	_ = 	snop;
	(pc) =	sbr.ind lr, $3  }
0x3a: {  	_ = 	snop  }
0x3b: {  	_ = 	snop  }
0x3c: {  	p2 =	seq.s32 s10, $0x1;
	s10 =	sld [smem:$0x3FB2]  }
0x3d: {  	_ =	shalt  }
0x3e: {  	_ =	shalt  }
0x3f: {  	_ =	shalt  }
0x40: {  	_ =	shalt  }
0x41: {  	_ =	shalt  }
0x42: {  	_ =	shalt  }
0x43: {  	_ =	shalt  }
0x44: {  	_ =	shalt  }
0x45: {  	_ =	shalt  }
0x46: {  	_ =	shalt  }
0x47: {  	_ =	shalt  }
0x48: {  	_ =	shalt  }
0x49: {  	_ =	shalt  }
0x4a: {  	_ =	shalt  }
0x4b: {  	_ =	shalt  }
0x4c: {  	_ =	shalt  }
0x4d: {  	_ =	shalt  }
0x4e: {  	_ =	shalt  }
0x4f: {  	_ =	shalt  }
0x50: {  	_ =	shalt  }
0x51: {  	_ =	shalt  }
0x52: {  	_ =	shalt  }
0x53: {  	_ =	shalt  }
0x54: {  	_ =	shalt  }
0x55: {  	_ =	shalt  }
0x56: {  	_ =	shalt  }
0x57: {  	_ =	shalt  }
0x58: {  	_ =	shalt  }
0x59: {  	_ =	shalt  }
0x5a: {  	_ =	shalt  }
0x5b: {  	_ =	shalt  }
0x5c: {  	_ =	shalt  }
0x5d: {  	_ =	shalt  }
0x5e: {  	_ =	shalt  }
0x5f: {  	_ =	shalt  }
0x60: {  	_ =	shalt  }
0x61: {  	_ =	shalt  }
0x62: {  	_ =	shalt  }
0x63: {  	_ =	shalt  }
0x64: {  	_ =	shalt  }
0x65: {  	_ =	shalt  }
0x66: {  	_ =	shalt  }
0x67: {  	_ =	shalt  }
0x68: {  	_ =	shalt  }
0x69: {  	_ =	shalt  }
0x6a: {  	_ =	shalt  }
0x6b: {  	_ =	shalt  }
0x6c: {  	_ =	shalt  }
0x6d: {  	_ =	shalt  }
0x6e: {  	_ =	shalt  }
0x6f: {  	_ =	shalt  }
0x70: {  	_ =	shalt  }
0x71: {  	_ =	shalt  }
0x72: {  	_ =	shalt  }
0x73: {  	_ =	shalt  }
0x74: {  	_ =	shalt  }
0x75: {  	_ =	shalt  }
0x76: {  	_ =	shalt  }
0x77: {  	_ =	shalt  }
0x78: {  	_ =	shalt  }
0x79: {  	_ =	shalt  }
0x7a: {  	_ =	shalt  }
0x7b: {  	_ =	shalt  }
0x7c: {  	_ =	shalt  }
0x7d: {  	_ =	shalt  }
0x7e: {  	_ =	shalt  }
0x7f: {  	_ =	shalt  }
0x80: {  	_ =	shalt  }
0x81: {  	_ =	shalt  }
0x82: {  	_ =	shalt  }
0x83: {  	_ =	shalt  }
0x84: {  	_ =	shalt  }
0x85: {  	_ =	shalt  }
0x86: {  	_ =	shalt  }
0x87: {  	_ =	shalt  }
.Lfunc_end0:
.L_simem_size_0:
called_computation_lowered:
.L_overlay_start_0:
0x88: {  	s2 =	sld [smem:$0x3FD9]  }
0x89: {  	s3 =	sld [smem:$0x3FFE];
	_ =	sdelay $0x1  }
0x8a: {  	s1 =	srdreg.scid  }
0x8b: {  	s0 =	sand.u32 $0x1, s1  }
0x8c: {  	s17 =	sshll.u32 s0, $0xA;
	s2 =	sadd.s32 s3, s2  }
0x8d: {  	s2 =	sadd.s32 s2, s17  }
0x8e: {  	[smem:$0x3FBE] =	sst s2  }
0x8f: {  	_ = 	snop  }
0x90: {  	s2 =	sld [smem:$0x3FC9]  }
0x91: {  	s18 =	sld [smem:$0x3FD0];
	(tm) =	ssettm $0x1  }
0x92: {  	s4 =	sld [smem:$0x3FFB];
	_ =	sdelay $0x3  }
0x93: {  	_ =	strace s4  }
0x94: {  	s4 =	sld [smem:$0x3FFC];
	_ =	sdelay $0x3  }
0x95: {  	_ =	strace s4  }
0x96: {  	s4 =	sld [smem:$0x3FFD];
	_ =	sdelay $0x3  }
0x97: {  	_ =	strace s4  }
0x98: {  	_ =	strace $0x8FFFFFFF  }
0x99: {  	s19 =	sld [smem:$0x3FDB];
	_ =	sdelay $0x1  }
0x9a: {  	s5 =	simm.s32 $_scs_section_size  }
0x9b: {  	s6 =	simm.s32 $_size__tile_overlayer_lowered;
	s7 =	simm.s32 $_tile_overlayer_lowered  }
0x9c: {  	s22 =	simm.s32 $0x1BFF;
	s21 =	sshll.u32 s7, $0x1;
	s4 =	sadd.s32 s5, s19  }
0x9d: {  	s8 =	simm.s32 $0x0;
	s20 =	sshll.u32 s6, $0x1;
	s6 =	sadd.s32 s21, s4  }
0x9e: {  	[timem:s8], [sflag:s22] =	dma.local [hbm:s6], s20  }
0x9f: {  	_ =	swait.ge [sflag:s22], s20  }
0xa0: {  	s5 =	ssub.s32 $0x0, s20;
	[sflag:s22] =	ssyncset.done $0x0  }
0xa1: {  	[sflag:s22] =	ssyncadd.s32 s5;
	_ =	sdelay $0x1  }
0xa2: {  	s23 =	simm.s32 $0x1B8B  }
0xa3: {  	_ =	swait.ge [sflag:s23], $0x1  }
0xa4: {  	[sflag:s23] =	ssyncset.done $0x0  }
0xa5: {  	s25 =	simm.s32 $0x1B8E;
	s24 =	sld [smem:$0x3FFE];
	[sflag:s23] =	ssyncadd.s32 $0xFFFFFFFF  }
0xa6: {  	s26 =	simm.s32 $execute0_lowered;
	[smem:$0x3FD2] =	sst s25  }
0xa7: {  	s6 =	sshll.u32 s26, $0x1;
	_ =	strace $0x80000046;
	[dreg:$0x1] =	wrdreg $0xFFFFFFFF  }
0xa8: {  	s28 =	simm.s32 $_size_execute0_lowered;
	s4 =	sadd.s32 s4, s6;
	[dreg:$0x0] =	wrdreg $0x0  }
0xa9: {  	s6 =	sshll.u32 s28, $0x1;
	[dreg:$0x2] =	wrdreg s4  }
0xaa: {  	[dreg:$0x3] =	wrdreg s6  }
0xab: {  	[dreg:$0x4] =	wrdreg $0xC0  }
0xac: {  	_ =	task [dreg:s8], $0x5FFFF  }
0xad: {  	[dreg:$0x1] =	wrdreg $0xFFFFFFFF  }
0xae: {  	[dreg:$0x0] =	wrdreg $0x60  }
0xaf: {  	[dreg:$0x2] =	wrdreg s2  }
0xb0: {  	[dreg:$0x3] =	wrdreg s24  }
0xb1: {  	[dreg:$0x4] =	wrdreg s18  }
0xb2: {  	[dreg:$0x5] =	wrdreg $0x91800  }
0xb3: {  	[dreg:$0x6] =	wrdreg $0x9  }
0xb4: {  	_ =	task.clear_ibuf [dreg:s8], $0x7FFFF;
	_ =	strace $0x90000046  }
0xb5: {  	s29 =	simm.s32 $0x9;
	_ =	strace $0x80000048  }
0xb6: {  	_ =	swait.ge [sflag:s29], $0x1  }
0xb7: {  	[sflag:s29] =	ssyncadd.s32 $0xFFFFFFFF  }
0xb8: {  	_ =	strace $0x90000048  }
0xb9: {  	_ =	sfence  }
0xba: {  	s30 =	sld [smem:$0x0];
	_ =	sdelay $0x2  }
0xbb: {  	s31 =	sshll.u32 s1, $0xD;
	s1 =	sshrl.u32 s1, $0x2  }
0xbc: {  	s3 =	sand.u32 $0x4000, s31;
	s1 =	sadd.s32 s1, s30  }
0xbd: {  	s0 =	sor.u32 s3, s0;
	s1 =	sshll.u32 s1, $0x11  }
0xbe: {  	s0 =	sor.u32 s1, s0  }
0xbf: {  	s0 =	sadd.s32 $0x8F2B, s0  }
0xc0: {  	[sflag:s0] =	ssyncadd.remote.s32 $0x1  }
0xc1: {  	_ =	sfence.sel $0xFFFF  }
0xc2: {  	[dreg:$0x0] =	wrdreg $0xFFFFFFFF;
	(pc) =	sbr.abs _section_cstart, $3  }
0xc3: {  	[dreg:$0x1] =	wrdreg $0xFFFFFFFF  }
0xc4: {  	_ =	task.clear_ibuf [dreg:s8], $0x2FFFF;
	_ =	strace $0x9FFFFFFF  }
0xc5: {  	(tm) =	ssettm $0x7FFFFFFF  }
tec
execute0_lowered:
.L_overlay_start_1:
0x0: {  	(tag) =	ssettag $0x1  }
0x1: {  	s0 =	rddreg [dreg:$0x0]  }
0x2: {  	s1 =	rddreg [dreg:$0x1]  }
0x3: {  	s2 =	rddreg [dreg:$0x3]  }
0x4: {  	s3 =	srdreg.scid;
	s19 =	stileid.u32  }
0x5: {  	s4 =	simm.s32 $0x0;
	s3 =	sand.u32 $0x1, s3;
	s10 =	smul.u32 $0x270, s19  }
0x6: {  	[smem:$0x7FF] =	sst s4;
	s8 =	sadd.s32 $0x3400, s1;
	s12 =	smul.u32 $0x4E000, s19  }
0x7: {  	s17 =	sadd.s32 $0x12800, s1;
	s18 =	sadd.s32 $0x7A0000, s0;
	s20 =	smul.u32 $0x7A, s19  }
0x8: {  	s21 =	sadd.s32 $0x7A0800, s0;
	_ =	strace $0x80000047;
	[dreg:$0x7] =	wrdreg s17  }
0x9: {  	s22 =	sadd.s32 $0x7A1000, s0;
	p1 =	sne.s32 s19, $0xF;
	[dreg:$0x8] =	wrdreg s18  }
0xa: {  	s29 =	sadd.s32 $0x138000, s2;
	s5 =	sshll.u32 s3, $0x4;
	[dreg:$0xa] =	wrdreg s21  }
0xb: {  	s6 =	smul.u32 $0x27100, s3;
	s9 =	ssub.s32 $0x2, s3;
	[dreg:$0xb] =	wrdreg s22  }
0xc: {  	s5 =	sor.u32 s19, s5;
	s24 =	sshrl.u32 s9, $0x1;
	s13 =	sadd.s32 $0x200, s10  }
0xd: {  	s25 =	sshrl.u32 s12, $0x2;
	s12 =	sor.u32 s19, s3;
	s3 =	smul.u32 $0x7A0, s3  }
0xe: {  	s22 =	sadd.s32 $0x100, s10;
	s7 =	smul.u32 $0x7A, s5;
	s11 =	sadd.s32 s6, s1  }
0xf: {  	s9 =	ssub.s32 s9, s24;
	s14 =	smul.u32 $0x7A0, s5;
	s26 =	sshll.u32 s13, $0x7  }
0x10: {  	s15 =	smul.u32 $0x3D000, s5;
	s5 =	sadd.s32 s25, s2;
	s1 =	sadd.s32 $0x12810, s1  }
0x11: {  	s25 =	sadd.s32 $0x80, s10;
	p0 =	sne.s32 s12, $0x0;
	s6 =	sadd.s32 s26, s2  }
0x12: {  	[dreg:$0x9] =	wrdreg s1;
	s9 =	smax.u32 s9, $0x1;
	s1 =	sadd.s32 s20, s3  }
0x13: {  	s20 =	sshll.u32 s25, $0x4;
	s3 =	sshll.u32 s22, $0x4;
	s30 =	sadd.s32 $0x4000, s5  }
0x14: {  	s31 =	sadd.s32 $0x8000, s5;
	s14 =	sadd.s32 s8, s14;
	s16 =	sadd.s32 s0, s15  }
0x15: {  	s7 =	sadd.s32 $0x79, s7;
	[dreg:$0xc] =	wrdreg s9;
	s26 =	sshll.u32 s1, $0xB  }
0x16: {  	s15 =	sshll.u32 s1, $0x4;
	s1 =	simm.s32 $0x3;
	[dreg:$0x5] =	wrdreg s14  }
0x17: {  	s9 =	simm.s32 $0x1;
	[dreg:$0x6] =	wrdreg s16;
	s14 =	sadd.s32 $0x12A00, s11  }
0x18: {  	s11 =	sshll.u32 s13, $0x4;
	s23 =	sshll.u32 s7, $0x4;
	s24 =	sshll.u32 s7, $0xB  }
0x19: {  	s17 =	sadd.s32 s26, s0;
	s13 =	sshll.u32 s25, $0x7;
	s25 =	smul.u32 $0x2700, s19  }
0x1a: {  	s16 =	sadd.s32 s0, s24;
	s18 =	sadd.s32 s8, s23;
	s0 =	sadd.s32 s13, s2  }
0x1b: {  	s23 =	sshll.u32 s22, $0x7;
	s24 =	sadd.s32 $0x180, s10;
	s28 =	sadd.s32 s11, s14  }
0x1c: {  	s10 =	simm.s32 $0x2;
	s11 =	simm.s32 $0x0;
	[dreg:$0xd] =	wrdreg s0  }
0x1d: {  	s0 =	sadd.s32 s15, s8;
	s7 =	sadd.s32 s23, s2;
	s26 =	sshll.u32 s24, $0x7  }
0x1e: {  	s8 =	sshll.u32 s24, $0x4;
	s23 =	sadd.s32 s25, s14;
	s24 =	sadd.s32 s20, s14  }
0x1f: {  	s25 =	sadd.s32 s3, s14;
	s3 =	simm.s32 $0x180;
	[dreg:$0xe] =	wrdreg s7  }
0x20: {  	s21 =	sadd.s32 s26, s2;
	s22 =	sadd.s32 $0x20, s0;
	s26 =	sadd.s32 s8, s14  }
0x21: {  	v0 =	vimm.f32 $0.0e+00;
	s0 =	sadd.s32 $0xC000, s5;
	s7 =	simm.s32 $0x80;
	s8 =	simm.s32 $0x4180  }
.LBB2_1:
0x22: {  	s12 =	simm.s32 $0x0;
	s13 =	simm.s32 $0x200  }
.LBB2_2:
0x23: {  	p2 =	sne.s32 s13, $0xFE00;
	[tilespmem:s12+$0x1F0] =	vst v0  }
0x24: {  	[tilespmem:s12+$0x180] =	vst v0  }
0x25: {  	[tilespmem:s12+$0x190] =	vst v0  }
.Ltmp0:
0x26: {  	[tilespmem:s12+$0x1A0] =	vst v0;
	(pc) =	sbr.rel @p2 .LBB2_2-.Ltmp0, $4  }
0x27: {  	[tilespmem:s12+$0x1B0] =	vst v0  }
0x28: {  	[tilespmem:s12+$0x1C0] =	vst v0  }
0x29: {  	[tilespmem:s12+$0x1D0] =	vst v0  }
0x2a: {  	[tilespmem:s12+$0x1E0] =	vst v0;
	s12 =	sshra.s32 s13, $0x2;
	s13 =	sadd.s32 $0x200, s13  }
0x2b: {  	[tilespmem:s12+$0x1F0] =	vst v0  }
0x2c: {  	[tilespmem:s12+$0x180] =	vst v0  }
0x2d: {  	[tilespmem:s12+$0x190] =	vst v0  }
0x2e: {  	[tilespmem:s12+$0x1A0] =	vst v0  }
0x2f: {  	[tilespmem:s12+$0x1B0] =	vst v0  }
0x30: {  	[tilespmem:s12+$0x1C0] =	vst v0  }
0x31: {  	[tilespmem:s12+$0x1D0] =	vst v0  }
0x32: {  	[tilespmem:s12+$0x1E0] =	vst v0  }
0x33: {  	[spmem:s5] =	stream.linear.scatter [tilespmem:s3], [sflag:$0x3], $0x4000, $0x38;
	[tilespmem:$0x1CA00] =	vst v63  }
0x34: {  	_ =	swait.ge [sflag:s1], $0x4000  }
0x35: {  	[sflag:s1] =	ssyncset.done $0x0  }
0x36: {  	[sflag:s1] =	ssyncadd.s32 $0xFFFFC000  }
0x37: {  	[spmem:s30] =	stream.linear.scatter [tilespmem:s3], [sflag:$0x3], $0x4000, $0x38;
	[tilespmem:$0x1CA00] =	vst v63  }
0x38: {  	_ =	swait.ge [sflag:s1], $0x4000  }
0x39: {  	[sflag:s1] =	ssyncset.done $0x0  }
0x3a: {  	[sflag:s1] =	ssyncadd.s32 $0xFFFFC000  }
0x3b: {  	[spmem:s31] =	stream.linear.scatter [tilespmem:s3], [sflag:$0x3], $0x4000, $0x38;
	[tilespmem:$0x1CA00] =	vst v63  }
0x3c: {  	_ =	swait.ge [sflag:s1], $0x4000  }
0x3d: {  	[sflag:s1] =	ssyncset.done $0x0  }
0x3e: {  	[sflag:s1] =	ssyncadd.s32 $0xFFFFC000  }
0x3f: {  	[spmem:s0] =	stream.linear.scatter [tilespmem:s3], [sflag:$0x3], $0x4000, $0x38;
	[tilespmem:$0x1CA00] =	vst v63  }
0x40: {  	_ =	swait.ge [sflag:s1], $0x4000  }
0x41: {  	[sflag:s1] =	ssyncset.done $0x0  }
0x42: {  	[sflag:s1] =	ssyncadd.s32 $0xFFFFC000  }
0x43: {  	[spmem:s6] =	stream.linear.scatter [tilespmem:s3], [sflag:$0x3], $0x3800, $0x38;
	[tilespmem:$0x1CA00] =	vst v63  }
0x44: {  	_ =	swait.ge [sflag:s1], $0x3800  }
0x45: {  	[sflag:s1] =	ssyncset.done $0x0  }
0x46: {  	s12 =	simm.s32 @!p1 $0x180;
	[sflag:s1] =	ssyncadd.s32 $0xFFFFC800  }
0x47: {  	[spmem:s29] =	stream.linear.scatter @!p1 [tilespmem:s12], [sflag:$0x3], $0x800, $0x38;
	[tilespmem:$0x1CA00] =	vst v63  }
0x48: {  	s12 =	simm.s32 @!p1 $0x3  }
0x49: {  	_ =	swait.ge @!p1 [sflag:s12], $0x800  }
0x4a: {  	[sflag:s12] =	ssyncset.done @!p1 $0x0  }
0x4b: {  	[sflag:s12] =	ssyncadd.s32 @!p1 $0xFFFFF800  }
0x4c: {  	[bflag:$0x0] =	sbarrier.arrive $0xFFFF  }
0x4d: {  	s19 =	simm.s32 $0x0;
	s13 =	rddreg [dreg:$0x5]  }
0x4e: {  	[tilespmem:s19], [sflag:$0x3] =	stream.linear.gather [hbm4b:s13+s19], $0x80, $0x38;
	[tilespmem:$0x1CA00] =	vst v63  }
0x4f: {  	_ =	swait.ge [sflag:s1], $0x80  }
0x50: {  	[sflag:s1] =	ssyncset.done $0x0  }
0x51: {  	s20 =	rddreg [dreg:$0x6];
	[sflag:s1] =	ssyncadd.s32 $0xFFFFFF80  }
0x52: {  	[tilespmem:s3], [sflag:$0x1] =	stream.linear.gather [hbm4b:s20+s19], $0x4000, $0x38;
	[tilespmem:$0x1CA00] =	vst v63  }
0x53: {  	s15 =	sadd.s32 $0xFFFFFFF0, s22  }
0x54: {  	[tilespmem:s7], [sflag:$0x3] =	stream.linear.gather [hbm4b:s15+s4], $0x80, $0x38;
	[tilespmem:$0x1CA00] =	vst v63  }
0x55: {  	_ =	swait.ge [sflag:s1], $0x80  }
0x56: {  	s19 =	sadd.s32 $0x0, s17;
	[sflag:s1] =	ssyncset.done $0x0  }
0x57: {  	s20 =	sadd.s32 $0x800, s19;
	[sflag:s1] =	ssyncadd.s32 $0xFFFFFF80  }
0x58: {  	[tilespmem:s8], [sflag:$0x2] =	stream.linear.gather [hbm4b:s20+s4], $0x4000, $0x38;
	[tilespmem:$0x1CA00] =	vst v63  }
0x59: {  	_ =	swait.ge [sflag:s9], $0x4000  }
0x5a: {  	[sflag:s9] =	ssyncset.done $0x0  }
0x5b: {  	[sflag:s9] =	ssyncadd.s32 $0xFFFFC000  }
0x5c: {  	[spmem:s2] =	stream.indirect.scatter.add.f32 [tilespmem:s3], [sflag:$0x3], $0x80, s4, s7, $0xb8;
	[tilespmem:$0x1CA00] =	vst v63  }
0x5d: {  	_ =	swait.ge [sflag:s1], $0x4000  }
0x5e: {  	[sflag:s1] =	ssyncset.done $0x0  }
0x5f: {  	[sflag:s1] =	ssyncadd.s32 $0xFFFFC000  }
0x60: {  	[tilespmem:s4], [sflag:$0x3] =	stream.linear.gather [hbm4b:s22+s4], $0x80, $0x38;
	[tilespmem:$0x1CA00] =	vst v63  }
0x61: {  	_ =	swait.ge [sflag:s1], $0x80  }
0x62: {  	[sflag:s1] =	ssyncset.done $0x0  }
0x63: {  	s12 =	sadd.s32 $0x1000, s19;
	[sflag:s1] =	ssyncadd.s32 $0xFFFFFF80  }
0x64: {  	[tilespmem:s3], [sflag:$0x1] =	stream.linear.gather [hbm4b:s12+s4], $0x4000, $0x38;
	[tilespmem:$0x1CA00] =	vst v63  }
0x65: {  	_ =	swait.ge [sflag:s10], $0x4000  }
0x66: {  	[sflag:s10] =	ssyncset.done $0x0  }
0x67: {  	[sflag:s10] =	ssyncadd.s32 $0xFFFFC000  }
0x68: {  	[spmem:s2] =	stream.indirect.scatter.add.f32 [tilespmem:s8], [sflag:$0x3], $0x80, s7, s7, $0xb8;
	[tilespmem:$0x1CA00] =	vst v63  }
0x69: {  	s13 =	simm.s32 $0x1000;
	_ =	swait.ge [sflag:s1], $0x4000  }
0x6a: {  	s15 =	simm.s32 $0x2000;
	s12 =	sadd.s32 $0x20, s22;
	[sflag:s1] =	ssyncset.done $0x0  }
.LBB2_4:
0x6b: {  	p2 =	sne.s32 s15, $0x3B000;
	s19 =	sadd.s32 $0xFFFFFFF0, s12;
	[sflag:s1] =	ssyncadd.s32 $0xFFFFC000  }
0x6c: {  	[tilespmem:s7], [sflag:$0x3] =	stream.linear.gather [hbm4b:s19+s4], $0x80, $0x38;
	[tilespmem:$0x1CA00] =	vst v63  }
0x6d: {  	s19 =	smov.u32 s15;
	s15 =	sadd.s32 $0x1000, s15;
	_ =	swait.ge [sflag:s1], $0x80  }
0x6e: {  	s20 =	sadd.s32 s13, s17;
	s13 =	smov.u32 s19;
	[sflag:s1] =	ssyncset.done $0x0  }
0x6f: {  	s19 =	sadd.s32 $0x800, s20;
	[sflag:s1] =	ssyncadd.s32 $0xFFFFFF80  }
0x70: {  	[tilespmem:s8], [sflag:$0x2] =	stream.linear.gather [hbm4b:s19+s4], $0x4000, $0x38;
	[tilespmem:$0x1CA00] =	vst v63  }
0x71: {  	_ =	swait.ge [sflag:s9], $0x4000  }
0x72: {  	[sflag:s9] =	ssyncset.done $0x0  }
0x73: {  	[sflag:s9] =	ssyncadd.s32 $0xFFFFC000  }
0x74: {  	[spmem:s2] =	stream.indirect.scatter.add.f32 [tilespmem:s3], [sflag:$0x3], $0x80, s4, s7, $0xb8;
	[tilespmem:$0x1CA00] =	vst v63  }
0x75: {  	_ =	swait.ge [sflag:s1], $0x4000  }
0x76: {  	[sflag:s1] =	ssyncset.done $0x0  }
0x77: {  	[sflag:s1] =	ssyncadd.s32 $0xFFFFC000  }
0x78: {  	[tilespmem:s4], [sflag:$0x3] =	stream.linear.gather [hbm4b:s12+s4], $0x80, $0x38;
	[tilespmem:$0x1CA00] =	vst v63  }
0x79: {  	_ =	swait.ge [sflag:s1], $0x80  }
0x7a: {  	[sflag:s1] =	ssyncset.done $0x0  }
0x7b: {  	s19 =	sadd.s32 $0x1000, s20;
	[sflag:s1] =	ssyncadd.s32 $0xFFFFFF80  }
0x7c: {  	[tilespmem:s3], [sflag:$0x1] =	stream.linear.gather [hbm4b:s19+s4], $0x4000, $0x38;
	[tilespmem:$0x1CA00] =	vst v63  }
0x7d: {  	_ =	swait.ge [sflag:s10], $0x4000  }
.Ltmp1:
0x7e: {  	[sflag:s10] =	ssyncset.done $0x0;
	(pc) =	sbr.rel @p2 .LBB2_4-.Ltmp1, $4  }
0x7f: {  	[sflag:s10] =	ssyncadd.s32 $0xFFFFC000  }
0x80: {  	[spmem:s2] =	stream.indirect.scatter.add.f32 [tilespmem:s8], [sflag:$0x3], $0x80, s7, s7, $0xb8;
	[tilespmem:$0x1CA00] =	vst v63  }
0x81: {  	_ =	swait.ge [sflag:s1], $0x4000  }
0x82: {  	s12 =	sadd.s32 $0x20, s12;
	[sflag:s1] =	ssyncset.done $0x0  }
0x83: {  	s15 =	sadd.s32 $0xFFFFFFF0, s12;
	[sflag:s1] =	ssyncadd.s32 $0xFFFFC000  }
0x84: {  	[tilespmem:s7], [sflag:$0x3] =	stream.linear.gather [hbm4b:s15+s4], $0x80, $0x38;
	[tilespmem:$0x1CA00] =	vst v63  }
0x85: {  	_ =	swait.ge [sflag:s1], $0x80  }
0x86: {  	s13 =	sadd.s32 s13, s17;
	[sflag:s1] =	ssyncset.done $0x0  }
0x87: {  	s20 =	sadd.s32 $0x800, s13;
	[sflag:s1] =	ssyncadd.s32 $0xFFFFFF80  }
0x88: {  	[tilespmem:s8], [sflag:$0x2] =	stream.linear.gather [hbm4b:s20+s4], $0x4000, $0x38;
	[tilespmem:$0x1CA00] =	vst v63  }
0x89: {  	_ =	swait.ge [sflag:s9], $0x4000  }
0x8a: {  	[sflag:s9] =	ssyncset.done $0x0  }
0x8b: {  	[sflag:s9] =	ssyncadd.s32 $0xFFFFC000  }
0x8c: {  	[spmem:s2] =	stream.indirect.scatter.add.f32 [tilespmem:s3], [sflag:$0x3], $0x80, s4, s7, $0xb8;
	[tilespmem:$0x1CA00] =	vst v63  }
0x8d: {  	_ =	swait.ge [sflag:s1], $0x4000  }
0x8e: {  	[sflag:s1] =	ssyncset.done $0x0  }
0x8f: {  	[sflag:s1] =	ssyncadd.s32 $0xFFFFC000  }
0x90: {  	[tilespmem:s4], [sflag:$0x3] =	stream.linear.gather [hbm4b:s12+s4], $0x80, $0x38;
	[tilespmem:$0x1CA00] =	vst v63  }
0x91: {  	_ =	swait.ge [sflag:s1], $0x80  }
0x92: {  	[sflag:s1] =	ssyncset.done $0x0  }
0x93: {  	s13 =	sadd.s32 $0x1000, s13;
	[sflag:s1] =	ssyncadd.s32 $0xFFFFFF80  }
0x94: {  	[tilespmem:s3], [sflag:$0x1] =	stream.linear.gather [hbm4b:s13+s4], $0x4000, $0x38;
	[tilespmem:$0x1CA00] =	vst v63  }
0x95: {  	_ =	swait.ge [sflag:s10], $0x4000  }
0x96: {  	[sflag:s10] =	ssyncset.done $0x0  }
0x97: {  	[sflag:s10] =	ssyncadd.s32 $0xFFFFC000  }
0x98: {  	[spmem:s2] =	stream.indirect.scatter.add.f32 [tilespmem:s8], [sflag:$0x3], $0x80, s7, s7, $0xb8;
	[tilespmem:$0x1CA00] =	vst v63  }
0x99: {  	_ =	swait.ge [sflag:s1], $0x4000  }
0x9a: {  	[sflag:s1] =	ssyncset.done $0x0  }
0x9b: {  	[sflag:s1] =	ssyncadd.s32 $0xFFFFC000  }
0x9c: {  	[tilespmem:s7], [sflag:$0x3] =	stream.linear.gather [hbm4b:s18+s4], $0x80, $0x38;
	[tilespmem:$0x1CA00] =	vst v63  }
0x9d: {  	_ =	swait.ge [sflag:s1], $0x80  }
0x9e: {  	[sflag:s1] =	ssyncset.done $0x0  }
0x9f: {  	[sflag:s1] =	ssyncadd.s32 $0xFFFFFF80  }
0xa0: {  	[tilespmem:s8], [sflag:$0x2] =	stream.linear.gather [hbm4b:s16+s4], $0x4000, $0x38;
	[tilespmem:$0x1CA00] =	vst v63  }
0xa1: {  	_ =	swait.ge [sflag:s9], $0x4000  }
0xa2: {  	[sflag:s9] =	ssyncset.done $0x0  }
0xa3: {  	[sflag:s9] =	ssyncadd.s32 $0xFFFFC000  }
0xa4: {  	[spmem:s2] =	stream.indirect.scatter.add.f32 [tilespmem:s3], [sflag:$0x3], $0x80, s4, s7, $0xb8;
	[tilespmem:$0x1CA00] =	vst v63  }
0xa5: {  	_ =	swait.ge [sflag:s1], $0x4000  }
0xa6: {  	[sflag:s1] =	ssyncset.done $0x0  }
0xa7: {  	[sflag:s1] =	ssyncadd.s32 $0xFFFFC000  }
0xa8: {  	[tilespmem:s4], [sflag:$0x3] =	stream.linear.gather [hbm4b:s18+s4], $0x80, $0x38;
	[tilespmem:$0x1CA00] =	vst v63  }
0xa9: {  	_ =	swait.ge [sflag:s1], $0x80  }
0xaa: {  	[sflag:s1] =	ssyncset.done $0x0  }
0xab: {  	[sflag:s1] =	ssyncadd.s32 $0xFFFFFF80  }
0xac: {  	[tilespmem:s3], [sflag:$0x1] =	stream.linear.gather [hbm4b:s16+s4], $0x4000, $0x38;
	[tilespmem:$0x1CA00] =	vst v63  }
0xad: {  	_ =	swait.ge [sflag:s10], $0x4000  }
0xae: {  	[sflag:s10] =	ssyncset.done $0x0  }
0xaf: {  	[sflag:s10] =	ssyncadd.s32 $0xFFFFC000  }
0xb0: {  	[spmem:s2] =	stream.indirect.scatter.add.f32 [tilespmem:s8], [sflag:$0x3], $0x80, s7, s7, $0xb8;
	[tilespmem:$0x1CA00] =	vst v63  }
0xb1: {  	_ =	swait.ge [sflag:s1], $0x4000  }
0xb2: {  	[sflag:s1] =	ssyncset.done $0x0  }
0xb3: {  	[sflag:s1] =	ssyncadd.s32 $0xFFFFC000  }
0xb4: {  	_ =	swait.ge [sflag:s9], $0x4000  }
0xb5: {  	[sflag:s9] =	ssyncset.done $0x0  }
0xb6: {  	s12 =	simm.s32 @!p0 $0x0;
	s13 =	rddreg [dreg:$0x7];
	[sflag:s9] =	ssyncadd.s32 $0xFFFFC000  }
0xb7: {  	[tilespmem:s12], [sflag:$0x3] =	stream.linear.gather @!p0 [hbm4b:s13+s12], $0x80, $0x38;
	[tilespmem:$0x1CA00] =	vst v63  }
0xb8: {  	s13 =	simm.s32 @!p0 $0x3  }
0xb9: {  	_ =	swait.ge @!p0 [sflag:s13], $0x80  }
0xba: {  	[sflag:s13] =	ssyncset.done @!p0 $0x0  }
0xbb: {  	s15 =	simm.s32 @!p0 $0x180;
	s19 =	rddreg [dreg:$0x8];
	[sflag:s13] =	ssyncadd.s32 @!p0 $0xFFFFFF80  }
0xbc: {  	[tilespmem:s15], [sflag:$0x3] =	stream.linear.gather @!p0 [hbm4b:s19+s12], $0x4000, $0x38;
	[tilespmem:$0x1CA00] =	vst v63  }
0xbd: {  	_ =	swait.ge @!p0 [sflag:s13], $0x4000  }
0xbe: {  	[sflag:s13] =	ssyncset.done @!p0 $0x0  }
0xbf: {  	s19 =	simm.s32 @!p0 $0x80;
	[sflag:s13] =	ssyncadd.s32 @!p0 $0xFFFFC000  }
0xc0: {  	[spmem:s2] =	stream.indirect.scatter.add.f32 @!p0 [tilespmem:s15], [sflag:$0x3], $0x80, s12, s19, $0xb8;
	[tilespmem:$0x1CA00] =	vst v63  }
0xc1: {  	_ =	swait.ge @!p0 [sflag:s13], $0x4000  }
0xc2: {  	[sflag:s13] =	ssyncset.done @!p0 $0x0  }
0xc3: {  	s20 =	rddreg [dreg:$0x9];
	[sflag:s13] =	ssyncadd.s32 @!p0 $0xFFFFC000  }
0xc4: {  	[tilespmem:s12], [sflag:$0x3] =	stream.linear.gather @!p0 [hbm4b:s20+s12], $0x80, $0x38;
	[tilespmem:$0x1CA00] =	vst v63  }
0xc5: {  	_ =	swait.ge @!p0 [sflag:s13], $0x80  }
0xc6: {  	[sflag:s13] =	ssyncset.done @!p0 $0x0  }
0xc7: {  	s20 =	rddreg [dreg:$0xa];
	[sflag:s13] =	ssyncadd.s32 @!p0 $0xFFFFFF80  }
0xc8: {  	[tilespmem:s15], [sflag:$0x3] =	stream.linear.gather @!p0 [hbm4b:s20+s12], $0x4000, $0x38;
	[tilespmem:$0x1CA00] =	vst v63  }
0xc9: {  	_ =	swait.ge @!p0 [sflag:s13], $0x4000  }
0xca: {  	[sflag:s13] =	ssyncset.done @!p0 $0x0  }
0xcb: {  	[sflag:s13] =	ssyncadd.s32 @!p0 $0xFFFFC000  }
0xcc: {  	[spmem:s2] =	stream.indirect.scatter.add.f32 @!p0 [tilespmem:s15], [sflag:$0x3], $0x80, s12, s19, $0xb8;
	[tilespmem:$0x1CA00] =	vst v63  }
0xcd: {  	_ =	swait.ge @!p0 [sflag:s13], $0x4000  }
0xce: {  	[sflag:s13] =	ssyncset.done @!p0 $0x0  }
0xcf: {  	[sflag:s13] =	ssyncadd.s32 @!p0 $0xFFFFC000  }
0xd0: {  	s15 =	simm.s32 @!p0 $0x100;
	s19 =	rddreg [dreg:$0x2]  }
0xd1: {  	[tilespmem:s15], [sflag:$0x3] =	stream.linear.gather @!p0 [hbm4b:s19+s12], $0x80, $0x38;
	[tilespmem:$0x1CA00] =	vst v63  }
0xd2: {  	_ =	swait.ge @!p0 [sflag:s13], $0x80  }
0xd3: {  	[sflag:s13] =	ssyncset.done @!p0 $0x0  }
0xd4: {  	s19 =	simm.s32 @!p0 $0x8180;
	s20 =	rddreg [dreg:$0xb];
	[sflag:s13] =	ssyncadd.s32 @!p0 $0xFFFFFF80  }
0xd5: {  	[tilespmem:s19], [sflag:$0x3] =	stream.linear.gather @!p0 [hbm4b:s20+s12], $0x1000, $0x38;
	[tilespmem:$0x1CA00] =	vst v63  }
0xd6: {  	_ =	swait.ge @!p0 [sflag:s13], $0x1000  }
0xd7: {  	[sflag:s13] =	ssyncset.done @!p0 $0x0  }
0xd8: {  	s12 =	simm.s32 @!p0 $0x20;
	[sflag:s13] =	ssyncadd.s32 @!p0 $0xFFFFF000  }
0xd9: {  	[spmem:s2] =	stream.indirect.scatter.add.f32 @!p0 [tilespmem:s19], [sflag:$0x3], $0x80, s15, s12, $0xb8;
	[tilespmem:$0x1CA00] =	vst v63  }
0xda: {  	_ =	swait.ge @!p0 [sflag:s13], $0x1000  }
0xdb: {  	[sflag:s13] =	ssyncset.done @!p0 $0x0  }
0xdc: {  	[sflag:s13] =	ssyncadd.s32 @!p0 $0xFFFFF000  }
0xdd: {  	[bflag:$0x0] =	sbarrier.arrive $0xFFFF  }
0xde: {  	[tilespmem:s3], [sflag:$0x3] =	stream.linear.gather [spmem:s5], $0x4000, $0x38;
	[tilespmem:$0x1CA00] =	vst v63  }
0xdf: {  	_ =	swait.ge [sflag:s1], $0x4000  }
0xe0: {  	[sflag:s1] =	ssyncset.done $0x0  }
0xe1: {  	[sflag:s1] =	ssyncadd.s32 $0xFFFFC000  }
0xe2: {  	[hbm4b:s23+s4] =	stream.linear.scatter [tilespmem:s3], [sflag:$0x3], $0x4000, $0x38;
	[tilespmem:$0x1CA00] =	vst v63  }
0xe3: {  	_ =	swait.ge [sflag:s1], $0x4000  }
0xe4: {  	[sflag:s1] =	ssyncset.done $0x0  }
0xe5: {  	s15 =	rddreg [dreg:$0xd];
	[sflag:s1] =	ssyncadd.s32 $0xFFFFC000  }
0xe6: {  	[tilespmem:s3], [sflag:$0x3] =	stream.linear.gather [spmem:s15], $0x4000, $0x38;
	[tilespmem:$0x1CA00] =	vst v63  }
0xe7: {  	_ =	swait.ge [sflag:s1], $0x4000  }
0xe8: {  	[sflag:s1] =	ssyncset.done $0x0  }
0xe9: {  	[sflag:s1] =	ssyncadd.s32 $0xFFFFC000  }
0xea: {  	[hbm4b:s24+s4] =	stream.linear.scatter [tilespmem:s3], [sflag:$0x3], $0x4000, $0x38;
	[tilespmem:$0x1CA00] =	vst v63  }
0xeb: {  	_ =	swait.ge [sflag:s1], $0x4000  }
0xec: {  	[sflag:s1] =	ssyncset.done $0x0  }
0xed: {  	s19 =	rddreg [dreg:$0xe];
	[sflag:s1] =	ssyncadd.s32 $0xFFFFC000  }
0xee: {  	[tilespmem:s3], [sflag:$0x3] =	stream.linear.gather [spmem:s19], $0x4000, $0x38;
	[tilespmem:$0x1CA00] =	vst v63  }
0xef: {  	_ =	swait.ge [sflag:s1], $0x4000  }
0xf0: {  	[sflag:s1] =	ssyncset.done $0x0  }
0xf1: {  	[sflag:s1] =	ssyncadd.s32 $0xFFFFC000  }
0xf2: {  	[hbm4b:s25+s4] =	stream.linear.scatter [tilespmem:s3], [sflag:$0x3], $0x4000, $0x38;
	[tilespmem:$0x1CA00] =	vst v63  }
0xf3: {  	_ =	swait.ge [sflag:s1], $0x4000  }
0xf4: {  	[sflag:s1] =	ssyncset.done $0x0  }
0xf5: {  	[sflag:s1] =	ssyncadd.s32 $0xFFFFC000  }
0xf6: {  	[tilespmem:s3], [sflag:$0x3] =	stream.linear.gather [spmem:s21], $0x4000, $0x38;
	[tilespmem:$0x1CA00] =	vst v63  }
0xf7: {  	_ =	swait.ge [sflag:s1], $0x4000  }
0xf8: {  	[sflag:s1] =	ssyncset.done $0x0  }
0xf9: {  	[sflag:s1] =	ssyncadd.s32 $0xFFFFC000  }
0xfa: {  	[hbm4b:s26+s4] =	stream.linear.scatter [tilespmem:s3], [sflag:$0x3], $0x4000, $0x38;
	[tilespmem:$0x1CA00] =	vst v63  }
0xfb: {  	_ =	swait.ge [sflag:s1], $0x4000  }
0xfc: {  	[sflag:s1] =	ssyncset.done $0x0  }
0xfd: {  	[sflag:s1] =	ssyncadd.s32 $0xFFFFC000  }
0xfe: {  	[tilespmem:s3], [sflag:$0x3] =	stream.linear.gather [spmem:s6], $0x3800, $0x38;
	[tilespmem:$0x1CA00] =	vst v63  }
0xff: {  	_ =	swait.ge [sflag:s1], $0x3800  }
0x100: {  	[sflag:s1] =	ssyncset.done $0x0  }
0x101: {  	[sflag:s1] =	ssyncadd.s32 $0xFFFFC800  }
0x102: {  	[hbm4b:s28+s4] =	stream.linear.scatter [tilespmem:s3], [sflag:$0x3], $0x3800, $0x38;
	[tilespmem:$0x1CA00] =	vst v63  }
0x103: {  	_ =	swait.ge [sflag:s1], $0x3800  }
0x104: {  	[sflag:s1] =	ssyncset.done $0x0  }
0x105: {  	s12 =	simm.s32 @!p1 $0x180;
	s13 =	simm.s32 @!p1 $0x3;
	[sflag:s1] =	ssyncadd.s32 $0xFFFFC800  }
0x106: {  	[tilespmem:s12], [sflag:$0x3] =	stream.linear.gather @!p1 [spmem:s29], $0x800, $0x38;
	[tilespmem:$0x1CA00] =	vst v63  }
0x107: {  	_ =	swait.ge @!p1 [sflag:s13], $0x800  }
0x108: {  	[sflag:s13] =	ssyncset.done @!p1 $0x0  }
0x109: {  	s15 =	sadd.s32 @!p1 $0x27000, s14;
	s19 =	simm.s32 @!p1 $0x0;
	[sflag:s13] =	ssyncadd.s32 @!p1 $0xFFFFF800  }
0x10a: {  	[hbm4b:s15+s19] =	stream.linear.scatter @!p1 [tilespmem:s12], [sflag:$0x3], $0x800, $0x38;
	[tilespmem:$0x1CA00] =	vst v63  }
0x10b: {  	_ =	swait.ge @!p1 [sflag:s13], $0x800  }
0x10c: {  	s11 =	sadd.s32 $0x1, s11;
	s20 =	rddreg [dreg:$0xc]  }
0x10d: {  	p2 =	sne.s32 s11, s20  }
.Ltmp2:
0x10e: {  	_ = 	snop;
	(pc) =	sbr.rel @p2 .LBB2_1-.Ltmp2, $3  }
0x10f: {  	_ =	sdelay $0x1  }
0x110: {  	[sflag:s13] =	ssyncset.done @!p1 $0x0  }
0x111: {  	[sflag:s13] =	ssyncadd.s32 @!p1 $0xFFFFF800  }
0x112: {  	_ =	sfence.sel $0x180000  }
0x113: {  	[bflag:$0x0] =	sbarrier.arrive $0xFFFF  }
0x114: {  	_ =	strace $0x90000047  }
0x115: {  	s0 =	stileid.u32;
	[bflag:$0x2] =	sbarrier.arrive $0xFFFF  }
0x116: {  	p0 =	sne.s32 s0, $0x0;
	s0 =	rddreg [dreg:$0x4]  }
0x117: {  	s0 =	sadd.s32 @!p0 $0x100000, s0  }
0x118: {  	[sflag:s0] =	ssyncadd.tile.s32 @!p0 $0x1;
	_ =	shalt  }
.Lfunc_end2:
_tile_overlayer_lowered:
.L_overlay_start_2:
0x119: {  	(tag) =	ssettag $0x2  }
0x11a: {  	s0 =	rddreg [dreg:$0x0];
	s2 =	stileid.u32  }
0x11b: {  	s1 =	rddreg [dreg:$0x1];
	p0 =	sne.s32 s2, $0x0  }
0x11c: {  	s3 =	rddreg [dreg:$0x2];
	[bflag:$0x3] =	sbarrier.arrive $0xFFFF;
	s2 =	simm.s32 @!p0 $0x1C03  }
0x11d: {  	[timem:s3], [sflag:s2] =	dma.local @!p0 [hbm:s0], s1  }
0x11e: {  	s0 =	simm.s32 @!p0 $0x3  }
0x11f: {  	_ =	swait.ge @!p0 [sflag:s0], s1  }
0x120: {  	s1 =	ssub.s32 @!p0 $0x0, s1;
	[sflag:s0] =	ssyncset.done @!p0 $0x0  }
0x121: {  	[sflag:s0] =	ssyncadd.s32 @!p0 s1  }
0x122: {  	[bflag:$0x3] =	sbarrier.arrive $0xFFFF  }
0x123: {  	_ =	shalt  }

</sc_bundles>
